<compile_context>
chip_gen: v7x
topology: tpu7x:2x2x1
jax: 0.10.2.dev20260603
libtpu: 0.0.44.dev20260713+nightly
codegen_flags: <defaults>
</compile_context>

<pallas_src>
import jax
import jax.numpy as jnp
from jax import lax
from jax.experimental import pallas as pl
from jax.experimental.pallas import tpu as pltpu
from jax.experimental.pallas import tpu_sc as plsc

VOCAB = 100000
D = 1024
MAX_LEN = 2048
B = 4
ROWS = B * MAX_LEN
NC, NS, L = 2, 16, 16
NW = NC * NS
TPW = MAX_LEN // NW
SCT = 8
NSC = TPW // SCT
CR = B * SCT
NSLOT = 3
GROUPS = D // L
BLK = 4


def _body(tok_hbm, seg_hbm, table_hbm, segtab_hbm, pos_hbm, out_hbm,
          tokv, segv, tok2, oidx, rows, posc, segtab, isem, gsem, ssem, psem):
    cid = lax.axis_index("c")
    sid = lax.axis_index("s")
    wid = sid * NC + cid
    t0 = wid * TPW
    lane = lax.iota(jnp.int32, L)

    idx_cps = []
    for b in range(B):
        idx_cps.append(pltpu.async_copy(
            tok_hbm.at[b, pl.ds(t0, TPW)], tokv.at[b], isem))
        idx_cps.append(pltpu.async_copy(
            seg_hbm.at[b, pl.ds(t0, TPW)], segv.at[b], isem))
    idx_cps.append(pltpu.async_copy(segtab_hbm, segtab, isem))
    for cp in idx_cps:
        cp.wait()

    for b in range(B):
        for i2 in range(TPW // L):
            tv = tokv[b, pl.ds(i2 * L, L)]
            tg = lane + (i2 * L)
            row = lax.shift_right_logical(tg, 3)
            col = (tg & 7) + (b * SCT)
            plsc.store_scatter(tok2, [row, col], tv)
            ov = tg + (b * MAX_LEN + t0)
            plsc.store_scatter(oidx, [row, col], ov)

    def gathers(i, slot):
        pltpu.async_copy(
            table_hbm.at[tok2.at[i]], rows.at[slot], gsem.at[slot])

    def wait_gathers(i, slot):
        pltpu.make_async_copy(
            table_hbm.at[tok2.at[i]], rows.at[slot], gsem.at[slot]).wait()

    def pos_cp(i, pslot):
        return pltpu.make_async_copy(
            pos_hbm.at[pl.ds(t0 + i * SCT, SCT)], posc.at[pslot], psem.at[pslot])

    def store(i, slot):
        return pltpu.make_async_copy(
            rows.at[slot], out_hbm.at[oidx.at[i]], ssem.at[slot])

    def wait_stores(i, slot):
        store(i, slot).wait()

    gathers(0, 0)
    gathers(1, 1)
    pos_cp(0, 0).start()
    pos_cp(1, 1).start()

    def chunk_body(i, _):
        slot = i % NSLOT
        pslot = i % 2

        @pl.when(jnp.logical_and(i >= 1, i + 1 < NSC))
        def _prefetch():
            nslot = (i + 1) % NSLOT

            @pl.when(i >= 2)
            def _drain():
                wait_stores(i - 2, nslot)
            gathers(i + 1, nslot)

            @pl.when(i >= 1)
            def _pos_next():
                pos_cp(i + 1, (i + 1) % 2).start()

        wait_gathers(i, slot)
        pos_cp(i, pslot).wait()

        half = i // 2
        lpos0 = (i % 2) * SCT

        def pos_body(k, _):
            tl16 = jnp.zeros((L,), jnp.int32) + (i * SCT + k)
            masks = []
            for b in range(B):
                splat = plsc.load_gather(
                    segv, [jnp.full((L,), b, jnp.int32), tl16])
                masks.append(splat == 1)

            for j0 in range(0, GROUPS, BLK):
                sls = [pl.ds((j0 + j) * L, L) for j in range(BLK)]
                pv = [posc[pslot, k, sl] for sl in sls]
                s0 = [segtab[0, sl] for sl in sls]
                s1 = [segtab[1, sl] for sl in sls]
                a0 = [pv[j] + s0[j] for j in range(BLK)]
                a1 = [pv[j] + s1[j] for j in range(BLK)]
                for b in range(B):
                    for j in range(BLK):
                        plsc.addupdate(
                            rows.at[slot, b * SCT + k, sls[j]],
                            jnp.where(masks[b], a1[j], a0[j]))
            return 0

        lax.fori_loop(0, SCT, pos_body, 0)

        store(i, slot).start()
        return 0

    lax.fori_loop(0, NSC, chunk_body, 0)
    wait_stores(NSC - 1, (NSC - 1) % NSLOT)
    wait_stores(NSC - 2, (NSC - 2) % NSLOT)


@jax.jit
def _run(tokens2d, segments2d, token_table, segment_table, pos_w):
    mesh = plsc.VectorSubcoreMesh(core_axis_name="c", subcore_axis_name="s",
                                  num_cores=NC, num_subcores=NS)
    return pl.kernel(
        _body,
        out_type=jax.ShapeDtypeStruct((ROWS, D), jnp.float32),
        mesh=mesh,
        scratch_types=[
            pltpu.VMEM((B, TPW), jnp.int32),
            pltpu.VMEM((B, TPW), jnp.int32),
            pltpu.VMEM((NSC, CR), jnp.int32),
            pltpu.VMEM((NSC, CR), jnp.int32),
            pltpu.VMEM((NSLOT, CR, D), jnp.float32),
            pltpu.VMEM((2, SCT, D), jnp.float32),
            pltpu.VMEM((2, D), jnp.float32),
            pltpu.SemaphoreType.DMA,
            pltpu.SemaphoreType.DMA((NSLOT,)),
            pltpu.SemaphoreType.DMA((NSLOT,)),
            pltpu.SemaphoreType.DMA((2,)),
        ],
        compiler_params=pltpu.CompilerParams(
            needs_layout_passes=False,
            skip_device_barrier=True,
            disable_bounds_checks=True,
            disable_semaphore_checks=True,
        ),
    )(tokens2d, segments2d, token_table, segment_table, pos_w)


def kernel(tokens, segments, token_table, segment_table, pos_w):
    out = _run(tokens.astype(jnp.int32), segments.astype(jnp.int32),
               token_table, segment_table, pos_w)
    return out.reshape(B, MAX_LEN, D)

# --- scband reference (transcript-rebuilt; emitter-appended) ---
"""Pipeline reference for scband-bertencoder-59794534694930 (READ-ONLY COPY).

The authoritative reference and input builder live on the scoring server;
editing this copy changes nothing except your own understanding.
"""

import jax, jax.numpy as jnp
import numpy as np

VOCAB = 100000
D = 1024
MAX_LEN = 2048
B = 4


def setup_inputs(seed: int = 0) -> dict:
    key = jax.random.key(seed)
    k1, k2, k3, k4, k5 = jax.random.split(key, 5)
    tokens = jax.random.randint(k1, (B, MAX_LEN), 0, VOCAB, dtype=jnp.int64 if jax.config.jax_enable_x64 else jnp.int32)
    segments = jax.random.randint(k2, (B, MAX_LEN), 0, 2, dtype=jnp.int64 if jax.config.jax_enable_x64 else jnp.int32)
    token_table = jax.random.normal(k3, (VOCAB, D), dtype=jnp.float32) * 0.02
    segment_table = jax.random.normal(k4, (2, D), dtype=jnp.float32) * 0.02
    pos_w = jax.random.normal(k5, (MAX_LEN, D), dtype=jnp.float32) * 0.02
    return {"tokens": tokens, "segments": segments, "token_table": token_table, "segment_table": segment_table, "pos_w": pos_w}


def reference(tokens, segments, token_table, segment_table, pos_w):
    # X = token_embedding(tokens)
    X = jnp.take(token_table, tokens, axis=0)
    # X = X + segment_embedding(segments)
    X = X + jnp.take(segment_table, segments, axis=0)
    # X = pos_embedding(X)  -> inputs + learned positional weight [maxLen, D]
    X = X + pos_w[None, :, :]
    return X

if __name__ == "__main__":
    import jax
    _d = setup_inputs()
    print(jax.jit(kernel)(*tuple(_d.values())))

</pallas_src>

<mosaic_0001>
#map = affine_map<(d0, d1) -> (0, 0)>
module attributes {stable_mosaic.version = 14 : i64} {
  func.func @_body(%arg0: i32, %arg1: i32, %arg2: memref<4x2048xi32, #tpu.memory_space<hbm>>, %arg3: memref<4x2048xi32, #tpu.memory_space<hbm>>, %arg4: memref<100000x1024xf32, #tpu.memory_space<hbm>>, %arg5: memref<2x1024xf32, #tpu.memory_space<hbm>>, %arg6: memref<2048x1024xf32, #tpu.memory_space<hbm>>, %arg7: memref<8192x1024xf32, #tpu.memory_space<hbm>>, %arg8: memref<4x64xi32, #tpu.memory_space<vmem>>, %arg9: memref<4x64xi32, #tpu.memory_space<vmem>>, %arg10: memref<8x32xi32, #tpu.memory_space<vmem>>, %arg11: memref<8x32xi32, #tpu.memory_space<vmem>>, %arg12: memref<3x32x1024xf32, #tpu.memory_space<vmem>>, %arg13: memref<2x8x1024xf32, #tpu.memory_space<vmem>>, %arg14: memref<2x1024xf32, #tpu.memory_space<vmem>>, %arg15: memref<!tpu.dma_semaphore, #tpu.memory_space<semaphore_mem>>, %arg16: memref<3x!tpu.dma_semaphore, #tpu.memory_space<semaphore_mem>>, %arg17: memref<3x!tpu.dma_semaphore, #tpu.memory_space<semaphore_mem>>, %arg18: memref<2x!tpu.dma_semaphore, #tpu.memory_space<semaphore_mem>>) attributes {dimension_semantics = [#tpu.dimension_semantics<core_parallel>, #tpu.dimension_semantics<subcore_parallel>], iteration_bounds = array<i64: 2, 16>, scalar_prefetch = 0 : i64, scratch_operands = 11 : i64, tpu.core_type = #tpu.core_type<sc_vector_subcore>, window_params = [{transform_indices = #map}, {transform_indices = #map}, {transform_indices = #map}, {transform_indices = #map}, {transform_indices = #map}, {transform_indices = #map}]} {
    %mul3A = arith.constant 2 : i32
    %mul3A_0 = arith.muli %arg1, %mul3A : i32
    %add3A = arith.addi %mul3A_0, %arg0 : i32
    %mul3A_1 = arith.constant 64 : i32
    %mul3A_2 = arith.muli %add3A, %mul3A_1 : i32
    %iota3A = tpu.iota {dimensions = array<i32: 0>} : vector<16xi32>
    %dma_start3A = arith.constant 0 : i32
    %dma_start3A_3 = arith.constant 0 : i32
    %dma_start3A_4 = arith.constant 0 : i32
    %dma_start3A_5 = tpu.memref_slice %arg8[%dma_start3A_3, %dma_start3A_4] : memref<4x64xi32, #tpu.memory_space<vmem>> -> memref<1x64xi32, #tpu.memory_space<vmem>>
    %dma_start3A_6 = tpu.memref_squeeze %dma_start3A_5 : memref<1x64xi32, #tpu.memory_space<vmem>> -> memref<64xi32, #tpu.memory_space<vmem>>
    %dma_start3A_7 = tpu.memref_slice %arg2[%dma_start3A, %mul3A_2] : memref<4x2048xi32, #tpu.memory_space<hbm>> -> memref<1x64xi32, #tpu.memory_space<hbm>>
    %dma_start3A_8 = tpu.memref_squeeze %dma_start3A_7 : memref<1x64xi32, #tpu.memory_space<hbm>> -> memref<64xi32, #tpu.memory_space<hbm>>
    %dma_start3A_9 = arith.constant 0 : i32
    %dma_start3A_10 = tpu.memref_slice %arg8[%dma_start3A_3, %dma_start3A_9] : memref<4x64xi32, #tpu.memory_space<vmem>> -> memref<1x64xi32, #tpu.memory_space<vmem>>
    %dma_start3A_11 = tpu.memref_squeeze %dma_start3A_10 : memref<1x64xi32, #tpu.memory_space<vmem>> -> memref<64xi32, #tpu.memory_space<vmem>>
    %dma_start3A_12 = tpu.memref_slice %arg2[%dma_start3A, %mul3A_2] : memref<4x2048xi32, #tpu.memory_space<hbm>> -> memref<1x64xi32, #tpu.memory_space<hbm>>
    %dma_start3A_13 = tpu.memref_squeeze %dma_start3A_12 : memref<1x64xi32, #tpu.memory_space<hbm>> -> memref<64xi32, #tpu.memory_space<hbm>>
    tpu.enqueue_dma source(%dma_start3A_13 : memref<64xi32, #tpu.memory_space<hbm>>) target(%dma_start3A_11 : memref<64xi32, #tpu.memory_space<vmem>>) target_semaphore(%arg15 : memref<!tpu.dma_semaphore, #tpu.memory_space<semaphore_mem>>)
    %dma_start3A_14 = arith.constant 0 : i32
    %dma_start3A_15 = arith.constant 0 : i32
    %dma_start3A_16 = arith.constant 0 : i32
    %dma_start3A_17 = tpu.memref_slice %arg9[%dma_start3A_15, %dma_start3A_16] : memref<4x64xi32, #tpu.memory_space<vmem>> -> memref<1x64xi32, #tpu.memory_space<vmem>>
    %dma_start3A_18 = tpu.memref_squeeze %dma_start3A_17 : memref<1x64xi32, #tpu.memory_space<vmem>> -> memref<64xi32, #tpu.memory_space<vmem>>
    %dma_start3A_19 = tpu.memref_slice %arg3[%dma_start3A_14, %mul3A_2] : memref<4x2048xi32, #tpu.memory_space<hbm>> -> memref<1x64xi32, #tpu.memory_space<hbm>>
    %dma_start3A_20 = tpu.memref_squeeze %dma_start3A_19 : memref<1x64xi32, #tpu.memory_space<hbm>> -> memref<64xi32, #tpu.memory_space<hbm>>
    %dma_start3A_21 = arith.constant 0 : i32
    %dma_start3A_22 = tpu.memref_slice %arg9[%dma_start3A_15, %dma_start3A_21] : memref<4x64xi32, #tpu.memory_space<vmem>> -> memref<1x64xi32, #tpu.memory_space<vmem>>
    %dma_start3A_23 = tpu.memref_squeeze %dma_start3A_22 : memref<1x64xi32, #tpu.memory_space<vmem>> -> memref<64xi32, #tpu.memory_space<vmem>>
    %dma_start3A_24 = tpu.memref_slice %arg3[%dma_start3A_14, %mul3A_2] : memref<4x2048xi32, #tpu.memory_space<hbm>> -> memref<1x64xi32, #tpu.memory_space<hbm>>
    %dma_start3A_25 = tpu.memref_squeeze %dma_start3A_24 : memref<1x64xi32, #tpu.memory_space<hbm>> -> memref<64xi32, #tpu.memory_space<hbm>>
    tpu.enqueue_dma source(%dma_start3A_25 : memref<64xi32, #tpu.memory_space<hbm>>) target(%dma_start3A_23 : memref<64xi32, #tpu.memory_space<vmem>>) target_semaphore(%arg15 : memref<!tpu.dma_semaphore, #tpu.memory_space<semaphore_mem>>)
    %dma_start3A_26 = arith.constant 1 : i32
    %dma_start3A_27 = arith.constant 1 : i32
    %dma_start3A_28 = arith.constant 0 : i32
    %dma_start3A_29 = tpu.memref_slice %arg8[%dma_start3A_27, %dma_start3A_28] : memref<4x64xi32, #tpu.memory_space<vmem>> -> memref<1x64xi32, #tpu.memory_space<vmem>>
    %dma_start3A_30 = tpu.memref_squeeze %dma_start3A_29 : memref<1x64xi32, #tpu.memory_space<vmem>> -> memref<64xi32, #tpu.memory_space<vmem>>
    %dma_start3A_31 = tpu.memref_slice %arg2[%dma_start3A_26, %mul3A_2] : memref<4x2048xi32, #tpu.memory_space<hbm>> -> memref<1x64xi32, #tpu.memory_space<hbm>>
    %dma_start3A_32 = tpu.memref_squeeze %dma_start3A_31 : memref<1x64xi32, #tpu.memory_space<hbm>> -> memref<64xi32, #tpu.memory_space<hbm>>
    %dma_start3A_33 = arith.constant 0 : i32
    %dma_start3A_34 = tpu.memref_slice %arg8[%dma_start3A_27, %dma_start3A_33] : memref<4x64xi32, #tpu.memory_space<vmem>> -> memref<1x64xi32, #tpu.memory_space<vmem>>
    %dma_start3A_35 = tpu.memref_squeeze %dma_start3A_34 : memref<1x64xi32, #tpu.memory_space<vmem>> -> memref<64xi32, #tpu.memory_space<vmem>>
    %dma_start3A_36 = tpu.memref_slice %arg2[%dma_start3A_26, %mul3A_2] : memref<4x2048xi32, #tpu.memory_space<hbm>> -> memref<1x64xi32, #tpu.memory_space<hbm>>
    %dma_start3A_37 = tpu.memref_squeeze %dma_start3A_36 : memref<1x64xi32, #tpu.memory_space<hbm>> -> memref<64xi32, #tpu.memory_space<hbm>>
    tpu.enqueue_dma source(%dma_start3A_37 : memref<64xi32, #tpu.memory_space<hbm>>) target(%dma_start3A_35 : memref<64xi32, #tpu.memory_space<vmem>>) target_semaphore(%arg15 : memref<!tpu.dma_semaphore, #tpu.memory_space<semaphore_mem>>)
    %dma_start3A_38 = arith.constant 1 : i32
    %dma_start3A_39 = arith.constant 1 : i32
    %dma_start3A_40 = arith.constant 0 : i32
    %dma_start3A_41 = tpu.memref_slice %arg9[%dma_start3A_39, %dma_start3A_40] : memref<4x64xi32, #tpu.memory_space<vmem>> -> memref<1x64xi32, #tpu.memory_space<vmem>>
    %dma_start3A_42 = tpu.memref_squeeze %dma_start3A_41 : memref<1x64xi32, #tpu.memory_space<vmem>> -> memref<64xi32, #tpu.memory_space<vmem>>
    %dma_start3A_43 = tpu.memref_slice %arg3[%dma_start3A_38, %mul3A_2] : memref<4x2048xi32, #tpu.memory_space<hbm>> -> memref<1x64xi32, #tpu.memory_space<hbm>>
    %dma_start3A_44 = tpu.memref_squeeze %dma_start3A_43 : memref<1x64xi32, #tpu.memory_space<hbm>> -> memref<64xi32, #tpu.memory_space<hbm>>
    %dma_start3A_45 = arith.constant 0 : i32
    %dma_start3A_46 = tpu.memref_slice %arg9[%dma_start3A_39, %dma_start3A_45] : memref<4x64xi32, #tpu.memory_space<vmem>> -> memref<1x64xi32, #tpu.memory_space<vmem>>
    %dma_start3A_47 = tpu.memref_squeeze %dma_start3A_46 : memref<1x64xi32, #tpu.memory_space<vmem>> -> memref<64xi32, #tpu.memory_space<vmem>>
    %dma_start3A_48 = tpu.memref_slice %arg3[%dma_start3A_38, %mul3A_2] : memref<4x2048xi32, #tpu.memory_space<hbm>> -> memref<1x64xi32, #tpu.memory_space<hbm>>
    %dma_start3A_49 = tpu.memref_squeeze %dma_start3A_48 : memref<1x64xi32, #tpu.memory_space<hbm>> -> memref<64xi32, #tpu.memory_space<hbm>>
    tpu.enqueue_dma source(%dma_start3A_49 : memref<64xi32, #tpu.memory_space<hbm>>) target(%dma_start3A_47 : memref<64xi32, #tpu.memory_space<vmem>>) target_semaphore(%arg15 : memref<!tpu.dma_semaphore, #tpu.memory_space<semaphore_mem>>)
    %dma_start3A_50 = arith.constant 2 : i32
    %dma_start3A_51 = arith.constant 2 : i32
    %dma_start3A_52 = arith.constant 0 : i32
    %dma_start3A_53 = tpu.memref_slice %arg8[%dma_start3A_51, %dma_start3A_52] : memref<4x64xi32, #tpu.memory_space<vmem>> -> memref<1x64xi32, #tpu.memory_space<vmem>>
    %dma_start3A_54 = tpu.memref_squeeze %dma_start3A_53 : memref<1x64xi32, #tpu.memory_space<vmem>> -> memref<64xi32, #tpu.memory_space<vmem>>
    %dma_start3A_55 = tpu.memref_slice %arg2[%dma_start3A_50, %mul3A_2] : memref<4x2048xi32, #tpu.memory_space<hbm>> -> memref<1x64xi32, #tpu.memory_space<hbm>>
    %dma_start3A_56 = tpu.memref_squeeze %dma_start3A_55 : memref<1x64xi32, #tpu.memory_space<hbm>> -> memref<64xi32, #tpu.memory_space<hbm>>
    %dma_start3A_57 = arith.constant 0 : i32
    %dma_start3A_58 = tpu.memref_slice %arg8[%dma_start3A_51, %dma_start3A_57] : memref<4x64xi32, #tpu.memory_space<vmem>> -> memref<1x64xi32, #tpu.memory_space<vmem>>
    %dma_start3A_59 = tpu.memref_squeeze %dma_start3A_58 : memref<1x64xi32, #tpu.memory_space<vmem>> -> memref<64xi32, #tpu.memory_space<vmem>>
    %dma_start3A_60 = tpu.memref_slice %arg2[%dma_start3A_50, %mul3A_2] : memref<4x2048xi32, #tpu.memory_space<hbm>> -> memref<1x64xi32, #tpu.memory_space<hbm>>
    %dma_start3A_61 = tpu.memref_squeeze %dma_start3A_60 : memref<1x64xi32, #tpu.memory_space<hbm>> -> memref<64xi32, #tpu.memory_space<hbm>>
    tpu.enqueue_dma source(%dma_start3A_61 : memref<64xi32, #tpu.memory_space<hbm>>) target(%dma_start3A_59 : memref<64xi32, #tpu.memory_space<vmem>>) target_semaphore(%arg15 : memref<!tpu.dma_semaphore, #tpu.memory_space<semaphore_mem>>)
    %dma_start3A_62 = arith.constant 2 : i32
    %dma_start3A_63 = arith.constant 2 : i32
    %dma_start3A_64 = arith.constant 0 : i32
    %dma_start3A_65 = tpu.memref_slice %arg9[%dma_start3A_63, %dma_start3A_64] : memref<4x64xi32, #tpu.memory_space<vmem>> -> memref<1x64xi32, #tpu.memory_space<vmem>>
    %dma_start3A_66 = tpu.memref_squeeze %dma_start3A_65 : memref<1x64xi32, #tpu.memory_space<vmem>> -> memref<64xi32, #tpu.memory_space<vmem>>
    %dma_start3A_67 = tpu.memref_slice %arg3[%dma_start3A_62, %mul3A_2] : memref<4x2048xi32, #tpu.memory_space<hbm>> -> memref<1x64xi32, #tpu.memory_space<hbm>>
    %dma_start3A_68 = tpu.memref_squeeze %dma_start3A_67 : memref<1x64xi32, #tpu.memory_space<hbm>> -> memref<64xi32, #tpu.memory_space<hbm>>
    %dma_start3A_69 = arith.constant 0 : i32
    %dma_start3A_70 = tpu.memref_slice %arg9[%dma_start3A_63, %dma_start3A_69] : memref<4x64xi32, #tpu.memory_space<vmem>> -> memref<1x64xi32, #tpu.memory_space<vmem>>
    %dma_start3A_71 = tpu.memref_squeeze %dma_start3A_70 : memref<1x64xi32, #tpu.memory_space<vmem>> -> memref<64xi32, #tpu.memory_space<vmem>>
    %dma_start3A_72 = tpu.memref_slice %arg3[%dma_start3A_62, %mul3A_2] : memref<4x2048xi32, #tpu.memory_space<hbm>> -> memref<1x64xi32, #tpu.memory_space<hbm>>
    %dma_start3A_73 = tpu.memref_squeeze %dma_start3A_72 : memref<1x64xi32, #tpu.memory_space<hbm>> -> memref<64xi32, #tpu.memory_space<hbm>>
    tpu.enqueue_dma source(%dma_start3A_73 : memref<64xi32, #tpu.memory_space<hbm>>) target(%dma_start3A_71 : memref<64xi32, #tpu.memory_space<vmem>>) target_semaphore(%arg15 : memref<!tpu.dma_semaphore, #tpu.memory_space<semaphore_mem>>)
    %dma_start3A_74 = arith.constant 3 : i32
    %dma_start3A_75 = arith.constant 3 : i32
    %dma_start3A_76 = arith.constant 0 : i32
    %dma_start3A_77 = tpu.memref_slice %arg8[%dma_start3A_75, %dma_start3A_76] : memref<4x64xi32, #tpu.memory_space<vmem>> -> memref<1x64xi32, #tpu.memory_space<vmem>>
    %dma_start3A_78 = tpu.memref_squeeze %dma_start3A_77 : memref<1x64xi32, #tpu.memory_space<vmem>> -> memref<64xi32, #tpu.memory_space<vmem>>
    %dma_start3A_79 = tpu.memref_slice %arg2[%dma_start3A_74, %mul3A_2] : memref<4x2048xi32, #tpu.memory_space<hbm>> -> memref<1x64xi32, #tpu.memory_space<hbm>>
    %dma_start3A_80 = tpu.memref_squeeze %dma_start3A_79 : memref<1x64xi32, #tpu.memory_space<hbm>> -> memref<64xi32, #tpu.memory_space<hbm>>
    %dma_start3A_81 = arith.constant 0 : i32
    %dma_start3A_82 = tpu.memref_slice %arg8[%dma_start3A_75, %dma_start3A_81] : memref<4x64xi32, #tpu.memory_space<vmem>> -> memref<1x64xi32, #tpu.memory_space<vmem>>
    %dma_start3A_83 = tpu.memref_squeeze %dma_start3A_82 : memref<1x64xi32, #tpu.memory_space<vmem>> -> memref<64xi32, #tpu.memory_space<vmem>>
    %dma_start3A_84 = tpu.memref_slice %arg2[%dma_start3A_74, %mul3A_2] : memref<4x2048xi32, #tpu.memory_space<hbm>> -> memref<1x64xi32, #tpu.memory_space<hbm>>
    %dma_start3A_85 = tpu.memref_squeeze %dma_start3A_84 : memref<1x64xi32, #tpu.memory_space<hbm>> -> memref<64xi32, #tpu.memory_space<hbm>>
    tpu.enqueue_dma source(%dma_start3A_85 : memref<64xi32, #tpu.memory_space<hbm>>) target(%dma_start3A_83 : memref<64xi32, #tpu.memory_space<vmem>>) target_semaphore(%arg15 : memref<!tpu.dma_semaphore, #tpu.memory_space<semaphore_mem>>)
    %dma_start3A_86 = arith.constant 3 : i32
    %dma_start3A_87 = arith.constant 3 : i32
    %dma_start3A_88 = arith.constant 0 : i32
    %dma_start3A_89 = tpu.memref_slice %arg9[%dma_start3A_87, %dma_start3A_88] : memref<4x64xi32, #tpu.memory_space<vmem>> -> memref<1x64xi32, #tpu.memory_space<vmem>>
    %dma_start3A_90 = tpu.memref_squeeze %dma_start3A_89 : memref<1x64xi32, #tpu.memory_space<vmem>> -> memref<64xi32, #tpu.memory_space<vmem>>
    %dma_start3A_91 = tpu.memref_slice %arg3[%dma_start3A_86, %mul3A_2] : memref<4x2048xi32, #tpu.memory_space<hbm>> -> memref<1x64xi32, #tpu.memory_space<hbm>>
    %dma_start3A_92 = tpu.memref_squeeze %dma_start3A_91 : memref<1x64xi32, #tpu.memory_space<hbm>> -> memref<64xi32, #tpu.memory_space<hbm>>
    %dma_start3A_93 = arith.constant 0 : i32
    %dma_start3A_94 = tpu.memref_slice %arg9[%dma_start3A_87, %dma_start3A_93] : memref<4x64xi32, #tpu.memory_space<vmem>> -> memref<1x64xi32, #tpu.memory_space<vmem>>
    %dma_start3A_95 = tpu.memref_squeeze %dma_start3A_94 : memref<1x64xi32, #tpu.memory_space<vmem>> -> memref<64xi32, #tpu.memory_space<vmem>>
    %dma_start3A_96 = tpu.memref_slice %arg3[%dma_start3A_86, %mul3A_2] : memref<4x2048xi32, #tpu.memory_space<hbm>> -> memref<1x64xi32, #tpu.memory_space<hbm>>
    %dma_start3A_97 = tpu.memref_squeeze %dma_start3A_96 : memref<1x64xi32, #tpu.memory_space<hbm>> -> memref<64xi32, #tpu.memory_space<hbm>>
    tpu.enqueue_dma source(%dma_start3A_97 : memref<64xi32, #tpu.memory_space<hbm>>) target(%dma_start3A_95 : memref<64xi32, #tpu.memory_space<vmem>>) target_semaphore(%arg15 : memref<!tpu.dma_semaphore, #tpu.memory_space<semaphore_mem>>)
    tpu.enqueue_dma source(%arg5 : memref<2x1024xf32, #tpu.memory_space<hbm>>) target(%arg14 : memref<2x1024xf32, #tpu.memory_space<vmem>>) target_semaphore(%arg15 : memref<!tpu.dma_semaphore, #tpu.memory_space<semaphore_mem>>)
    %dma_wait3A = arith.constant 0 : i32
    %dma_wait3A_98 = arith.constant 0 : i32
    %dma_wait3A_99 = arith.constant 0 : i32
    %dma_wait3A_100 = tpu.memref_slice %arg8[%dma_wait3A_98, %dma_wait3A_99] : memref<4x64xi32, #tpu.memory_space<vmem>> -> memref<1x64xi32, #tpu.memory_space<vmem>>
    %dma_wait3A_101 = tpu.memref_squeeze %dma_wait3A_100 : memref<1x64xi32, #tpu.memory_space<vmem>> -> memref<64xi32, #tpu.memory_space<vmem>>
    %dma_wait3A_102 = tpu.memref_slice %arg2[%dma_wait3A, %mul3A_2] : memref<4x2048xi32, #tpu.memory_space<hbm>> -> memref<1x64xi32, #tpu.memory_space<hbm>>
    %dma_wait3A_103 = tpu.memref_squeeze %dma_wait3A_102 : memref<1x64xi32, #tpu.memory_space<hbm>> -> memref<64xi32, #tpu.memory_space<hbm>>
    %dma_wait3A_104 = arith.constant 0 : i32
    %dma_wait3A_105 = tpu.memref_slice %arg8[%dma_wait3A_98, %dma_wait3A_104] : memref<4x64xi32, #tpu.memory_space<vmem>> -> memref<1x64xi32, #tpu.memory_space<vmem>>
    %dma_wait3A_106 = tpu.memref_squeeze %dma_wait3A_105 : memref<1x64xi32, #tpu.memory_space<vmem>> -> memref<64xi32, #tpu.memory_space<vmem>>
    %dma_wait3A_107 = tpu.memref_slice %arg2[%dma_wait3A, %mul3A_2] : memref<4x2048xi32, #tpu.memory_space<hbm>> -> memref<1x64xi32, #tpu.memory_space<hbm>>
    %dma_wait3A_108 = tpu.memref_squeeze %dma_wait3A_107 : memref<1x64xi32, #tpu.memory_space<hbm>> -> memref<64xi32, #tpu.memory_space<hbm>>
    tpu.wait_dma2 semaphore(%arg15 : memref<!tpu.dma_semaphore, #tpu.memory_space<semaphore_mem>>) src(%dma_wait3A_108 : memref<64xi32, #tpu.memory_space<hbm>>) dst(%dma_wait3A_106 : memref<64xi32, #tpu.memory_space<vmem>>)
    %dma_wait3A_109 = arith.constant 0 : i32
    %dma_wait3A_110 = arith.constant 0 : i32
    %dma_wait3A_111 = arith.constant 0 : i32
    %dma_wait3A_112 = tpu.memref_slice %arg9[%dma_wait3A_110, %dma_wait3A_111] : memref<4x64xi32, #tpu.memory_space<vmem>> -> memref<1x64xi32, #tpu.memory_space<vmem>>
    %dma_wait3A_113 = tpu.memref_squeeze %dma_wait3A_112 : memref<1x64xi32, #tpu.memory_space<vmem>> -> memref<64xi32, #tpu.memory_space<vmem>>
    %dma_wait3A_114 = tpu.memref_slice %arg3[%dma_wait3A_109, %mul3A_2] : memref<4x2048xi32, #tpu.memory_space<hbm>> -> memref<1x64xi32, #tpu.memory_space<hbm>>
    %dma_wait3A_115 = tpu.memref_squeeze %dma_wait3A_114 : memref<1x64xi32, #tpu.memory_space<hbm>> -> memref<64xi32, #tpu.memory_space<hbm>>
    %dma_wait3A_116 = arith.constant 0 : i32
    %dma_wait3A_117 = tpu.memref_slice %arg9[%dma_wait3A_110, %dma_wait3A_116] : memref<4x64xi32, #tpu.memory_space<vmem>> -> memref<1x64xi32, #tpu.memory_space<vmem>>
    %dma_wait3A_118 = tpu.memref_squeeze %dma_wait3A_117 : memref<1x64xi32, #tpu.memory_space<vmem>> -> memref<64xi32, #tpu.memory_space<vmem>>
    %dma_wait3A_119 = tpu.memref_slice %arg3[%dma_wait3A_109, %mul3A_2] : memref<4x2048xi32, #tpu.memory_space<hbm>> -> memref<1x64xi32, #tpu.memory_space<hbm>>
    %dma_wait3A_120 = tpu.memref_squeeze %dma_wait3A_119 : memref<1x64xi32, #tpu.memory_space<hbm>> -> memref<64xi32, #tpu.memory_space<hbm>>
    tpu.wait_dma2 semaphore(%arg15 : memref<!tpu.dma_semaphore, #tpu.memory_space<semaphore_mem>>) src(%dma_wait3A_120 : memref<64xi32, #tpu.memory_space<hbm>>) dst(%dma_wait3A_118 : memref<64xi32, #tpu.memory_space<vmem>>)
    %dma_wait3A_121 = arith.constant 1 : i32
    %dma_wait3A_122 = arith.constant 1 : i32
    %dma_wait3A_123 = arith.constant 0 : i32
    %dma_wait3A_124 = tpu.memref_slice %arg8[%dma_wait3A_122, %dma_wait3A_123] : memref<4x64xi32, #tpu.memory_space<vmem>> -> memref<1x64xi32, #tpu.memory_space<vmem>>
    %dma_wait3A_125 = tpu.memref_squeeze %dma_wait3A_124 : memref<1x64xi32, #tpu.memory_space<vmem>> -> memref<64xi32, #tpu.memory_space<vmem>>
    %dma_wait3A_126 = tpu.memref_slice %arg2[%dma_wait3A_121, %mul3A_2] : memref<4x2048xi32, #tpu.memory_space<hbm>> -> memref<1x64xi32, #tpu.memory_space<hbm>>
    %dma_wait3A_127 = tpu.memref_squeeze %dma_wait3A_126 : memref<1x64xi32, #tpu.memory_space<hbm>> -> memref<64xi32, #tpu.memory_space<hbm>>
    %dma_wait3A_128 = arith.constant 0 : i32
    %dma_wait3A_129 = tpu.memref_slice %arg8[%dma_wait3A_122, %dma_wait3A_128] : memref<4x64xi32, #tpu.memory_space<vmem>> -> memref<1x64xi32, #tpu.memory_space<vmem>>
    %dma_wait3A_130 = tpu.memref_squeeze %dma_wait3A_129 : memref<1x64xi32, #tpu.memory_space<vmem>> -> memref<64xi32, #tpu.memory_space<vmem>>
    %dma_wait3A_131 = tpu.memref_slice %arg2[%dma_wait3A_121, %mul3A_2] : memref<4x2048xi32, #tpu.memory_space<hbm>> -> memref<1x64xi32, #tpu.memory_space<hbm>>
    %dma_wait3A_132 = tpu.memref_squeeze %dma_wait3A_131 : memref<1x64xi32, #tpu.memory_space<hbm>> -> memref<64xi32, #tpu.memory_space<hbm>>
    tpu.wait_dma2 semaphore(%arg15 : memref<!tpu.dma_semaphore, #tpu.memory_space<semaphore_mem>>) src(%dma_wait3A_132 : memref<64xi32, #tpu.memory_space<hbm>>) dst(%dma_wait3A_130 : memref<64xi32, #tpu.memory_space<vmem>>)
    %dma_wait3A_133 = arith.constant 1 : i32
    %dma_wait3A_134 = arith.constant 1 : i32
    %dma_wait3A_135 = arith.constant 0 : i32
    %dma_wait3A_136 = tpu.memref_slice %arg9[%dma_wait3A_134, %dma_wait3A_135] : memref<4x64xi32, #tpu.memory_space<vmem>> -> memref<1x64xi32, #tpu.memory_space<vmem>>
    %dma_wait3A_137 = tpu.memref_squeeze %dma_wait3A_136 : memref<1x64xi32, #tpu.memory_space<vmem>> -> memref<64xi32, #tpu.memory_space<vmem>>
    %dma_wait3A_138 = tpu.memref_slice %arg3[%dma_wait3A_133, %mul3A_2] : memref<4x2048xi32, #tpu.memory_space<hbm>> -> memref<1x64xi32, #tpu.memory_space<hbm>>
    %dma_wait3A_139 = tpu.memref_squeeze %dma_wait3A_138 : memref<1x64xi32, #tpu.memory_space<hbm>> -> memref<64xi32, #tpu.memory_space<hbm>>
    %dma_wait3A_140 = arith.constant 0 : i32
    %dma_wait3A_141 = tpu.memref_slice %arg9[%dma_wait3A_134, %dma_wait3A_140] : memref<4x64xi32, #tpu.memory_space<vmem>> -> memref<1x64xi32, #tpu.memory_space<vmem>>
    %dma_wait3A_142 = tpu.memref_squeeze %dma_wait3A_141 : memref<1x64xi32, #tpu.memory_space<vmem>> -> memref<64xi32, #tpu.memory_space<vmem>>
    %dma_wait3A_143 = tpu.memref_slice %arg3[%dma_wait3A_133, %mul3A_2] : memref<4x2048xi32, #tpu.memory_space<hbm>> -> memref<1x64xi32, #tpu.memory_space<hbm>>
    %dma_wait3A_144 = tpu.memref_squeeze %dma_wait3A_143 : memref<1x64xi32, #tpu.memory_space<hbm>> -> memref<64xi32, #tpu.memory_space<hbm>>
    tpu.wait_dma2 semaphore(%arg15 : memref<!tpu.dma_semaphore, #tpu.memory_space<semaphore_mem>>) src(%dma_wait3A_144 : memref<64xi32, #tpu.memory_space<hbm>>) dst(%dma_wait3A_142 : memref<64xi32, #tpu.memory_space<vmem>>)
    %dma_wait3A_145 = arith.constant 2 : i32
    %dma_wait3A_146 = arith.constant 2 : i32
    %dma_wait3A_147 = arith.constant 0 : i32
    %dma_wait3A_148 = tpu.memref_slice %arg8[%dma_wait3A_146, %dma_wait3A_147] : memref<4x64xi32, #tpu.memory_space<vmem>> -> memref<1x64xi32, #tpu.memory_space<vmem>>
    %dma_wait3A_149 = tpu.memref_squeeze %dma_wait3A_148 : memref<1x64xi32, #tpu.memory_space<vmem>> -> memref<64xi32, #tpu.memory_space<vmem>>
    %dma_wait3A_150 = tpu.memref_slice %arg2[%dma_wait3A_145, %mul3A_2] : memref<4x2048xi32, #tpu.memory_space<hbm>> -> memref<1x64xi32, #tpu.memory_space<hbm>>
    %dma_wait3A_151 = tpu.memref_squeeze %dma_wait3A_150 : memref<1x64xi32, #tpu.memory_space<hbm>> -> memref<64xi32, #tpu.memory_space<hbm>>
    %dma_wait3A_152 = arith.constant 0 : i32
    %dma_wait3A_153 = tpu.memref_slice %arg8[%dma_wait3A_146, %dma_wait3A_152] : memref<4x64xi32, #tpu.memory_space<vmem>> -> memref<1x64xi32, #tpu.memory_space<vmem>>
    %dma_wait3A_154 = tpu.memref_squeeze %dma_wait3A_153 : memref<1x64xi32, #tpu.memory_space<vmem>> -> memref<64xi32, #tpu.memory_space<vmem>>
    %dma_wait3A_155 = tpu.memref_slice %arg2[%dma_wait3A_145, %mul3A_2] : memref<4x2048xi32, #tpu.memory_space<hbm>> -> memref<1x64xi32, #tpu.memory_space<hbm>>
    %dma_wait3A_156 = tpu.memref_squeeze %dma_wait3A_155 : memref<1x64xi32, #tpu.memory_space<hbm>> -> memref<64xi32, #tpu.memory_space<hbm>>
    tpu.wait_dma2 semaphore(%arg15 : memref<!tpu.dma_semaphore, #tpu.memory_space<semaphore_mem>>) src(%dma_wait3A_156 : memref<64xi32, #tpu.memory_space<hbm>>) dst(%dma_wait3A_154 : memref<64xi32, #tpu.memory_space<vmem>>)
    %dma_wait3A_157 = arith.constant 2 : i32
    %dma_wait3A_158 = arith.constant 2 : i32
    %dma_wait3A_159 = arith.constant 0 : i32
    %dma_wait3A_160 = tpu.memref_slice %arg9[%dma_wait3A_158, %dma_wait3A_159] : memref<4x64xi32, #tpu.memory_space<vmem>> -> memref<1x64xi32, #tpu.memory_space<vmem>>
    %dma_wait3A_161 = tpu.memref_squeeze %dma_wait3A_160 : memref<1x64xi32, #tpu.memory_space<vmem>> -> memref<64xi32, #tpu.memory_space<vmem>>
    %dma_wait3A_162 = tpu.memref_slice %arg3[%dma_wait3A_157, %mul3A_2] : memref<4x2048xi32, #tpu.memory_space<hbm>> -> memref<1x64xi32, #tpu.memory_space<hbm>>
    %dma_wait3A_163 = tpu.memref_squeeze %dma_wait3A_162 : memref<1x64xi32, #tpu.memory_space<hbm>> -> memref<64xi32, #tpu.memory_space<hbm>>
    %dma_wait3A_164 = arith.constant 0 : i32
    %dma_wait3A_165 = tpu.memref_slice %arg9[%dma_wait3A_158, %dma_wait3A_164] : memref<4x64xi32, #tpu.memory_space<vmem>> -> memref<1x64xi32, #tpu.memory_space<vmem>>
    %dma_wait3A_166 = tpu.memref_squeeze %dma_wait3A_165 : memref<1x64xi32, #tpu.memory_space<vmem>> -> memref<64xi32, #tpu.memory_space<vmem>>
    %dma_wait3A_167 = tpu.memref_slice %arg3[%dma_wait3A_157, %mul3A_2] : memref<4x2048xi32, #tpu.memory_space<hbm>> -> memref<1x64xi32, #tpu.memory_space<hbm>>
    %dma_wait3A_168 = tpu.memref_squeeze %dma_wait3A_167 : memref<1x64xi32, #tpu.memory_space<hbm>> -> memref<64xi32, #tpu.memory_space<hbm>>
    tpu.wait_dma2 semaphore(%arg15 : memref<!tpu.dma_semaphore, #tpu.memory_space<semaphore_mem>>) src(%dma_wait3A_168 : memref<64xi32, #tpu.memory_space<hbm>>) dst(%dma_wait3A_166 : memref<64xi32, #tpu.memory_space<vmem>>)
    %dma_wait3A_169 = arith.constant 3 : i32
    %dma_wait3A_170 = arith.constant 3 : i32
    %dma_wait3A_171 = arith.constant 0 : i32
    %dma_wait3A_172 = tpu.memref_slice %arg8[%dma_wait3A_170, %dma_wait3A_171] : memref<4x64xi32, #tpu.memory_space<vmem>> -> memref<1x64xi32, #tpu.memory_space<vmem>>
    %dma_wait3A_173 = tpu.memref_squeeze %dma_wait3A_172 : memref<1x64xi32, #tpu.memory_space<vmem>> -> memref<64xi32, #tpu.memory_space<vmem>>
    %dma_wait3A_174 = tpu.memref_slice %arg2[%dma_wait3A_169, %mul3A_2] : memref<4x2048xi32, #tpu.memory_space<hbm>> -> memref<1x64xi32, #tpu.memory_space<hbm>>
    %dma_wait3A_175 = tpu.memref_squeeze %dma_wait3A_174 : memref<1x64xi32, #tpu.memory_space<hbm>> -> memref<64xi32, #tpu.memory_space<hbm>>
    %dma_wait3A_176 = arith.constant 0 : i32
    %dma_wait3A_177 = tpu.memref_slice %arg8[%dma_wait3A_170, %dma_wait3A_176] : memref<4x64xi32, #tpu.memory_space<vmem>> -> memref<1x64xi32, #tpu.memory_space<vmem>>
    %dma_wait3A_178 = tpu.memref_squeeze %dma_wait3A_177 : memref<1x64xi32, #tpu.memory_space<vmem>> -> memref<64xi32, #tpu.memory_space<vmem>>
    %dma_wait3A_179 = tpu.memref_slice %arg2[%dma_wait3A_169, %mul3A_2] : memref<4x2048xi32, #tpu.memory_space<hbm>> -> memref<1x64xi32, #tpu.memory_space<hbm>>
    %dma_wait3A_180 = tpu.memref_squeeze %dma_wait3A_179 : memref<1x64xi32, #tpu.memory_space<hbm>> -> memref<64xi32, #tpu.memory_space<hbm>>
    tpu.wait_dma2 semaphore(%arg15 : memref<!tpu.dma_semaphore, #tpu.memory_space<semaphore_mem>>) src(%dma_wait3A_180 : memref<64xi32, #tpu.memory_space<hbm>>) dst(%dma_wait3A_178 : memref<64xi32, #tpu.memory_space<vmem>>)
    %dma_wait3A_181 = arith.constant 3 : i32
    %dma_wait3A_182 = arith.constant 3 : i32
    %dma_wait3A_183 = arith.constant 0 : i32
    %dma_wait3A_184 = tpu.memref_slice %arg9[%dma_wait3A_182, %dma_wait3A_183] : memref<4x64xi32, #tpu.memory_space<vmem>> -> memref<1x64xi32, #tpu.memory_space<vmem>>
    %dma_wait3A_185 = tpu.memref_squeeze %dma_wait3A_184 : memref<1x64xi32, #tpu.memory_space<vmem>> -> memref<64xi32, #tpu.memory_space<vmem>>
    %dma_wait3A_186 = tpu.memref_slice %arg3[%dma_wait3A_181, %mul3A_2] : memref<4x2048xi32, #tpu.memory_space<hbm>> -> memref<1x64xi32, #tpu.memory_space<hbm>>
    %dma_wait3A_187 = tpu.memref_squeeze %dma_wait3A_186 : memref<1x64xi32, #tpu.memory_space<hbm>> -> memref<64xi32, #tpu.memory_space<hbm>>
    %dma_wait3A_188 = arith.constant 0 : i32
    %dma_wait3A_189 = tpu.memref_slice %arg9[%dma_wait3A_182, %dma_wait3A_188] : memref<4x64xi32, #tpu.memory_space<vmem>> -> memref<1x64xi32, #tpu.memory_space<vmem>>
    %dma_wait3A_190 = tpu.memref_squeeze %dma_wait3A_189 : memref<1x64xi32, #tpu.memory_space<vmem>> -> memref<64xi32, #tpu.memory_space<vmem>>
    %dma_wait3A_191 = tpu.memref_slice %arg3[%dma_wait3A_181, %mul3A_2] : memref<4x2048xi32, #tpu.memory_space<hbm>> -> memref<1x64xi32, #tpu.memory_space<hbm>>
    %dma_wait3A_192 = tpu.memref_squeeze %dma_wait3A_191 : memref<1x64xi32, #tpu.memory_space<hbm>> -> memref<64xi32, #tpu.memory_space<hbm>>
    tpu.wait_dma2 semaphore(%arg15 : memref<!tpu.dma_semaphore, #tpu.memory_space<semaphore_mem>>) src(%dma_wait3A_192 : memref<64xi32, #tpu.memory_space<hbm>>) dst(%dma_wait3A_190 : memref<64xi32, #tpu.memory_space<vmem>>)
    tpu.wait_dma2 semaphore(%arg15 : memref<!tpu.dma_semaphore, #tpu.memory_space<semaphore_mem>>) src(%arg5 : memref<2x1024xf32, #tpu.memory_space<hbm>>) dst(%arg14 : memref<2x1024xf32, #tpu.memory_space<vmem>>)
    %get3A = arith.constant 0 : i32
    %get3A_193 = arith.index_cast %get3A : i32 to index
    %get3A_194 = arith.constant 0 : index
    %get3A_195 = tpu.vector_load %arg8[%get3A_193, %get3A_194] {strides = array<i32>} : memref<4x64xi32, #tpu.memory_space<vmem>>, vector<16xi32>,
    %add3A_196 = arith.constant 0 : i32
    %add3A_197 = vector.broadcast %add3A_196 : i32 to vector<16xi32>
    %add3A_198 = arith.addi %iota3A, %add3A_197 : vector<16xi32>
    %shift_right_logical3A = arith.constant 3 : i32
    %shift_right_logical3A_199 = vector.broadcast %shift_right_logical3A : i32 to vector<16xi32>
    %shift_right_logical3A_200 = arith.shrui %add3A_198, %shift_right_logical3A_199 : vector<16xi32>
    %and3A = arith.constant 7 : i32
    %and3A_201 = vector.broadcast %and3A : i32 to vector<16xi32>
    %and3A_202 = arith.andi %add3A_198, %and3A_201 : vector<16xi32>
    %add3A_203 = arith.constant 0 : i32
    %add3A_204 = vector.broadcast %add3A_203 : i32 to vector<16xi32>
    %add3A_205 = arith.addi %and3A_202, %add3A_204 : vector<16xi32>
    tpu.vector_store_idx %arg10[%shift_right_logical3A_200, %add3A_205], %get3A_195 : memref<8x32xi32, #tpu.memory_space<vmem>>[vector<16xi32>, vector<16xi32>], vector<16xi32>,
    %add3A_206 = arith.constant 0 : i32
    %add3A_207 = arith.addi %add3A_206, %mul3A_2 : i32
    %add3A_208 = vector.broadcast %add3A_207 : i32 to vector<16xi32>
    %add3A_209 = arith.addi %add3A_198, %add3A_208 : vector<16xi32>
    tpu.vector_store_idx %arg11[%shift_right_logical3A_200, %add3A_205], %add3A_209 : memref<8x32xi32, #tpu.memory_space<vmem>>[vector<16xi32>, vector<16xi32>], vector<16xi32>,
    %get3A_210 = arith.constant 0 : i32
    %get3A_211 = arith.index_cast %get3A_210 : i32 to index
    %get3A_212 = arith.constant 16 : index
    %get3A_213 = tpu.vector_load %arg8[%get3A_211, %get3A_212] {strides = array<i32>} : memref<4x64xi32, #tpu.memory_space<vmem>>, vector<16xi32>,
    %add3A_214 = arith.constant 16 : i32
    %add3A_215 = vector.broadcast %add3A_214 : i32 to vector<16xi32>
    %add3A_216 = arith.addi %iota3A, %add3A_215 : vector<16xi32>
    %shift_right_logical3A_217 = arith.constant 3 : i32
    %shift_right_logical3A_218 = vector.broadcast %shift_right_logical3A_217 : i32 to vector<16xi32>
    %shift_right_logical3A_219 = arith.shrui %add3A_216, %shift_right_logical3A_218 : vector<16xi32>
    %and3A_220 = arith.constant 7 : i32
    %and3A_221 = vector.broadcast %and3A_220 : i32 to vector<16xi32>
    %and3A_222 = arith.andi %add3A_216, %and3A_221 : vector<16xi32>
    %add3A_223 = arith.constant 0 : i32
    %add3A_224 = vector.broadcast %add3A_223 : i32 to vector<16xi32>
    %add3A_225 = arith.addi %and3A_222, %add3A_224 : vector<16xi32>
    tpu.vector_store_idx %arg10[%shift_right_logical3A_219, %add3A_225], %get3A_213 : memref<8x32xi32, #tpu.memory_space<vmem>>[vector<16xi32>, vector<16xi32>], vector<16xi32>,
    %add3A_226 = arith.constant 0 : i32
    %add3A_227 = arith.addi %add3A_226, %mul3A_2 : i32
    %add3A_228 = vector.broadcast %add3A_227 : i32 to vector<16xi32>
    %add3A_229 = arith.addi %add3A_216, %add3A_228 : vector<16xi32>
    tpu.vector_store_idx %arg11[%shift_right_logical3A_219, %add3A_225], %add3A_229 : memref<8x32xi32, #tpu.memory_space<vmem>>[vector<16xi32>, vector<16xi32>], vector<16xi32>,
    %get3A_230 = arith.constant 0 : i32
    %get3A_231 = arith.index_cast %get3A_230 : i32 to index
    %get3A_232 = arith.constant 32 : index
    %get3A_233 = tpu.vector_load %arg8[%get3A_231, %get3A_232] {strides = array<i32>} : memref<4x64xi32, #tpu.memory_space<vmem>>, vector<16xi32>,
    %add3A_234 = arith.constant 32 : i32
    %add3A_235 = vector.broadcast %add3A_234 : i32 to vector<16xi32>
    %add3A_236 = arith.addi %iota3A, %add3A_235 : vector<16xi32>
    %shift_right_logical3A_237 = arith.constant 3 : i32
    %shift_right_logical3A_238 = vector.broadcast %shift_right_logical3A_237 : i32 to vector<16xi32>
    %shift_right_logical3A_239 = arith.shrui %add3A_236, %shift_right_logical3A_238 : vector<16xi32>
    %and3A_240 = arith.constant 7 : i32
    %and3A_241 = vector.broadcast %and3A_240 : i32 to vector<16xi32>
    %and3A_242 = arith.andi %add3A_236, %and3A_241 : vector<16xi32>
    %add3A_243 = arith.constant 0 : i32
    %add3A_244 = vector.broadcast %add3A_243 : i32 to vector<16xi32>
    %add3A_245 = arith.addi %and3A_242, %add3A_244 : vector<16xi32>
    tpu.vector_store_idx %arg10[%shift_right_logical3A_239, %add3A_245], %get3A_233 : memref<8x32xi32, #tpu.memory_space<vmem>>[vector<16xi32>, vector<16xi32>], vector<16xi32>,
    %add3A_246 = arith.constant 0 : i32
    %add3A_247 = arith.addi %add3A_246, %mul3A_2 : i32
    %add3A_248 = vector.broadcast %add3A_247 : i32 to vector<16xi32>
    %add3A_249 = arith.addi %add3A_236, %add3A_248 : vector<16xi32>
    tpu.vector_store_idx %arg11[%shift_right_logical3A_239, %add3A_245], %add3A_249 : memref<8x32xi32, #tpu.memory_space<vmem>>[vector<16xi32>, vector<16xi32>], vector<16xi32>,
    %get3A_250 = arith.constant 0 : i32
    %get3A_251 = arith.index_cast %get3A_250 : i32 to index
    %get3A_252 = arith.constant 48 : index
    %get3A_253 = tpu.vector_load %arg8[%get3A_251, %get3A_252] {strides = array<i32>} : memref<4x64xi32, #tpu.memory_space<vmem>>, vector<16xi32>,
    %add3A_254 = arith.constant 48 : i32
    %add3A_255 = vector.broadcast %add3A_254 : i32 to vector<16xi32>
    %add3A_256 = arith.addi %iota3A, %add3A_255 : vector<16xi32>
    %shift_right_logical3A_257 = arith.constant 3 : i32
    %shift_right_logical3A_258 = vector.broadcast %shift_right_logical3A_257 : i32 to vector<16xi32>
    %shift_right_logical3A_259 = arith.shrui %add3A_256, %shift_right_logical3A_258 : vector<16xi32>
    %and3A_260 = arith.constant 7 : i32
    %and3A_261 = vector.broadcast %and3A_260 : i32 to vector<16xi32>
    %and3A_262 = arith.andi %add3A_256, %and3A_261 : vector<16xi32>
    %add3A_263 = arith.constant 0 : i32
    %add3A_264 = vector.broadcast %add3A_263 : i32 to vector<16xi32>
    %add3A_265 = arith.addi %and3A_262, %add3A_264 : vector<16xi32>
    tpu.vector_store_idx %arg10[%shift_right_logical3A_259, %add3A_265], %get3A_253 : memref<8x32xi32, #tpu.memory_space<vmem>>[vector<16xi32>, vector<16xi32>], vector<16xi32>,
    %add3A_266 = arith.constant 0 : i32
    %add3A_267 = arith.addi %add3A_266, %mul3A_2 : i32
    %add3A_268 = vector.broadcast %add3A_267 : i32 to vector<16xi32>
    %add3A_269 = arith.addi %add3A_256, %add3A_268 : vector<16xi32>
    tpu.vector_store_idx %arg11[%shift_right_logical3A_259, %add3A_265], %add3A_269 : memref<8x32xi32, #tpu.memory_space<vmem>>[vector<16xi32>, vector<16xi32>], vector<16xi32>,
    %get3A_270 = arith.constant 1 : i32
    %get3A_271 = arith.index_cast %get3A_270 : i32 to index
    %get3A_272 = arith.constant 0 : index
    %get3A_273 = tpu.vector_load %arg8[%get3A_271, %get3A_272] {strides = array<i32>} : memref<4x64xi32, #tpu.memory_space<vmem>>, vector<16xi32>,
    %add3A_274 = arith.constant 0 : i32
    %add3A_275 = vector.broadcast %add3A_274 : i32 to vector<16xi32>
    %add3A_276 = arith.addi %iota3A, %add3A_275 : vector<16xi32>
    %shift_right_logical3A_277 = arith.constant 3 : i32
    %shift_right_logical3A_278 = vector.broadcast %shift_right_logical3A_277 : i32 to vector<16xi32>
    %shift_right_logical3A_279 = arith.shrui %add3A_276, %shift_right_logical3A_278 : vector<16xi32>
    %and3A_280 = arith.constant 7 : i32
    %and3A_281 = vector.broadcast %and3A_280 : i32 to vector<16xi32>
    %and3A_282 = arith.andi %add3A_276, %and3A_281 : vector<16xi32>
    %add3A_283 = arith.constant 8 : i32
    %add3A_284 = vector.broadcast %add3A_283 : i32 to vector<16xi32>
    %add3A_285 = arith.addi %and3A_282, %add3A_284 : vector<16xi32>
    tpu.vector_store_idx %arg10[%shift_right_logical3A_279, %add3A_285], %get3A_273 : memref<8x32xi32, #tpu.memory_space<vmem>>[vector<16xi32>, vector<16xi32>], vector<16xi32>,
    %add3A_286 = arith.constant 2048 : i32
    %add3A_287 = arith.addi %add3A_286, %mul3A_2 : i32
    %add3A_288 = vector.broadcast %add3A_287 : i32 to vector<16xi32>
    %add3A_289 = arith.addi %add3A_276, %add3A_288 : vector<16xi32>
    tpu.vector_store_idx %arg11[%shift_right_logical3A_279, %add3A_285], %add3A_289 : memref<8x32xi32, #tpu.memory_space<vmem>>[vector<16xi32>, vector<16xi32>], vector<16xi32>,
    %get3A_290 = arith.constant 1 : i32
    %get3A_291 = arith.index_cast %get3A_290 : i32 to index
    %get3A_292 = arith.constant 16 : index
    %get3A_293 = tpu.vector_load %arg8[%get3A_291, %get3A_292] {strides = array<i32>} : memref<4x64xi32, #tpu.memory_space<vmem>>, vector<16xi32>,
    %add3A_294 = arith.constant 16 : i32
    %add3A_295 = vector.broadcast %add3A_294 : i32 to vector<16xi32>
    %add3A_296 = arith.addi %iota3A, %add3A_295 : vector<16xi32>
    %shift_right_logical3A_297 = arith.constant 3 : i32
    %shift_right_logical3A_298 = vector.broadcast %shift_right_logical3A_297 : i32 to vector<16xi32>
    %shift_right_logical3A_299 = arith.shrui %add3A_296, %shift_right_logical3A_298 : vector<16xi32>
    %and3A_300 = arith.constant 7 : i32
    %and3A_301 = vector.broadcast %and3A_300 : i32 to vector<16xi32>
    %and3A_302 = arith.andi %add3A_296, %and3A_301 : vector<16xi32>
    %add3A_303 = arith.constant 8 : i32
    %add3A_304 = vector.broadcast %add3A_303 : i32 to vector<16xi32>
    %add3A_305 = arith.addi %and3A_302, %add3A_304 : vector<16xi32>
    tpu.vector_store_idx %arg10[%shift_right_logical3A_299, %add3A_305], %get3A_293 : memref<8x32xi32, #tpu.memory_space<vmem>>[vector<16xi32>, vector<16xi32>], vector<16xi32>,
    %add3A_306 = arith.constant 2048 : i32
    %add3A_307 = arith.addi %add3A_306, %mul3A_2 : i32
    %add3A_308 = vector.broadcast %add3A_307 : i32 to vector<16xi32>
    %add3A_309 = arith.addi %add3A_296, %add3A_308 : vector<16xi32>
    tpu.vector_store_idx %arg11[%shift_right_logical3A_299, %add3A_305], %add3A_309 : memref<8x32xi32, #tpu.memory_space<vmem>>[vector<16xi32>, vector<16xi32>], vector<16xi32>,
    %get3A_310 = arith.constant 1 : i32
    %get3A_311 = arith.index_cast %get3A_310 : i32 to index
    %get3A_312 = arith.constant 32 : index
    %get3A_313 = tpu.vector_load %arg8[%get3A_311, %get3A_312] {strides = array<i32>} : memref<4x64xi32, #tpu.memory_space<vmem>>, vector<16xi32>,
    %add3A_314 = arith.constant 32 : i32
    %add3A_315 = vector.broadcast %add3A_314 : i32 to vector<16xi32>
    %add3A_316 = arith.addi %iota3A, %add3A_315 : vector<16xi32>
    %shift_right_logical3A_317 = arith.constant 3 : i32
    %shift_right_logical3A_318 = vector.broadcast %shift_right_logical3A_317 : i32 to vector<16xi32>
    %shift_right_logical3A_319 = arith.shrui %add3A_316, %shift_right_logical3A_318 : vector<16xi32>
    %and3A_320 = arith.constant 7 : i32
    %and3A_321 = vector.broadcast %and3A_320 : i32 to vector<16xi32>
    %and3A_322 = arith.andi %add3A_316, %and3A_321 : vector<16xi32>
    %add3A_323 = arith.constant 8 : i32
    %add3A_324 = vector.broadcast %add3A_323 : i32 to vector<16xi32>
    %add3A_325 = arith.addi %and3A_322, %add3A_324 : vector<16xi32>
    tpu.vector_store_idx %arg10[%shift_right_logical3A_319, %add3A_325], %get3A_313 : memref<8x32xi32, #tpu.memory_space<vmem>>[vector<16xi32>, vector<16xi32>], vector<16xi32>,
    %add3A_326 = arith.constant 2048 : i32
    %add3A_327 = arith.addi %add3A_326, %mul3A_2 : i32
    %add3A_328 = vector.broadcast %add3A_327 : i32 to vector<16xi32>
    %add3A_329 = arith.addi %add3A_316, %add3A_328 : vector<16xi32>
    tpu.vector_store_idx %arg11[%shift_right_logical3A_319, %add3A_325], %add3A_329 : memref<8x32xi32, #tpu.memory_space<vmem>>[vector<16xi32>, vector<16xi32>], vector<16xi32>,
    %get3A_330 = arith.constant 1 : i32
    %get3A_331 = arith.index_cast %get3A_330 : i32 to index
    %get3A_332 = arith.constant 48 : index
    %get3A_333 = tpu.vector_load %arg8[%get3A_331, %get3A_332] {strides = array<i32>} : memref<4x64xi32, #tpu.memory_space<vmem>>, vector<16xi32>,
    %add3A_334 = arith.constant 48 : i32
    %add3A_335 = vector.broadcast %add3A_334 : i32 to vector<16xi32>
    %add3A_336 = arith.addi %iota3A, %add3A_335 : vector<16xi32>
    %shift_right_logical3A_337 = arith.constant 3 : i32
    %shift_right_logical3A_338 = vector.broadcast %shift_right_logical3A_337 : i32 to vector<16xi32>
    %shift_right_logical3A_339 = arith.shrui %add3A_336, %shift_right_logical3A_338 : vector<16xi32>
    %and3A_340 = arith.constant 7 : i32
    %and3A_341 = vector.broadcast %and3A_340 : i32 to vector<16xi32>
    %and3A_342 = arith.andi %add3A_336, %and3A_341 : vector<16xi32>
    %add3A_343 = arith.constant 8 : i32
    %add3A_344 = vector.broadcast %add3A_343 : i32 to vector<16xi32>
    %add3A_345 = arith.addi %and3A_342, %add3A_344 : vector<16xi32>
    tpu.vector_store_idx %arg10[%shift_right_logical3A_339, %add3A_345], %get3A_333 : memref<8x32xi32, #tpu.memory_space<vmem>>[vector<16xi32>, vector<16xi32>], vector<16xi32>,
    %add3A_346 = arith.constant 2048 : i32
    %add3A_347 = arith.addi %add3A_346, %mul3A_2 : i32
    %add3A_348 = vector.broadcast %add3A_347 : i32 to vector<16xi32>
    %add3A_349 = arith.addi %add3A_336, %add3A_348 : vector<16xi32>
    tpu.vector_store_idx %arg11[%shift_right_logical3A_339, %add3A_345], %add3A_349 : memref<8x32xi32, #tpu.memory_space<vmem>>[vector<16xi32>, vector<16xi32>], vector<16xi32>,
    %get3A_350 = arith.constant 2 : i32
    %get3A_351 = arith.index_cast %get3A_350 : i32 to index
    %get3A_352 = arith.constant 0 : index
    %get3A_353 = tpu.vector_load %arg8[%get3A_351, %get3A_352] {strides = array<i32>} : memref<4x64xi32, #tpu.memory_space<vmem>>, vector<16xi32>,
    %add3A_354 = arith.constant 0 : i32
    %add3A_355 = vector.broadcast %add3A_354 : i32 to vector<16xi32>
    %add3A_356 = arith.addi %iota3A, %add3A_355 : vector<16xi32>
    %shift_right_logical3A_357 = arith.constant 3 : i32
    %shift_right_logical3A_358 = vector.broadcast %shift_right_logical3A_357 : i32 to vector<16xi32>
    %shift_right_logical3A_359 = arith.shrui %add3A_356, %shift_right_logical3A_358 : vector<16xi32>
    %and3A_360 = arith.constant 7 : i32
    %and3A_361 = vector.broadcast %and3A_360 : i32 to vector<16xi32>
    %and3A_362 = arith.andi %add3A_356, %and3A_361 : vector<16xi32>
    %add3A_363 = arith.constant 16 : i32
    %add3A_364 = vector.broadcast %add3A_363 : i32 to vector<16xi32>
    %add3A_365 = arith.addi %and3A_362, %add3A_364 : vector<16xi32>
    tpu.vector_store_idx %arg10[%shift_right_logical3A_359, %add3A_365], %get3A_353 : memref<8x32xi32, #tpu.memory_space<vmem>>[vector<16xi32>, vector<16xi32>], vector<16xi32>,
    %add3A_366 = arith.constant 4096 : i32
    %add3A_367 = arith.addi %add3A_366, %mul3A_2 : i32
    %add3A_368 = vector.broadcast %add3A_367 : i32 to vector<16xi32>
    %add3A_369 = arith.addi %add3A_356, %add3A_368 : vector<16xi32>
    tpu.vector_store_idx %arg11[%shift_right_logical3A_359, %add3A_365], %add3A_369 : memref<8x32xi32, #tpu.memory_space<vmem>>[vector<16xi32>, vector<16xi32>], vector<16xi32>,
    %get3A_370 = arith.constant 2 : i32
    %get3A_371 = arith.index_cast %get3A_370 : i32 to index
    %get3A_372 = arith.constant 16 : index
    %get3A_373 = tpu.vector_load %arg8[%get3A_371, %get3A_372] {strides = array<i32>} : memref<4x64xi32, #tpu.memory_space<vmem>>, vector<16xi32>,
    %add3A_374 = arith.constant 16 : i32
    %add3A_375 = vector.broadcast %add3A_374 : i32 to vector<16xi32>
    %add3A_376 = arith.addi %iota3A, %add3A_375 : vector<16xi32>
    %shift_right_logical3A_377 = arith.constant 3 : i32
    %shift_right_logical3A_378 = vector.broadcast %shift_right_logical3A_377 : i32 to vector<16xi32>
    %shift_right_logical3A_379 = arith.shrui %add3A_376, %shift_right_logical3A_378 : vector<16xi32>
    %and3A_380 = arith.constant 7 : i32
    %and3A_381 = vector.broadcast %and3A_380 : i32 to vector<16xi32>
    %and3A_382 = arith.andi %add3A_376, %and3A_381 : vector<16xi32>
    %add3A_383 = arith.constant 16 : i32
    %add3A_384 = vector.broadcast %add3A_383 : i32 to vector<16xi32>
    %add3A_385 = arith.addi %and3A_382, %add3A_384 : vector<16xi32>
    tpu.vector_store_idx %arg10[%shift_right_logical3A_379, %add3A_385], %get3A_373 : memref<8x32xi32, #tpu.memory_space<vmem>>[vector<16xi32>, vector<16xi32>], vector<16xi32>,
    %add3A_386 = arith.constant 4096 : i32
    %add3A_387 = arith.addi %add3A_386, %mul3A_2 : i32
    %add3A_388 = vector.broadcast %add3A_387 : i32 to vector<16xi32>
    %add3A_389 = arith.addi %add3A_376, %add3A_388 : vector<16xi32>
    tpu.vector_store_idx %arg11[%shift_right_logical3A_379, %add3A_385], %add3A_389 : memref<8x32xi32, #tpu.memory_space<vmem>>[vector<16xi32>, vector<16xi32>], vector<16xi32>,
    %get3A_390 = arith.constant 2 : i32
    %get3A_391 = arith.index_cast %get3A_390 : i32 to index
    %get3A_392 = arith.constant 32 : index
    %get3A_393 = tpu.vector_load %arg8[%get3A_391, %get3A_392] {strides = array<i32>} : memref<4x64xi32, #tpu.memory_space<vmem>>, vector<16xi32>,
    %add3A_394 = arith.constant 32 : i32
    %add3A_395 = vector.broadcast %add3A_394 : i32 to vector<16xi32>
    %add3A_396 = arith.addi %iota3A, %add3A_395 : vector<16xi32>
    %shift_right_logical3A_397 = arith.constant 3 : i32
    %shift_right_logical3A_398 = vector.broadcast %shift_right_logical3A_397 : i32 to vector<16xi32>
    %shift_right_logical3A_399 = arith.shrui %add3A_396, %shift_right_logical3A_398 : vector<16xi32>
    %and3A_400 = arith.constant 7 : i32
    %and3A_401 = vector.broadcast %and3A_400 : i32 to vector<16xi32>
    %and3A_402 = arith.andi %add3A_396, %and3A_401 : vector<16xi32>
    %add3A_403 = arith.constant 16 : i32
    %add3A_404 = vector.broadcast %add3A_403 : i32 to vector<16xi32>
    %add3A_405 = arith.addi %and3A_402, %add3A_404 : vector<16xi32>
    tpu.vector_store_idx %arg10[%shift_right_logical3A_399, %add3A_405], %get3A_393 : memref<8x32xi32, #tpu.memory_space<vmem>>[vector<16xi32>, vector<16xi32>], vector<16xi32>,
    %add3A_406 = arith.constant 4096 : i32
    %add3A_407 = arith.addi %add3A_406, %mul3A_2 : i32
    %add3A_408 = vector.broadcast %add3A_407 : i32 to vector<16xi32>
    %add3A_409 = arith.addi %add3A_396, %add3A_408 : vector<16xi32>
    tpu.vector_store_idx %arg11[%shift_right_logical3A_399, %add3A_405], %add3A_409 : memref<8x32xi32, #tpu.memory_space<vmem>>[vector<16xi32>, vector<16xi32>], vector<16xi32>,
    %get3A_410 = arith.constant 2 : i32
    %get3A_411 = arith.index_cast %get3A_410 : i32 to index
    %get3A_412 = arith.constant 48 : index
    %get3A_413 = tpu.vector_load %arg8[%get3A_411, %get3A_412] {strides = array<i32>} : memref<4x64xi32, #tpu.memory_space<vmem>>, vector<16xi32>,
    %add3A_414 = arith.constant 48 : i32
    %add3A_415 = vector.broadcast %add3A_414 : i32 to vector<16xi32>
    %add3A_416 = arith.addi %iota3A, %add3A_415 : vector<16xi32>
    %shift_right_logical3A_417 = arith.constant 3 : i32
    %shift_right_logical3A_418 = vector.broadcast %shift_right_logical3A_417 : i32 to vector<16xi32>
    %shift_right_logical3A_419 = arith.shrui %add3A_416, %shift_right_logical3A_418 : vector<16xi32>
    %and3A_420 = arith.constant 7 : i32
    %and3A_421 = vector.broadcast %and3A_420 : i32 to vector<16xi32>
    %and3A_422 = arith.andi %add3A_416, %and3A_421 : vector<16xi32>
    %add3A_423 = arith.constant 16 : i32
    %add3A_424 = vector.broadcast %add3A_423 : i32 to vector<16xi32>
    %add3A_425 = arith.addi %and3A_422, %add3A_424 : vector<16xi32>
    tpu.vector_store_idx %arg10[%shift_right_logical3A_419, %add3A_425], %get3A_413 : memref<8x32xi32, #tpu.memory_space<vmem>>[vector<16xi32>, vector<16xi32>], vector<16xi32>,
    %add3A_426 = arith.constant 4096 : i32
    %add3A_427 = arith.addi %add3A_426, %mul3A_2 : i32
    %add3A_428 = vector.broadcast %add3A_427 : i32 to vector<16xi32>
    %add3A_429 = arith.addi %add3A_416, %add3A_428 : vector<16xi32>
    tpu.vector_store_idx %arg11[%shift_right_logical3A_419, %add3A_425], %add3A_429 : memref<8x32xi32, #tpu.memory_space<vmem>>[vector<16xi32>, vector<16xi32>], vector<16xi32>,
    %get3A_430 = arith.constant 3 : i32
    %get3A_431 = arith.index_cast %get3A_430 : i32 to index
    %get3A_432 = arith.constant 0 : index
    %get3A_433 = tpu.vector_load %arg8[%get3A_431, %get3A_432] {strides = array<i32>} : memref<4x64xi32, #tpu.memory_space<vmem>>, vector<16xi32>,
    %add3A_434 = arith.constant 0 : i32
    %add3A_435 = vector.broadcast %add3A_434 : i32 to vector<16xi32>
    %add3A_436 = arith.addi %iota3A, %add3A_435 : vector<16xi32>
    %shift_right_logical3A_437 = arith.constant 3 : i32
    %shift_right_logical3A_438 = vector.broadcast %shift_right_logical3A_437 : i32 to vector<16xi32>
    %shift_right_logical3A_439 = arith.shrui %add3A_436, %shift_right_logical3A_438 : vector<16xi32>
    %and3A_440 = arith.constant 7 : i32
    %and3A_441 = vector.broadcast %and3A_440 : i32 to vector<16xi32>
    %and3A_442 = arith.andi %add3A_436, %and3A_441 : vector<16xi32>
    %add3A_443 = arith.constant 24 : i32
    %add3A_444 = vector.broadcast %add3A_443 : i32 to vector<16xi32>
    %add3A_445 = arith.addi %and3A_442, %add3A_444 : vector<16xi32>
    tpu.vector_store_idx %arg10[%shift_right_logical3A_439, %add3A_445], %get3A_433 : memref<8x32xi32, #tpu.memory_space<vmem>>[vector<16xi32>, vector<16xi32>], vector<16xi32>,
    %add3A_446 = arith.constant 6144 : i32
    %add3A_447 = arith.addi %add3A_446, %mul3A_2 : i32
    %add3A_448 = vector.broadcast %add3A_447 : i32 to vector<16xi32>
    %add3A_449 = arith.addi %add3A_436, %add3A_448 : vector<16xi32>
    tpu.vector_store_idx %arg11[%shift_right_logical3A_439, %add3A_445], %add3A_449 : memref<8x32xi32, #tpu.memory_space<vmem>>[vector<16xi32>, vector<16xi32>], vector<16xi32>,
    %get3A_450 = arith.constant 3 : i32
    %get3A_451 = arith.index_cast %get3A_450 : i32 to index
    %get3A_452 = arith.constant 16 : index
    %get3A_453 = tpu.vector_load %arg8[%get3A_451, %get3A_452] {strides = array<i32>} : memref<4x64xi32, #tpu.memory_space<vmem>>, vector<16xi32>,
    %add3A_454 = arith.constant 16 : i32
    %add3A_455 = vector.broadcast %add3A_454 : i32 to vector<16xi32>
    %add3A_456 = arith.addi %iota3A, %add3A_455 : vector<16xi32>
    %shift_right_logical3A_457 = arith.constant 3 : i32
    %shift_right_logical3A_458 = vector.broadcast %shift_right_logical3A_457 : i32 to vector<16xi32>
    %shift_right_logical3A_459 = arith.shrui %add3A_456, %shift_right_logical3A_458 : vector<16xi32>
    %and3A_460 = arith.constant 7 : i32
    %and3A_461 = vector.broadcast %and3A_460 : i32 to vector<16xi32>
    %and3A_462 = arith.andi %add3A_456, %and3A_461 : vector<16xi32>
    %add3A_463 = arith.constant 24 : i32
    %add3A_464 = vector.broadcast %add3A_463 : i32 to vector<16xi32>
    %add3A_465 = arith.addi %and3A_462, %add3A_464 : vector<16xi32>
    tpu.vector_store_idx %arg10[%shift_right_logical3A_459, %add3A_465], %get3A_453 : memref<8x32xi32, #tpu.memory_space<vmem>>[vector<16xi32>, vector<16xi32>], vector<16xi32>,
    %add3A_466 = arith.constant 6144 : i32
    %add3A_467 = arith.addi %add3A_466, %mul3A_2 : i32
    %add3A_468 = vector.broadcast %add3A_467 : i32 to vector<16xi32>
    %add3A_469 = arith.addi %add3A_456, %add3A_468 : vector<16xi32>
    tpu.vector_store_idx %arg11[%shift_right_logical3A_459, %add3A_465], %add3A_469 : memref<8x32xi32, #tpu.memory_space<vmem>>[vector<16xi32>, vector<16xi32>], vector<16xi32>,
    %get3A_470 = arith.constant 3 : i32
    %get3A_471 = arith.index_cast %get3A_470 : i32 to index
    %get3A_472 = arith.constant 32 : index
    %get3A_473 = tpu.vector_load %arg8[%get3A_471, %get3A_472] {strides = array<i32>} : memref<4x64xi32, #tpu.memory_space<vmem>>, vector<16xi32>,
    %add3A_474 = arith.constant 32 : i32
    %add3A_475 = vector.broadcast %add3A_474 : i32 to vector<16xi32>
    %add3A_476 = arith.addi %iota3A, %add3A_475 : vector<16xi32>
    %shift_right_logical3A_477 = arith.constant 3 : i32
    %shift_right_logical3A_478 = vector.broadcast %shift_right_logical3A_477 : i32 to vector<16xi32>
    %shift_right_logical3A_479 = arith.shrui %add3A_476, %shift_right_logical3A_478 : vector<16xi32>
    %and3A_480 = arith.constant 7 : i32
    %and3A_481 = vector.broadcast %and3A_480 : i32 to vector<16xi32>
    %and3A_482 = arith.andi %add3A_476, %and3A_481 : vector<16xi32>
    %add3A_483 = arith.constant 24 : i32
    %add3A_484 = vector.broadcast %add3A_483 : i32 to vector<16xi32>
    %add3A_485 = arith.addi %and3A_482, %add3A_484 : vector<16xi32>
    tpu.vector_store_idx %arg10[%shift_right_logical3A_479, %add3A_485], %get3A_473 : memref<8x32xi32, #tpu.memory_space<vmem>>[vector<16xi32>, vector<16xi32>], vector<16xi32>,
    %add3A_486 = arith.constant 6144 : i32
    %add3A_487 = arith.addi %add3A_486, %mul3A_2 : i32
    %add3A_488 = vector.broadcast %add3A_487 : i32 to vector<16xi32>
    %add3A_489 = arith.addi %add3A_476, %add3A_488 : vector<16xi32>
    tpu.vector_store_idx %arg11[%shift_right_logical3A_479, %add3A_485], %add3A_489 : memref<8x32xi32, #tpu.memory_space<vmem>>[vector<16xi32>, vector<16xi32>], vector<16xi32>,
    %get3A_490 = arith.constant 3 : i32
    %get3A_491 = arith.index_cast %get3A_490 : i32 to index
    %get3A_492 = arith.constant 48 : index
    %get3A_493 = tpu.vector_load %arg8[%get3A_491, %get3A_492] {strides = array<i32>} : memref<4x64xi32, #tpu.memory_space<vmem>>, vector<16xi32>,
    %add3A_494 = arith.constant 48 : i32
    %add3A_495 = vector.broadcast %add3A_494 : i32 to vector<16xi32>
    %add3A_496 = arith.addi %iota3A, %add3A_495 : vector<16xi32>
    %shift_right_logical3A_497 = arith.constant 3 : i32
    %shift_right_logical3A_498 = vector.broadcast %shift_right_logical3A_497 : i32 to vector<16xi32>
    %shift_right_logical3A_499 = arith.shrui %add3A_496, %shift_right_logical3A_498 : vector<16xi32>
    %and3A_500 = arith.constant 7 : i32
    %and3A_501 = vector.broadcast %and3A_500 : i32 to vector<16xi32>
    %and3A_502 = arith.andi %add3A_496, %and3A_501 : vector<16xi32>
    %add3A_503 = arith.constant 24 : i32
    %add3A_504 = vector.broadcast %add3A_503 : i32 to vector<16xi32>
    %add3A_505 = arith.addi %and3A_502, %add3A_504 : vector<16xi32>
    tpu.vector_store_idx %arg10[%shift_right_logical3A_499, %add3A_505], %get3A_493 : memref<8x32xi32, #tpu.memory_space<vmem>>[vector<16xi32>, vector<16xi32>], vector<16xi32>,
    %add3A_506 = arith.constant 6144 : i32
    %add3A_507 = arith.addi %add3A_506, %mul3A_2 : i32
    %add3A_508 = vector.broadcast %add3A_507 : i32 to vector<16xi32>
    %add3A_509 = arith.addi %add3A_496, %add3A_508 : vector<16xi32>
    tpu.vector_store_idx %arg11[%shift_right_logical3A_499, %add3A_505], %add3A_509 : memref<8x32xi32, #tpu.memory_space<vmem>>[vector<16xi32>, vector<16xi32>], vector<16xi32>,
    %dma_start3A_510 = arith.constant 0 : i32
    %dma_start3A_511 = arith.constant 0 : i32
    %dma_start3A_512 = arith.constant 0 : i32
    %dma_start3A_513 = arith.constant 0 : i32
    %dma_start3A_514 = arith.constant 0 : i32
    %dma_start3A_515 = tpu.memref_slice %arg12[%dma_start3A_511, %dma_start3A_513, %dma_start3A_514] : memref<3x32x1024xf32, #tpu.memory_space<vmem>> -> memref<1x32x1024xf32, #tpu.memory_space<vmem>>
    %dma_start3A_516 = tpu.memref_squeeze %dma_start3A_515 : memref<1x32x1024xf32, #tpu.memory_space<vmem>> -> memref<32x1024xf32, #tpu.memory_space<vmem>>
    %dma_start3A_517 = arith.constant 0 : i32
    %dma_start3A_518 = tpu.memref_slice %arg10[%dma_start3A_510, %dma_start3A_517] : memref<8x32xi32, #tpu.memory_space<vmem>> -> memref<1x32xi32, #tpu.memory_space<vmem>>
    %dma_start3A_519 = tpu.memref_squeeze %dma_start3A_518 : memref<1x32xi32, #tpu.memory_space<vmem>> -> memref<32xi32, #tpu.memory_space<vmem>>
    %dma_start3A_520 = arith.constant 0 : i32
    %dma_start3A_521 = arith.constant 0 : i32
    %dma_start3A_522 = tpu.memref_slice %arg4[%dma_start3A_520, %dma_start3A_521] : memref<100000x1024xf32, #tpu.memory_space<hbm>> -> memref<100000x1024xf32, #tpu.memory_space<hbm>>
    %dma_start3A_523 = tpu.memref_slice %arg16[%dma_start3A_512] : memref<3x!tpu.dma_semaphore, #tpu.memory_space<semaphore_mem>> -> memref<1x!tpu.dma_semaphore, #tpu.memory_space<semaphore_mem>>
    %dma_start3A_524 = tpu.memref_squeeze %dma_start3A_523 : memref<1x!tpu.dma_semaphore, #tpu.memory_space<semaphore_mem>> -> memref<!tpu.dma_semaphore, #tpu.memory_space<semaphore_mem>>
    tpu.enqueue_indirect_dma source(%dma_start3A_522 : memref<100000x1024xf32, #tpu.memory_space<hbm>>) target(%dma_start3A_516 : memref<32x1024xf32, #tpu.memory_space<vmem>>) offsets(%dma_start3A_519 : memref<32xi32, #tpu.memory_space<vmem>>) semaphore(%dma_start3A_524 : memref<!tpu.dma_semaphore, #tpu.memory_space<semaphore_mem>>)
    %dma_start3A_525 = arith.constant 1 : i32
    %dma_start3A_526 = arith.constant 1 : i32
    %dma_start3A_527 = arith.constant 1 : i32
    %dma_start3A_528 = arith.constant 0 : i32
    %dma_start3A_529 = arith.constant 0 : i32
    %dma_start3A_530 = tpu.memref_slice %arg12[%dma_start3A_526, %dma_start3A_528, %dma_start3A_529] : memref<3x32x1024xf32, #tpu.memory_space<vmem>> -> memref<1x32x1024xf32, #tpu.memory_space<vmem>>
    %dma_start3A_531 = tpu.memref_squeeze %dma_start3A_530 : memref<1x32x1024xf32, #tpu.memory_space<vmem>> -> memref<32x1024xf32, #tpu.memory_space<vmem>>
    %dma_start3A_532 = arith.constant 0 : i32
    %dma_start3A_533 = tpu.memref_slice %arg10[%dma_start3A_525, %dma_start3A_532] : memref<8x32xi32, #tpu.memory_space<vmem>> -> memref<1x32xi32, #tpu.memory_space<vmem>>
    %dma_start3A_534 = tpu.memref_squeeze %dma_start3A_533 : memref<1x32xi32, #tpu.memory_space<vmem>> -> memref<32xi32, #tpu.memory_space<vmem>>
    %dma_start3A_535 = arith.constant 0 : i32
    %dma_start3A_536 = arith.constant 0 : i32
    %dma_start3A_537 = tpu.memref_slice %arg4[%dma_start3A_535, %dma_start3A_536] : memref<100000x1024xf32, #tpu.memory_space<hbm>> -> memref<100000x1024xf32, #tpu.memory_space<hbm>>
    %dma_start3A_538 = tpu.memref_slice %arg16[%dma_start3A_527] : memref<3x!tpu.dma_semaphore, #tpu.memory_space<semaphore_mem>> -> memref<1x!tpu.dma_semaphore, #tpu.memory_space<semaphore_mem>>
    %dma_start3A_539 = tpu.memref_squeeze %dma_start3A_538 : memref<1x!tpu.dma_semaphore, #tpu.memory_space<semaphore_mem>> -> memref<!tpu.dma_semaphore, #tpu.memory_space<semaphore_mem>>
    tpu.enqueue_indirect_dma source(%dma_start3A_537 : memref<100000x1024xf32, #tpu.memory_space<hbm>>) target(%dma_start3A_531 : memref<32x1024xf32, #tpu.memory_space<vmem>>) offsets(%dma_start3A_534 : memref<32xi32, #tpu.memory_space<vmem>>) semaphore(%dma_start3A_539 : memref<!tpu.dma_semaphore, #tpu.memory_space<semaphore_mem>>)
    %add3A_540 = arith.constant 0 : i32
    %add3A_541 = arith.addi %mul3A_2, %add3A_540 : i32
    %dma_start3A_542 = arith.constant 0 : i32
    %dma_start3A_543 = arith.constant 0 : i32
    %dma_start3A_544 = arith.constant 0 : i32
    %dma_start3A_545 = arith.constant 0 : i32
    %dma_start3A_546 = tpu.memref_slice %arg13[%dma_start3A_542, %dma_start3A_544, %dma_start3A_545] : memref<2x8x1024xf32, #tpu.memory_space<vmem>> -> memref<1x8x1024xf32, #tpu.memory_space<vmem>>
    %dma_start3A_547 = tpu.memref_squeeze %dma_start3A_546 : memref<1x8x1024xf32, #tpu.memory_space<vmem>> -> memref<8x1024xf32, #tpu.memory_space<vmem>>
    %dma_start3A_548 = arith.constant 0 : i32
    %dma_start3A_549 = tpu.memref_slice %arg6[%add3A_541, %dma_start3A_548] : memref<2048x1024xf32, #tpu.memory_space<hbm>> -> memref<8x1024xf32, #tpu.memory_space<hbm>>
    %dma_start3A_550 = tpu.memref_slice %arg18[%dma_start3A_543] : memref<2x!tpu.dma_semaphore, #tpu.memory_space<semaphore_mem>> -> memref<1x!tpu.dma_semaphore, #tpu.memory_space<semaphore_mem>>
    %dma_start3A_551 = tpu.memref_squeeze %dma_start3A_550 : memref<1x!tpu.dma_semaphore, #tpu.memory_space<semaphore_mem>> -> memref<!tpu.dma_semaphore, #tpu.memory_space<semaphore_mem>>
    %dma_start3A_552 = arith.constant 0 : i32
    %dma_start3A_553 = arith.constant 0 : i32
    %dma_start3A_554 = tpu.memref_slice %arg13[%dma_start3A_542, %dma_start3A_552, %dma_start3A_553] : memref<2x8x1024xf32, #tpu.memory_space<vmem>> -> memref<1x8x1024xf32, #tpu.memory_space<vmem>>
    %dma_start3A_555 = tpu.memref_squeeze %dma_start3A_554 : memref<1x8x1024xf32, #tpu.memory_space<vmem>> -> memref<8x1024xf32, #tpu.memory_space<vmem>>
    %dma_start3A_556 = arith.constant 0 : i32
    %dma_start3A_557 = tpu.memref_slice %arg6[%add3A_541, %dma_start3A_556] : memref<2048x1024xf32, #tpu.memory_space<hbm>> -> memref<8x1024xf32, #tpu.memory_space<hbm>>
    tpu.enqueue_dma source(%dma_start3A_557 : memref<8x1024xf32, #tpu.memory_space<hbm>>) target(%dma_start3A_555 : memref<8x1024xf32, #tpu.memory_space<vmem>>) target_semaphore(%dma_start3A_551 : memref<!tpu.dma_semaphore, #tpu.memory_space<semaphore_mem>>)
    %add3A_558 = arith.constant 8 : i32
    %add3A_559 = arith.addi %mul3A_2, %add3A_558 : i32
    %dma_start3A_560 = arith.constant 1 : i32
    %dma_start3A_561 = arith.constant 1 : i32
    %dma_start3A_562 = arith.constant 0 : i32
    %dma_start3A_563 = arith.constant 0 : i32
    %dma_start3A_564 = tpu.memref_slice %arg13[%dma_start3A_560, %dma_start3A_562, %dma_start3A_563] : memref<2x8x1024xf32, #tpu.memory_space<vmem>> -> memref<1x8x1024xf32, #tpu.memory_space<vmem>>
    %dma_start3A_565 = tpu.memref_squeeze %dma_start3A_564 : memref<1x8x1024xf32, #tpu.memory_space<vmem>> -> memref<8x1024xf32, #tpu.memory_space<vmem>>
    %dma_start3A_566 = arith.constant 0 : i32
    %dma_start3A_567 = tpu.memref_slice %arg6[%add3A_559, %dma_start3A_566] : memref<2048x1024xf32, #tpu.memory_space<hbm>> -> memref<8x1024xf32, #tpu.memory_space<hbm>>
    %dma_start3A_568 = tpu.memref_slice %arg18[%dma_start3A_561] : memref<2x!tpu.dma_semaphore, #tpu.memory_space<semaphore_mem>> -> memref<1x!tpu.dma_semaphore, #tpu.memory_space<semaphore_mem>>
    %dma_start3A_569 = tpu.memref_squeeze %dma_start3A_568 : memref<1x!tpu.dma_semaphore, #tpu.memory_space<semaphore_mem>> -> memref<!tpu.dma_semaphore, #tpu.memory_space<semaphore_mem>>
    %dma_start3A_570 = arith.constant 0 : i32
    %dma_start3A_571 = arith.constant 0 : i32
    %dma_start3A_572 = tpu.memref_slice %arg13[%dma_start3A_560, %dma_start3A_570, %dma_start3A_571] : memref<2x8x1024xf32, #tpu.memory_space<vmem>> -> memref<1x8x1024xf32, #tpu.memory_space<vmem>>
    %dma_start3A_573 = tpu.memref_squeeze %dma_start3A_572 : memref<1x8x1024xf32, #tpu.memory_space<vmem>> -> memref<8x1024xf32, #tpu.memory_space<vmem>>
    %dma_start3A_574 = arith.constant 0 : i32
    %dma_start3A_575 = tpu.memref_slice %arg6[%add3A_559, %dma_start3A_574] : memref<2048x1024xf32, #tpu.memory_space<hbm>> -> memref<8x1024xf32, #tpu.memory_space<hbm>>
    tpu.enqueue_dma source(%dma_start3A_575 : memref<8x1024xf32, #tpu.memory_space<hbm>>) target(%dma_start3A_573 : memref<8x1024xf32, #tpu.memory_space<vmem>>) target_semaphore(%dma_start3A_569 : memref<!tpu.dma_semaphore, #tpu.memory_space<semaphore_mem>>)
    %scan3A = arith.constant 0 : i32
    %scan3A_576 = arith.constant 0 : i32
    %scan3A_577 = arith.constant 8 : i32
    %scan3A_578 = arith.addi %scan3A_576, %scan3A_577 : i32
    %scan3A_579 = arith.constant 1 : i32
    %scan3A_580 = scf.for %scan3A_612 = %scan3A_576 to %scan3A_578 step %scan3A_579 iter_args(%scan3A_613 = %scan3A) -> (i32)  : i32 {
      %jit3A = arith.constant 3 : i32
      %eq3A = arith.constant 0 : i32
      %eq3A_614 = arith.cmpi eq, %jit3A, %eq3A : i32
      %jit3A_615 = arith.constant 1 : i32
      %select_n3A = arith.select %eq3A_614, %jit3A_615, %jit3A : i32
      %rem3A = arith.remsi %scan3A_612, %select_n3A : i32
      %ne3A = arith.constant 0 : i32
      %ne3A_616 = arith.cmpi ne, %rem3A, %ne3A : i32
      %lt3A = arith.constant 0 : i32
      %lt3A_617 = arith.cmpi slt, %rem3A, %lt3A : i32
      %lt3A_618 = arith.constant 0 : i32
      %lt3A_619 = arith.cmpi slt, %select_n3A, %lt3A_618 : i32
      %ne3A_620 = arith.xori %lt3A_617, %lt3A_619 : i1
      %and3A_621 = arith.andi %ne3A_620, %ne3A_616 : i1
      %add3A_622 = arith.addi %rem3A, %select_n3A : i32
      %select_n3A_623 = arith.select %and3A_621, %add3A_622, %rem3A : i32
      %jit3A_624 = arith.constant 2 : i32
      %eq3A_625 = arith.constant 0 : i32
      %eq3A_626 = arith.cmpi eq, %jit3A_624, %eq3A_625 : i32
      %jit3A_627 = arith.constant 1 : i32
      %select_n3A_628 = arith.select %eq3A_626, %jit3A_627, %jit3A_624 : i32
      %rem3A_629 = arith.remsi %scan3A_612, %select_n3A_628 : i32
      %ne3A_630 = arith.constant 0 : i32
      %ne3A_631 = arith.cmpi ne, %rem3A_629, %ne3A_630 : i32
      %lt3A_632 = arith.constant 0 : i32
      %lt3A_633 = arith.cmpi slt, %rem3A_629, %lt3A_632 : i32
      %lt3A_634 = arith.constant 0 : i32
      %lt3A_635 = arith.cmpi slt, %select_n3A_628, %lt3A_634 : i32
      %ne3A_636 = arith.xori %lt3A_633, %lt3A_635 : i1
      %and3A_637 = arith.andi %ne3A_636, %ne3A_631 : i1
      %add3A_638 = arith.addi %rem3A_629, %select_n3A_628 : i32
      %select_n3A_639 = arith.select %and3A_637, %add3A_638, %rem3A_629 : i32
      %ge3A = arith.constant 1 : i32
      %ge3A_640 = arith.cmpi sge, %scan3A_612, %ge3A : i32
      %add3A_641 = arith.constant 1 : i32
      %add3A_642 = arith.addi %scan3A_612, %add3A_641 : i32
      %lt3A_643 = arith.constant 8 : i32
      %lt3A_644 = arith.cmpi slt, %add3A_642, %lt3A_643 : i32
      %and3A_645 = arith.andi %ge3A_640, %lt3A_644 : i1
      %convert_element_type3A = arith.extui %and3A_645 : i1 to i32
      %cond3A = arith.constant 0 : i32
      %cond3A_646 = arith.cmpi ne, %convert_element_type3A, %cond3A : i32
      scf.if %cond3A_646 {
        %add3A_735 = arith.constant 1 : i32
        %add3A_736 = arith.addi %scan3A_612, %add3A_735 : i32
        %jit3A_737 = arith.constant 3 : i32
        %eq3A_738 = arith.constant 0 : i32
        %eq3A_739 = arith.cmpi eq, %jit3A_737, %eq3A_738 : i32
        %jit3A_740 = arith.constant 1 : i32
        %select_n3A_741 = arith.select %eq3A_739, %jit3A_740, %jit3A_737 : i32
        %rem3A_742 = arith.remsi %add3A_736, %select_n3A_741 : i32
        %ne3A_743 = arith.constant 0 : i32
        %ne3A_744 = arith.cmpi ne, %rem3A_742, %ne3A_743 : i32
        %lt3A_745 = arith.constant 0 : i32
        %lt3A_746 = arith.cmpi slt, %rem3A_742, %lt3A_745 : i32
        %lt3A_747 = arith.constant 0 : i32
        %lt3A_748 = arith.cmpi slt, %select_n3A_741, %lt3A_747 : i32
        %ne3A_749 = arith.xori %lt3A_746, %lt3A_748 : i1
        %and3A_750 = arith.andi %ne3A_749, %ne3A_744 : i1
        %add3A_751 = arith.addi %rem3A_742, %select_n3A_741 : i32
        %select_n3A_752 = arith.select %and3A_750, %add3A_751, %rem3A_742 : i32
        %ge3A_753 = arith.constant 2 : i32
        %ge3A_754 = arith.cmpi sge, %scan3A_612, %ge3A_753 : i32
        %convert_element_type3A_755 = arith.extui %ge3A_754 : i1 to i32
        %cond3A_756 = arith.constant 0 : i32
        %cond3A_757 = arith.cmpi ne, %convert_element_type3A_755, %cond3A_756 : i32
        scf.if %cond3A_757 {
          %sub3A_777 = arith.constant 2 : i32
          %sub3A_778 = arith.subi %scan3A_612, %sub3A_777 : i32
          %dma_wait3A_779 = arith.constant 0 : i32
          %dma_wait3A_780 = arith.constant 0 : i32
          %dma_wait3A_781 = tpu.memref_slice %arg12[%select_n3A_752, %dma_wait3A_779, %dma_wait3A_780] : memref<3x32x1024xf32, #tpu.memory_space<vmem>> -> memref<1x32x1024xf32, #tpu.memory_space<vmem>>
          %dma_wait3A_782 = tpu.memref_squeeze %dma_wait3A_781 : memref<1x32x1024xf32, #tpu.memory_space<vmem>> -> memref<32x1024xf32, #tpu.memory_space<vmem>>
          %dma_wait3A_783 = arith.constant 0 : i32
          %dma_wait3A_784 = tpu.memref_slice %arg11[%sub3A_778, %dma_wait3A_783] : memref<8x32xi32, #tpu.memory_space<vmem>> -> memref<1x32xi32, #tpu.memory_space<vmem>>
          %dma_wait3A_785 = tpu.memref_squeeze %dma_wait3A_784 : memref<1x32xi32, #tpu.memory_space<vmem>> -> memref<32xi32, #tpu.memory_space<vmem>>
          %dma_wait3A_786 = arith.constant 0 : i32
          %dma_wait3A_787 = arith.constant 0 : i32
          %dma_wait3A_788 = tpu.memref_slice %arg7[%dma_wait3A_786, %dma_wait3A_787] : memref<8192x1024xf32, #tpu.memory_space<hbm>> -> memref<8192x1024xf32, #tpu.memory_space<hbm>>
          %dma_wait3A_789 = tpu.memref_slice %arg17[%select_n3A_752] : memref<3x!tpu.dma_semaphore, #tpu.memory_space<semaphore_mem>> -> memref<1x!tpu.dma_semaphore, #tpu.memory_space<semaphore_mem>>
          %dma_wait3A_790 = tpu.memref_squeeze %dma_wait3A_789 : memref<1x!tpu.dma_semaphore, #tpu.memory_space<semaphore_mem>> -> memref<!tpu.dma_semaphore, #tpu.memory_space<semaphore_mem>>
          tpu.wait_indirect_dma semaphore(%dma_wait3A_790 : memref<!tpu.dma_semaphore, #tpu.memory_space<semaphore_mem>>) src(%dma_wait3A_782 : memref<32x1024xf32, #tpu.memory_space<vmem>>) dst(%dma_wait3A_788 : memref<8192x1024xf32, #tpu.memory_space<hbm>>)
        } else {
        }
        %add3A_758 = arith.constant 1 : i32
        %add3A_759 = arith.addi %scan3A_612, %add3A_758 : i32
        %dma_start3A_760 = arith.constant 0 : i32
        %dma_start3A_761 = arith.constant 0 : i32
        %dma_start3A_762 = tpu.memref_slice %arg12[%select_n3A_752, %dma_start3A_760, %dma_start3A_761] : memref<3x32x1024xf32, #tpu.memory_space<vmem>> -> memref<1x32x1024xf32, #tpu.memory_space<vmem>>
        %dma_start3A_763 = tpu.memref_squeeze %dma_start3A_762 : memref<1x32x1024xf32, #tpu.memory_space<vmem>> -> memref<32x1024xf32, #tpu.memory_space<vmem>>
        %dma_start3A_764 = arith.constant 0 : i32
        %dma_start3A_765 = tpu.memref_slice %arg10[%add3A_759, %dma_start3A_764] : memref<8x32xi32, #tpu.memory_space<vmem>> -> memref<1x32xi32, #tpu.memory_space<vmem>>
        %dma_start3A_766 = tpu.memref_squeeze %dma_start3A_765 : memref<1x32xi32, #tpu.memory_space<vmem>> -> memref<32xi32, #tpu.memory_space<vmem>>
        %dma_start3A_767 = arith.constant 0 : i32
        %dma_start3A_768 = arith.constant 0 : i32
        %dma_start3A_769 = tpu.memref_slice %arg4[%dma_start3A_767, %dma_start3A_768] : memref<100000x1024xf32, #tpu.memory_space<hbm>> -> memref<100000x1024xf32, #tpu.memory_space<hbm>>
        %dma_start3A_770 = tpu.memref_slice %arg16[%select_n3A_752] : memref<3x!tpu.dma_semaphore, #tpu.memory_space<semaphore_mem>> -> memref<1x!tpu.dma_semaphore, #tpu.memory_space<semaphore_mem>>
        %dma_start3A_771 = tpu.memref_squeeze %dma_start3A_770 : memref<1x!tpu.dma_semaphore, #tpu.memory_space<semaphore_mem>> -> memref<!tpu.dma_semaphore, #tpu.memory_space<semaphore_mem>>
        tpu.enqueue_indirect_dma source(%dma_start3A_769 : memref<100000x1024xf32, #tpu.memory_space<hbm>>) target(%dma_start3A_763 : memref<32x1024xf32, #tpu.memory_space<vmem>>) offsets(%dma_start3A_766 : memref<32xi32, #tpu.memory_space<vmem>>) semaphore(%dma_start3A_771 : memref<!tpu.dma_semaphore, #tpu.memory_space<semaphore_mem>>)
        %ge3A_772 = arith.constant 1 : i32
        %ge3A_773 = arith.cmpi sge, %scan3A_612, %ge3A_772 : i32
        %convert_element_type3A_774 = arith.extui %ge3A_773 : i1 to i32
        %cond3A_775 = arith.constant 0 : i32
        %cond3A_776 = arith.cmpi ne, %convert_element_type3A_774, %cond3A_775 : i32
        scf.if %cond3A_776 {
          %add3A_777 = arith.constant 1 : i32
          %add3A_778 = arith.addi %scan3A_612, %add3A_777 : i32
          %add3A_779 = arith.constant 1 : i32
          %add3A_780 = arith.addi %scan3A_612, %add3A_779 : i32
          %jit3A_781 = arith.constant 2 : i32
          %eq3A_782 = arith.constant 0 : i32
          %eq3A_783 = arith.cmpi eq, %jit3A_781, %eq3A_782 : i32
          %jit3A_784 = arith.constant 1 : i32
          %select_n3A_785 = arith.select %eq3A_783, %jit3A_784, %jit3A_781 : i32
          %rem3A_786 = arith.remsi %add3A_780, %select_n3A_785 : i32
          %ne3A_787 = arith.constant 0 : i32
          %ne3A_788 = arith.cmpi ne, %rem3A_786, %ne3A_787 : i32
          %lt3A_789 = arith.constant 0 : i32
          %lt3A_790 = arith.cmpi slt, %rem3A_786, %lt3A_789 : i32
          %lt3A_791 = arith.constant 0 : i32
          %lt3A_792 = arith.cmpi slt, %select_n3A_785, %lt3A_791 : i32
          %ne3A_793 = arith.xori %lt3A_790, %lt3A_792 : i1
          %and3A_794 = arith.andi %ne3A_793, %ne3A_788 : i1
          %add3A_795 = arith.addi %rem3A_786, %select_n3A_785 : i32
          %select_n3A_796 = arith.select %and3A_794, %add3A_795, %rem3A_786 : i32
          %mul3A_797 = arith.constant 8 : i32
          %mul3A_798 = arith.muli %add3A_778, %mul3A_797 : i32
          %add3A_799 = arith.addi %mul3A_2, %mul3A_798 : i32
          %dma_start3A_800 = arith.constant 0 : i32
          %dma_start3A_801 = arith.constant 0 : i32
          %dma_start3A_802 = tpu.memref_slice %arg13[%select_n3A_796, %dma_start3A_800, %dma_start3A_801] : memref<2x8x1024xf32, #tpu.memory_space<vmem>> -> memref<1x8x1024xf32, #tpu.memory_space<vmem>>
          %dma_start3A_803 = tpu.memref_squeeze %dma_start3A_802 : memref<1x8x1024xf32, #tpu.memory_space<vmem>> -> memref<8x1024xf32, #tpu.memory_space<vmem>>
          %dma_start3A_804 = arith.constant 0 : i32
          %dma_start3A_805 = tpu.memref_slice %arg6[%add3A_799, %dma_start3A_804] : memref<2048x1024xf32, #tpu.memory_space<hbm>> -> memref<8x1024xf32, #tpu.memory_space<hbm>>
          %dma_start3A_806 = tpu.memref_slice %arg18[%select_n3A_796] : memref<2x!tpu.dma_semaphore, #tpu.memory_space<semaphore_mem>> -> memref<1x!tpu.dma_semaphore, #tpu.memory_space<semaphore_mem>>
          %dma_start3A_807 = tpu.memref_squeeze %dma_start3A_806 : memref<1x!tpu.dma_semaphore, #tpu.memory_space<semaphore_mem>> -> memref<!tpu.dma_semaphore, #tpu.memory_space<semaphore_mem>>
          %dma_start3A_808 = arith.constant 0 : i32
          %dma_start3A_809 = arith.constant 0 : i32
          %dma_start3A_810 = tpu.memref_slice %arg13[%select_n3A_796, %dma_start3A_808, %dma_start3A_809] : memref<2x8x1024xf32, #tpu.memory_space<vmem>> -> memref<1x8x1024xf32, #tpu.memory_space<vmem>>
          %dma_start3A_811 = tpu.memref_squeeze %dma_start3A_810 : memref<1x8x1024xf32, #tpu.memory_space<vmem>> -> memref<8x1024xf32, #tpu.memory_space<vmem>>
          %dma_start3A_812 = arith.constant 0 : i32
          %dma_start3A_813 = tpu.memref_slice %arg6[%add3A_799, %dma_start3A_812] : memref<2048x1024xf32, #tpu.memory_space<hbm>> -> memref<8x1024xf32, #tpu.memory_space<hbm>>
          tpu.enqueue_dma source(%dma_start3A_813 : memref<8x1024xf32, #tpu.memory_space<hbm>>) target(%dma_start3A_811 : memref<8x1024xf32, #tpu.memory_space<vmem>>) target_semaphore(%dma_start3A_807 : memref<!tpu.dma_semaphore, #tpu.memory_space<semaphore_mem>>)
        } else {
        }
      } else {
      }
      %dma_wait3A_647 = arith.constant 0 : i32
      %dma_wait3A_648 = arith.constant 0 : i32
      %dma_wait3A_649 = tpu.memref_slice %arg12[%select_n3A_623, %dma_wait3A_647, %dma_wait3A_648] : memref<3x32x1024xf32, #tpu.memory_space<vmem>> -> memref<1x32x1024xf32, #tpu.memory_space<vmem>>
      %dma_wait3A_650 = tpu.memref_squeeze %dma_wait3A_649 : memref<1x32x1024xf32, #tpu.memory_space<vmem>> -> memref<32x1024xf32, #tpu.memory_space<vmem>>
      %dma_wait3A_651 = arith.constant 0 : i32
      %dma_wait3A_652 = tpu.memref_slice %arg10[%scan3A_612, %dma_wait3A_651] : memref<8x32xi32, #tpu.memory_space<vmem>> -> memref<1x32xi32, #tpu.memory_space<vmem>>
      %dma_wait3A_653 = tpu.memref_squeeze %dma_wait3A_652 : memref<1x32xi32, #tpu.memory_space<vmem>> -> memref<32xi32, #tpu.memory_space<vmem>>
      %dma_wait3A_654 = arith.constant 0 : i32
      %dma_wait3A_655 = arith.constant 0 : i32
      %dma_wait3A_656 = tpu.memref_slice %arg4[%dma_wait3A_654, %dma_wait3A_655] : memref<100000x1024xf32, #tpu.memory_space<hbm>> -> memref<100000x1024xf32, #tpu.memory_space<hbm>>
      %dma_wait3A_657 = tpu.memref_slice %arg16[%select_n3A_623] : memref<3x!tpu.dma_semaphore, #tpu.memory_space<semaphore_mem>> -> memref<1x!tpu.dma_semaphore, #tpu.memory_space<semaphore_mem>>
      %dma_wait3A_658 = tpu.memref_squeeze %dma_wait3A_657 : memref<1x!tpu.dma_semaphore, #tpu.memory_space<semaphore_mem>> -> memref<!tpu.dma_semaphore, #tpu.memory_space<semaphore_mem>>
      tpu.wait_indirect_dma semaphore(%dma_wait3A_658 : memref<!tpu.dma_semaphore, #tpu.memory_space<semaphore_mem>>) src(%dma_wait3A_656 : memref<100000x1024xf32, #tpu.memory_space<hbm>>) dst(%dma_wait3A_650 : memref<32x1024xf32, #tpu.memory_space<vmem>>)
      %mul3A_659 = arith.constant 8 : i32
      %mul3A_660 = arith.muli %scan3A_612, %mul3A_659 : i32
      %add3A_661 = arith.addi %mul3A_2, %mul3A_660 : i32
      %dma_wait3A_662 = arith.constant 0 : i32
      %dma_wait3A_663 = arith.constant 0 : i32
      %dma_wait3A_664 = tpu.memref_slice %arg13[%select_n3A_639, %dma_wait3A_662, %dma_wait3A_663] : memref<2x8x1024xf32, #tpu.memory_space<vmem>> -> memref<1x8x1024xf32, #tpu.memory_space<vmem>>
      %dma_wait3A_665 = tpu.memref_squeeze %dma_wait3A_664 : memref<1x8x1024xf32, #tpu.memory_space<vmem>> -> memref<8x1024xf32, #tpu.memory_space<vmem>>
      %dma_wait3A_666 = arith.constant 0 : i32
      %dma_wait3A_667 = tpu.memref_slice %arg6[%add3A_661, %dma_wait3A_666] : memref<2048x1024xf32, #tpu.memory_space<hbm>> -> memref<8x1024xf32, #tpu.memory_space<hbm>>
      %dma_wait3A_668 = tpu.memref_slice %arg18[%select_n3A_639] : memref<2x!tpu.dma_semaphore, #tpu.memory_space<semaphore_mem>> -> memref<1x!tpu.dma_semaphore, #tpu.memory_space<semaphore_mem>>
      %dma_wait3A_669 = tpu.memref_squeeze %dma_wait3A_668 : memref<1x!tpu.dma_semaphore, #tpu.memory_space<semaphore_mem>> -> memref<!tpu.dma_semaphore, #tpu.memory_space<semaphore_mem>>
      %dma_wait3A_670 = arith.constant 0 : i32
      %dma_wait3A_671 = arith.constant 0 : i32
      %dma_wait3A_672 = tpu.memref_slice %arg13[%select_n3A_639, %dma_wait3A_670, %dma_wait3A_671] : memref<2x8x1024xf32, #tpu.memory_space<vmem>> -> memref<1x8x1024xf32, #tpu.memory_space<vmem>>
      %dma_wait3A_673 = tpu.memref_squeeze %dma_wait3A_672 : memref<1x8x1024xf32, #tpu.memory_space<vmem>> -> memref<8x1024xf32, #tpu.memory_space<vmem>>
      %dma_wait3A_674 = arith.constant 0 : i32
      %dma_wait3A_675 = tpu.memref_slice %arg6[%add3A_661, %dma_wait3A_674] : memref<2048x1024xf32, #tpu.memory_space<hbm>> -> memref<8x1024xf32, #tpu.memory_space<hbm>>
      tpu.wait_dma2 semaphore(%dma_wait3A_669 : memref<!tpu.dma_semaphore, #tpu.memory_space<semaphore_mem>>) src(%dma_wait3A_675 : memref<8x1024xf32, #tpu.memory_space<hbm>>) dst(%dma_wait3A_673 : memref<8x1024xf32, #tpu.memory_space<vmem>>)
      %jit3A_676 = arith.constant 2 : i32
      %div3A = arith.divsi %scan3A_612, %jit3A_676 : i32
      %sign3A = arith.constant 0 : i32
      %sign3A_677 = arith.cmpi sgt, %scan3A_612, %sign3A : i32
      %sign3A_678 = arith.extui %sign3A_677 : i1 to i32
      %sign3A_679 = arith.constant 0 : i32
      %sign3A_680 = arith.cmpi slt, %scan3A_612, %sign3A_679 : i32
      %sign3A_681 = arith.extui %sign3A_680 : i1 to i32
      %sign3A_682 = arith.subi %sign3A_678, %sign3A_681 : i32
      %sign3A_683 = arith.constant 0 : i32
      %sign3A_684 = arith.cmpi sgt, %jit3A_676, %sign3A_683 : i32
      %sign3A_685 = arith.extui %sign3A_684 : i1 to i32
      %sign3A_686 = arith.constant 0 : i32
      %sign3A_687 = arith.cmpi slt, %jit3A_676, %sign3A_686 : i32
      %sign3A_688 = arith.extui %sign3A_687 : i1 to i32
      %sign3A_689 = arith.subi %sign3A_685, %sign3A_688 : i32
      %ne3A_690 = arith.cmpi ne, %sign3A_682, %sign3A_689 : i32
      %rem3A_691 = arith.remsi %scan3A_612, %jit3A_676 : i32
      %ne3A_692 = arith.constant 0 : i32
      %ne3A_693 = arith.cmpi ne, %rem3A_691, %ne3A_692 : i32
      %and3A_694 = arith.andi %ne3A_690, %ne3A_693 : i1
      %sub3A = arith.constant 1 : i32
      %sub3A_695 = arith.subi %div3A, %sub3A : i32
      %select_n3A_696 = arith.select %and3A_694, %sub3A_695, %div3A : i32
      %jit3A_697 = arith.constant 2 : i32
      %eq3A_698 = arith.constant 0 : i32
      %eq3A_699 = arith.cmpi eq, %jit3A_697, %eq3A_698 : i32
      %jit3A_700 = arith.constant 1 : i32
      %select_n3A_701 = arith.select %eq3A_699, %jit3A_700, %jit3A_697 : i32
      %rem3A_702 = arith.remsi %scan3A_612, %select_n3A_701 : i32
      %ne3A_703 = arith.constant 0 : i32
      %ne3A_704 = arith.cmpi ne, %rem3A_702, %ne3A_703 : i32
      %lt3A_705 = arith.constant 0 : i32
      %lt3A_706 = arith.cmpi slt, %rem3A_702, %lt3A_705 : i32
      %lt3A_707 = arith.constant 0 : i32
      %lt3A_708 = arith.cmpi slt, %select_n3A_701, %lt3A_707 : i32
      %ne3A_709 = arith.xori %lt3A_706, %lt3A_708 : i1
      %and3A_710 = arith.andi %ne3A_709, %ne3A_704 : i1
      %add3A_711 = arith.addi %rem3A_702, %select_n3A_701 : i32
      %select_n3A_712 = arith.select %and3A_710, %add3A_711, %rem3A_702 : i32
      %mul3A_713 = arith.constant 8 : i32
      %mul3A_714 = arith.muli %select_n3A_712, %mul3A_713 : i32
      %scan3A_715 = arith.constant 0 : i32
      %scan3A_716 = arith.constant 0 : i32
      %scan3A_717 = arith.constant 8 : i32
      %scan3A_718 = arith.addi %scan3A_716, %scan3A_717 : i32
      %scan3A_719 = arith.constant 1 : i32
      %scan3A_720 = scf.for %scan3A_735 = %scan3A_716 to %scan3A_718 step %scan3A_719 iter_args(%scan3A_736 = %scan3A_715) -> (i32)  : i32 {
        %broadcast_in_dim3A = arith.constant 0 : i32
        %broadcast_in_dim3A_737 = vector.broadcast %broadcast_in_dim3A : i32 to vector<16xi32>
        %mul3A_738 = arith.constant 8 : i32
        %mul3A_739 = arith.muli %scan3A_612, %mul3A_738 : i32
        %add3A_740 = arith.addi %mul3A_739, %scan3A_735 : i32
        %add3A_741 = vector.broadcast %add3A_740 : i32 to vector<16xi32>
        %add3A_742 = arith.addi %broadcast_in_dim3A_737, %add3A_741 : vector<16xi32>
        %broadcast_in_dim3A_743 = arith.constant 0 : i32
        %broadcast_in_dim3A_744 = vector.broadcast %broadcast_in_dim3A_743 : i32 to vector<16xi32>
        %gather3A = tpu.vector_load_idx %arg9[%broadcast_in_dim3A_744, %add3A_742] : memref<4x64xi32, #tpu.memory_space<vmem>>[vector<16xi32>, vector<16xi32>], vector<16xi32>,
        %eq3A_745 = arith.constant 1 : i32
        %eq3A_746 = vector.broadcast %eq3A_745 : i32 to vector<16xi32>
        %eq3A_747 = arith.cmpi eq, %gather3A, %eq3A_746 : vector<16xi32>
        %broadcast_in_dim3A_748 = arith.constant 1 : i32
        %broadcast_in_dim3A_749 = vector.broadcast %broadcast_in_dim3A_748 : i32 to vector<16xi32>
        %gather3A_750 = tpu.vector_load_idx %arg9[%broadcast_in_dim3A_749, %add3A_742] : memref<4x64xi32, #tpu.memory_space<vmem>>[vector<16xi32>, vector<16xi32>], vector<16xi32>,
        %eq3A_751 = arith.constant 1 : i32
        %eq3A_752 = vector.broadcast %eq3A_751 : i32 to vector<16xi32>
        %eq3A_753 = arith.cmpi eq, %gather3A_750, %eq3A_752 : vector<16xi32>
        %broadcast_in_dim3A_754 = arith.constant 2 : i32
        %broadcast_in_dim3A_755 = vector.broadcast %broadcast_in_dim3A_754 : i32 to vector<16xi32>
        %gather3A_756 = tpu.vector_load_idx %arg9[%broadcast_in_dim3A_755, %add3A_742] : memref<4x64xi32, #tpu.memory_space<vmem>>[vector<16xi32>, vector<16xi32>], vector<16xi32>,
        %eq3A_757 = arith.constant 1 : i32
        %eq3A_758 = vector.broadcast %eq3A_757 : i32 to vector<16xi32>
        %eq3A_759 = arith.cmpi eq, %gather3A_756, %eq3A_758 : vector<16xi32>
        %broadcast_in_dim3A_760 = arith.constant 3 : i32
        %broadcast_in_dim3A_761 = vector.broadcast %broadcast_in_dim3A_760 : i32 to vector<16xi32>
        %gather3A_762 = tpu.vector_load_idx %arg9[%broadcast_in_dim3A_761, %add3A_742] : memref<4x64xi32, #tpu.memory_space<vmem>>[vector<16xi32>, vector<16xi32>], vector<16xi32>,
        %eq3A_763 = arith.constant 1 : i32
        %eq3A_764 = vector.broadcast %eq3A_763 : i32 to vector<16xi32>
        %eq3A_765 = arith.cmpi eq, %gather3A_762, %eq3A_764 : vector<16xi32>
        %get3A_766 = arith.index_cast %select_n3A_639 : i32 to index
        %get3A_767 = arith.index_cast %scan3A_735 : i32 to index
        %get3A_768 = arith.constant 0 : index
        %get3A_769 = tpu.vector_load %arg13[%get3A_766, %get3A_767, %get3A_768] {strides = array<i32>} : memref<2x8x1024xf32, #tpu.memory_space<vmem>>, vector<16xf32>,
        %get3A_770 = arith.index_cast %select_n3A_639 : i32 to index
        %get3A_771 = arith.index_cast %scan3A_735 : i32 to index
        %get3A_772 = arith.constant 16 : index
        %get3A_773 = tpu.vector_load %arg13[%get3A_770, %get3A_771, %get3A_772] {strides = array<i32>} : memref<2x8x1024xf32, #tpu.memory_space<vmem>>, vector<16xf32>,
        %get3A_774 = arith.index_cast %select_n3A_639 : i32 to index
        %get3A_775 = arith.index_cast %scan3A_735 : i32 to index
        %get3A_776 = arith.constant 32 : index
        %get3A_777 = tpu.vector_load %arg13[%get3A_774, %get3A_775, %get3A_776] {strides = array<i32>} : memref<2x8x1024xf32, #tpu.memory_space<vmem>>, vector<16xf32>,
        %get3A_778 = arith.index_cast %select_n3A_639 : i32 to index
        %get3A_779 = arith.index_cast %scan3A_735 : i32 to index
        %get3A_780 = arith.constant 48 : index
        %get3A_781 = tpu.vector_load %arg13[%get3A_778, %get3A_779, %get3A_780] {strides = array<i32>} : memref<2x8x1024xf32, #tpu.memory_space<vmem>>, vector<16xf32>,
        %get3A_782 = arith.constant 0 : i32
        %get3A_783 = arith.index_cast %get3A_782 : i32 to index
        %get3A_784 = arith.constant 0 : index
        %get3A_785 = tpu.vector_load %arg14[%get3A_783, %get3A_784] {strides = array<i32>} : memref<2x1024xf32, #tpu.memory_space<vmem>>, vector<16xf32>,
        %get3A_786 = arith.constant 0 : i32
        %get3A_787 = arith.index_cast %get3A_786 : i32 to index
        %get3A_788 = arith.constant 16 : index
        %get3A_789 = tpu.vector_load %arg14[%get3A_787, %get3A_788] {strides = array<i32>} : memref<2x1024xf32, #tpu.memory_space<vmem>>, vector<16xf32>,
        %get3A_790 = arith.constant 0 : i32
        %get3A_791 = arith.index_cast %get3A_790 : i32 to index
        %get3A_792 = arith.constant 32 : index
        %get3A_793 = tpu.vector_load %arg14[%get3A_791, %get3A_792] {strides = array<i32>} : memref<2x1024xf32, #tpu.memory_space<vmem>>, vector<16xf32>,
        %get3A_794 = arith.constant 0 : i32
        %get3A_795 = arith.index_cast %get3A_794 : i32 to index
        %get3A_796 = arith.constant 48 : index
        %get3A_797 = tpu.vector_load %arg14[%get3A_795, %get3A_796] {strides = array<i32>} : memref<2x1024xf32, #tpu.memory_space<vmem>>, vector<16xf32>,
        %get3A_798 = arith.constant 1 : i32
        %get3A_799 = arith.index_cast %get3A_798 : i32 to index
        %get3A_800 = arith.constant 0 : index
        %get3A_801 = tpu.vector_load %arg14[%get3A_799, %get3A_800] {strides = array<i32>} : memref<2x1024xf32, #tpu.memory_space<vmem>>, vector<16xf32>,
        %get3A_802 = arith.constant 1 : i32
        %get3A_803 = arith.index_cast %get3A_802 : i32 to index
        %get3A_804 = arith.constant 16 : index
        %get3A_805 = tpu.vector_load %arg14[%get3A_803, %get3A_804] {strides = array<i32>} : memref<2x1024xf32, #tpu.memory_space<vmem>>, vector<16xf32>,
        %get3A_806 = arith.constant 1 : i32
        %get3A_807 = arith.index_cast %get3A_806 : i32 to index
        %get3A_808 = arith.constant 32 : index
        %get3A_809 = tpu.vector_load %arg14[%get3A_807, %get3A_808] {strides = array<i32>} : memref<2x1024xf32, #tpu.memory_space<vmem>>, vector<16xf32>,
        %get3A_810 = arith.constant 1 : i32
        %get3A_811 = arith.index_cast %get3A_810 : i32 to index
        %get3A_812 = arith.constant 48 : index
        %get3A_813 = tpu.vector_load %arg14[%get3A_811, %get3A_812] {strides = array<i32>} : memref<2x1024xf32, #tpu.memory_space<vmem>>, vector<16xf32>,
        %add3A_814 = arith.addf %get3A_769, %get3A_785 : vector<16xf32>
        %add3A_815 = arith.addf %get3A_773, %get3A_789 : vector<16xf32>
        %add3A_816 = arith.addf %get3A_777, %get3A_793 : vector<16xf32>
        %add3A_817 = arith.addf %get3A_781, %get3A_797 : vector<16xf32>
        %add3A_818 = arith.addf %get3A_769, %get3A_801 : vector<16xf32>
        %add3A_819 = arith.addf %get3A_773, %get3A_805 : vector<16xf32>
        %add3A_820 = arith.addf %get3A_777, %get3A_809 : vector<16xf32>
        %add3A_821 = arith.addf %get3A_781, %get3A_813 : vector<16xf32>
        %add3A_822 = arith.constant 0 : i32
        %add3A_823 = arith.addi %add3A_822, %scan3A_735 : i32
        %select_n3A_824 = arith.select %eq3A_747, %add3A_818, %add3A_814 : vector<16xi1>, vector<16xf32>
        %swap3A = arith.index_cast %select_n3A_623 : i32 to index
        %swap3A_825 = arith.index_cast %add3A_823 : i32 to index
        %swap3A_826 = arith.constant 0 : index
        %swap3A_827 = tpu.vector_load %arg12[%swap3A, %swap3A_825, %swap3A_826] {strides = array<i32>} : memref<3x32x1024xf32, #tpu.memory_space<vmem>>, vector<16xf32>,
        tpu.vector_store %arg12[%swap3A, %swap3A_825, %swap3A_826], %select_n3A_824 {add = true, strides = array<i32>} : memref<3x32x1024xf32, #tpu.memory_space<vmem>>, vector<16xf32>,
        %add3A_828 = arith.constant 0 : i32
        %add3A_829 = arith.addi %add3A_828, %scan3A_735 : i32
        %select_n3A_830 = arith.select %eq3A_747, %add3A_819, %add3A_815 : vector<16xi1>, vector<16xf32>
        %swap3A_831 = arith.index_cast %select_n3A_623 : i32 to index
        %swap3A_832 = arith.index_cast %add3A_829 : i32 to index
        %swap3A_833 = arith.constant 16 : index
        %swap3A_834 = tpu.vector_load %arg12[%swap3A_831, %swap3A_832, %swap3A_833] {strides = array<i32>} : memref<3x32x1024xf32, #tpu.memory_space<vmem>>, vector<16xf32>,
        tpu.vector_store %arg12[%swap3A_831, %swap3A_832, %swap3A_833], %select_n3A_830 {add = true, strides = array<i32>} : memref<3x32x1024xf32, #tpu.memory_space<vmem>>, vector<16xf32>,
        %add3A_835 = arith.constant 0 : i32
        %add3A_836 = arith.addi %add3A_835, %scan3A_735 : i32
        %select_n3A_837 = arith.select %eq3A_747, %add3A_820, %add3A_816 : vector<16xi1>, vector<16xf32>
        %swap3A_838 = arith.index_cast %select_n3A_623 : i32 to index
        %swap3A_839 = arith.index_cast %add3A_836 : i32 to index
        %swap3A_840 = arith.constant 32 : index
        %swap3A_841 = tpu.vector_load %arg12[%swap3A_838, %swap3A_839, %swap3A_840] {strides = array<i32>} : memref<3x32x1024xf32, #tpu.memory_space<vmem>>, vector<16xf32>,
        tpu.vector_store %arg12[%swap3A_838, %swap3A_839, %swap3A_840], %select_n3A_837 {add = true, strides = array<i32>} : memref<3x32x1024xf32, #tpu.memory_space<vmem>>, vector<16xf32>,
        %add3A_842 = arith.constant 0 : i32
        %add3A_843 = arith.addi %add3A_842, %scan3A_735 : i32
        %select_n3A_844 = arith.select %eq3A_747, %add3A_821, %add3A_817 : vector<16xi1>, vector<16xf32>
        %swap3A_845 = arith.index_cast %select_n3A_623 : i32 to index
        %swap3A_846 = arith.index_cast %add3A_843 : i32 to index
        %swap3A_847 = arith.constant 48 : index
        %swap3A_848 = tpu.vector_load %arg12[%swap3A_845, %swap3A_846, %swap3A_847] {strides = array<i32>} : memref<3x32x1024xf32, #tpu.memory_space<vmem>>, vector<16xf32>,
        tpu.vector_store %arg12[%swap3A_845, %swap3A_846, %swap3A_847], %select_n3A_844 {add = true, strides = array<i32>} : memref<3x32x1024xf32, #tpu.memory_space<vmem>>, vector<16xf32>,
        %add3A_849 = arith.constant 8 : i32
        %add3A_850 = arith.addi %add3A_849, %scan3A_735 : i32
        %select_n3A_851 = arith.select %eq3A_753, %add3A_818, %add3A_814 : vector<16xi1>, vector<16xf32>
        %swap3A_852 = arith.index_cast %select_n3A_623 : i32 to index
        %swap3A_853 = arith.index_cast %add3A_850 : i32 to index
        %swap3A_854 = arith.constant 0 : index
        %swap3A_855 = tpu.vector_load %arg12[%swap3A_852, %swap3A_853, %swap3A_854] {strides = array<i32>} : memref<3x32x1024xf32, #tpu.memory_space<vmem>>, vector<16xf32>,
        tpu.vector_store %arg12[%swap3A_852, %swap3A_853, %swap3A_854], %select_n3A_851 {add = true, strides = array<i32>} : memref<3x32x1024xf32, #tpu.memory_space<vmem>>, vector<16xf32>,
        %add3A_856 = arith.constant 8 : i32
        %add3A_857 = arith.addi %add3A_856, %scan3A_735 : i32
        %select_n3A_858 = arith.select %eq3A_753, %add3A_819, %add3A_815 : vector<16xi1>, vector<16xf32>
        %swap3A_859 = arith.index_cast %select_n3A_623 : i32 to index
        %swap3A_860 = arith.index_cast %add3A_857 : i32 to index
        %swap3A_861 = arith.constant 16 : index
        %swap3A_862 = tpu.vector_load %arg12[%swap3A_859, %swap3A_860, %swap3A_861] {strides = array<i32>} : memref<3x32x1024xf32, #tpu.memory_space<vmem>>, vector<16xf32>,
        tpu.vector_store %arg12[%swap3A_859, %swap3A_860, %swap3A_861], %select_n3A_858 {add = true, strides = array<i32>} : memref<3x32x1024xf32, #tpu.memory_space<vmem>>, vector<16xf32>,
        %add3A_863 = arith.constant 8 : i32
        %add3A_864 = arith.addi %add3A_863, %scan3A_735 : i32
        %select_n3A_865 = arith.select %eq3A_753, %add3A_820, %add3A_816 : vector<16xi1>, vector<16xf32>
        %swap3A_866 = arith.index_cast %select_n3A_623 : i32 to index
        %swap3A_867 = arith.index_cast %add3A_864 : i32 to index
        %swap3A_868 = arith.constant 32 : index
        %swap3A_869 = tpu.vector_load %arg12[%swap3A_866, %swap3A_867, %swap3A_868] {strides = array<i32>} : memref<3x32x1024xf32, #tpu.memory_space<vmem>>, vector<16xf32>,
        tpu.vector_store %arg12[%swap3A_866, %swap3A_867, %swap3A_868], %select_n3A_865 {add = true, strides = array<i32>} : memref<3x32x1024xf32, #tpu.memory_space<vmem>>, vector<16xf32>,
        %add3A_870 = arith.constant 8 : i32
        %add3A_871 = arith.addi %add3A_870, %scan3A_735 : i32
        %select_n3A_872 = arith.select %eq3A_753, %add3A_821, %add3A_817 : vector<16xi1>, vector<16xf32>
        %swap3A_873 = arith.index_cast %select_n3A_623 : i32 to index
        %swap3A_874 = arith.index_cast %add3A_871 : i32 to index
        %swap3A_875 = arith.constant 48 : index
        %swap3A_876 = tpu.vector_load %arg12[%swap3A_873, %swap3A_874, %swap3A_875] {strides = array<i32>} : memref<3x32x1024xf32, #tpu.memory_space<vmem>>, vector<16xf32>,
        tpu.vector_store %arg12[%swap3A_873, %swap3A_874, %swap3A_875], %select_n3A_872 {add = true, strides = array<i32>} : memref<3x32x1024xf32, #tpu.memory_space<vmem>>, vector<16xf32>,
        %add3A_877 = arith.constant 16 : i32
        %add3A_878 = arith.addi %add3A_877, %scan3A_735 : i32
        %select_n3A_879 = arith.select %eq3A_759, %add3A_818, %add3A_814 : vector<16xi1>, vector<16xf32>
        %swap3A_880 = arith.index_cast %select_n3A_623 : i32 to index
        %swap3A_881 = arith.index_cast %add3A_878 : i32 to index
        %swap3A_882 = arith.constant 0 : index
        %swap3A_883 = tpu.vector_load %arg12[%swap3A_880, %swap3A_881, %swap3A_882] {strides = array<i32>} : memref<3x32x1024xf32, #tpu.memory_space<vmem>>, vector<16xf32>,
        tpu.vector_store %arg12[%swap3A_880, %swap3A_881, %swap3A_882], %select_n3A_879 {add = true, strides = array<i32>} : memref<3x32x1024xf32, #tpu.memory_space<vmem>>, vector<16xf32>,
        %add3A_884 = arith.constant 16 : i32
        %add3A_885 = arith.addi %add3A_884, %scan3A_735 : i32
        %select_n3A_886 = arith.select %eq3A_759, %add3A_819, %add3A_815 : vector<16xi1>, vector<16xf32>
        %swap3A_887 = arith.index_cast %select_n3A_623 : i32 to index
        %swap3A_888 = arith.index_cast %add3A_885 : i32 to index
        %swap3A_889 = arith.constant 16 : index
        %swap3A_890 = tpu.vector_load %arg12[%swap3A_887, %swap3A_888, %swap3A_889] {strides = array<i32>} : memref<3x32x1024xf32, #tpu.memory_space<vmem>>, vector<16xf32>,
        tpu.vector_store %arg12[%swap3A_887, %swap3A_888, %swap3A_889], %select_n3A_886 {add = true, strides = array<i32>} : memref<3x32x1024xf32, #tpu.memory_space<vmem>>, vector<16xf32>,
        %add3A_891 = arith.constant 16 : i32
        %add3A_892 = arith.addi %add3A_891, %scan3A_735 : i32
        %select_n3A_893 = arith.select %eq3A_759, %add3A_820, %add3A_816 : vector<16xi1>, vector<16xf32>
        %swap3A_894 = arith.index_cast %select_n3A_623 : i32 to index
        %swap3A_895 = arith.index_cast %add3A_892 : i32 to index
        %swap3A_896 = arith.constant 32 : index
        %swap3A_897 = tpu.vector_load %arg12[%swap3A_894, %swap3A_895, %swap3A_896] {strides = array<i32>} : memref<3x32x1024xf32, #tpu.memory_space<vmem>>, vector<16xf32>,
        tpu.vector_store %arg12[%swap3A_894, %swap3A_895, %swap3A_896], %select_n3A_893 {add = true, strides = array<i32>} : memref<3x32x1024xf32, #tpu.memory_space<vmem>>, vector<16xf32>,
        %add3A_898 = arith.constant 16 : i32
        %add3A_899 = arith.addi %add3A_898, %scan3A_735 : i32
        %select_n3A_900 = arith.select %eq3A_759, %add3A_821, %add3A_817 : vector<16xi1>, vector<16xf32>
        %swap3A_901 = arith.index_cast %select_n3A_623 : i32 to index
        %swap3A_902 = arith.index_cast %add3A_899 : i32 to index
        %swap3A_903 = arith.constant 48 : index
        %swap3A_904 = tpu.vector_load %arg12[%swap3A_901, %swap3A_902, %swap3A_903] {strides = array<i32>} : memref<3x32x1024xf32, #tpu.memory_space<vmem>>, vector<16xf32>,
        tpu.vector_store %arg12[%swap3A_901, %swap3A_902, %swap3A_903], %select_n3A_900 {add = true, strides = array<i32>} : memref<3x32x1024xf32, #tpu.memory_space<vmem>>, vector<16xf32>,
        %add3A_905 = arith.constant 24 : i32
        %add3A_906 = arith.addi %add3A_905, %scan3A_735 : i32
        %select_n3A_907 = arith.select %eq3A_765, %add3A_818, %add3A_814 : vector<16xi1>, vector<16xf32>
        %swap3A_908 = arith.index_cast %select_n3A_623 : i32 to index
        %swap3A_909 = arith.index_cast %add3A_906 : i32 to index
        %swap3A_910 = arith.constant 0 : index
        %swap3A_911 = tpu.vector_load %arg12[%swap3A_908, %swap3A_909, %swap3A_910] {strides = array<i32>} : memref<3x32x1024xf32, #tpu.memory_space<vmem>>, vector<16xf32>,
        tpu.vector_store %arg12[%swap3A_908, %swap3A_909, %swap3A_910], %select_n3A_907 {add = true, strides = array<i32>} : memref<3x32x1024xf32, #tpu.memory_space<vmem>>, vector<16xf32>,
        %add3A_912 = arith.constant 24 : i32
        %add3A_913 = arith.addi %add3A_912, %scan3A_735 : i32
        %select_n3A_914 = arith.select %eq3A_765, %add3A_819, %add3A_815 : vector<16xi1>, vector<16xf32>
        %swap3A_915 = arith.index_cast %select_n3A_623 : i32 to index
        %swap3A_916 = arith.index_cast %add3A_913 : i32 to index
        %swap3A_917 = arith.constant 16 : index
        %swap3A_918 = tpu.vector_load %arg12[%swap3A_915, %swap3A_916, %swap3A_917] {strides = array<i32>} : memref<3x32x1024xf32, #tpu.memory_space<vmem>>, vector<16xf32>,
        tpu.vector_store %arg12[%swap3A_915, %swap3A_916, %swap3A_917], %select_n3A_914 {add = true, strides = array<i32>} : memref<3x32x1024xf32, #tpu.memory_space<vmem>>, vector<16xf32>,
        %add3A_919 = arith.constant 24 : i32
        %add3A_920 = arith.addi %add3A_919, %scan3A_735 : i32
        %select_n3A_921 = arith.select %eq3A_765, %add3A_820, %add3A_816 : vector<16xi1>, vector<16xf32>
        %swap3A_922 = arith.index_cast %select_n3A_623 : i32 to index
        %swap3A_923 = arith.index_cast %add3A_920 : i32 to index
        %swap3A_924 = arith.constant 32 : index
        %swap3A_925 = tpu.vector_load %arg12[%swap3A_922, %swap3A_923, %swap3A_924] {strides = array<i32>} : memref<3x32x1024xf32, #tpu.memory_space<vmem>>, vector<16xf32>,
        tpu.vector_store %arg12[%swap3A_922, %swap3A_923, %swap3A_924], %select_n3A_921 {add = true, strides = array<i32>} : memref<3x32x1024xf32, #tpu.memory_space<vmem>>, vector<16xf32>,
        %add3A_926 = arith.constant 24 : i32
        %add3A_927 = arith.addi %add3A_926, %scan3A_735 : i32
        %select_n3A_928 = arith.select %eq3A_765, %add3A_821, %add3A_817 : vector<16xi1>, vector<16xf32>
        %swap3A_929 = arith.index_cast %select_n3A_623 : i32 to index
        %swap3A_930 = arith.index_cast %add3A_927 : i32 to index
        %swap3A_931 = arith.constant 48 : index
        %swap3A_932 = tpu.vector_load %arg12[%swap3A_929, %swap3A_930, %swap3A_931] {strides = array<i32>} : memref<3x32x1024xf32, #tpu.memory_space<vmem>>, vector<16xf32>,
        tpu.vector_store %arg12[%swap3A_929, %swap3A_930, %swap3A_931], %select_n3A_928 {add = true, strides = array<i32>} : memref<3x32x1024xf32, #tpu.memory_space<vmem>>, vector<16xf32>,
        %get3A_933 = arith.index_cast %select_n3A_639 : i32 to index
        %get3A_934 = arith.index_cast %scan3A_735 : i32 to index
        %get3A_935 = arith.constant 64 : index
        %get3A_936 = tpu.vector_load %arg13[%get3A_933, %get3A_934, %get3A_935] {strides = array<i32>} : memref<2x8x1024xf32, #tpu.memory_space<vmem>>, vector<16xf32>,
        %get3A_937 = arith.index_cast %select_n3A_639 : i32 to index
        %get3A_938 = arith.index_cast %scan3A_735 : i32 to index
        %get3A_939 = arith.constant 80 : index
        %get3A_940 = tpu.vector_load %arg13[%get3A_937, %get3A_938, %get3A_939] {strides = array<i32>} : memref<2x8x1024xf32, #tpu.memory_space<vmem>>, vector<16xf32>,
        %get3A_941 = arith.index_cast %select_n3A_639 : i32 to index
        %get3A_942 = arith.index_cast %scan3A_735 : i32 to index
        %get3A_943 = arith.constant 96 : index
        %get3A_944 = tpu.vector_load %arg13[%get3A_941, %get3A_942, %get3A_943] {strides = array<i32>} : memref<2x8x1024xf32, #tpu.memory_space<vmem>>, vector<16xf32>,
        %get3A_945 = arith.index_cast %select_n3A_639 : i32 to index
        %get3A_946 = arith.index_cast %scan3A_735 : i32 to index
        %get3A_947 = arith.constant 112 : index
        %get3A_948 = tpu.vector_load %arg13[%get3A_945, %get3A_946, %get3A_947] {strides = array<i32>} : memref<2x8x1024xf32, #tpu.memory_space<vmem>>, vector<16xf32>,
        %get3A_949 = arith.constant 0 : i32
        %get3A_950 = arith.index_cast %get3A_949 : i32 to index
        %get3A_951 = arith.constant 64 : index
        %get3A_952 = tpu.vector_load %arg14[%get3A_950, %get3A_951] {strides = array<i32>} : memref<2x1024xf32, #tpu.memory_space<vmem>>, vector<16xf32>,
        %get3A_953 = arith.constant 0 : i32
        %get3A_954 = arith.index_cast %get3A_953 : i32 to index
        %get3A_955 = arith.constant 80 : index
        %get3A_956 = tpu.vector_load %arg14[%get3A_954, %get3A_955] {strides = array<i32>} : memref<2x1024xf32, #tpu.memory_space<vmem>>, vector<16xf32>,
        %get3A_957 = arith.constant 0 : i32
        %get3A_958 = arith.index_cast %get3A_957 : i32 to index
        %get3A_959 = arith.constant 96 : index
        %get3A_960 = tpu.vector_load %arg14[%get3A_958, %get3A_959] {strides = array<i32>} : memref<2x1024xf32, #tpu.memory_space<vmem>>, vector<16xf32>,
        %get3A_961 = arith.constant 0 : i32
        %get3A_962 = arith.index_cast %get3A_961 : i32 to index
        %get3A_963 = arith.constant 112 : index
        %get3A_964 = tpu.vector_load %arg14[%get3A_962, %get3A_963] {strides = array<i32>} : memref<2x1024xf32, #tpu.memory_space<vmem>>, vector<16xf32>,
        %get3A_965 = arith.constant 1 : i32
        %get3A_966 = arith.index_cast %get3A_965 : i32 to index
        %get3A_967 = arith.constant 64 : index
        %get3A_968 = tpu.vector_load %arg14[%get3A_966, %get3A_967] {strides = array<i32>} : memref<2x1024xf32, #tpu.memory_space<vmem>>, vector<16xf32>,
        %get3A_969 = arith.constant 1 : i32
        %get3A_970 = arith.index_cast %get3A_969 : i32 to index
        %get3A_971 = arith.constant 80 : index
        %get3A_972 = tpu.vector_load %arg14[%get3A_970, %get3A_971] {strides = array<i32>} : memref<2x1024xf32, #tpu.memory_space<vmem>>, vector<16xf32>,
        %get3A_973 = arith.constant 1 : i32
        %get3A_974 = arith.index_cast %get3A_973 : i32 to index
        %get3A_975 = arith.constant 96 : index
        %get3A_976 = tpu.vector_load %arg14[%get3A_974, %get3A_975] {strides = array<i32>} : memref<2x1024xf32, #tpu.memory_space<vmem>>, vector<16xf32>,
        %get3A_977 = arith.constant 1 : i32
        %get3A_978 = arith.index_cast %get3A_977 : i32 to index
        %get3A_979 = arith.constant 112 : index
        %get3A_980 = tpu.vector_load %arg14[%get3A_978, %get3A_979] {strides = array<i32>} : memref<2x1024xf32, #tpu.memory_space<vmem>>, vector<16xf32>,
        %add3A_981 = arith.addf %get3A_936, %get3A_952 : vector<16xf32>
        %add3A_982 = arith.addf %get3A_940, %get3A_956 : vector<16xf32>
        %add3A_983 = arith.addf %get3A_944, %get3A_960 : vector<16xf32>
        %add3A_984 = arith.addf %get3A_948, %get3A_964 : vector<16xf32>
        %add3A_985 = arith.addf %get3A_936, %get3A_968 : vector<16xf32>
        %add3A_986 = arith.addf %get3A_940, %get3A_972 : vector<16xf32>
        %add3A_987 = arith.addf %get3A_944, %get3A_976 : vector<16xf32>
        %add3A_988 = arith.addf %get3A_948, %get3A_980 : vector<16xf32>
        %add3A_989 = arith.constant 0 : i32
        %add3A_990 = arith.addi %add3A_989, %scan3A_735 : i32
        %select_n3A_991 = arith.select %eq3A_747, %add3A_985, %add3A_981 : vector<16xi1>, vector<16xf32>
        %swap3A_992 = arith.index_cast %select_n3A_623 : i32 to index
        %swap3A_993 = arith.index_cast %add3A_990 : i32 to index
        %swap3A_994 = arith.constant 64 : index
        %swap3A_995 = tpu.vector_load %arg12[%swap3A_992, %swap3A_993, %swap3A_994] {strides = array<i32>} : memref<3x32x1024xf32, #tpu.memory_space<vmem>>, vector<16xf32>,
        tpu.vector_store %arg12[%swap3A_992, %swap3A_993, %swap3A_994], %select_n3A_991 {add = true, strides = array<i32>} : memref<3x32x1024xf32, #tpu.memory_space<vmem>>, vector<16xf32>,
        %add3A_996 = arith.constant 0 : i32
        %add3A_997 = arith.addi %add3A_996, %scan3A_735 : i32
        %select_n3A_998 = arith.select %eq3A_747, %add3A_986, %add3A_982 : vector<16xi1>, vector<16xf32>
        %swap3A_999 = arith.index_cast %select_n3A_623 : i32 to index
        %swap3A_1000 = arith.index_cast %add3A_997 : i32 to index
        %swap3A_1001 = arith.constant 80 : index
        %swap3A_1002 = tpu.vector_load %arg12[%swap3A_999, %swap3A_1000, %swap3A_1001] {strides = array<i32>} : memref<3x32x1024xf32, #tpu.memory_space<vmem>>, vector<16xf32>,
        tpu.vector_store %arg12[%swap3A_999, %swap3A_1000, %swap3A_1001], %select_n3A_998 {add = true, strides = array<i32>} : memref<3x32x1024xf32, #tpu.memory_space<vmem>>, vector<16xf32>,
        %add3A_1003 = arith.constant 0 : i32
        %add3A_1004 = arith.addi %add3A_1003, %scan3A_735 : i32
        %select_n3A_1005 = arith.select %eq3A_747, %add3A_987, %add3A_983 : vector<16xi1>, vector<16xf32>
        %swap3A_1006 = arith.index_cast %select_n3A_623 : i32 to index
        %swap3A_1007 = arith.index_cast %add3A_1004 : i32 to index
        %swap3A_1008 = arith.constant 96 : index
        %swap3A_1009 = tpu.vector_load %arg12[%swap3A_1006, %swap3A_1007, %swap3A_1008] {strides = array<i32>} : memref<3x32x1024xf32, #tpu.memory_space<vmem>>, vector<16xf32>,
        tpu.vector_store %arg12[%swap3A_1006, %swap3A_1007, %swap3A_1008], %select_n3A_1005 {add = true, strides = array<i32>} : memref<3x32x1024xf32, #tpu.memory_space<vmem>>, vector<16xf32>,
        %add3A_1010 = arith.constant 0 : i32
        %add3A_1011 = arith.addi %add3A_1010, %scan3A_735 : i32
        %select_n3A_1012 = arith.select %eq3A_747, %add3A_988, %add3A_984 : vector<16xi1>, vector<16xf32>
        %swap3A_1013 = arith.index_cast %select_n3A_623 : i32 to index
        %swap3A_1014 = arith.index_cast %add3A_1011 : i32 to index
        %swap3A_1015 = arith.constant 112 : index
        %swap3A_1016 = tpu.vector_load %arg12[%swap3A_1013, %swap3A_1014, %swap3A_1015] {strides = array<i32>} : memref<3x32x1024xf32, #tpu.memory_space<vmem>>, vector<16xf32>,
        tpu.vector_store %arg12[%swap3A_1013, %swap3A_1014, %swap3A_1015], %select_n3A_1012 {add = true, strides = array<i32>} : memref<3x32x1024xf32, #tpu.memory_space<vmem>>, vector<16xf32>,
        %add3A_1017 = arith.constant 8 : i32
        %add3A_1018 = arith.addi %add3A_1017, %scan3A_735 : i32
        %select_n3A_1019 = arith.select %eq3A_753, %add3A_985, %add3A_981 : vector<16xi1>, vector<16xf32>
        %swap3A_1020 = arith.index_cast %select_n3A_623 : i32 to index
        %swap3A_1021 = arith.index_cast %add3A_1018 : i32 to index
        %swap3A_1022 = arith.constant 64 : index
        %swap3A_1023 = tpu.vector_load %arg12[%swap3A_1020, %swap3A_1021, %swap3A_1022] {strides = array<i32>} : memref<3x32x1024xf32, #tpu.memory_space<vmem>>, vector<16xf32>,
        tpu.vector_store %arg12[%swap3A_1020, %swap3A_1021, %swap3A_1022], %select_n3A_1019 {add = true, strides = array<i32>} : memref<3x32x1024xf32, #tpu.memory_space<vmem>>, vector<16xf32>,
        %add3A_1024 = arith.constant 8 : i32
        %add3A_1025 = arith.addi %add3A_1024, %scan3A_735 : i32
        %select_n3A_1026 = arith.select %eq3A_753, %add3A_986, %add3A_982 : vector<16xi1>, vector<16xf32>
        %swap3A_1027 = arith.index_cast %select_n3A_623 : i32 to index
        %swap3A_1028 = arith.index_cast %add3A_1025 : i32 to index
        %swap3A_1029 = arith.constant 80 : index
        %swap3A_1030 = tpu.vector_load %arg12[%swap3A_1027, %swap3A_1028, %swap3A_1029] {strides = array<i32>} : memref<3x32x1024xf32, #tpu.memory_space<vmem>>, vector<16xf32>,
        tpu.vector_store %arg12[%swap3A_1027, %swap3A_1028, %swap3A_1029], %select_n3A_1026 {add = true, strides = array<i32>} : memref<3x32x1024xf32, #tpu.memory_space<vmem>>, vector<16xf32>,
        %add3A_1031 = arith.constant 8 : i32
        %add3A_1032 = arith.addi %add3A_1031, %scan3A_735 : i32
        %select_n3A_1033 = arith.select %eq3A_753, %add3A_987, %add3A_983 : vector<16xi1>, vector<16xf32>
        %swap3A_1034 = arith.index_cast %select_n3A_623 : i32 to index
        %swap3A_1035 = arith.index_cast %add3A_1032 : i32 to index
        %swap3A_1036 = arith.constant 96 : index
        %swap3A_1037 = tpu.vector_load %arg12[%swap3A_1034, %swap3A_1035, %swap3A_1036] {strides = array<i32>} : memref<3x32x1024xf32, #tpu.memory_space<vmem>>, vector<16xf32>,
        tpu.vector_store %arg12[%swap3A_1034, %swap3A_1035, %swap3A_1036], %select_n3A_1033 {add = true, strides = array<i32>} : memref<3x32x1024xf32, #tpu.memory_space<vmem>>, vector<16xf32>,
        %add3A_1038 = arith.constant 8 : i32
        %add3A_1039 = arith.addi %add3A_1038, %scan3A_735 : i32
        %select_n3A_1040 = arith.select %eq3A_753, %add3A_988, %add3A_984 : vector<16xi1>, vector<16xf32>
        %swap3A_1041 = arith.index_cast %select_n3A_623 : i32 to index
        %swap3A_1042 = arith.index_cast %add3A_1039 : i32 to index
        %swap3A_1043 = arith.constant 112 : index
        %swap3A_1044 = tpu.vector_load %arg12[%swap3A_1041, %swap3A_1042, %swap3A_1043] {strides = array<i32>} : memref<3x32x1024xf32, #tpu.memory_space<vmem>>, vector<16xf32>,
        tpu.vector_store %arg12[%swap3A_1041, %swap3A_1042, %swap3A_1043], %select_n3A_1040 {add = true, strides = array<i32>} : memref<3x32x1024xf32, #tpu.memory_space<vmem>>, vector<16xf32>,
        %add3A_1045 = arith.constant 16 : i32
        %add3A_1046 = arith.addi %add3A_1045, %scan3A_735 : i32
        %select_n3A_1047 = arith.select %eq3A_759, %add3A_985, %add3A_981 : vector<16xi1>, vector<16xf32>
        %swap3A_1048 = arith.index_cast %select_n3A_623 : i32 to index
        %swap3A_1049 = arith.index_cast %add3A_1046 : i32 to index
        %swap3A_1050 = arith.constant 64 : index
        %swap3A_1051 = tpu.vector_load %arg12[%swap3A_1048, %swap3A_1049, %swap3A_1050] {strides = array<i32>} : memref<3x32x1024xf32, #tpu.memory_space<vmem>>, vector<16xf32>,
        tpu.vector_store %arg12[%swap3A_1048, %swap3A_1049, %swap3A_1050], %select_n3A_1047 {add = true, strides = array<i32>} : memref<3x32x1024xf32, #tpu.memory_space<vmem>>, vector<16xf32>,
        %add3A_1052 = arith.constant 16 : i32
        %add3A_1053 = arith.addi %add3A_1052, %scan3A_735 : i32
        %select_n3A_1054 = arith.select %eq3A_759, %add3A_986, %add3A_982 : vector<16xi1>, vector<16xf32>
        %swap3A_1055 = arith.index_cast %select_n3A_623 : i32 to index
        %swap3A_1056 = arith.index_cast %add3A_1053 : i32 to index
        %swap3A_1057 = arith.constant 80 : index
        %swap3A_1058 = tpu.vector_load %arg12[%swap3A_1055, %swap3A_1056, %swap3A_1057] {strides = array<i32>} : memref<3x32x1024xf32, #tpu.memory_space<vmem>>, vector<16xf32>,
        tpu.vector_store %arg12[%swap3A_1055, %swap3A_1056, %swap3A_1057], %select_n3A_1054 {add = true, strides = array<i32>} : memref<3x32x1024xf32, #tpu.memory_space<vmem>>, vector<16xf32>,
        %add3A_1059 = arith.constant 16 : i32
        %add3A_1060 = arith.addi %add3A_1059, %scan3A_735 : i32
        %select_n3A_1061 = arith.select %eq3A_759, %add3A_987, %add3A_983 : vector<16xi1>, vector<16xf32>
        %swap3A_1062 = arith.index_cast %select_n3A_623 : i32 to index
        %swap3A_1063 = arith.index_cast %add3A_1060 : i32 to index
        %swap3A_1064 = arith.constant 96 : index
        %swap3A_1065 = tpu.vector_load %arg12[%swap3A_1062, %swap3A_1063, %swap3A_1064] {strides = array<i32>} : memref<3x32x1024xf32, #tpu.memory_space<vmem>>, vector<16xf32>,
        tpu.vector_store %arg12[%swap3A_1062, %swap3A_1063, %swap3A_1064], %select_n3A_1061 {add = true, strides = array<i32>} : memref<3x32x1024xf32, #tpu.memory_space<vmem>>, vector<16xf32>,
        %add3A_1066 = arith.constant 16 : i32
        %add3A_1067 = arith.addi %add3A_1066, %scan3A_735 : i32
        %select_n3A_1068 = arith.select %eq3A_759, %add3A_988, %add3A_984 : vector<16xi1>, vector<16xf32>
        %swap3A_1069 = arith.index_cast %select_n3A_623 : i32 to index
        %swap3A_1070 = arith.index_cast %add3A_1067 : i32 to index
        %swap3A_1071 = arith.constant 112 : index
        %swap3A_1072 = tpu.vector_load %arg12[%swap3A_1069, %swap3A_1070, %swap3A_1071] {strides = array<i32>} : memref<3x32x1024xf32, #tpu.memory_space<vmem>>, vector<16xf32>,
        tpu.vector_store %arg12[%swap3A_1069, %swap3A_1070, %swap3A_1071], %select_n3A_1068 {add = true, strides = array<i32>} : memref<3x32x1024xf32, #tpu.memory_space<vmem>>, vector<16xf32>,
        %add3A_1073 = arith.constant 24 : i32
        %add3A_1074 = arith.addi %add3A_1073, %scan3A_735 : i32
        %select_n3A_1075 = arith.select %eq3A_765, %add3A_985, %add3A_981 : vector<16xi1>, vector<16xf32>
        %swap3A_1076 = arith.index_cast %select_n3A_623 : i32 to index
        %swap3A_1077 = arith.index_cast %add3A_1074 : i32 to index
        %swap3A_1078 = arith.constant 64 : index
        %swap3A_1079 = tpu.vector_load %arg12[%swap3A_1076, %swap3A_1077, %swap3A_1078] {strides = array<i32>} : memref<3x32x1024xf32, #tpu.memory_space<vmem>>, vector<16xf32>,
        tpu.vector_store %arg12[%swap3A_1076, %swap3A_1077, %swap3A_1078], %select_n3A_1075 {add = true, strides = array<i32>} : memref<3x32x1024xf32, #tpu.memory_space<vmem>>, vector<16xf32>,
        %add3A_1080 = arith.constant 24 : i32
        %add3A_1081 = arith.addi %add3A_1080, %scan3A_735 : i32
        %select_n3A_1082 = arith.select %eq3A_765, %add3A_986, %add3A_982 : vector<16xi1>, vector<16xf32>
        %swap3A_1083 = arith.index_cast %select_n3A_623 : i32 to index
        %swap3A_1084 = arith.index_cast %add3A_1081 : i32 to index
        %swap3A_1085 = arith.constant 80 : index
        %swap3A_1086 = tpu.vector_load %arg12[%swap3A_1083, %swap3A_1084, %swap3A_1085] {strides = array<i32>} : memref<3x32x1024xf32, #tpu.memory_space<vmem>>, vector<16xf32>,
        tpu.vector_store %arg12[%swap3A_1083, %swap3A_1084, %swap3A_1085], %select_n3A_1082 {add = true, strides = array<i32>} : memref<3x32x1024xf32, #tpu.memory_space<vmem>>, vector<16xf32>,
        %add3A_1087 = arith.constant 24 : i32
        %add3A_1088 = arith.addi %add3A_1087, %scan3A_735 : i32
        %select_n3A_1089 = arith.select %eq3A_765, %add3A_987, %add3A_983 : vector<16xi1>, vector<16xf32>
        %swap3A_1090 = arith.index_cast %select_n3A_623 : i32 to index
        %swap3A_1091 = arith.index_cast %add3A_1088 : i32 to index
        %swap3A_1092 = arith.constant 96 : index
        %swap3A_1093 = tpu.vector_load %arg12[%swap3A_1090, %swap3A_1091, %swap3A_1092] {strides = array<i32>} : memref<3x32x1024xf32, #tpu.memory_space<vmem>>, vector<16xf32>,
        tpu.vector_store %arg12[%swap3A_1090, %swap3A_1091, %swap3A_1092], %select_n3A_1089 {add = true, strides = array<i32>} : memref<3x32x1024xf32, #tpu.memory_space<vmem>>, vector<16xf32>,
        %add3A_1094 = arith.constant 24 : i32
        %add3A_1095 = arith.addi %add3A_1094, %scan3A_735 : i32
        %select_n3A_1096 = arith.select %eq3A_765, %add3A_988, %add3A_984 : vector<16xi1>, vector<16xf32>
        %swap3A_1097 = arith.index_cast %select_n3A_623 : i32 to index
        %swap3A_1098 = arith.index_cast %add3A_1095 : i32 to index
        %swap3A_1099 = arith.constant 112 : index
        %swap3A_1100 = tpu.vector_load %arg12[%swap3A_1097, %swap3A_1098, %swap3A_1099] {strides = array<i32>} : memref<3x32x1024xf32, #tpu.memory_space<vmem>>, vector<16xf32>,
        tpu.vector_store %arg12[%swap3A_1097, %swap3A_1098, %swap3A_1099], %select_n3A_1096 {add = true, strides = array<i32>} : memref<3x32x1024xf32, #tpu.memory_space<vmem>>, vector<16xf32>,
        %get3A_1101 = arith.index_cast %select_n3A_639 : i32 to index
        %get3A_1102 = arith.index_cast %scan3A_735 : i32 to index
        %get3A_1103 = arith.constant 128 : index
        %get3A_1104 = tpu.vector_load %arg13[%get3A_1101, %get3A_1102, %get3A_1103] {strides = array<i32>} : memref<2x8x1024xf32, #tpu.memory_space<vmem>>, vector<16xf32>,
        %get3A_1105 = arith.index_cast %select_n3A_639 : i32 to index
        %get3A_1106 = arith.index_cast %scan3A_735 : i32 to index
        %get3A_1107 = arith.constant 144 : index
        %get3A_1108 = tpu.vector_load %arg13[%get3A_1105, %get3A_1106, %get3A_1107] {strides = array<i32>} : memref<2x8x1024xf32, #tpu.memory_space<vmem>>, vector<16xf32>,
        %get3A_1109 = arith.index_cast %select_n3A_639 : i32 to index
        %get3A_1110 = arith.index_cast %scan3A_735 : i32 to index
        %get3A_1111 = arith.constant 160 : index
        %get3A_1112 = tpu.vector_load %arg13[%get3A_1109, %get3A_1110, %get3A_1111] {strides = array<i32>} : memref<2x8x1024xf32, #tpu.memory_space<vmem>>, vector<16xf32>,
        %get3A_1113 = arith.index_cast %select_n3A_639 : i32 to index
        %get3A_1114 = arith.index_cast %scan3A_735 : i32 to index
        %get3A_1115 = arith.constant 176 : index
        %get3A_1116 = tpu.vector_load %arg13[%get3A_1113, %get3A_1114, %get3A_1115] {strides = array<i32>} : memref<2x8x1024xf32, #tpu.memory_space<vmem>>, vector<16xf32>,
        %get3A_1117 = arith.constant 0 : i32
        %get3A_1118 = arith.index_cast %get3A_1117 : i32 to index
        %get3A_1119 = arith.constant 128 : index
        %get3A_1120 = tpu.vector_load %arg14[%get3A_1118, %get3A_1119] {strides = array<i32>} : memref<2x1024xf32, #tpu.memory_space<vmem>>, vector<16xf32>,
        %get3A_1121 = arith.constant 0 : i32
        %get3A_1122 = arith.index_cast %get3A_1121 : i32 to index
        %get3A_1123 = arith.constant 144 : index
        %get3A_1124 = tpu.vector_load %arg14[%get3A_1122, %get3A_1123] {strides = array<i32>} : memref<2x1024xf32, #tpu.memory_space<vmem>>, vector<16xf32>,
        %get3A_1125 = arith.constant 0 : i32
        %get3A_1126 = arith.index_cast %get3A_1125 : i32 to index
        %get3A_1127 = arith.constant 160 : index
        %get3A_1128 = tpu.vector_load %arg14[%get3A_1126, %get3A_1127] {strides = array<i32>} : memref<2x1024xf32, #tpu.memory_space<vmem>>, vector<16xf32>,
        %get3A_1129 = arith.constant 0 : i32
        %get3A_1130 = arith.index_cast %get3A_1129 : i32 to index
        %get3A_1131 = arith.constant 176 : index
        %get3A_1132 = tpu.vector_load %arg14[%get3A_1130, %get3A_1131] {strides = array<i32>} : memref<2x1024xf32, #tpu.memory_space<vmem>>, vector<16xf32>,
        %get3A_1133 = arith.constant 1 : i32
        %get3A_1134 = arith.index_cast %get3A_1133 : i32 to index
        %get3A_1135 = arith.constant 128 : index
        %get3A_1136 = tpu.vector_load %arg14[%get3A_1134, %get3A_1135] {strides = array<i32>} : memref<2x1024xf32, #tpu.memory_space<vmem>>, vector<16xf32>,
        %get3A_1137 = arith.constant 1 : i32
        %get3A_1138 = arith.index_cast %get3A_1137 : i32 to index
        %get3A_1139 = arith.constant 144 : index
        %get3A_1140 = tpu.vector_load %arg14[%get3A_1138, %get3A_1139] {strides = array<i32>} : memref<2x1024xf32, #tpu.memory_space<vmem>>, vector<16xf32>,
        %get3A_1141 = arith.constant 1 : i32
        %get3A_1142 = arith.index_cast %get3A_1141 : i32 to index
        %get3A_1143 = arith.constant 160 : index
        %get3A_1144 = tpu.vector_load %arg14[%get3A_1142, %get3A_1143] {strides = array<i32>} : memref<2x1024xf32, #tpu.memory_space<vmem>>, vector<16xf32>,
        %get3A_1145 = arith.constant 1 : i32
        %get3A_1146 = arith.index_cast %get3A_1145 : i32 to index
        %get3A_1147 = arith.constant 176 : index
        %get3A_1148 = tpu.vector_load %arg14[%get3A_1146, %get3A_1147] {strides = array<i32>} : memref<2x1024xf32, #tpu.memory_space<vmem>>, vector<16xf32>,
        %add3A_1149 = arith.addf %get3A_1104, %get3A_1120 : vector<16xf32>
        %add3A_1150 = arith.addf %get3A_1108, %get3A_1124 : vector<16xf32>
        %add3A_1151 = arith.addf %get3A_1112, %get3A_1128 : vector<16xf32>
        %add3A_1152 = arith.addf %get3A_1116, %get3A_1132 : vector<16xf32>
        %add3A_1153 = arith.addf %get3A_1104, %get3A_1136 : vector<16xf32>
        %add3A_1154 = arith.addf %get3A_1108, %get3A_1140 : vector<16xf32>
        %add3A_1155 = arith.addf %get3A_1112, %get3A_1144 : vector<16xf32>
        %add3A_1156 = arith.addf %get3A_1116, %get3A_1148 : vector<16xf32>
        %add3A_1157 = arith.constant 0 : i32
        %add3A_1158 = arith.addi %add3A_1157, %scan3A_735 : i32
        %select_n3A_1159 = arith.select %eq3A_747, %add3A_1153, %add3A_1149 : vector<16xi1>, vector<16xf32>
        %swap3A_1160 = arith.index_cast %select_n3A_623 : i32 to index
        %swap3A_1161 = arith.index_cast %add3A_1158 : i32 to index
        %swap3A_1162 = arith.constant 128 : index
        %swap3A_1163 = tpu.vector_load %arg12[%swap3A_1160, %swap3A_1161, %swap3A_1162] {strides = array<i32>} : memref<3x32x1024xf32, #tpu.memory_space<vmem>>, vector<16xf32>,
        tpu.vector_store %arg12[%swap3A_1160, %swap3A_1161, %swap3A_1162], %select_n3A_1159 {add = true, strides = array<i32>} : memref<3x32x1024xf32, #tpu.memory_space<vmem>>, vector<16xf32>,
        %add3A_1164 = arith.constant 0 : i32
        %add3A_1165 = arith.addi %add3A_1164, %scan3A_735 : i32
        %select_n3A_1166 = arith.select %eq3A_747, %add3A_1154, %add3A_1150 : vector<16xi1>, vector<16xf32>
        %swap3A_1167 = arith.index_cast %select_n3A_623 : i32 to index
        %swap3A_1168 = arith.index_cast %add3A_1165 : i32 to index
        %swap3A_1169 = arith.constant 144 : index
        %swap3A_1170 = tpu.vector_load %arg12[%swap3A_1167, %swap3A_1168, %swap3A_1169] {strides = array<i32>} : memref<3x32x1024xf32, #tpu.memory_space<vmem>>, vector<16xf32>,
        tpu.vector_store %arg12[%swap3A_1167, %swap3A_1168, %swap3A_1169], %select_n3A_1166 {add = true, strides = array<i32>} : memref<3x32x1024xf32, #tpu.memory_space<vmem>>, vector<16xf32>,
        %add3A_1171 = arith.constant 0 : i32
        %add3A_1172 = arith.addi %add3A_1171, %scan3A_735 : i32
        %select_n3A_1173 = arith.select %eq3A_747, %add3A_1155, %add3A_1151 : vector<16xi1>, vector<16xf32>
        %swap3A_1174 = arith.index_cast %select_n3A_623 : i32 to index
        %swap3A_1175 = arith.index_cast %add3A_1172 : i32 to index
        %swap3A_1176 = arith.constant 160 : index
        %swap3A_1177 = tpu.vector_load %arg12[%swap3A_1174, %swap3A_1175, %swap3A_1176] {strides = array<i32>} : memref<3x32x1024xf32, #tpu.memory_space<vmem>>, vector<16xf32>,
        tpu.vector_store %arg12[%swap3A_1174, %swap3A_1175, %swap3A_1176], %select_n3A_1173 {add = true, strides = array<i32>} : memref<3x32x1024xf32, #tpu.memory_space<vmem>>, vector<16xf32>,
        %add3A_1178 = arith.constant 0 : i32
        %add3A_1179 = arith.addi %add3A_1178, %scan3A_735 : i32
        %select_n3A_1180 = arith.select %eq3A_747, %add3A_1156, %add3A_1152 : vector<16xi1>, vector<16xf32>
        %swap3A_1181 = arith.index_cast %select_n3A_623 : i32 to index
        %swap3A_1182 = arith.index_cast %add3A_1179 : i32 to index
        %swap3A_1183 = arith.constant 176 : index
        %swap3A_1184 = tpu.vector_load %arg12[%swap3A_1181, %swap3A_1182, %swap3A_1183] {strides = array<i32>} : memref<3x32x1024xf32, #tpu.memory_space<vmem>>, vector<16xf32>,
        tpu.vector_store %arg12[%swap3A_1181, %swap3A_1182, %swap3A_1183], %select_n3A_1180 {add = true, strides = array<i32>} : memref<3x32x1024xf32, #tpu.memory_space<vmem>>, vector<16xf32>,
        %add3A_1185 = arith.constant 8 : i32
        %add3A_1186 = arith.addi %add3A_1185, %scan3A_735 : i32
        %select_n3A_1187 = arith.select %eq3A_753, %add3A_1153, %add3A_1149 : vector<16xi1>, vector<16xf32>
        %swap3A_1188 = arith.index_cast %select_n3A_623 : i32 to index
        %swap3A_1189 = arith.index_cast %add3A_1186 : i32 to index
        %swap3A_1190 = arith.constant 128 : index
        %swap3A_1191 = tpu.vector_load %arg12[%swap3A_1188, %swap3A_1189, %swap3A_1190] {strides = array<i32>} : memref<3x32x1024xf32, #tpu.memory_space<vmem>>, vector<16xf32>,
        tpu.vector_store %arg12[%swap3A_1188, %swap3A_1189, %swap3A_1190], %select_n3A_1187 {add = true, strides = array<i32>} : memref<3x32x1024xf32, #tpu.memory_space<vmem>>, vector<16xf32>,
        %add3A_1192 = arith.constant 8 : i32
        %add3A_1193 = arith.addi %add3A_1192, %scan3A_735 : i32
        %select_n3A_1194 = arith.select %eq3A_753, %add3A_1154, %add3A_1150 : vector<16xi1>, vector<16xf32>
        %swap3A_1195 = arith.index_cast %select_n3A_623 : i32 to index
        %swap3A_1196 = arith.index_cast %add3A_1193 : i32 to index
        %swap3A_1197 = arith.constant 144 : index
        %swap3A_1198 = tpu.vector_load %arg12[%swap3A_1195, %swap3A_1196, %swap3A_1197] {strides = array<i32>} : memref<3x32x1024xf32, #tpu.memory_space<vmem>>, vector<16xf32>,
        tpu.vector_store %arg12[%swap3A_1195, %swap3A_1196, %swap3A_1197], %select_n3A_1194 {add = true, strides = array<i32>} : memref<3x32x1024xf32, #tpu.memory_space<vmem>>, vector<16xf32>,
        %add3A_1199 = arith.constant 8 : i32
        %add3A_1200 = arith.addi %add3A_1199, %scan3A_735 : i32
        %select_n3A_1201 = arith.select %eq3A_753, %add3A_1155, %add3A_1151 : vector<16xi1>, vector<16xf32>
        %swap3A_1202 = arith.index_cast %select_n3A_623 : i32 to index
        %swap3A_1203 = arith.index_cast %add3A_1200 : i32 to index
        %swap3A_1204 = arith.constant 160 : index
        %swap3A_1205 = tpu.vector_load %arg12[%swap3A_1202, %swap3A_1203, %swap3A_1204] {strides = array<i32>} : memref<3x32x1024xf32, #tpu.memory_space<vmem>>, vector<16xf32>,
        tpu.vector_store %arg12[%swap3A_1202, %swap3A_1203, %swap3A_1204], %select_n3A_1201 {add = true, strides = array<i32>} : memref<3x32x1024xf32, #tpu.memory_space<vmem>>, vector<16xf32>,
        %add3A_1206 = arith.constant 8 : i32
        %add3A_1207 = arith.addi %add3A_1206, %scan3A_735 : i32
        %select_n3A_1208 = arith.select %eq3A_753, %add3A_1156, %add3A_1152 : vector<16xi1>, vector<16xf32>
        %swap3A_1209 = arith.index_cast %select_n3A_623 : i32 to index
        %swap3A_1210 = arith.index_cast %add3A_1207 : i32 to index
        %swap3A_1211 = arith.constant 176 : index
        %swap3A_1212 = tpu.vector_load %arg12[%swap3A_1209, %swap3A_1210, %swap3A_1211] {strides = array<i32>} : memref<3x32x1024xf32, #tpu.memory_space<vmem>>, vector<16xf32>,
        tpu.vector_store %arg12[%swap3A_1209, %swap3A_1210, %swap3A_1211], %select_n3A_1208 {add = true, strides = array<i32>} : memref<3x32x1024xf32, #tpu.memory_space<vmem>>, vector<16xf32>,
        %add3A_1213 = arith.constant 16 : i32
        %add3A_1214 = arith.addi %add3A_1213, %scan3A_735 : i32
        %select_n3A_1215 = arith.select %eq3A_759, %add3A_1153, %add3A_1149 : vector<16xi1>, vector<16xf32>
        %swap3A_1216 = arith.index_cast %select_n3A_623 : i32 to index
        %swap3A_1217 = arith.index_cast %add3A_1214 : i32 to index
        %swap3A_1218 = arith.constant 128 : index
        %swap3A_1219 = tpu.vector_load %arg12[%swap3A_1216, %swap3A_1217, %swap3A_1218] {strides = array<i32>} : memref<3x32x1024xf32, #tpu.memory_space<vmem>>, vector<16xf32>,
        tpu.vector_store %arg12[%swap3A_1216, %swap3A_1217, %swap3A_1218], %select_n3A_1215 {add = true, strides = array<i32>} : memref<3x32x1024xf32, #tpu.memory_space<vmem>>, vector<16xf32>,
        %add3A_1220 = arith.constant 16 : i32
        %add3A_1221 = arith.addi %add3A_1220, %scan3A_735 : i32
        %select_n3A_1222 = arith.select %eq3A_759, %add3A_1154, %add3A_1150 : vector<16xi1>, vector<16xf32>
        %swap3A_1223 = arith.index_cast %select_n3A_623 : i32 to index
        %swap3A_1224 = arith.index_cast %add3A_1221 : i32 to index
        %swap3A_1225 = arith.constant 144 : index
        %swap3A_1226 = tpu.vector_load %arg12[%swap3A_1223, %swap3A_1224, %swap3A_1225] {strides = array<i32>} : memref<3x32x1024xf32, #tpu.memory_space<vmem>>, vector<16xf32>,
        tpu.vector_store %arg12[%swap3A_1223, %swap3A_1224, %swap3A_1225], %select_n3A_1222 {add = true, strides = array<i32>} : memref<3x32x1024xf32, #tpu.memory_space<vmem>>, vector<16xf32>,
        %add3A_1227 = arith.constant 16 : i32
        %add3A_1228 = arith.addi %add3A_1227, %scan3A_735 : i32
        %select_n3A_1229 = arith.select %eq3A_759, %add3A_1155, %add3A_1151 : vector<16xi1>, vector<16xf32>
        %swap3A_1230 = arith.index_cast %select_n3A_623 : i32 to index
        %swap3A_1231 = arith.index_cast %add3A_1228 : i32 to index
        %swap3A_1232 = arith.constant 160 : index
        %swap3A_1233 = tpu.vector_load %arg12[%swap3A_1230, %swap3A_1231, %swap3A_1232] {strides = array<i32>} : memref<3x32x1024xf32, #tpu.memory_space<vmem>>, vector<16xf32>,
        tpu.vector_store %arg12[%swap3A_1230, %swap3A_1231, %swap3A_1232], %select_n3A_1229 {add = true, strides = array<i32>} : memref<3x32x1024xf32, #tpu.memory_space<vmem>>, vector<16xf32>,
        %add3A_1234 = arith.constant 16 : i32
        %add3A_1235 = arith.addi %add3A_1234, %scan3A_735 : i32
        %select_n3A_1236 = arith.select %eq3A_759, %add3A_1156, %add3A_1152 : vector<16xi1>, vector<16xf32>
        %swap3A_1237 = arith.index_cast %select_n3A_623 : i32 to index
        %swap3A_1238 = arith.index_cast %add3A_1235 : i32 to index
        %swap3A_1239 = arith.constant 176 : index
        %swap3A_1240 = tpu.vector_load %arg12[%swap3A_1237, %swap3A_1238, %swap3A_1239] {strides = array<i32>} : memref<3x32x1024xf32, #tpu.memory_space<vmem>>, vector<16xf32>,
        tpu.vector_store %arg12[%swap3A_1237, %swap3A_1238, %swap3A_1239], %select_n3A_1236 {add = true, strides = array<i32>} : memref<3x32x1024xf32, #tpu.memory_space<vmem>>, vector<16xf32>,
        %add3A_1241 = arith.constant 24 : i32
        %add3A_1242 = arith.addi %add3A_1241, %scan3A_735 : i32
        %select_n3A_1243 = arith.select %eq3A_765, %add3A_1153, %add3A_1149 : vector<16xi1>, vector<16xf32>
        %swap3A_1244 = arith.index_cast %select_n3A_623 : i32 to index
        %swap3A_1245 = arith.index_cast %add3A_1242 : i32 to index
        %swap3A_1246 = arith.constant 128 : index
        %swap3A_1247 = tpu.vector_load %arg12[%swap3A_1244, %swap3A_1245, %swap3A_1246] {strides = array<i32>} : memref<3x32x1024xf32, #tpu.memory_space<vmem>>, vector<16xf32>,
        tpu.vector_store %arg12[%swap3A_1244, %swap3A_1245, %swap3A_1246], %select_n3A_1243 {add = true, strides = array<i32>} : memref<3x32x1024xf32, #tpu.memory_space<vmem>>, vector<16xf32>,
        %add3A_1248 = arith.constant 24 : i32
        %add3A_1249 = arith.addi %add3A_1248, %scan3A_735 : i32
        %select_n3A_1250 = arith.select %eq3A_765, %add3A_1154, %add3A_1150 : vector<16xi1>, vector<16xf32>
        %swap3A_1251 = arith.index_cast %select_n3A_623 : i32 to index
        %swap3A_1252 = arith.index_cast %add3A_1249 : i32 to index
        %swap3A_1253 = arith.constant 144 : index
        %swap3A_1254 = tpu.vector_load %arg12[%swap3A_1251, %swap3A_1252, %swap3A_1253] {strides = array<i32>} : memref<3x32x1024xf32, #tpu.memory_space<vmem>>, vector<16xf32>,
        tpu.vector_store %arg12[%swap3A_1251, %swap3A_1252, %swap3A_1253], %select_n3A_1250 {add = true, strides = array<i32>} : memref<3x32x1024xf32, #tpu.memory_space<vmem>>, vector<16xf32>,
        %add3A_1255 = arith.constant 24 : i32
        %add3A_1256 = arith.addi %add3A_1255, %scan3A_735 : i32
        %select_n3A_1257 = arith.select %eq3A_765, %add3A_1155, %add3A_1151 : vector<16xi1>, vector<16xf32>
        %swap3A_1258 = arith.index_cast %select_n3A_623 : i32 to index
        %swap3A_1259 = arith.index_cast %add3A_1256 : i32 to index
        %swap3A_1260 = arith.constant 160 : index
        %swap3A_1261 = tpu.vector_load %arg12[%swap3A_1258, %swap3A_1259, %swap3A_1260] {strides = array<i32>} : memref<3x32x1024xf32, #tpu.memory_space<vmem>>, vector<16xf32>,
        tpu.vector_store %arg12[%swap3A_1258, %swap3A_1259, %swap3A_1260], %select_n3A_1257 {add = true, strides = array<i32>} : memref<3x32x1024xf32, #tpu.memory_space<vmem>>, vector<16xf32>,
        %add3A_1262 = arith.constant 24 : i32
        %add3A_1263 = arith.addi %add3A_1262, %scan3A_735 : i32
        %select_n3A_1264 = arith.select %eq3A_765, %add3A_1156, %add3A_1152 : vector<16xi1>, vector<16xf32>
        %swap3A_1265 = arith.index_cast %select_n3A_623 : i32 to index
        %swap3A_1266 = arith.index_cast %add3A_1263 : i32 to index
        %swap3A_1267 = arith.constant 176 : index
        %swap3A_1268 = tpu.vector_load %arg12[%swap3A_1265, %swap3A_1266, %swap3A_1267] {strides = array<i32>} : memref<3x32x1024xf32, #tpu.memory_space<vmem>>, vector<16xf32>,
        tpu.vector_store %arg12[%swap3A_1265, %swap3A_1266, %swap3A_1267], %select_n3A_1264 {add = true, strides = array<i32>} : memref<3x32x1024xf32, #tpu.memory_space<vmem>>, vector<16xf32>,
        %get3A_1269 = arith.index_cast %select_n3A_639 : i32 to index
        %get3A_1270 = arith.index_cast %scan3A_735 : i32 to index
        %get3A_1271 = arith.constant 192 : index
        %get3A_1272 = tpu.vector_load %arg13[%get3A_1269, %get3A_1270, %get3A_1271] {strides = array<i32>} : memref<2x8x1024xf32, #tpu.memory_space<vmem>>, vector<16xf32>,
        %get3A_1273 = arith.index_cast %select_n3A_639 : i32 to index
        %get3A_1274 = arith.index_cast %scan3A_735 : i32 to index
        %get3A_1275 = arith.constant 208 : index
        %get3A_1276 = tpu.vector_load %arg13[%get3A_1273, %get3A_1274, %get3A_1275] {strides = array<i32>} : memref<2x8x1024xf32, #tpu.memory_space<vmem>>, vector<16xf32>,
        %get3A_1277 = arith.index_cast %select_n3A_639 : i32 to index
        %get3A_1278 = arith.index_cast %scan3A_735 : i32 to index
        %get3A_1279 = arith.constant 224 : index
        %get3A_1280 = tpu.vector_load %arg13[%get3A_1277, %get3A_1278, %get3A_1279] {strides = array<i32>} : memref<2x8x1024xf32, #tpu.memory_space<vmem>>, vector<16xf32>,
        %get3A_1281 = arith.index_cast %select_n3A_639 : i32 to index
        %get3A_1282 = arith.index_cast %scan3A_735 : i32 to index
        %get3A_1283 = arith.constant 240 : index
        %get3A_1284 = tpu.vector_load %arg13[%get3A_1281, %get3A_1282, %get3A_1283] {strides = array<i32>} : memref<2x8x1024xf32, #tpu.memory_space<vmem>>, vector<16xf32>,
        %get3A_1285 = arith.constant 0 : i32
        %get3A_1286 = arith.index_cast %get3A_1285 : i32 to index
        %get3A_1287 = arith.constant 192 : index
        %get3A_1288 = tpu.vector_load %arg14[%get3A_1286, %get3A_1287] {strides = array<i32>} : memref<2x1024xf32, #tpu.memory_space<vmem>>, vector<16xf32>,
        %get3A_1289 = arith.constant 0 : i32
        %get3A_1290 = arith.index_cast %get3A_1289 : i32 to index
        %get3A_1291 = arith.constant 208 : index
        %get3A_1292 = tpu.vector_load %arg14[%get3A_1290, %get3A_1291] {strides = array<i32>} : memref<2x1024xf32, #tpu.memory_space<vmem>>, vector<16xf32>,
        %get3A_1293 = arith.constant 0 : i32
        %get3A_1294 = arith.index_cast %get3A_1293 : i32 to index
        %get3A_1295 = arith.constant 224 : index
        %get3A_1296 = tpu.vector_load %arg14[%get3A_1294, %get3A_1295] {strides = array<i32>} : memref<2x1024xf32, #tpu.memory_space<vmem>>, vector<16xf32>,
        %get3A_1297 = arith.constant 0 : i32
        %get3A_1298 = arith.index_cast %get3A_1297 : i32 to index
        %get3A_1299 = arith.constant 240 : index
        %get3A_1300 = tpu.vector_load %arg14[%get3A_1298, %get3A_1299] {strides = array<i32>} : memref<2x1024xf32, #tpu.memory_space<vmem>>, vector<16xf32>,
        %get3A_1301 = arith.constant 1 : i32
        %get3A_1302 = arith.index_cast %get3A_1301 : i32 to index
        %get3A_1303 = arith.constant 192 : index
        %get3A_1304 = tpu.vector_load %arg14[%get3A_1302, %get3A_1303] {strides = array<i32>} : memref<2x1024xf32, #tpu.memory_space<vmem>>, vector<16xf32>,
        %get3A_1305 = arith.constant 1 : i32
        %get3A_1306 = arith.index_cast %get3A_1305 : i32 to index
        %get3A_1307 = arith.constant 208 : index
        %get3A_1308 = tpu.vector_load %arg14[%get3A_1306, %get3A_1307] {strides = array<i32>} : memref<2x1024xf32, #tpu.memory_space<vmem>>, vector<16xf32>,
        %get3A_1309 = arith.constant 1 : i32
        %get3A_1310 = arith.index_cast %get3A_1309 : i32 to index
        %get3A_1311 = arith.constant 224 : index
        %get3A_1312 = tpu.vector_load %arg14[%get3A_1310, %get3A_1311] {strides = array<i32>} : memref<2x1024xf32, #tpu.memory_space<vmem>>, vector<16xf32>,
        %get3A_1313 = arith.constant 1 : i32
        %get3A_1314 = arith.index_cast %get3A_1313 : i32 to index
        %get3A_1315 = arith.constant 240 : index
        %get3A_1316 = tpu.vector_load %arg14[%get3A_1314, %get3A_1315] {strides = array<i32>} : memref<2x1024xf32, #tpu.memory_space<vmem>>, vector<16xf32>,
        %add3A_1317 = arith.addf %get3A_1272, %get3A_1288 : vector<16xf32>
        %add3A_1318 = arith.addf %get3A_1276, %get3A_1292 : vector<16xf32>
        %add3A_1319 = arith.addf %get3A_1280, %get3A_1296 : vector<16xf32>
        %add3A_1320 = arith.addf %get3A_1284, %get3A_1300 : vector<16xf32>
        %add3A_1321 = arith.addf %get3A_1272, %get3A_1304 : vector<16xf32>
        %add3A_1322 = arith.addf %get3A_1276, %get3A_1308 : vector<16xf32>
        %add3A_1323 = arith.addf %get3A_1280, %get3A_1312 : vector<16xf32>
        %add3A_1324 = arith.addf %get3A_1284, %get3A_1316 : vector<16xf32>
        %add3A_1325 = arith.constant 0 : i32
        %add3A_1326 = arith.addi %add3A_1325, %scan3A_735 : i32
        %select_n3A_1327 = arith.select %eq3A_747, %add3A_1321, %add3A_1317 : vector<16xi1>, vector<16xf32>
        %swap3A_1328 = arith.index_cast %select_n3A_623 : i32 to index
        %swap3A_1329 = arith.index_cast %add3A_1326 : i32 to index
        %swap3A_1330 = arith.constant 192 : index
        %swap3A_1331 = tpu.vector_load %arg12[%swap3A_1328, %swap3A_1329, %swap3A_1330] {strides = array<i32>} : memref<3x32x1024xf32, #tpu.memory_space<vmem>>, vector<16xf32>,
        tpu.vector_store %arg12[%swap3A_1328, %swap3A_1329, %swap3A_1330], %select_n3A_1327 {add = true, strides = array<i32>} : memref<3x32x1024xf32, #tpu.memory_space<vmem>>, vector<16xf32>,
        %add3A_1332 = arith.constant 0 : i32
        %add3A_1333 = arith.addi %add3A_1332, %scan3A_735 : i32
        %select_n3A_1334 = arith.select %eq3A_747, %add3A_1322, %add3A_1318 : vector<16xi1>, vector<16xf32>
        %swap3A_1335 = arith.index_cast %select_n3A_623 : i32 to index
        %swap3A_1336 = arith.index_cast %add3A_1333 : i32 to index
        %swap3A_1337 = arith.constant 208 : index
        %swap3A_1338 = tpu.vector_load %arg12[%swap3A_1335, %swap3A_1336, %swap3A_1337] {strides = array<i32>} : memref<3x32x1024xf32, #tpu.memory_space<vmem>>, vector<16xf32>,
        tpu.vector_store %arg12[%swap3A_1335, %swap3A_1336, %swap3A_1337], %select_n3A_1334 {add = true, strides = array<i32>} : memref<3x32x1024xf32, #tpu.memory_space<vmem>>, vector<16xf32>,
        %add3A_1339 = arith.constant 0 : i32
        %add3A_1340 = arith.addi %add3A_1339, %scan3A_735 : i32
        %select_n3A_1341 = arith.select %eq3A_747, %add3A_1323, %add3A_1319 : vector<16xi1>, vector<16xf32>
        %swap3A_1342 = arith.index_cast %select_n3A_623 : i32 to index
        %swap3A_1343 = arith.index_cast %add3A_1340 : i32 to index
        %swap3A_1344 = arith.constant 224 : index
        %swap3A_1345 = tpu.vector_load %arg12[%swap3A_1342, %swap3A_1343, %swap3A_1344] {strides = array<i32>} : memref<3x32x1024xf32, #tpu.memory_space<vmem>>, vector<16xf32>,
        tpu.vector_store %arg12[%swap3A_1342, %swap3A_1343, %swap3A_1344], %select_n3A_1341 {add = true, strides = array<i32>} : memref<3x32x1024xf32, #tpu.memory_space<vmem>>, vector<16xf32>,
        %add3A_1346 = arith.constant 0 : i32
        %add3A_1347 = arith.addi %add3A_1346, %scan3A_735 : i32
        %select_n3A_1348 = arith.select %eq3A_747, %add3A_1324, %add3A_1320 : vector<16xi1>, vector<16xf32>
        %swap3A_1349 = arith.index_cast %select_n3A_623 : i32 to index
        %swap3A_1350 = arith.index_cast %add3A_1347 : i32 to index
        %swap3A_1351 = arith.constant 240 : index
        %swap3A_1352 = tpu.vector_load %arg12[%swap3A_1349, %swap3A_1350, %swap3A_1351] {strides = array<i32>} : memref<3x32x1024xf32, #tpu.memory_space<vmem>>, vector<16xf32>,
        tpu.vector_store %arg12[%swap3A_1349, %swap3A_1350, %swap3A_1351], %select_n3A_1348 {add = true, strides = array<i32>} : memref<3x32x1024xf32, #tpu.memory_space<vmem>>, vector<16xf32>,
        %add3A_1353 = arith.constant 8 : i32
        %add3A_1354 = arith.addi %add3A_1353, %scan3A_735 : i32
        %select_n3A_1355 = arith.select %eq3A_753, %add3A_1321, %add3A_1317 : vector<16xi1>, vector<16xf32>
        %swap3A_1356 = arith.index_cast %select_n3A_623 : i32 to index
        %swap3A_1357 = arith.index_cast %add3A_1354 : i32 to index
        %swap3A_1358 = arith.constant 192 : index
        %swap3A_1359 = tpu.vector_load %arg12[%swap3A_1356, %swap3A_1357, %swap3A_1358] {strides = array<i32>} : memref<3x32x1024xf32, #tpu.memory_space<vmem>>, vector<16xf32>,
        tpu.vector_store %arg12[%swap3A_1356, %swap3A_1357, %swap3A_1358], %select_n3A_1355 {add = true, strides = array<i32>} : memref<3x32x1024xf32, #tpu.memory_space<vmem>>, vector<16xf32>,
        %add3A_1360 = arith.constant 8 : i32
        %add3A_1361 = arith.addi %add3A_1360, %scan3A_735 : i32
        %select_n3A_1362 = arith.select %eq3A_753, %add3A_1322, %add3A_1318 : vector<16xi1>, vector<16xf32>
        %swap3A_1363 = arith.index_cast %select_n3A_623 : i32 to index
        %swap3A_1364 = arith.index_cast %add3A_1361 : i32 to index
        %swap3A_1365 = arith.constant 208 : index
        %swap3A_1366 = tpu.vector_load %arg12[%swap3A_1363, %swap3A_1364, %swap3A_1365] {strides = array<i32>} : memref<3x32x1024xf32, #tpu.memory_space<vmem>>, vector<16xf32>,
        tpu.vector_store %arg12[%swap3A_1363, %swap3A_1364, %swap3A_1365], %select_n3A_1362 {add = true, strides = array<i32>} : memref<3x32x1024xf32, #tpu.memory_space<vmem>>, vector<16xf32>,
        %add3A_1367 = arith.constant 8 : i32
        %add3A_1368 = arith.addi %add3A_1367, %scan3A_735 : i32
        %select_n3A_1369 = arith.select %eq3A_753, %add3A_1323, %add3A_1319 : vector<16xi1>, vector<16xf32>
        %swap3A_1370 = arith.index_cast %select_n3A_623 : i32 to index
        %swap3A_1371 = arith.index_cast %add3A_1368 : i32 to index
        %swap3A_1372 = arith.constant 224 : index
        %swap3A_1373 = tpu.vector_load %arg12[%swap3A_1370, %swap3A_1371, %swap3A_1372] {strides = array<i32>} : memref<3x32x1024xf32, #tpu.memory_space<vmem>>, vector<16xf32>,
        tpu.vector_store %arg12[%swap3A_1370, %swap3A_1371, %swap3A_1372], %select_n3A_1369 {add = true, strides = array<i32>} : memref<3x32x1024xf32, #tpu.memory_space<vmem>>, vector<16xf32>,
        %add3A_1374 = arith.constant 8 : i32
        %add3A_1375 = arith.addi %add3A_1374, %scan3A_735 : i32
        %select_n3A_1376 = arith.select %eq3A_753, %add3A_1324, %add3A_1320 : vector<16xi1>, vector<16xf32>
        %swap3A_1377 = arith.index_cast %select_n3A_623 : i32 to index
        %swap3A_1378 = arith.index_cast %add3A_1375 : i32 to index
        %swap3A_1379 = arith.constant 240 : index
        %swap3A_1380 = tpu.vector_load %arg12[%swap3A_1377, %swap3A_1378, %swap3A_1379] {strides = array<i32>} : memref<3x32x1024xf32, #tpu.memory_space<vmem>>, vector<16xf32>,
        tpu.vector_store %arg12[%swap3A_1377, %swap3A_1378, %swap3A_1379], %select_n3A_1376 {add = true, strides = array<i32>} : memref<3x32x1024xf32, #tpu.memory_space<vmem>>, vector<16xf32>,
        %add3A_1381 = arith.constant 16 : i32
        %add3A_1382 = arith.addi %add3A_1381, %scan3A_735 : i32
        %select_n3A_1383 = arith.select %eq3A_759, %add3A_1321, %add3A_1317 : vector<16xi1>, vector<16xf32>
        %swap3A_1384 = arith.index_cast %select_n3A_623 : i32 to index
        %swap3A_1385 = arith.index_cast %add3A_1382 : i32 to index
        %swap3A_1386 = arith.constant 192 : index
        %swap3A_1387 = tpu.vector_load %arg12[%swap3A_1384, %swap3A_1385, %swap3A_1386] {strides = array<i32>} : memref<3x32x1024xf32, #tpu.memory_space<vmem>>, vector<16xf32>,
        tpu.vector_store %arg12[%swap3A_1384, %swap3A_1385, %swap3A_1386], %select_n3A_1383 {add = true, strides = array<i32>} : memref<3x32x1024xf32, #tpu.memory_space<vmem>>, vector<16xf32>,
        %add3A_1388 = arith.constant 16 : i32
        %add3A_1389 = arith.addi %add3A_1388, %scan3A_735 : i32
        %select_n3A_1390 = arith.select %eq3A_759, %add3A_1322, %add3A_1318 : vector<16xi1>, vector<16xf32>
        %swap3A_1391 = arith.index_cast %select_n3A_623 : i32 to index
        %swap3A_1392 = arith.index_cast %add3A_1389 : i32 to index
        %swap3A_1393 = arith.constant 208 : index
        %swap3A_1394 = tpu.vector_load %arg12[%swap3A_1391, %swap3A_1392, %swap3A_1393] {strides = array<i32>} : memref<3x32x1024xf32, #tpu.memory_space<vmem>>, vector<16xf32>,
        tpu.vector_store %arg12[%swap3A_1391, %swap3A_1392, %swap3A_1393], %select_n3A_1390 {add = true, strides = array<i32>} : memref<3x32x1024xf32, #tpu.memory_space<vmem>>, vector<16xf32>,
        %add3A_1395 = arith.constant 16 : i32
        %add3A_1396 = arith.addi %add3A_1395, %scan3A_735 : i32
        %select_n3A_1397 = arith.select %eq3A_759, %add3A_1323, %add3A_1319 : vector<16xi1>, vector<16xf32>
        %swap3A_1398 = arith.index_cast %select_n3A_623 : i32 to index
        %swap3A_1399 = arith.index_cast %add3A_1396 : i32 to index
        %swap3A_1400 = arith.constant 224 : index
        %swap3A_1401 = tpu.vector_load %arg12[%swap3A_1398, %swap3A_1399, %swap3A_1400] {strides = array<i32>} : memref<3x32x1024xf32, #tpu.memory_space<vmem>>, vector<16xf32>,
        tpu.vector_store %arg12[%swap3A_1398, %swap3A_1399, %swap3A_1400], %select_n3A_1397 {add = true, strides = array<i32>} : memref<3x32x1024xf32, #tpu.memory_space<vmem>>, vector<16xf32>,
        %add3A_1402 = arith.constant 16 : i32
        %add3A_1403 = arith.addi %add3A_1402, %scan3A_735 : i32
        %select_n3A_1404 = arith.select %eq3A_759, %add3A_1324, %add3A_1320 : vector<16xi1>, vector<16xf32>
        %swap3A_1405 = arith.index_cast %select_n3A_623 : i32 to index
        %swap3A_1406 = arith.index_cast %add3A_1403 : i32 to index
        %swap3A_1407 = arith.constant 240 : index
        %swap3A_1408 = tpu.vector_load %arg12[%swap3A_1405, %swap3A_1406, %swap3A_1407] {strides = array<i32>} : memref<3x32x1024xf32, #tpu.memory_space<vmem>>, vector<16xf32>,
        tpu.vector_store %arg12[%swap3A_1405, %swap3A_1406, %swap3A_1407], %select_n3A_1404 {add = true, strides = array<i32>} : memref<3x32x1024xf32, #tpu.memory_space<vmem>>, vector<16xf32>,
        %add3A_1409 = arith.constant 24 : i32
        %add3A_1410 = arith.addi %add3A_1409, %scan3A_735 : i32
        %select_n3A_1411 = arith.select %eq3A_765, %add3A_1321, %add3A_1317 : vector<16xi1>, vector<16xf32>
        %swap3A_1412 = arith.index_cast %select_n3A_623 : i32 to index
        %swap3A_1413 = arith.index_cast %add3A_1410 : i32 to index
        %swap3A_1414 = arith.constant 192 : index
        %swap3A_1415 = tpu.vector_load %arg12[%swap3A_1412, %swap3A_1413, %swap3A_1414] {strides = array<i32>} : memref<3x32x1024xf32, #tpu.memory_space<vmem>>, vector<16xf32>,
        tpu.vector_store %arg12[%swap3A_1412, %swap3A_1413, %swap3A_1414], %select_n3A_1411 {add = true, strides = array<i32>} : memref<3x32x1024xf32, #tpu.memory_space<vmem>>, vector<16xf32>,
        %add3A_1416 = arith.constant 24 : i32
        %add3A_1417 = arith.addi %add3A_1416, %scan3A_735 : i32
        %select_n3A_1418 = arith.select %eq3A_765, %add3A_1322, %add3A_1318 : vector<16xi1>, vector<16xf32>
        %swap3A_1419 = arith.index_cast %select_n3A_623 : i32 to index
        %swap3A_1420 = arith.index_cast %add3A_1417 : i32 to index
        %swap3A_1421 = arith.constant 208 : index
        %swap3A_1422 = tpu.vector_load %arg12[%swap3A_1419, %swap3A_1420, %swap3A_1421] {strides = array<i32>} : memref<3x32x1024xf32, #tpu.memory_space<vmem>>, vector<16xf32>,
        tpu.vector_store %arg12[%swap3A_1419, %swap3A_1420, %swap3A_1421], %select_n3A_1418 {add = true, strides = array<i32>} : memref<3x32x1024xf32, #tpu.memory_space<vmem>>, vector<16xf32>,
        %add3A_1423 = arith.constant 24 : i32
        %add3A_1424 = arith.addi %add3A_1423, %scan3A_735 : i32
        %select_n3A_1425 = arith.select %eq3A_765, %add3A_1323, %add3A_1319 : vector<16xi1>, vector<16xf32>
        %swap3A_1426 = arith.index_cast %select_n3A_623 : i32 to index
        %swap3A_1427 = arith.index_cast %add3A_1424 : i32 to index
        %swap3A_1428 = arith.constant 224 : index
        %swap3A_1429 = tpu.vector_load %arg12[%swap3A_1426, %swap3A_1427, %swap3A_1428] {strides = array<i32>} : memref<3x32x1024xf32, #tpu.memory_space<vmem>>, vector<16xf32>,
        tpu.vector_store %arg12[%swap3A_1426, %swap3A_1427, %swap3A_1428], %select_n3A_1425 {add = true, strides = array<i32>} : memref<3x32x1024xf32, #tpu.memory_space<vmem>>, vector<16xf32>,
        %add3A_1430 = arith.constant 24 : i32
        %add3A_1431 = arith.addi %add3A_1430, %scan3A_735 : i32
        %select_n3A_1432 = arith.select %eq3A_765, %add3A_1324, %add3A_1320 : vector<16xi1>, vector<16xf32>
        %swap3A_1433 = arith.index_cast %select_n3A_623 : i32 to index
        %swap3A_1434 = arith.index_cast %add3A_1431 : i32 to index
        %swap3A_1435 = arith.constant 240 : index
        %swap3A_1436 = tpu.vector_load %arg12[%swap3A_1433, %swap3A_1434, %swap3A_1435] {strides = array<i32>} : memref<3x32x1024xf32, #tpu.memory_space<vmem>>, vector<16xf32>,
        tpu.vector_store %arg12[%swap3A_1433, %swap3A_1434, %swap3A_1435], %select_n3A_1432 {add = true, strides = array<i32>} : memref<3x32x1024xf32, #tpu.memory_space<vmem>>, vector<16xf32>,
        %get3A_1437 = arith.index_cast %select_n3A_639 : i32 to index
        %get3A_1438 = arith.index_cast %scan3A_735 : i32 to index
        %get3A_1439 = arith.constant 256 : index
        %get3A_1440 = tpu.vector_load %arg13[%get3A_1437, %get3A_1438, %get3A_1439] {strides = array<i32>} : memref<2x8x1024xf32, #tpu.memory_space<vmem>>, vector<16xf32>,
        %get3A_1441 = arith.index_cast %select_n3A_639 : i32 to index
        %get3A_1442 = arith.index_cast %scan3A_735 : i32 to index
        %get3A_1443 = arith.constant 272 : index
        %get3A_1444 = tpu.vector_load %arg13[%get3A_1441, %get3A_1442, %get3A_1443] {strides = array<i32>} : memref<2x8x1024xf32, #tpu.memory_space<vmem>>, vector<16xf32>,
        %get3A_1445 = arith.index_cast %select_n3A_639 : i32 to index
        %get3A_1446 = arith.index_cast %scan3A_735 : i32 to index
        %get3A_1447 = arith.constant 288 : index
        %get3A_1448 = tpu.vector_load %arg13[%get3A_1445, %get3A_1446, %get3A_1447] {strides = array<i32>} : memref<2x8x1024xf32, #tpu.memory_space<vmem>>, vector<16xf32>,
        %get3A_1449 = arith.index_cast %select_n3A_639 : i32 to index
        %get3A_1450 = arith.index_cast %scan3A_735 : i32 to index
        %get3A_1451 = arith.constant 304 : index
        %get3A_1452 = tpu.vector_load %arg13[%get3A_1449, %get3A_1450, %get3A_1451] {strides = array<i32>} : memref<2x8x1024xf32, #tpu.memory_space<vmem>>, vector<16xf32>,
        %get3A_1453 = arith.constant 0 : i32
        %get3A_1454 = arith.index_cast %get3A_1453 : i32 to index
        %get3A_1455 = arith.constant 256 : index
        %get3A_1456 = tpu.vector_load %arg14[%get3A_1454, %get3A_1455] {strides = array<i32>} : memref<2x1024xf32, #tpu.memory_space<vmem>>, vector<16xf32>,
        %get3A_1457 = arith.constant 0 : i32
        %get3A_1458 = arith.index_cast %get3A_1457 : i32 to index
        %get3A_1459 = arith.constant 272 : index
        %get3A_1460 = tpu.vector_load %arg14[%get3A_1458, %get3A_1459] {strides = array<i32>} : memref<2x1024xf32, #tpu.memory_space<vmem>>, vector<16xf32>,
        %get3A_1461 = arith.constant 0 : i32
        %get3A_1462 = arith.index_cast %get3A_1461 : i32 to index
        %get3A_1463 = arith.constant 288 : index
        %get3A_1464 = tpu.vector_load %arg14[%get3A_1462, %get3A_1463] {strides = array<i32>} : memref<2x1024xf32, #tpu.memory_space<vmem>>, vector<16xf32>,
        %get3A_1465 = arith.constant 0 : i32
        %get3A_1466 = arith.index_cast %get3A_1465 : i32 to index
        %get3A_1467 = arith.constant 304 : index
        %get3A_1468 = tpu.vector_load %arg14[%get3A_1466, %get3A_1467] {strides = array<i32>} : memref<2x1024xf32, #tpu.memory_space<vmem>>, vector<16xf32>,
        %get3A_1469 = arith.constant 1 : i32
        %get3A_1470 = arith.index_cast %get3A_1469 : i32 to index
        %get3A_1471 = arith.constant 256 : index
        %get3A_1472 = tpu.vector_load %arg14[%get3A_1470, %get3A_1471] {strides = array<i32>} : memref<2x1024xf32, #tpu.memory_space<vmem>>, vector<16xf32>,
        %get3A_1473 = arith.constant 1 : i32
        %get3A_1474 = arith.index_cast %get3A_1473 : i32 to index
        %get3A_1475 = arith.constant 272 : index
        %get3A_1476 = tpu.vector_load %arg14[%get3A_1474, %get3A_1475] {strides = array<i32>} : memref<2x1024xf32, #tpu.memory_space<vmem>>, vector<16xf32>,
        %get3A_1477 = arith.constant 1 : i32
        %get3A_1478 = arith.index_cast %get3A_1477 : i32 to index
        %get3A_1479 = arith.constant 288 : index
        %get3A_1480 = tpu.vector_load %arg14[%get3A_1478, %get3A_1479] {strides = array<i32>} : memref<2x1024xf32, #tpu.memory_space<vmem>>, vector<16xf32>,
        %get3A_1481 = arith.constant 1 : i32
        %get3A_1482 = arith.index_cast %get3A_1481 : i32 to index
        %get3A_1483 = arith.constant 304 : index
        %get3A_1484 = tpu.vector_load %arg14[%get3A_1482, %get3A_1483] {strides = array<i32>} : memref<2x1024xf32, #tpu.memory_space<vmem>>, vector<16xf32>,
        %add3A_1485 = arith.addf %get3A_1440, %get3A_1456 : vector<16xf32>
        %add3A_1486 = arith.addf %get3A_1444, %get3A_1460 : vector<16xf32>
        %add3A_1487 = arith.addf %get3A_1448, %get3A_1464 : vector<16xf32>
        %add3A_1488 = arith.addf %get3A_1452, %get3A_1468 : vector<16xf32>
        %add3A_1489 = arith.addf %get3A_1440, %get3A_1472 : vector<16xf32>
        %add3A_1490 = arith.addf %get3A_1444, %get3A_1476 : vector<16xf32>
        %add3A_1491 = arith.addf %get3A_1448, %get3A_1480 : vector<16xf32>
        %add3A_1492 = arith.addf %get3A_1452, %get3A_1484 : vector<16xf32>
        %add3A_1493 = arith.constant 0 : i32
        %add3A_1494 = arith.addi %add3A_1493, %scan3A_735 : i32
        %select_n3A_1495 = arith.select %eq3A_747, %add3A_1489, %add3A_1485 : vector<16xi1>, vector<16xf32>
        %swap3A_1496 = arith.index_cast %select_n3A_623 : i32 to index
        %swap3A_1497 = arith.index_cast %add3A_1494 : i32 to index
        %swap3A_1498 = arith.constant 256 : index
        %swap3A_1499 = tpu.vector_load %arg12[%swap3A_1496, %swap3A_1497, %swap3A_1498] {strides = array<i32>} : memref<3x32x1024xf32, #tpu.memory_space<vmem>>, vector<16xf32>,
        tpu.vector_store %arg12[%swap3A_1496, %swap3A_1497, %swap3A_1498], %select_n3A_1495 {add = true, strides = array<i32>} : memref<3x32x1024xf32, #tpu.memory_space<vmem>>, vector<16xf32>,
        %add3A_1500 = arith.constant 0 : i32
        %add3A_1501 = arith.addi %add3A_1500, %scan3A_735 : i32
        %select_n3A_1502 = arith.select %eq3A_747, %add3A_1490, %add3A_1486 : vector<16xi1>, vector<16xf32>
        %swap3A_1503 = arith.index_cast %select_n3A_623 : i32 to index
        %swap3A_1504 = arith.index_cast %add3A_1501 : i32 to index
        %swap3A_1505 = arith.constant 272 : index
        %swap3A_1506 = tpu.vector_load %arg12[%swap3A_1503, %swap3A_1504, %swap3A_1505] {strides = array<i32>} : memref<3x32x1024xf32, #tpu.memory_space<vmem>>, vector<16xf32>,
        tpu.vector_store %arg12[%swap3A_1503, %swap3A_1504, %swap3A_1505], %select_n3A_1502 {add = true, strides = array<i32>} : memref<3x32x1024xf32, #tpu.memory_space<vmem>>, vector<16xf32>,
        %add3A_1507 = arith.constant 0 : i32
        %add3A_1508 = arith.addi %add3A_1507, %scan3A_735 : i32
        %select_n3A_1509 = arith.select %eq3A_747, %add3A_1491, %add3A_1487 : vector<16xi1>, vector<16xf32>
        %swap3A_1510 = arith.index_cast %select_n3A_623 : i32 to index
        %swap3A_1511 = arith.index_cast %add3A_1508 : i32 to index
        %swap3A_1512 = arith.constant 288 : index
        %swap3A_1513 = tpu.vector_load %arg12[%swap3A_1510, %swap3A_1511, %swap3A_1512] {strides = array<i32>} : memref<3x32x1024xf32, #tpu.memory_space<vmem>>, vector<16xf32>,
        tpu.vector_store %arg12[%swap3A_1510, %swap3A_1511, %swap3A_1512], %select_n3A_1509 {add = true, strides = array<i32>} : memref<3x32x1024xf32, #tpu.memory_space<vmem>>, vector<16xf32>,
        %add3A_1514 = arith.constant 0 : i32
        %add3A_1515 = arith.addi %add3A_1514, %scan3A_735 : i32
        %select_n3A_1516 = arith.select %eq3A_747, %add3A_1492, %add3A_1488 : vector<16xi1>, vector<16xf32>
        %swap3A_1517 = arith.index_cast %select_n3A_623 : i32 to index
        %swap3A_1518 = arith.index_cast %add3A_1515 : i32 to index
        %swap3A_1519 = arith.constant 304 : index
        %swap3A_1520 = tpu.vector_load %arg12[%swap3A_1517, %swap3A_1518, %swap3A_1519] {strides = array<i32>} : memref<3x32x1024xf32, #tpu.memory_space<vmem>>, vector<16xf32>,
        tpu.vector_store %arg12[%swap3A_1517, %swap3A_1518, %swap3A_1519], %select_n3A_1516 {add = true, strides = array<i32>} : memref<3x32x1024xf32, #tpu.memory_space<vmem>>, vector<16xf32>,
        %add3A_1521 = arith.constant 8 : i32
        %add3A_1522 = arith.addi %add3A_1521, %scan3A_735 : i32
        %select_n3A_1523 = arith.select %eq3A_753, %add3A_1489, %add3A_1485 : vector<16xi1>, vector<16xf32>
        %swap3A_1524 = arith.index_cast %select_n3A_623 : i32 to index
        %swap3A_1525 = arith.index_cast %add3A_1522 : i32 to index
        %swap3A_1526 = arith.constant 256 : index
        %swap3A_1527 = tpu.vector_load %arg12[%swap3A_1524, %swap3A_1525, %swap3A_1526] {strides = array<i32>} : memref<3x32x1024xf32, #tpu.memory_space<vmem>>, vector<16xf32>,
        tpu.vector_store %arg12[%swap3A_1524, %swap3A_1525, %swap3A_1526], %select_n3A_1523 {add = true, strides = array<i32>} : memref<3x32x1024xf32, #tpu.memory_space<vmem>>, vector<16xf32>,
        %add3A_1528 = arith.constant 8 : i32
        %add3A_1529 = arith.addi %add3A_1528, %scan3A_735 : i32
        %select_n3A_1530 = arith.select %eq3A_753, %add3A_1490, %add3A_1486 : vector<16xi1>, vector<16xf32>
        %swap3A_1531 = arith.index_cast %select_n3A_623 : i32 to index
        %swap3A_1532 = arith.index_cast %add3A_1529 : i32 to index
        %swap3A_1533 = arith.constant 272 : index
        %swap3A_1534 = tpu.vector_load %arg12[%swap3A_1531, %swap3A_1532, %swap3A_1533] {strides = array<i32>} : memref<3x32x1024xf32, #tpu.memory_space<vmem>>, vector<16xf32>,
        tpu.vector_store %arg12[%swap3A_1531, %swap3A_1532, %swap3A_1533], %select_n3A_1530 {add = true, strides = array<i32>} : memref<3x32x1024xf32, #tpu.memory_space<vmem>>, vector<16xf32>,
        %add3A_1535 = arith.constant 8 : i32
        %add3A_1536 = arith.addi %add3A_1535, %scan3A_735 : i32
        %select_n3A_1537 = arith.select %eq3A_753, %add3A_1491, %add3A_1487 : vector<16xi1>, vector<16xf32>
        %swap3A_1538 = arith.index_cast %select_n3A_623 : i32 to index
        %swap3A_1539 = arith.index_cast %add3A_1536 : i32 to index
        %swap3A_1540 = arith.constant 288 : index
        %swap3A_1541 = tpu.vector_load %arg12[%swap3A_1538, %swap3A_1539, %swap3A_1540] {strides = array<i32>} : memref<3x32x1024xf32, #tpu.memory_space<vmem>>, vector<16xf32>,
        tpu.vector_store %arg12[%swap3A_1538, %swap3A_1539, %swap3A_1540], %select_n3A_1537 {add = true, strides = array<i32>} : memref<3x32x1024xf32, #tpu.memory_space<vmem>>, vector<16xf32>,
        %add3A_1542 = arith.constant 8 : i32
        %add3A_1543 = arith.addi %add3A_1542, %scan3A_735 : i32
        %select_n3A_1544 = arith.select %eq3A_753, %add3A_1492, %add3A_1488 : vector<16xi1>, vector<16xf32>
        %swap3A_1545 = arith.index_cast %select_n3A_623 : i32 to index
        %swap3A_1546 = arith.index_cast %add3A_1543 : i32 to index
        %swap3A_1547 = arith.constant 304 : index
        %swap3A_1548 = tpu.vector_load %arg12[%swap3A_1545, %swap3A_1546, %swap3A_1547] {strides = array<i32>} : memref<3x32x1024xf32, #tpu.memory_space<vmem>>, vector<16xf32>,
        tpu.vector_store %arg12[%swap3A_1545, %swap3A_1546, %swap3A_1547], %select_n3A_1544 {add = true, strides = array<i32>} : memref<3x32x1024xf32, #tpu.memory_space<vmem>>, vector<16xf32>,
        %add3A_1549 = arith.constant 16 : i32
        %add3A_1550 = arith.addi %add3A_1549, %scan3A_735 : i32
        %select_n3A_1551 = arith.select %eq3A_759, %add3A_1489, %add3A_1485 : vector<16xi1>, vector<16xf32>
        %swap3A_1552 = arith.index_cast %select_n3A_623 : i32 to index
        %swap3A_1553 = arith.index_cast %add3A_1550 : i32 to index
        %swap3A_1554 = arith.constant 256 : index
        %swap3A_1555 = tpu.vector_load %arg12[%swap3A_1552, %swap3A_1553, %swap3A_1554] {strides = array<i32>} : memref<3x32x1024xf32, #tpu.memory_space<vmem>>, vector<16xf32>,
        tpu.vector_store %arg12[%swap3A_1552, %swap3A_1553, %swap3A_1554], %select_n3A_1551 {add = true, strides = array<i32>} : memref<3x32x1024xf32, #tpu.memory_space<vmem>>, vector<16xf32>,
        %add3A_1556 = arith.constant 16 : i32
        %add3A_1557 = arith.addi %add3A_1556, %scan3A_735 : i32
        %select_n3A_1558 = arith.select %eq3A_759, %add3A_1490, %add3A_1486 : vector<16xi1>, vector<16xf32>
        %swap3A_1559 = arith.index_cast %select_n3A_623 : i32 to index
        %swap3A_1560 = arith.index_cast %add3A_1557 : i32 to index
        %swap3A_1561 = arith.constant 272 : index
        %swap3A_1562 = tpu.vector_load %arg12[%swap3A_1559, %swap3A_1560, %swap3A_1561] {strides = array<i32>} : memref<3x32x1024xf32, #tpu.memory_space<vmem>>, vector<16xf32>,
        tpu.vector_store %arg12[%swap3A_1559, %swap3A_1560, %swap3A_1561], %select_n3A_1558 {add = true, strides = array<i32>} : memref<3x32x1024xf32, #tpu.memory_space<vmem>>, vector<16xf32>,
        %add3A_1563 = arith.constant 16 : i32
        %add3A_1564 = arith.addi %add3A_1563, %scan3A_735 : i32
        %select_n3A_1565 = arith.select %eq3A_759, %add3A_1491, %add3A_1487 : vector<16xi1>, vector<16xf32>
        %swap3A_1566 = arith.index_cast %select_n3A_623 : i32 to index
        %swap3A_1567 = arith.index_cast %add3A_1564 : i32 to index
        %swap3A_1568 = arith.constant 288 : index
        %swap3A_1569 = tpu.vector_load %arg12[%swap3A_1566, %swap3A_1567, %swap3A_1568] {strides = array<i32>} : memref<3x32x1024xf32, #tpu.memory_space<vmem>>, vector<16xf32>,
        tpu.vector_store %arg12[%swap3A_1566, %swap3A_1567, %swap3A_1568], %select_n3A_1565 {add = true, strides = array<i32>} : memref<3x32x1024xf32, #tpu.memory_space<vmem>>, vector<16xf32>,
        %add3A_1570 = arith.constant 16 : i32
        %add3A_1571 = arith.addi %add3A_1570, %scan3A_735 : i32
        %select_n3A_1572 = arith.select %eq3A_759, %add3A_1492, %add3A_1488 : vector<16xi1>, vector<16xf32>
        %swap3A_1573 = arith.index_cast %select_n3A_623 : i32 to index
        %swap3A_1574 = arith.index_cast %add3A_1571 : i32 to index
        %swap3A_1575 = arith.constant 304 : index
        %swap3A_1576 = tpu.vector_load %arg12[%swap3A_1573, %swap3A_1574, %swap3A_1575] {strides = array<i32>} : memref<3x32x1024xf32, #tpu.memory_space<vmem>>, vector<16xf32>,
        tpu.vector_store %arg12[%swap3A_1573, %swap3A_1574, %swap3A_1575], %select_n3A_1572 {add = true, strides = array<i32>} : memref<3x32x1024xf32, #tpu.memory_space<vmem>>, vector<16xf32>,
        %add3A_1577 = arith.constant 24 : i32
        %add3A_1578 = arith.addi %add3A_1577, %scan3A_735 : i32
        %select_n3A_1579 = arith.select %eq3A_765, %add3A_1489, %add3A_1485 : vector<16xi1>, vector<16xf32>
        %swap3A_1580 = arith.index_cast %select_n3A_623 : i32 to index
        %swap3A_1581 = arith.index_cast %add3A_1578 : i32 to index
        %swap3A_1582 = arith.constant 256 : index
        %swap3A_1583 = tpu.vector_load %arg12[%swap3A_1580, %swap3A_1581, %swap3A_1582] {strides = array<i32>} : memref<3x32x1024xf32, #tpu.memory_space<vmem>>, vector<16xf32>,
        tpu.vector_store %arg12[%swap3A_1580, %swap3A_1581, %swap3A_1582], %select_n3A_1579 {add = true, strides = array<i32>} : memref<3x32x1024xf32, #tpu.memory_space<vmem>>, vector<16xf32>,
        %add3A_1584 = arith.constant 24 : i32
        %add3A_1585 = arith.addi %add3A_1584, %scan3A_735 : i32
        %select_n3A_1586 = arith.select %eq3A_765, %add3A_1490, %add3A_1486 : vector<16xi1>, vector<16xf32>
        %swap3A_1587 = arith.index_cast %select_n3A_623 : i32 to index
        %swap3A_1588 = arith.index_cast %add3A_1585 : i32 to index
        %swap3A_1589 = arith.constant 272 : index
        %swap3A_1590 = tpu.vector_load %arg12[%swap3A_1587, %swap3A_1588, %swap3A_1589] {strides = array<i32>} : memref<3x32x1024xf32, #tpu.memory_space<vmem>>, vector<16xf32>,
        tpu.vector_store %arg12[%swap3A_1587, %swap3A_1588, %swap3A_1589], %select_n3A_1586 {add = true, strides = array<i32>} : memref<3x32x1024xf32, #tpu.memory_space<vmem>>, vector<16xf32>,
        %add3A_1591 = arith.constant 24 : i32
        %add3A_1592 = arith.addi %add3A_1591, %scan3A_735 : i32
        %select_n3A_1593 = arith.select %eq3A_765, %add3A_1491, %add3A_1487 : vector<16xi1>, vector<16xf32>
        %swap3A_1594 = arith.index_cast %select_n3A_623 : i32 to index
        %swap3A_1595 = arith.index_cast %add3A_1592 : i32 to index
        %swap3A_1596 = arith.constant 288 : index
        %swap3A_1597 = tpu.vector_load %arg12[%swap3A_1594, %swap3A_1595, %swap3A_1596] {strides = array<i32>} : memref<3x32x1024xf32, #tpu.memory_space<vmem>>, vector<16xf32>,
        tpu.vector_store %arg12[%swap3A_1594, %swap3A_1595, %swap3A_1596], %select_n3A_1593 {add = true, strides = array<i32>} : memref<3x32x1024xf32, #tpu.memory_space<vmem>>, vector<16xf32>,
        %add3A_1598 = arith.constant 24 : i32
        %add3A_1599 = arith.addi %add3A_1598, %scan3A_735 : i32
        %select_n3A_1600 = arith.select %eq3A_765, %add3A_1492, %add3A_1488 : vector<16xi1>, vector<16xf32>
        %swap3A_1601 = arith.index_cast %select_n3A_623 : i32 to index
        %swap3A_1602 = arith.index_cast %add3A_1599 : i32 to index
        %swap3A_1603 = arith.constant 304 : index
        %swap3A_1604 = tpu.vector_load %arg12[%swap3A_1601, %swap3A_1602, %swap3A_1603] {strides = array<i32>} : memref<3x32x1024xf32, #tpu.memory_space<vmem>>, vector<16xf32>,
        tpu.vector_store %arg12[%swap3A_1601, %swap3A_1602, %swap3A_1603], %select_n3A_1600 {add = true, strides = array<i32>} : memref<3x32x1024xf32, #tpu.memory_space<vmem>>, vector<16xf32>,
        %get3A_1605 = arith.index_cast %select_n3A_639 : i32 to index
        %get3A_1606 = arith.index_cast %scan3A_735 : i32 to index
        %get3A_1607 = arith.constant 320 : index
        %get3A_1608 = tpu.vector_load %arg13[%get3A_1605, %get3A_1606, %get3A_1607] {strides = array<i32>} : memref<2x8x1024xf32, #tpu.memory_space<vmem>>, vector<16xf32>,
        %get3A_1609 = arith.index_cast %select_n3A_639 : i32 to index
        %get3A_1610 = arith.index_cast %scan3A_735 : i32 to index
        %get3A_1611 = arith.constant 336 : index
        %get3A_1612 = tpu.vector_load %arg13[%get3A_1609, %get3A_1610, %get3A_1611] {strides = array<i32>} : memref<2x8x1024xf32, #tpu.memory_space<vmem>>, vector<16xf32>,
        %get3A_1613 = arith.index_cast %select_n3A_639 : i32 to index
        %get3A_1614 = arith.index_cast %scan3A_735 : i32 to index
        %get3A_1615 = arith.constant 352 : index
        %get3A_1616 = tpu.vector_load %arg13[%get3A_1613, %get3A_1614, %get3A_1615] {strides = array<i32>} : memref<2x8x1024xf32, #tpu.memory_space<vmem>>, vector<16xf32>,
        %get3A_1617 = arith.index_cast %select_n3A_639 : i32 to index
        %get3A_1618 = arith.index_cast %scan3A_735 : i32 to index
        %get3A_1619 = arith.constant 368 : index
        %get3A_1620 = tpu.vector_load %arg13[%get3A_1617, %get3A_1618, %get3A_1619] {strides = array<i32>} : memref<2x8x1024xf32, #tpu.memory_space<vmem>>, vector<16xf32>,
        %get3A_1621 = arith.constant 0 : i32
        %get3A_1622 = arith.index_cast %get3A_1621 : i32 to index
        %get3A_1623 = arith.constant 320 : index
        %get3A_1624 = tpu.vector_load %arg14[%get3A_1622, %get3A_1623] {strides = array<i32>} : memref<2x1024xf32, #tpu.memory_space<vmem>>, vector<16xf32>,
        %get3A_1625 = arith.constant 0 : i32
        %get3A_1626 = arith.index_cast %get3A_1625 : i32 to index
        %get3A_1627 = arith.constant 336 : index
        %get3A_1628 = tpu.vector_load %arg14[%get3A_1626, %get3A_1627] {strides = array<i32>} : memref<2x1024xf32, #tpu.memory_space<vmem>>, vector<16xf32>,
        %get3A_1629 = arith.constant 0 : i32
        %get3A_1630 = arith.index_cast %get3A_1629 : i32 to index
        %get3A_1631 = arith.constant 352 : index
        %get3A_1632 = tpu.vector_load %arg14[%get3A_1630, %get3A_1631] {strides = array<i32>} : memref<2x1024xf32, #tpu.memory_space<vmem>>, vector<16xf32>,
        %get3A_1633 = arith.constant 0 : i32
        %get3A_1634 = arith.index_cast %get3A_1633 : i32 to index
        %get3A_1635 = arith.constant 368 : index
        %get3A_1636 = tpu.vector_load %arg14[%get3A_1634, %get3A_1635] {strides = array<i32>} : memref<2x1024xf32, #tpu.memory_space<vmem>>, vector<16xf32>,
        %get3A_1637 = arith.constant 1 : i32
        %get3A_1638 = arith.index_cast %get3A_1637 : i32 to index
        %get3A_1639 = arith.constant 320 : index
        %get3A_1640 = tpu.vector_load %arg14[%get3A_1638, %get3A_1639] {strides = array<i32>} : memref<2x1024xf32, #tpu.memory_space<vmem>>, vector<16xf32>,
        %get3A_1641 = arith.constant 1 : i32
        %get3A_1642 = arith.index_cast %get3A_1641 : i32 to index
        %get3A_1643 = arith.constant 336 : index
        %get3A_1644 = tpu.vector_load %arg14[%get3A_1642, %get3A_1643] {strides = array<i32>} : memref<2x1024xf32, #tpu.memory_space<vmem>>, vector<16xf32>,
        %get3A_1645 = arith.constant 1 : i32
        %get3A_1646 = arith.index_cast %get3A_1645 : i32 to index
        %get3A_1647 = arith.constant 352 : index
        %get3A_1648 = tpu.vector_load %arg14[%get3A_1646, %get3A_1647] {strides = array<i32>} : memref<2x1024xf32, #tpu.memory_space<vmem>>, vector<16xf32>,
        %get3A_1649 = arith.constant 1 : i32
        %get3A_1650 = arith.index_cast %get3A_1649 : i32 to index
        %get3A_1651 = arith.constant 368 : index
        %get3A_1652 = tpu.vector_load %arg14[%get3A_1650, %get3A_1651] {strides = array<i32>} : memref<2x1024xf32, #tpu.memory_space<vmem>>, vector<16xf32>,
        %add3A_1653 = arith.addf %get3A_1608, %get3A_1624 : vector<16xf32>
        %add3A_1654 = arith.addf %get3A_1612, %get3A_1628 : vector<16xf32>
        %add3A_1655 = arith.addf %get3A_1616, %get3A_1632 : vector<16xf32>
        %add3A_1656 = arith.addf %get3A_1620, %get3A_1636 : vector<16xf32>
        %add3A_1657 = arith.addf %get3A_1608, %get3A_1640 : vector<16xf32>
        %add3A_1658 = arith.addf %get3A_1612, %get3A_1644 : vector<16xf32>
        %add3A_1659 = arith.addf %get3A_1616, %get3A_1648 : vector<16xf32>
        %add3A_1660 = arith.addf %get3A_1620, %get3A_1652 : vector<16xf32>
        %add3A_1661 = arith.constant 0 : i32
        %add3A_1662 = arith.addi %add3A_1661, %scan3A_735 : i32
        %select_n3A_1663 = arith.select %eq3A_747, %add3A_1657, %add3A_1653 : vector<16xi1>, vector<16xf32>
        %swap3A_1664 = arith.index_cast %select_n3A_623 : i32 to index
        %swap3A_1665 = arith.index_cast %add3A_1662 : i32 to index
        %swap3A_1666 = arith.constant 320 : index
        %swap3A_1667 = tpu.vector_load %arg12[%swap3A_1664, %swap3A_1665, %swap3A_1666] {strides = array<i32>} : memref<3x32x1024xf32, #tpu.memory_space<vmem>>, vector<16xf32>,
        tpu.vector_store %arg12[%swap3A_1664, %swap3A_1665, %swap3A_1666], %select_n3A_1663 {add = true, strides = array<i32>} : memref<3x32x1024xf32, #tpu.memory_space<vmem>>, vector<16xf32>,
        %add3A_1668 = arith.constant 0 : i32
        %add3A_1669 = arith.addi %add3A_1668, %scan3A_735 : i32
        %select_n3A_1670 = arith.select %eq3A_747, %add3A_1658, %add3A_1654 : vector<16xi1>, vector<16xf32>
        %swap3A_1671 = arith.index_cast %select_n3A_623 : i32 to index
        %swap3A_1672 = arith.index_cast %add3A_1669 : i32 to index
        %swap3A_1673 = arith.constant 336 : index
        %swap3A_1674 = tpu.vector_load %arg12[%swap3A_1671, %swap3A_1672, %swap3A_1673] {strides = array<i32>} : memref<3x32x1024xf32, #tpu.memory_space<vmem>>, vector<16xf32>,
        tpu.vector_store %arg12[%swap3A_1671, %swap3A_1672, %swap3A_1673], %select_n3A_1670 {add = true, strides = array<i32>} : memref<3x32x1024xf32, #tpu.memory_space<vmem>>, vector<16xf32>,
        %add3A_1675 = arith.constant 0 : i32
        %add3A_1676 = arith.addi %add3A_1675, %scan3A_735 : i32
        %select_n3A_1677 = arith.select %eq3A_747, %add3A_1659, %add3A_1655 : vector<16xi1>, vector<16xf32>
        %swap3A_1678 = arith.index_cast %select_n3A_623 : i32 to index
        %swap3A_1679 = arith.index_cast %add3A_1676 : i32 to index
        %swap3A_1680 = arith.constant 352 : index
        %swap3A_1681 = tpu.vector_load %arg12[%swap3A_1678, %swap3A_1679, %swap3A_1680] {strides = array<i32>} : memref<3x32x1024xf32, #tpu.memory_space<vmem>>, vector<16xf32>,
        tpu.vector_store %arg12[%swap3A_1678, %swap3A_1679, %swap3A_1680], %select_n3A_1677 {add = true, strides = array<i32>} : memref<3x32x1024xf32, #tpu.memory_space<vmem>>, vector<16xf32>,
        %add3A_1682 = arith.constant 0 : i32
        %add3A_1683 = arith.addi %add3A_1682, %scan3A_735 : i32
        %select_n3A_1684 = arith.select %eq3A_747, %add3A_1660, %add3A_1656 : vector<16xi1>, vector<16xf32>
        %swap3A_1685 = arith.index_cast %select_n3A_623 : i32 to index
        %swap3A_1686 = arith.index_cast %add3A_1683 : i32 to index
        %swap3A_1687 = arith.constant 368 : index
        %swap3A_1688 = tpu.vector_load %arg12[%swap3A_1685, %swap3A_1686, %swap3A_1687] {strides = array<i32>} : memref<3x32x1024xf32, #tpu.memory_space<vmem>>, vector<16xf32>,
        tpu.vector_store %arg12[%swap3A_1685, %swap3A_1686, %swap3A_1687], %select_n3A_1684 {add = true, strides = array<i32>} : memref<3x32x1024xf32, #tpu.memory_space<vmem>>, vector<16xf32>,
        %add3A_1689 = arith.constant 8 : i32
        %add3A_1690 = arith.addi %add3A_1689, %scan3A_735 : i32
        %select_n3A_1691 = arith.select %eq3A_753, %add3A_1657, %add3A_1653 : vector<16xi1>, vector<16xf32>
        %swap3A_1692 = arith.index_cast %select_n3A_623 : i32 to index
        %swap3A_1693 = arith.index_cast %add3A_1690 : i32 to index
        %swap3A_1694 = arith.constant 320 : index
        %swap3A_1695 = tpu.vector_load %arg12[%swap3A_1692, %swap3A_1693, %swap3A_1694] {strides = array<i32>} : memref<3x32x1024xf32, #tpu.memory_space<vmem>>, vector<16xf32>,
        tpu.vector_store %arg12[%swap3A_1692, %swap3A_1693, %swap3A_1694], %select_n3A_1691 {add = true, strides = array<i32>} : memref<3x32x1024xf32, #tpu.memory_space<vmem>>, vector<16xf32>,
        %add3A_1696 = arith.constant 8 : i32
        %add3A_1697 = arith.addi %add3A_1696, %scan3A_735 : i32
        %select_n3A_1698 = arith.select %eq3A_753, %add3A_1658, %add3A_1654 : vector<16xi1>, vector<16xf32>
        %swap3A_1699 = arith.index_cast %select_n3A_623 : i32 to index
        %swap3A_1700 = arith.index_cast %add3A_1697 : i32 to index
        %swap3A_1701 = arith.constant 336 : index
        %swap3A_1702 = tpu.vector_load %arg12[%swap3A_1699, %swap3A_1700, %swap3A_1701] {strides = array<i32>} : memref<3x32x1024xf32, #tpu.memory_space<vmem>>, vector<16xf32>,
        tpu.vector_store %arg12[%swap3A_1699, %swap3A_1700, %swap3A_1701], %select_n3A_1698 {add = true, strides = array<i32>} : memref<3x32x1024xf32, #tpu.memory_space<vmem>>, vector<16xf32>,
        %add3A_1703 = arith.constant 8 : i32
        %add3A_1704 = arith.addi %add3A_1703, %scan3A_735 : i32
        %select_n3A_1705 = arith.select %eq3A_753, %add3A_1659, %add3A_1655 : vector<16xi1>, vector<16xf32>
        %swap3A_1706 = arith.index_cast %select_n3A_623 : i32 to index
        %swap3A_1707 = arith.index_cast %add3A_1704 : i32 to index
        %swap3A_1708 = arith.constant 352 : index
        %swap3A_1709 = tpu.vector_load %arg12[%swap3A_1706, %swap3A_1707, %swap3A_1708] {strides = array<i32>} : memref<3x32x1024xf32, #tpu.memory_space<vmem>>, vector<16xf32>,
        tpu.vector_store %arg12[%swap3A_1706, %swap3A_1707, %swap3A_1708], %select_n3A_1705 {add = true, strides = array<i32>} : memref<3x32x1024xf32, #tpu.memory_space<vmem>>, vector<16xf32>,
        %add3A_1710 = arith.constant 8 : i32
        %add3A_1711 = arith.addi %add3A_1710, %scan3A_735 : i32
        %select_n3A_1712 = arith.select %eq3A_753, %add3A_1660, %add3A_1656 : vector<16xi1>, vector<16xf32>
        %swap3A_1713 = arith.index_cast %select_n3A_623 : i32 to index
        %swap3A_1714 = arith.index_cast %add3A_1711 : i32 to index
        %swap3A_1715 = arith.constant 368 : index
        %swap3A_1716 = tpu.vector_load %arg12[%swap3A_1713, %swap3A_1714, %swap3A_1715] {strides = array<i32>} : memref<3x32x1024xf32, #tpu.memory_space<vmem>>, vector<16xf32>,
        tpu.vector_store %arg12[%swap3A_1713, %swap3A_1714, %swap3A_1715], %select_n3A_1712 {add = true, strides = array<i32>} : memref<3x32x1024xf32, #tpu.memory_space<vmem>>, vector<16xf32>,
        %add3A_1717 = arith.constant 16 : i32
        %add3A_1718 = arith.addi %add3A_1717, %scan3A_735 : i32
        %select_n3A_1719 = arith.select %eq3A_759, %add3A_1657, %add3A_1653 : vector<16xi1>, vector<16xf32>
        %swap3A_1720 = arith.index_cast %select_n3A_623 : i32 to index
        %swap3A_1721 = arith.index_cast %add3A_1718 : i32 to index
        %swap3A_1722 = arith.constant 320 : index
        %swap3A_1723 = tpu.vector_load %arg12[%swap3A_1720, %swap3A_1721, %swap3A_1722] {strides = array<i32>} : memref<3x32x1024xf32, #tpu.memory_space<vmem>>, vector<16xf32>,
        tpu.vector_store %arg12[%swap3A_1720, %swap3A_1721, %swap3A_1722], %select_n3A_1719 {add = true, strides = array<i32>} : memref<3x32x1024xf32, #tpu.memory_space<vmem>>, vector<16xf32>,
        %add3A_1724 = arith.constant 16 : i32
        %add3A_1725 = arith.addi %add3A_1724, %scan3A_735 : i32
        %select_n3A_1726 = arith.select %eq3A_759, %add3A_1658, %add3A_1654 : vector<16xi1>, vector<16xf32>
        %swap3A_1727 = arith.index_cast %select_n3A_623 : i32 to index
        %swap3A_1728 = arith.index_cast %add3A_1725 : i32 to index
        %swap3A_1729 = arith.constant 336 : index
        %swap3A_1730 = tpu.vector_load %arg12[%swap3A_1727, %swap3A_1728, %swap3A_1729] {strides = array<i32>} : memref<3x32x1024xf32, #tpu.memory_space<vmem>>, vector<16xf32>,
        tpu.vector_store %arg12[%swap3A_1727, %swap3A_1728, %swap3A_1729], %select_n3A_1726 {add = true, strides = array<i32>} : memref<3x32x1024xf32, #tpu.memory_space<vmem>>, vector<16xf32>,
        %add3A_1731 = arith.constant 16 : i32
        %add3A_1732 = arith.addi %add3A_1731, %scan3A_735 : i32
        %select_n3A_1733 = arith.select %eq3A_759, %add3A_1659, %add3A_1655 : vector<16xi1>, vector<16xf32>
        %swap3A_1734 = arith.index_cast %select_n3A_623 : i32 to index
        %swap3A_1735 = arith.index_cast %add3A_1732 : i32 to index
        %swap3A_1736 = arith.constant 352 : index
        %swap3A_1737 = tpu.vector_load %arg12[%swap3A_1734, %swap3A_1735, %swap3A_1736] {strides = array<i32>} : memref<3x32x1024xf32, #tpu.memory_space<vmem>>, vector<16xf32>,
        tpu.vector_store %arg12[%swap3A_1734, %swap3A_1735, %swap3A_1736], %select_n3A_1733 {add = true, strides = array<i32>} : memref<3x32x1024xf32, #tpu.memory_space<vmem>>, vector<16xf32>,
        %add3A_1738 = arith.constant 16 : i32
        %add3A_1739 = arith.addi %add3A_1738, %scan3A_735 : i32
        %select_n3A_1740 = arith.select %eq3A_759, %add3A_1660, %add3A_1656 : vector<16xi1>, vector<16xf32>
        %swap3A_1741 = arith.index_cast %select_n3A_623 : i32 to index
        %swap3A_1742 = arith.index_cast %add3A_1739 : i32 to index
        %swap3A_1743 = arith.constant 368 : index
        %swap3A_1744 = tpu.vector_load %arg12[%swap3A_1741, %swap3A_1742, %swap3A_1743] {strides = array<i32>} : memref<3x32x1024xf32, #tpu.memory_space<vmem>>, vector<16xf32>,
        tpu.vector_store %arg12[%swap3A_1741, %swap3A_1742, %swap3A_1743], %select_n3A_1740 {add = true, strides = array<i32>} : memref<3x32x1024xf32, #tpu.memory_space<vmem>>, vector<16xf32>,
        %add3A_1745 = arith.constant 24 : i32
        %add3A_1746 = arith.addi %add3A_1745, %scan3A_735 : i32
        %select_n3A_1747 = arith.select %eq3A_765, %add3A_1657, %add3A_1653 : vector<16xi1>, vector<16xf32>
        %swap3A_1748 = arith.index_cast %select_n3A_623 : i32 to index
        %swap3A_1749 = arith.index_cast %add3A_1746 : i32 to index
        %swap3A_1750 = arith.constant 320 : index
        %swap3A_1751 = tpu.vector_load %arg12[%swap3A_1748, %swap3A_1749, %swap3A_1750] {strides = array<i32>} : memref<3x32x1024xf32, #tpu.memory_space<vmem>>, vector<16xf32>,
        tpu.vector_store %arg12[%swap3A_1748, %swap3A_1749, %swap3A_1750], %select_n3A_1747 {add = true, strides = array<i32>} : memref<3x32x1024xf32, #tpu.memory_space<vmem>>, vector<16xf32>,
        %add3A_1752 = arith.constant 24 : i32
        %add3A_1753 = arith.addi %add3A_1752, %scan3A_735 : i32
        %select_n3A_1754 = arith.select %eq3A_765, %add3A_1658, %add3A_1654 : vector<16xi1>, vector<16xf32>
        %swap3A_1755 = arith.index_cast %select_n3A_623 : i32 to index
        %swap3A_1756 = arith.index_cast %add3A_1753 : i32 to index
        %swap3A_1757 = arith.constant 336 : index
        %swap3A_1758 = tpu.vector_load %arg12[%swap3A_1755, %swap3A_1756, %swap3A_1757] {strides = array<i32>} : memref<3x32x1024xf32, #tpu.memory_space<vmem>>, vector<16xf32>,
        tpu.vector_store %arg12[%swap3A_1755, %swap3A_1756, %swap3A_1757], %select_n3A_1754 {add = true, strides = array<i32>} : memref<3x32x1024xf32, #tpu.memory_space<vmem>>, vector<16xf32>,
        %add3A_1759 = arith.constant 24 : i32
        %add3A_1760 = arith.addi %add3A_1759, %scan3A_735 : i32
        %select_n3A_1761 = arith.select %eq3A_765, %add3A_1659, %add3A_1655 : vector<16xi1>, vector<16xf32>
        %swap3A_1762 = arith.index_cast %select_n3A_623 : i32 to index
        %swap3A_1763 = arith.index_cast %add3A_1760 : i32 to index
        %swap3A_1764 = arith.constant 352 : index
        %swap3A_1765 = tpu.vector_load %arg12[%swap3A_1762, %swap3A_1763, %swap3A_1764] {strides = array<i32>} : memref<3x32x1024xf32, #tpu.memory_space<vmem>>, vector<16xf32>,
        tpu.vector_store %arg12[%swap3A_1762, %swap3A_1763, %swap3A_1764], %select_n3A_1761 {add = true, strides = array<i32>} : memref<3x32x1024xf32, #tpu.memory_space<vmem>>, vector<16xf32>,
        %add3A_1766 = arith.constant 24 : i32
        %add3A_1767 = arith.addi %add3A_1766, %scan3A_735 : i32
        %select_n3A_1768 = arith.select %eq3A_765, %add3A_1660, %add3A_1656 : vector<16xi1>, vector<16xf32>
        %swap3A_1769 = arith.index_cast %select_n3A_623 : i32 to index
        %swap3A_1770 = arith.index_cast %add3A_1767 : i32 to index
        %swap3A_1771 = arith.constant 368 : index
        %swap3A_1772 = tpu.vector_load %arg12[%swap3A_1769, %swap3A_1770, %swap3A_1771] {strides = array<i32>} : memref<3x32x1024xf32, #tpu.memory_space<vmem>>, vector<16xf32>,
        tpu.vector_store %arg12[%swap3A_1769, %swap3A_1770, %swap3A_1771], %select_n3A_1768 {add = true, strides = array<i32>} : memref<3x32x1024xf32, #tpu.memory_space<vmem>>, vector<16xf32>,
        %get3A_1773 = arith.index_cast %select_n3A_639 : i32 to index
        %get3A_1774 = arith.index_cast %scan3A_735 : i32 to index
        %get3A_1775 = arith.constant 384 : index
        %get3A_1776 = tpu.vector_load %arg13[%get3A_1773, %get3A_1774, %get3A_1775] {strides = array<i32>} : memref<2x8x1024xf32, #tpu.memory_space<vmem>>, vector<16xf32>,
        %get3A_1777 = arith.index_cast %select_n3A_639 : i32 to index
        %get3A_1778 = arith.index_cast %scan3A_735 : i32 to index
        %get3A_1779 = arith.constant 400 : index
        %get3A_1780 = tpu.vector_load %arg13[%get3A_1777, %get3A_1778, %get3A_1779] {strides = array<i32>} : memref<2x8x1024xf32, #tpu.memory_space<vmem>>, vector<16xf32>,
        %get3A_1781 = arith.index_cast %select_n3A_639 : i32 to index
        %get3A_1782 = arith.index_cast %scan3A_735 : i32 to index
        %get3A_1783 = arith.constant 416 : index
        %get3A_1784 = tpu.vector_load %arg13[%get3A_1781, %get3A_1782, %get3A_1783] {strides = array<i32>} : memref<2x8x1024xf32, #tpu.memory_space<vmem>>, vector<16xf32>,
        %get3A_1785 = arith.index_cast %select_n3A_639 : i32 to index
        %get3A_1786 = arith.index_cast %scan3A_735 : i32 to index
        %get3A_1787 = arith.constant 432 : index
        %get3A_1788 = tpu.vector_load %arg13[%get3A_1785, %get3A_1786, %get3A_1787] {strides = array<i32>} : memref<2x8x1024xf32, #tpu.memory_space<vmem>>, vector<16xf32>,
        %get3A_1789 = arith.constant 0 : i32
        %get3A_1790 = arith.index_cast %get3A_1789 : i32 to index
        %get3A_1791 = arith.constant 384 : index
        %get3A_1792 = tpu.vector_load %arg14[%get3A_1790, %get3A_1791] {strides = array<i32>} : memref<2x1024xf32, #tpu.memory_space<vmem>>, vector<16xf32>,
        %get3A_1793 = arith.constant 0 : i32
        %get3A_1794 = arith.index_cast %get3A_1793 : i32 to index
        %get3A_1795 = arith.constant 400 : index
        %get3A_1796 = tpu.vector_load %arg14[%get3A_1794, %get3A_1795] {strides = array<i32>} : memref<2x1024xf32, #tpu.memory_space<vmem>>, vector<16xf32>,
        %get3A_1797 = arith.constant 0 : i32
        %get3A_1798 = arith.index_cast %get3A_1797 : i32 to index
        %get3A_1799 = arith.constant 416 : index
        %get3A_1800 = tpu.vector_load %arg14[%get3A_1798, %get3A_1799] {strides = array<i32>} : memref<2x1024xf32, #tpu.memory_space<vmem>>, vector<16xf32>,
        %get3A_1801 = arith.constant 0 : i32
        %get3A_1802 = arith.index_cast %get3A_1801 : i32 to index
        %get3A_1803 = arith.constant 432 : index
        %get3A_1804 = tpu.vector_load %arg14[%get3A_1802, %get3A_1803] {strides = array<i32>} : memref<2x1024xf32, #tpu.memory_space<vmem>>, vector<16xf32>,
        %get3A_1805 = arith.constant 1 : i32
        %get3A_1806 = arith.index_cast %get3A_1805 : i32 to index
        %get3A_1807 = arith.constant 384 : index
        %get3A_1808 = tpu.vector_load %arg14[%get3A_1806, %get3A_1807] {strides = array<i32>} : memref<2x1024xf32, #tpu.memory_space<vmem>>, vector<16xf32>,
        %get3A_1809 = arith.constant 1 : i32
        %get3A_1810 = arith.index_cast %get3A_1809 : i32 to index
        %get3A_1811 = arith.constant 400 : index
        %get3A_1812 = tpu.vector_load %arg14[%get3A_1810, %get3A_1811] {strides = array<i32>} : memref<2x1024xf32, #tpu.memory_space<vmem>>, vector<16xf32>,
        %get3A_1813 = arith.constant 1 : i32
        %get3A_1814 = arith.index_cast %get3A_1813 : i32 to index
        %get3A_1815 = arith.constant 416 : index
        %get3A_1816 = tpu.vector_load %arg14[%get3A_1814, %get3A_1815] {strides = array<i32>} : memref<2x1024xf32, #tpu.memory_space<vmem>>, vector<16xf32>,
        %get3A_1817 = arith.constant 1 : i32
        %get3A_1818 = arith.index_cast %get3A_1817 : i32 to index
        %get3A_1819 = arith.constant 432 : index
        %get3A_1820 = tpu.vector_load %arg14[%get3A_1818, %get3A_1819] {strides = array<i32>} : memref<2x1024xf32, #tpu.memory_space<vmem>>, vector<16xf32>,
        %add3A_1821 = arith.addf %get3A_1776, %get3A_1792 : vector<16xf32>
        %add3A_1822 = arith.addf %get3A_1780, %get3A_1796 : vector<16xf32>
        %add3A_1823 = arith.addf %get3A_1784, %get3A_1800 : vector<16xf32>
        %add3A_1824 = arith.addf %get3A_1788, %get3A_1804 : vector<16xf32>
        %add3A_1825 = arith.addf %get3A_1776, %get3A_1808 : vector<16xf32>
        %add3A_1826 = arith.addf %get3A_1780, %get3A_1812 : vector<16xf32>
        %add3A_1827 = arith.addf %get3A_1784, %get3A_1816 : vector<16xf32>
        %add3A_1828 = arith.addf %get3A_1788, %get3A_1820 : vector<16xf32>
        %add3A_1829 = arith.constant 0 : i32
        %add3A_1830 = arith.addi %add3A_1829, %scan3A_735 : i32
        %select_n3A_1831 = arith.select %eq3A_747, %add3A_1825, %add3A_1821 : vector<16xi1>, vector<16xf32>
        %swap3A_1832 = arith.index_cast %select_n3A_623 : i32 to index
        %swap3A_1833 = arith.index_cast %add3A_1830 : i32 to index
        %swap3A_1834 = arith.constant 384 : index
        %swap3A_1835 = tpu.vector_load %arg12[%swap3A_1832, %swap3A_1833, %swap3A_1834] {strides = array<i32>} : memref<3x32x1024xf32, #tpu.memory_space<vmem>>, vector<16xf32>,
        tpu.vector_store %arg12[%swap3A_1832, %swap3A_1833, %swap3A_1834], %select_n3A_1831 {add = true, strides = array<i32>} : memref<3x32x1024xf32, #tpu.memory_space<vmem>>, vector<16xf32>,
        %add3A_1836 = arith.constant 0 : i32
        %add3A_1837 = arith.addi %add3A_1836, %scan3A_735 : i32
        %select_n3A_1838 = arith.select %eq3A_747, %add3A_1826, %add3A_1822 : vector<16xi1>, vector<16xf32>
        %swap3A_1839 = arith.index_cast %select_n3A_623 : i32 to index
        %swap3A_1840 = arith.index_cast %add3A_1837 : i32 to index
        %swap3A_1841 = arith.constant 400 : index
        %swap3A_1842 = tpu.vector_load %arg12[%swap3A_1839, %swap3A_1840, %swap3A_1841] {strides = array<i32>} : memref<3x32x1024xf32, #tpu.memory_space<vmem>>, vector<16xf32>,
        tpu.vector_store %arg12[%swap3A_1839, %swap3A_1840, %swap3A_1841], %select_n3A_1838 {add = true, strides = array<i32>} : memref<3x32x1024xf32, #tpu.memory_space<vmem>>, vector<16xf32>,
        %add3A_1843 = arith.constant 0 : i32
        %add3A_1844 = arith.addi %add3A_1843, %scan3A_735 : i32
        %select_n3A_1845 = arith.select %eq3A_747, %add3A_1827, %add3A_1823 : vector<16xi1>, vector<16xf32>
        %swap3A_1846 = arith.index_cast %select_n3A_623 : i32 to index
        %swap3A_1847 = arith.index_cast %add3A_1844 : i32 to index
        %swap3A_1848 = arith.constant 416 : index
        %swap3A_1849 = tpu.vector_load %arg12[%swap3A_1846, %swap3A_1847, %swap3A_1848] {strides = array<i32>} : memref<3x32x1024xf32, #tpu.memory_space<vmem>>, vector<16xf32>,
        tpu.vector_store %arg12[%swap3A_1846, %swap3A_1847, %swap3A_1848], %select_n3A_1845 {add = true, strides = array<i32>} : memref<3x32x1024xf32, #tpu.memory_space<vmem>>, vector<16xf32>,
        %add3A_1850 = arith.constant 0 : i32
        %add3A_1851 = arith.addi %add3A_1850, %scan3A_735 : i32
        %select_n3A_1852 = arith.select %eq3A_747, %add3A_1828, %add3A_1824 : vector<16xi1>, vector<16xf32>
        %swap3A_1853 = arith.index_cast %select_n3A_623 : i32 to index
        %swap3A_1854 = arith.index_cast %add3A_1851 : i32 to index
        %swap3A_1855 = arith.constant 432 : index
        %swap3A_1856 = tpu.vector_load %arg12[%swap3A_1853, %swap3A_1854, %swap3A_1855] {strides = array<i32>} : memref<3x32x1024xf32, #tpu.memory_space<vmem>>, vector<16xf32>,
        tpu.vector_store %arg12[%swap3A_1853, %swap3A_1854, %swap3A_1855], %select_n3A_1852 {add = true, strides = array<i32>} : memref<3x32x1024xf32, #tpu.memory_space<vmem>>, vector<16xf32>,
        %add3A_1857 = arith.constant 8 : i32
        %add3A_1858 = arith.addi %add3A_1857, %scan3A_735 : i32
        %select_n3A_1859 = arith.select %eq3A_753, %add3A_1825, %add3A_1821 : vector<16xi1>, vector<16xf32>
        %swap3A_1860 = arith.index_cast %select_n3A_623 : i32 to index
        %swap3A_1861 = arith.index_cast %add3A_1858 : i32 to index
        %swap3A_1862 = arith.constant 384 : index
        %swap3A_1863 = tpu.vector_load %arg12[%swap3A_1860, %swap3A_1861, %swap3A_1862] {strides = array<i32>} : memref<3x32x1024xf32, #tpu.memory_space<vmem>>, vector<16xf32>,
        tpu.vector_store %arg12[%swap3A_1860, %swap3A_1861, %swap3A_1862], %select_n3A_1859 {add = true, strides = array<i32>} : memref<3x32x1024xf32, #tpu.memory_space<vmem>>, vector<16xf32>,
        %add3A_1864 = arith.constant 8 : i32
        %add3A_1865 = arith.addi %add3A_1864, %scan3A_735 : i32
        %select_n3A_1866 = arith.select %eq3A_753, %add3A_1826, %add3A_1822 : vector<16xi1>, vector<16xf32>
        %swap3A_1867 = arith.index_cast %select_n3A_623 : i32 to index
        %swap3A_1868 = arith.index_cast %add3A_1865 : i32 to index
        %swap3A_1869 = arith.constant 400 : index
        %swap3A_1870 = tpu.vector_load %arg12[%swap3A_1867, %swap3A_1868, %swap3A_1869] {strides = array<i32>} : memref<3x32x1024xf32, #tpu.memory_space<vmem>>, vector<16xf32>,
        tpu.vector_store %arg12[%swap3A_1867, %swap3A_1868, %swap3A_1869], %select_n3A_1866 {add = true, strides = array<i32>} : memref<3x32x1024xf32, #tpu.memory_space<vmem>>, vector<16xf32>,
        %add3A_1871 = arith.constant 8 : i32
        %add3A_1872 = arith.addi %add3A_1871, %scan3A_735 : i32
        %select_n3A_1873 = arith.select %eq3A_753, %add3A_1827, %add3A_1823 : vector<16xi1>, vector<16xf32>
        %swap3A_1874 = arith.index_cast %select_n3A_623 : i32 to index
        %swap3A_1875 = arith.index_cast %add3A_1872 : i32 to index
        %swap3A_1876 = arith.constant 416 : index
        %swap3A_1877 = tpu.vector_load %arg12[%swap3A_1874, %swap3A_1875, %swap3A_1876] {strides = array<i32>} : memref<3x32x1024xf32, #tpu.memory_space<vmem>>, vector<16xf32>,
        tpu.vector_store %arg12[%swap3A_1874, %swap3A_1875, %swap3A_1876], %select_n3A_1873 {add = true, strides = array<i32>} : memref<3x32x1024xf32, #tpu.memory_space<vmem>>, vector<16xf32>,
        %add3A_1878 = arith.constant 8 : i32
        %add3A_1879 = arith.addi %add3A_1878, %scan3A_735 : i32
        %select_n3A_1880 = arith.select %eq3A_753, %add3A_1828, %add3A_1824 : vector<16xi1>, vector<16xf32>
        %swap3A_1881 = arith.index_cast %select_n3A_623 : i32 to index
        %swap3A_1882 = arith.index_cast %add3A_1879 : i32 to index
        %swap3A_1883 = arith.constant 432 : index
        %swap3A_1884 = tpu.vector_load %arg12[%swap3A_1881, %swap3A_1882, %swap3A_1883] {strides = array<i32>} : memref<3x32x1024xf32, #tpu.memory_space<vmem>>, vector<16xf32>,
        tpu.vector_store %arg12[%swap3A_1881, %swap3A_1882, %swap3A_1883], %select_n3A_1880 {add = true, strides = array<i32>} : memref<3x32x1024xf32, #tpu.memory_space<vmem>>, vector<16xf32>,
        %add3A_1885 = arith.constant 16 : i32
        %add3A_1886 = arith.addi %add3A_1885, %scan3A_735 : i32
        %select_n3A_1887 = arith.select %eq3A_759, %add3A_1825, %add3A_1821 : vector<16xi1>, vector<16xf32>
        %swap3A_1888 = arith.index_cast %select_n3A_623 : i32 to index
        %swap3A_1889 = arith.index_cast %add3A_1886 : i32 to index
        %swap3A_1890 = arith.constant 384 : index
        %swap3A_1891 = tpu.vector_load %arg12[%swap3A_1888, %swap3A_1889, %swap3A_1890] {strides = array<i32>} : memref<3x32x1024xf32, #tpu.memory_space<vmem>>, vector<16xf32>,
        tpu.vector_store %arg12[%swap3A_1888, %swap3A_1889, %swap3A_1890], %select_n3A_1887 {add = true, strides = array<i32>} : memref<3x32x1024xf32, #tpu.memory_space<vmem>>, vector<16xf32>,
        %add3A_1892 = arith.constant 16 : i32
        %add3A_1893 = arith.addi %add3A_1892, %scan3A_735 : i32
        %select_n3A_1894 = arith.select %eq3A_759, %add3A_1826, %add3A_1822 : vector<16xi1>, vector<16xf32>
        %swap3A_1895 = arith.index_cast %select_n3A_623 : i32 to index
        %swap3A_1896 = arith.index_cast %add3A_1893 : i32 to index
        %swap3A_1897 = arith.constant 400 : index
        %swap3A_1898 = tpu.vector_load %arg12[%swap3A_1895, %swap3A_1896, %swap3A_1897] {strides = array<i32>} : memref<3x32x1024xf32, #tpu.memory_space<vmem>>, vector<16xf32>,
        tpu.vector_store %arg12[%swap3A_1895, %swap3A_1896, %swap3A_1897], %select_n3A_1894 {add = true, strides = array<i32>} : memref<3x32x1024xf32, #tpu.memory_space<vmem>>, vector<16xf32>,
        %add3A_1899 = arith.constant 16 : i32
        %add3A_1900 = arith.addi %add3A_1899, %scan3A_735 : i32
        %select_n3A_1901 = arith.select %eq3A_759, %add3A_1827, %add3A_1823 : vector<16xi1>, vector<16xf32>
        %swap3A_1902 = arith.index_cast %select_n3A_623 : i32 to index
        %swap3A_1903 = arith.index_cast %add3A_1900 : i32 to index
        %swap3A_1904 = arith.constant 416 : index
        %swap3A_1905 = tpu.vector_load %arg12[%swap3A_1902, %swap3A_1903, %swap3A_1904] {strides = array<i32>} : memref<3x32x1024xf32, #tpu.memory_space<vmem>>, vector<16xf32>,
        tpu.vector_store %arg12[%swap3A_1902, %swap3A_1903, %swap3A_1904], %select_n3A_1901 {add = true, strides = array<i32>} : memref<3x32x1024xf32, #tpu.memory_space<vmem>>, vector<16xf32>,
        %add3A_1906 = arith.constant 16 : i32
        %add3A_1907 = arith.addi %add3A_1906, %scan3A_735 : i32
        %select_n3A_1908 = arith.select %eq3A_759, %add3A_1828, %add3A_1824 : vector<16xi1>, vector<16xf32>
        %swap3A_1909 = arith.index_cast %select_n3A_623 : i32 to index
        %swap3A_1910 = arith.index_cast %add3A_1907 : i32 to index
        %swap3A_1911 = arith.constant 432 : index
        %swap3A_1912 = tpu.vector_load %arg12[%swap3A_1909, %swap3A_1910, %swap3A_1911] {strides = array<i32>} : memref<3x32x1024xf32, #tpu.memory_space<vmem>>, vector<16xf32>,
        tpu.vector_store %arg12[%swap3A_1909, %swap3A_1910, %swap3A_1911], %select_n3A_1908 {add = true, strides = array<i32>} : memref<3x32x1024xf32, #tpu.memory_space<vmem>>, vector<16xf32>,
        %add3A_1913 = arith.constant 24 : i32
        %add3A_1914 = arith.addi %add3A_1913, %scan3A_735 : i32
        %select_n3A_1915 = arith.select %eq3A_765, %add3A_1825, %add3A_1821 : vector<16xi1>, vector<16xf32>
        %swap3A_1916 = arith.index_cast %select_n3A_623 : i32 to index
        %swap3A_1917 = arith.index_cast %add3A_1914 : i32 to index
        %swap3A_1918 = arith.constant 384 : index
        %swap3A_1919 = tpu.vector_load %arg12[%swap3A_1916, %swap3A_1917, %swap3A_1918] {strides = array<i32>} : memref<3x32x1024xf32, #tpu.memory_space<vmem>>, vector<16xf32>,
        tpu.vector_store %arg12[%swap3A_1916, %swap3A_1917, %swap3A_1918], %select_n3A_1915 {add = true, strides = array<i32>} : memref<3x32x1024xf32, #tpu.memory_space<vmem>>, vector<16xf32>,
        %add3A_1920 = arith.constant 24 : i32
        %add3A_1921 = arith.addi %add3A_1920, %scan3A_735 : i32
        %select_n3A_1922 = arith.select %eq3A_765, %add3A_1826, %add3A_1822 : vector<16xi1>, vector<16xf32>
        %swap3A_1923 = arith.index_cast %select_n3A_623 : i32 to index
        %swap3A_1924 = arith.index_cast %add3A_1921 : i32 to index
        %swap3A_1925 = arith.constant 400 : index
        %swap3A_1926 = tpu.vector_load %arg12[%swap3A_1923, %swap3A_1924, %swap3A_1925] {strides = array<i32>} : memref<3x32x1024xf32, #tpu.memory_space<vmem>>, vector<16xf32>,
        tpu.vector_store %arg12[%swap3A_1923, %swap3A_1924, %swap3A_1925], %select_n3A_1922 {add = true, strides = array<i32>} : memref<3x32x1024xf32, #tpu.memory_space<vmem>>, vector<16xf32>,
        %add3A_1927 = arith.constant 24 : i32
        %add3A_1928 = arith.addi %add3A_1927, %scan3A_735 : i32
        %select_n3A_1929 = arith.select %eq3A_765, %add3A_1827, %add3A_1823 : vector<16xi1>, vector<16xf32>
        %swap3A_1930 = arith.index_cast %select_n3A_623 : i32 to index
        %swap3A_1931 = arith.index_cast %add3A_1928 : i32 to index
        %swap3A_1932 = arith.constant 416 : index
        %swap3A_1933 = tpu.vector_load %arg12[%swap3A_1930, %swap3A_1931, %swap3A_1932] {strides = array<i32>} : memref<3x32x1024xf32, #tpu.memory_space<vmem>>, vector<16xf32>,
        tpu.vector_store %arg12[%swap3A_1930, %swap3A_1931, %swap3A_1932], %select_n3A_1929 {add = true, strides = array<i32>} : memref<3x32x1024xf32, #tpu.memory_space<vmem>>, vector<16xf32>,
        %add3A_1934 = arith.constant 24 : i32
        %add3A_1935 = arith.addi %add3A_1934, %scan3A_735 : i32
        %select_n3A_1936 = arith.select %eq3A_765, %add3A_1828, %add3A_1824 : vector<16xi1>, vector<16xf32>
        %swap3A_1937 = arith.index_cast %select_n3A_623 : i32 to index
        %swap3A_1938 = arith.index_cast %add3A_1935 : i32 to index
        %swap3A_1939 = arith.constant 432 : index
        %swap3A_1940 = tpu.vector_load %arg12[%swap3A_1937, %swap3A_1938, %swap3A_1939] {strides = array<i32>} : memref<3x32x1024xf32, #tpu.memory_space<vmem>>, vector<16xf32>,
        tpu.vector_store %arg12[%swap3A_1937, %swap3A_1938, %swap3A_1939], %select_n3A_1936 {add = true, strides = array<i32>} : memref<3x32x1024xf32, #tpu.memory_space<vmem>>, vector<16xf32>,
        %get3A_1941 = arith.index_cast %select_n3A_639 : i32 to index
        %get3A_1942 = arith.index_cast %scan3A_735 : i32 to index
        %get3A_1943 = arith.constant 448 : index
        %get3A_1944 = tpu.vector_load %arg13[%get3A_1941, %get3A_1942, %get3A_1943] {strides = array<i32>} : memref<2x8x1024xf32, #tpu.memory_space<vmem>>, vector<16xf32>,
        %get3A_1945 = arith.index_cast %select_n3A_639 : i32 to index
        %get3A_1946 = arith.index_cast %scan3A_735 : i32 to index
        %get3A_1947 = arith.constant 464 : index
        %get3A_1948 = tpu.vector_load %arg13[%get3A_1945, %get3A_1946, %get3A_1947] {strides = array<i32>} : memref<2x8x1024xf32, #tpu.memory_space<vmem>>, vector<16xf32>,
        %get3A_1949 = arith.index_cast %select_n3A_639 : i32 to index
        %get3A_1950 = arith.index_cast %scan3A_735 : i32 to index
        %get3A_1951 = arith.constant 480 : index
        %get3A_1952 = tpu.vector_load %arg13[%get3A_1949, %get3A_1950, %get3A_1951] {strides = array<i32>} : memref<2x8x1024xf32, #tpu.memory_space<vmem>>, vector<16xf32>,
        %get3A_1953 = arith.index_cast %select_n3A_639 : i32 to index
        %get3A_1954 = arith.index_cast %scan3A_735 : i32 to index
        %get3A_1955 = arith.constant 496 : index
        %get3A_1956 = tpu.vector_load %arg13[%get3A_1953, %get3A_1954, %get3A_1955] {strides = array<i32>} : memref<2x8x1024xf32, #tpu.memory_space<vmem>>, vector<16xf32>,
        %get3A_1957 = arith.constant 0 : i32
        %get3A_1958 = arith.index_cast %get3A_1957 : i32 to index
        %get3A_1959 = arith.constant 448 : index
        %get3A_1960 = tpu.vector_load %arg14[%get3A_1958, %get3A_1959] {strides = array<i32>} : memref<2x1024xf32, #tpu.memory_space<vmem>>, vector<16xf32>,
        %get3A_1961 = arith.constant 0 : i32
        %get3A_1962 = arith.index_cast %get3A_1961 : i32 to index
        %get3A_1963 = arith.constant 464 : index
        %get3A_1964 = tpu.vector_load %arg14[%get3A_1962, %get3A_1963] {strides = array<i32>} : memref<2x1024xf32, #tpu.memory_space<vmem>>, vector<16xf32>,
        %get3A_1965 = arith.constant 0 : i32
        %get3A_1966 = arith.index_cast %get3A_1965 : i32 to index
        %get3A_1967 = arith.constant 480 : index
        %get3A_1968 = tpu.vector_load %arg14[%get3A_1966, %get3A_1967] {strides = array<i32>} : memref<2x1024xf32, #tpu.memory_space<vmem>>, vector<16xf32>,
        %get3A_1969 = arith.constant 0 : i32
        %get3A_1970 = arith.index_cast %get3A_1969 : i32 to index
        %get3A_1971 = arith.constant 496 : index
        %get3A_1972 = tpu.vector_load %arg14[%get3A_1970, %get3A_1971] {strides = array<i32>} : memref<2x1024xf32, #tpu.memory_space<vmem>>, vector<16xf32>,
        %get3A_1973 = arith.constant 1 : i32
        %get3A_1974 = arith.index_cast %get3A_1973 : i32 to index
        %get3A_1975 = arith.constant 448 : index
        %get3A_1976 = tpu.vector_load %arg14[%get3A_1974, %get3A_1975] {strides = array<i32>} : memref<2x1024xf32, #tpu.memory_space<vmem>>, vector<16xf32>,
        %get3A_1977 = arith.constant 1 : i32
        %get3A_1978 = arith.index_cast %get3A_1977 : i32 to index
        %get3A_1979 = arith.constant 464 : index
        %get3A_1980 = tpu.vector_load %arg14[%get3A_1978, %get3A_1979] {strides = array<i32>} : memref<2x1024xf32, #tpu.memory_space<vmem>>, vector<16xf32>,
        %get3A_1981 = arith.constant 1 : i32
        %get3A_1982 = arith.index_cast %get3A_1981 : i32 to index
        %get3A_1983 = arith.constant 480 : index
        %get3A_1984 = tpu.vector_load %arg14[%get3A_1982, %get3A_1983] {strides = array<i32>} : memref<2x1024xf32, #tpu.memory_space<vmem>>, vector<16xf32>,
        %get3A_1985 = arith.constant 1 : i32
        %get3A_1986 = arith.index_cast %get3A_1985 : i32 to index
        %get3A_1987 = arith.constant 496 : index
        %get3A_1988 = tpu.vector_load %arg14[%get3A_1986, %get3A_1987] {strides = array<i32>} : memref<2x1024xf32, #tpu.memory_space<vmem>>, vector<16xf32>,
        %add3A_1989 = arith.addf %get3A_1944, %get3A_1960 : vector<16xf32>
        %add3A_1990 = arith.addf %get3A_1948, %get3A_1964 : vector<16xf32>
        %add3A_1991 = arith.addf %get3A_1952, %get3A_1968 : vector<16xf32>
        %add3A_1992 = arith.addf %get3A_1956, %get3A_1972 : vector<16xf32>
        %add3A_1993 = arith.addf %get3A_1944, %get3A_1976 : vector<16xf32>
        %add3A_1994 = arith.addf %get3A_1948, %get3A_1980 : vector<16xf32>
        %add3A_1995 = arith.addf %get3A_1952, %get3A_1984 : vector<16xf32>
        %add3A_1996 = arith.addf %get3A_1956, %get3A_1988 : vector<16xf32>
        %add3A_1997 = arith.constant 0 : i32
        %add3A_1998 = arith.addi %add3A_1997, %scan3A_735 : i32
        %select_n3A_1999 = arith.select %eq3A_747, %add3A_1993, %add3A_1989 : vector<16xi1>, vector<16xf32>
        %swap3A_2000 = arith.index_cast %select_n3A_623 : i32 to index
        %swap3A_2001 = arith.index_cast %add3A_1998 : i32 to index
        %swap3A_2002 = arith.constant 448 : index
        %swap3A_2003 = tpu.vector_load %arg12[%swap3A_2000, %swap3A_2001, %swap3A_2002] {strides = array<i32>} : memref<3x32x1024xf32, #tpu.memory_space<vmem>>, vector<16xf32>,
        tpu.vector_store %arg12[%swap3A_2000, %swap3A_2001, %swap3A_2002], %select_n3A_1999 {add = true, strides = array<i32>} : memref<3x32x1024xf32, #tpu.memory_space<vmem>>, vector<16xf32>,
        %add3A_2004 = arith.constant 0 : i32
        %add3A_2005 = arith.addi %add3A_2004, %scan3A_735 : i32
        %select_n3A_2006 = arith.select %eq3A_747, %add3A_1994, %add3A_1990 : vector<16xi1>, vector<16xf32>
        %swap3A_2007 = arith.index_cast %select_n3A_623 : i32 to index
        %swap3A_2008 = arith.index_cast %add3A_2005 : i32 to index
        %swap3A_2009 = arith.constant 464 : index
        %swap3A_2010 = tpu.vector_load %arg12[%swap3A_2007, %swap3A_2008, %swap3A_2009] {strides = array<i32>} : memref<3x32x1024xf32, #tpu.memory_space<vmem>>, vector<16xf32>,
        tpu.vector_store %arg12[%swap3A_2007, %swap3A_2008, %swap3A_2009], %select_n3A_2006 {add = true, strides = array<i32>} : memref<3x32x1024xf32, #tpu.memory_space<vmem>>, vector<16xf32>,
        %add3A_2011 = arith.constant 0 : i32
        %add3A_2012 = arith.addi %add3A_2011, %scan3A_735 : i32
        %select_n3A_2013 = arith.select %eq3A_747, %add3A_1995, %add3A_1991 : vector<16xi1>, vector<16xf32>
        %swap3A_2014 = arith.index_cast %select_n3A_623 : i32 to index
        %swap3A_2015 = arith.index_cast %add3A_2012 : i32 to index
        %swap3A_2016 = arith.constant 480 : index
        %swap3A_2017 = tpu.vector_load %arg12[%swap3A_2014, %swap3A_2015, %swap3A_2016] {strides = array<i32>} : memref<3x32x1024xf32, #tpu.memory_space<vmem>>, vector<16xf32>,
        tpu.vector_store %arg12[%swap3A_2014, %swap3A_2015, %swap3A_2016], %select_n3A_2013 {add = true, strides = array<i32>} : memref<3x32x1024xf32, #tpu.memory_space<vmem>>, vector<16xf32>,
        %add3A_2018 = arith.constant 0 : i32
        %add3A_2019 = arith.addi %add3A_2018, %scan3A_735 : i32
        %select_n3A_2020 = arith.select %eq3A_747, %add3A_1996, %add3A_1992 : vector<16xi1>, vector<16xf32>
        %swap3A_2021 = arith.index_cast %select_n3A_623 : i32 to index
        %swap3A_2022 = arith.index_cast %add3A_2019 : i32 to index
        %swap3A_2023 = arith.constant 496 : index
        %swap3A_2024 = tpu.vector_load %arg12[%swap3A_2021, %swap3A_2022, %swap3A_2023] {strides = array<i32>} : memref<3x32x1024xf32, #tpu.memory_space<vmem>>, vector<16xf32>,
        tpu.vector_store %arg12[%swap3A_2021, %swap3A_2022, %swap3A_2023], %select_n3A_2020 {add = true, strides = array<i32>} : memref<3x32x1024xf32, #tpu.memory_space<vmem>>, vector<16xf32>,
        %add3A_2025 = arith.constant 8 : i32
        %add3A_2026 = arith.addi %add3A_2025, %scan3A_735 : i32
        %select_n3A_2027 = arith.select %eq3A_753, %add3A_1993, %add3A_1989 : vector<16xi1>, vector<16xf32>
        %swap3A_2028 = arith.index_cast %select_n3A_623 : i32 to index
        %swap3A_2029 = arith.index_cast %add3A_2026 : i32 to index
        %swap3A_2030 = arith.constant 448 : index
        %swap3A_2031 = tpu.vector_load %arg12[%swap3A_2028, %swap3A_2029, %swap3A_2030] {strides = array<i32>} : memref<3x32x1024xf32, #tpu.memory_space<vmem>>, vector<16xf32>,
        tpu.vector_store %arg12[%swap3A_2028, %swap3A_2029, %swap3A_2030], %select_n3A_2027 {add = true, strides = array<i32>} : memref<3x32x1024xf32, #tpu.memory_space<vmem>>, vector<16xf32>,
        %add3A_2032 = arith.constant 8 : i32
        %add3A_2033 = arith.addi %add3A_2032, %scan3A_735 : i32
        %select_n3A_2034 = arith.select %eq3A_753, %add3A_1994, %add3A_1990 : vector<16xi1>, vector<16xf32>
        %swap3A_2035 = arith.index_cast %select_n3A_623 : i32 to index
        %swap3A_2036 = arith.index_cast %add3A_2033 : i32 to index
        %swap3A_2037 = arith.constant 464 : index
        %swap3A_2038 = tpu.vector_load %arg12[%swap3A_2035, %swap3A_2036, %swap3A_2037] {strides = array<i32>} : memref<3x32x1024xf32, #tpu.memory_space<vmem>>, vector<16xf32>,
        tpu.vector_store %arg12[%swap3A_2035, %swap3A_2036, %swap3A_2037], %select_n3A_2034 {add = true, strides = array<i32>} : memref<3x32x1024xf32, #tpu.memory_space<vmem>>, vector<16xf32>,
        %add3A_2039 = arith.constant 8 : i32
        %add3A_2040 = arith.addi %add3A_2039, %scan3A_735 : i32
        %select_n3A_2041 = arith.select %eq3A_753, %add3A_1995, %add3A_1991 : vector<16xi1>, vector<16xf32>
        %swap3A_2042 = arith.index_cast %select_n3A_623 : i32 to index
        %swap3A_2043 = arith.index_cast %add3A_2040 : i32 to index
        %swap3A_2044 = arith.constant 480 : index
        %swap3A_2045 = tpu.vector_load %arg12[%swap3A_2042, %swap3A_2043, %swap3A_2044] {strides = array<i32>} : memref<3x32x1024xf32, #tpu.memory_space<vmem>>, vector<16xf32>,
        tpu.vector_store %arg12[%swap3A_2042, %swap3A_2043, %swap3A_2044], %select_n3A_2041 {add = true, strides = array<i32>} : memref<3x32x1024xf32, #tpu.memory_space<vmem>>, vector<16xf32>,
        %add3A_2046 = arith.constant 8 : i32
        %add3A_2047 = arith.addi %add3A_2046, %scan3A_735 : i32
        %select_n3A_2048 = arith.select %eq3A_753, %add3A_1996, %add3A_1992 : vector<16xi1>, vector<16xf32>
        %swap3A_2049 = arith.index_cast %select_n3A_623 : i32 to index
        %swap3A_2050 = arith.index_cast %add3A_2047 : i32 to index
        %swap3A_2051 = arith.constant 496 : index
        %swap3A_2052 = tpu.vector_load %arg12[%swap3A_2049, %swap3A_2050, %swap3A_2051] {strides = array<i32>} : memref<3x32x1024xf32, #tpu.memory_space<vmem>>, vector<16xf32>,
        tpu.vector_store %arg12[%swap3A_2049, %swap3A_2050, %swap3A_2051], %select_n3A_2048 {add = true, strides = array<i32>} : memref<3x32x1024xf32, #tpu.memory_space<vmem>>, vector<16xf32>,
        %add3A_2053 = arith.constant 16 : i32
        %add3A_2054 = arith.addi %add3A_2053, %scan3A_735 : i32
        %select_n3A_2055 = arith.select %eq3A_759, %add3A_1993, %add3A_1989 : vector<16xi1>, vector<16xf32>
        %swap3A_2056 = arith.index_cast %select_n3A_623 : i32 to index
        %swap3A_2057 = arith.index_cast %add3A_2054 : i32 to index
        %swap3A_2058 = arith.constant 448 : index
        %swap3A_2059 = tpu.vector_load %arg12[%swap3A_2056, %swap3A_2057, %swap3A_2058] {strides = array<i32>} : memref<3x32x1024xf32, #tpu.memory_space<vmem>>, vector<16xf32>,
        tpu.vector_store %arg12[%swap3A_2056, %swap3A_2057, %swap3A_2058], %select_n3A_2055 {add = true, strides = array<i32>} : memref<3x32x1024xf32, #tpu.memory_space<vmem>>, vector<16xf32>,
        %add3A_2060 = arith.constant 16 : i32
        %add3A_2061 = arith.addi %add3A_2060, %scan3A_735 : i32
        %select_n3A_2062 = arith.select %eq3A_759, %add3A_1994, %add3A_1990 : vector<16xi1>, vector<16xf32>
        %swap3A_2063 = arith.index_cast %select_n3A_623 : i32 to index
        %swap3A_2064 = arith.index_cast %add3A_2061 : i32 to index
        %swap3A_2065 = arith.constant 464 : index
        %swap3A_2066 = tpu.vector_load %arg12[%swap3A_2063, %swap3A_2064, %swap3A_2065] {strides = array<i32>} : memref<3x32x1024xf32, #tpu.memory_space<vmem>>, vector<16xf32>,
        tpu.vector_store %arg12[%swap3A_2063, %swap3A_2064, %swap3A_2065], %select_n3A_2062 {add = true, strides = array<i32>} : memref<3x32x1024xf32, #tpu.memory_space<vmem>>, vector<16xf32>,
        %add3A_2067 = arith.constant 16 : i32
        %add3A_2068 = arith.addi %add3A_2067, %scan3A_735 : i32
        %select_n3A_2069 = arith.select %eq3A_759, %add3A_1995, %add3A_1991 : vector<16xi1>, vector<16xf32>
        %swap3A_2070 = arith.index_cast %select_n3A_623 : i32 to index
        %swap3A_2071 = arith.index_cast %add3A_2068 : i32 to index
        %swap3A_2072 = arith.constant 480 : index
        %swap3A_2073 = tpu.vector_load %arg12[%swap3A_2070, %swap3A_2071, %swap3A_2072] {strides = array<i32>} : memref<3x32x1024xf32, #tpu.memory_space<vmem>>, vector<16xf32>,
        tpu.vector_store %arg12[%swap3A_2070, %swap3A_2071, %swap3A_2072], %select_n3A_2069 {add = true, strides = array<i32>} : memref<3x32x1024xf32, #tpu.memory_space<vmem>>, vector<16xf32>,
        %add3A_2074 = arith.constant 16 : i32
        %add3A_2075 = arith.addi %add3A_2074, %scan3A_735 : i32
        %select_n3A_2076 = arith.select %eq3A_759, %add3A_1996, %add3A_1992 : vector<16xi1>, vector<16xf32>
        %swap3A_2077 = arith.index_cast %select_n3A_623 : i32 to index
        %swap3A_2078 = arith.index_cast %add3A_2075 : i32 to index
        %swap3A_2079 = arith.constant 496 : index
        %swap3A_2080 = tpu.vector_load %arg12[%swap3A_2077, %swap3A_2078, %swap3A_2079] {strides = array<i32>} : memref<3x32x1024xf32, #tpu.memory_space<vmem>>, vector<16xf32>,
        tpu.vector_store %arg12[%swap3A_2077, %swap3A_2078, %swap3A_2079], %select_n3A_2076 {add = true, strides = array<i32>} : memref<3x32x1024xf32, #tpu.memory_space<vmem>>, vector<16xf32>,
        %add3A_2081 = arith.constant 24 : i32
        %add3A_2082 = arith.addi %add3A_2081, %scan3A_735 : i32
        %select_n3A_2083 = arith.select %eq3A_765, %add3A_1993, %add3A_1989 : vector<16xi1>, vector<16xf32>
        %swap3A_2084 = arith.index_cast %select_n3A_623 : i32 to index
        %swap3A_2085 = arith.index_cast %add3A_2082 : i32 to index
        %swap3A_2086 = arith.constant 448 : index
        %swap3A_2087 = tpu.vector_load %arg12[%swap3A_2084, %swap3A_2085, %swap3A_2086] {strides = array<i32>} : memref<3x32x1024xf32, #tpu.memory_space<vmem>>, vector<16xf32>,
        tpu.vector_store %arg12[%swap3A_2084, %swap3A_2085, %swap3A_2086], %select_n3A_2083 {add = true, strides = array<i32>} : memref<3x32x1024xf32, #tpu.memory_space<vmem>>, vector<16xf32>,
        %add3A_2088 = arith.constant 24 : i32
        %add3A_2089 = arith.addi %add3A_2088, %scan3A_735 : i32
        %select_n3A_2090 = arith.select %eq3A_765, %add3A_1994, %add3A_1990 : vector<16xi1>, vector<16xf32>
        %swap3A_2091 = arith.index_cast %select_n3A_623 : i32 to index
        %swap3A_2092 = arith.index_cast %add3A_2089 : i32 to index
        %swap3A_2093 = arith.constant 464 : index
        %swap3A_2094 = tpu.vector_load %arg12[%swap3A_2091, %swap3A_2092, %swap3A_2093] {strides = array<i32>} : memref<3x32x1024xf32, #tpu.memory_space<vmem>>, vector<16xf32>,
        tpu.vector_store %arg12[%swap3A_2091, %swap3A_2092, %swap3A_2093], %select_n3A_2090 {add = true, strides = array<i32>} : memref<3x32x1024xf32, #tpu.memory_space<vmem>>, vector<16xf32>,
        %add3A_2095 = arith.constant 24 : i32
        %add3A_2096 = arith.addi %add3A_2095, %scan3A_735 : i32
        %select_n3A_2097 = arith.select %eq3A_765, %add3A_1995, %add3A_1991 : vector<16xi1>, vector<16xf32>
        %swap3A_2098 = arith.index_cast %select_n3A_623 : i32 to index
        %swap3A_2099 = arith.index_cast %add3A_2096 : i32 to index
        %swap3A_2100 = arith.constant 480 : index
        %swap3A_2101 = tpu.vector_load %arg12[%swap3A_2098, %swap3A_2099, %swap3A_2100] {strides = array<i32>} : memref<3x32x1024xf32, #tpu.memory_space<vmem>>, vector<16xf32>,
        tpu.vector_store %arg12[%swap3A_2098, %swap3A_2099, %swap3A_2100], %select_n3A_2097 {add = true, strides = array<i32>} : memref<3x32x1024xf32, #tpu.memory_space<vmem>>, vector<16xf32>,
        %add3A_2102 = arith.constant 24 : i32
        %add3A_2103 = arith.addi %add3A_2102, %scan3A_735 : i32
        %select_n3A_2104 = arith.select %eq3A_765, %add3A_1996, %add3A_1992 : vector<16xi1>, vector<16xf32>
        %swap3A_2105 = arith.index_cast %select_n3A_623 : i32 to index
        %swap3A_2106 = arith.index_cast %add3A_2103 : i32 to index
        %swap3A_2107 = arith.constant 496 : index
        %swap3A_2108 = tpu.vector_load %arg12[%swap3A_2105, %swap3A_2106, %swap3A_2107] {strides = array<i32>} : memref<3x32x1024xf32, #tpu.memory_space<vmem>>, vector<16xf32>,
        tpu.vector_store %arg12[%swap3A_2105, %swap3A_2106, %swap3A_2107], %select_n3A_2104 {add = true, strides = array<i32>} : memref<3x32x1024xf32, #tpu.memory_space<vmem>>, vector<16xf32>,
        %get3A_2109 = arith.index_cast %select_n3A_639 : i32 to index
        %get3A_2110 = arith.index_cast %scan3A_735 : i32 to index
        %get3A_2111 = arith.constant 512 : index
        %get3A_2112 = tpu.vector_load %arg13[%get3A_2109, %get3A_2110, %get3A_2111] {strides = array<i32>} : memref<2x8x1024xf32, #tpu.memory_space<vmem>>, vector<16xf32>,
        %get3A_2113 = arith.index_cast %select_n3A_639 : i32 to index
        %get3A_2114 = arith.index_cast %scan3A_735 : i32 to index
        %get3A_2115 = arith.constant 528 : index
        %get3A_2116 = tpu.vector_load %arg13[%get3A_2113, %get3A_2114, %get3A_2115] {strides = array<i32>} : memref<2x8x1024xf32, #tpu.memory_space<vmem>>, vector<16xf32>,
        %get3A_2117 = arith.index_cast %select_n3A_639 : i32 to index
        %get3A_2118 = arith.index_cast %scan3A_735 : i32 to index
        %get3A_2119 = arith.constant 544 : index
        %get3A_2120 = tpu.vector_load %arg13[%get3A_2117, %get3A_2118, %get3A_2119] {strides = array<i32>} : memref<2x8x1024xf32, #tpu.memory_space<vmem>>, vector<16xf32>,
        %get3A_2121 = arith.index_cast %select_n3A_639 : i32 to index
        %get3A_2122 = arith.index_cast %scan3A_735 : i32 to index
        %get3A_2123 = arith.constant 560 : index
        %get3A_2124 = tpu.vector_load %arg13[%get3A_2121, %get3A_2122, %get3A_2123] {strides = array<i32>} : memref<2x8x1024xf32, #tpu.memory_space<vmem>>, vector<16xf32>,
        %get3A_2125 = arith.constant 0 : i32
        %get3A_2126 = arith.index_cast %get3A_2125 : i32 to index
        %get3A_2127 = arith.constant 512 : index
        %get3A_2128 = tpu.vector_load %arg14[%get3A_2126, %get3A_2127] {strides = array<i32>} : memref<2x1024xf32, #tpu.memory_space<vmem>>, vector<16xf32>,
        %get3A_2129 = arith.constant 0 : i32
        %get3A_2130 = arith.index_cast %get3A_2129 : i32 to index
        %get3A_2131 = arith.constant 528 : index
        %get3A_2132 = tpu.vector_load %arg14[%get3A_2130, %get3A_2131] {strides = array<i32>} : memref<2x1024xf32, #tpu.memory_space<vmem>>, vector<16xf32>,
        %get3A_2133 = arith.constant 0 : i32
        %get3A_2134 = arith.index_cast %get3A_2133 : i32 to index
        %get3A_2135 = arith.constant 544 : index
        %get3A_2136 = tpu.vector_load %arg14[%get3A_2134, %get3A_2135] {strides = array<i32>} : memref<2x1024xf32, #tpu.memory_space<vmem>>, vector<16xf32>,
        %get3A_2137 = arith.constant 0 : i32
        %get3A_2138 = arith.index_cast %get3A_2137 : i32 to index
        %get3A_2139 = arith.constant 560 : index
        %get3A_2140 = tpu.vector_load %arg14[%get3A_2138, %get3A_2139] {strides = array<i32>} : memref<2x1024xf32, #tpu.memory_space<vmem>>, vector<16xf32>,
        %get3A_2141 = arith.constant 1 : i32
        %get3A_2142 = arith.index_cast %get3A_2141 : i32 to index
        %get3A_2143 = arith.constant 512 : index
        %get3A_2144 = tpu.vector_load %arg14[%get3A_2142, %get3A_2143] {strides = array<i32>} : memref<2x1024xf32, #tpu.memory_space<vmem>>, vector<16xf32>,
        %get3A_2145 = arith.constant 1 : i32
        %get3A_2146 = arith.index_cast %get3A_2145 : i32 to index
        %get3A_2147 = arith.constant 528 : index
        %get3A_2148 = tpu.vector_load %arg14[%get3A_2146, %get3A_2147] {strides = array<i32>} : memref<2x1024xf32, #tpu.memory_space<vmem>>, vector<16xf32>,
        %get3A_2149 = arith.constant 1 : i32
        %get3A_2150 = arith.index_cast %get3A_2149 : i32 to index
        %get3A_2151 = arith.constant 544 : index
        %get3A_2152 = tpu.vector_load %arg14[%get3A_2150, %get3A_2151] {strides = array<i32>} : memref<2x1024xf32, #tpu.memory_space<vmem>>, vector<16xf32>,
        %get3A_2153 = arith.constant 1 : i32
        %get3A_2154 = arith.index_cast %get3A_2153 : i32 to index
        %get3A_2155 = arith.constant 560 : index
        %get3A_2156 = tpu.vector_load %arg14[%get3A_2154, %get3A_2155] {strides = array<i32>} : memref<2x1024xf32, #tpu.memory_space<vmem>>, vector<16xf32>,
        %add3A_2157 = arith.addf %get3A_2112, %get3A_2128 : vector<16xf32>
        %add3A_2158 = arith.addf %get3A_2116, %get3A_2132 : vector<16xf32>
        %add3A_2159 = arith.addf %get3A_2120, %get3A_2136 : vector<16xf32>
        %add3A_2160 = arith.addf %get3A_2124, %get3A_2140 : vector<16xf32>
        %add3A_2161 = arith.addf %get3A_2112, %get3A_2144 : vector<16xf32>
        %add3A_2162 = arith.addf %get3A_2116, %get3A_2148 : vector<16xf32>
        %add3A_2163 = arith.addf %get3A_2120, %get3A_2152 : vector<16xf32>
        %add3A_2164 = arith.addf %get3A_2124, %get3A_2156 : vector<16xf32>
        %add3A_2165 = arith.constant 0 : i32
        %add3A_2166 = arith.addi %add3A_2165, %scan3A_735 : i32
        %select_n3A_2167 = arith.select %eq3A_747, %add3A_2161, %add3A_2157 : vector<16xi1>, vector<16xf32>
        %swap3A_2168 = arith.index_cast %select_n3A_623 : i32 to index
        %swap3A_2169 = arith.index_cast %add3A_2166 : i32 to index
        %swap3A_2170 = arith.constant 512 : index
        %swap3A_2171 = tpu.vector_load %arg12[%swap3A_2168, %swap3A_2169, %swap3A_2170] {strides = array<i32>} : memref<3x32x1024xf32, #tpu.memory_space<vmem>>, vector<16xf32>,
        tpu.vector_store %arg12[%swap3A_2168, %swap3A_2169, %swap3A_2170], %select_n3A_2167 {add = true, strides = array<i32>} : memref<3x32x1024xf32, #tpu.memory_space<vmem>>, vector<16xf32>,
        %add3A_2172 = arith.constant 0 : i32
        %add3A_2173 = arith.addi %add3A_2172, %scan3A_735 : i32
        %select_n3A_2174 = arith.select %eq3A_747, %add3A_2162, %add3A_2158 : vector<16xi1>, vector<16xf32>
        %swap3A_2175 = arith.index_cast %select_n3A_623 : i32 to index
        %swap3A_2176 = arith.index_cast %add3A_2173 : i32 to index
        %swap3A_2177 = arith.constant 528 : index
        %swap3A_2178 = tpu.vector_load %arg12[%swap3A_2175, %swap3A_2176, %swap3A_2177] {strides = array<i32>} : memref<3x32x1024xf32, #tpu.memory_space<vmem>>, vector<16xf32>,
        tpu.vector_store %arg12[%swap3A_2175, %swap3A_2176, %swap3A_2177], %select_n3A_2174 {add = true, strides = array<i32>} : memref<3x32x1024xf32, #tpu.memory_space<vmem>>, vector<16xf32>,
        %add3A_2179 = arith.constant 0 : i32
        %add3A_2180 = arith.addi %add3A_2179, %scan3A_735 : i32
        %select_n3A_2181 = arith.select %eq3A_747, %add3A_2163, %add3A_2159 : vector<16xi1>, vector<16xf32>
        %swap3A_2182 = arith.index_cast %select_n3A_623 : i32 to index
        %swap3A_2183 = arith.index_cast %add3A_2180 : i32 to index
        %swap3A_2184 = arith.constant 544 : index
        %swap3A_2185 = tpu.vector_load %arg12[%swap3A_2182, %swap3A_2183, %swap3A_2184] {strides = array<i32>} : memref<3x32x1024xf32, #tpu.memory_space<vmem>>, vector<16xf32>,
        tpu.vector_store %arg12[%swap3A_2182, %swap3A_2183, %swap3A_2184], %select_n3A_2181 {add = true, strides = array<i32>} : memref<3x32x1024xf32, #tpu.memory_space<vmem>>, vector<16xf32>,
        %add3A_2186 = arith.constant 0 : i32
        %add3A_2187 = arith.addi %add3A_2186, %scan3A_735 : i32
        %select_n3A_2188 = arith.select %eq3A_747, %add3A_2164, %add3A_2160 : vector<16xi1>, vector<16xf32>
        %swap3A_2189 = arith.index_cast %select_n3A_623 : i32 to index
        %swap3A_2190 = arith.index_cast %add3A_2187 : i32 to index
        %swap3A_2191 = arith.constant 560 : index
        %swap3A_2192 = tpu.vector_load %arg12[%swap3A_2189, %swap3A_2190, %swap3A_2191] {strides = array<i32>} : memref<3x32x1024xf32, #tpu.memory_space<vmem>>, vector<16xf32>,
        tpu.vector_store %arg12[%swap3A_2189, %swap3A_2190, %swap3A_2191], %select_n3A_2188 {add = true, strides = array<i32>} : memref<3x32x1024xf32, #tpu.memory_space<vmem>>, vector<16xf32>,
        %add3A_2193 = arith.constant 8 : i32
        %add3A_2194 = arith.addi %add3A_2193, %scan3A_735 : i32
        %select_n3A_2195 = arith.select %eq3A_753, %add3A_2161, %add3A_2157 : vector<16xi1>, vector<16xf32>
        %swap3A_2196 = arith.index_cast %select_n3A_623 : i32 to index
        %swap3A_2197 = arith.index_cast %add3A_2194 : i32 to index
        %swap3A_2198 = arith.constant 512 : index
        %swap3A_2199 = tpu.vector_load %arg12[%swap3A_2196, %swap3A_2197, %swap3A_2198] {strides = array<i32>} : memref<3x32x1024xf32, #tpu.memory_space<vmem>>, vector<16xf32>,
        tpu.vector_store %arg12[%swap3A_2196, %swap3A_2197, %swap3A_2198], %select_n3A_2195 {add = true, strides = array<i32>} : memref<3x32x1024xf32, #tpu.memory_space<vmem>>, vector<16xf32>,
        %add3A_2200 = arith.constant 8 : i32
        %add3A_2201 = arith.addi %add3A_2200, %scan3A_735 : i32
        %select_n3A_2202 = arith.select %eq3A_753, %add3A_2162, %add3A_2158 : vector<16xi1>, vector<16xf32>
        %swap3A_2203 = arith.index_cast %select_n3A_623 : i32 to index
        %swap3A_2204 = arith.index_cast %add3A_2201 : i32 to index
        %swap3A_2205 = arith.constant 528 : index
        %swap3A_2206 = tpu.vector_load %arg12[%swap3A_2203, %swap3A_2204, %swap3A_2205] {strides = array<i32>} : memref<3x32x1024xf32, #tpu.memory_space<vmem>>, vector<16xf32>,
        tpu.vector_store %arg12[%swap3A_2203, %swap3A_2204, %swap3A_2205], %select_n3A_2202 {add = true, strides = array<i32>} : memref<3x32x1024xf32, #tpu.memory_space<vmem>>, vector<16xf32>,
        %add3A_2207 = arith.constant 8 : i32
        %add3A_2208 = arith.addi %add3A_2207, %scan3A_735 : i32
        %select_n3A_2209 = arith.select %eq3A_753, %add3A_2163, %add3A_2159 : vector<16xi1>, vector<16xf32>
        %swap3A_2210 = arith.index_cast %select_n3A_623 : i32 to index
        %swap3A_2211 = arith.index_cast %add3A_2208 : i32 to index
        %swap3A_2212 = arith.constant 544 : index
        %swap3A_2213 = tpu.vector_load %arg12[%swap3A_2210, %swap3A_2211, %swap3A_2212] {strides = array<i32>} : memref<3x32x1024xf32, #tpu.memory_space<vmem>>, vector<16xf32>,
        tpu.vector_store %arg12[%swap3A_2210, %swap3A_2211, %swap3A_2212], %select_n3A_2209 {add = true, strides = array<i32>} : memref<3x32x1024xf32, #tpu.memory_space<vmem>>, vector<16xf32>,
        %add3A_2214 = arith.constant 8 : i32
        %add3A_2215 = arith.addi %add3A_2214, %scan3A_735 : i32
        %select_n3A_2216 = arith.select %eq3A_753, %add3A_2164, %add3A_2160 : vector<16xi1>, vector<16xf32>
        %swap3A_2217 = arith.index_cast %select_n3A_623 : i32 to index
        %swap3A_2218 = arith.index_cast %add3A_2215 : i32 to index
        %swap3A_2219 = arith.constant 560 : index
        %swap3A_2220 = tpu.vector_load %arg12[%swap3A_2217, %swap3A_2218, %swap3A_2219] {strides = array<i32>} : memref<3x32x1024xf32, #tpu.memory_space<vmem>>, vector<16xf32>,
        tpu.vector_store %arg12[%swap3A_2217, %swap3A_2218, %swap3A_2219], %select_n3A_2216 {add = true, strides = array<i32>} : memref<3x32x1024xf32, #tpu.memory_space<vmem>>, vector<16xf32>,
        %add3A_2221 = arith.constant 16 : i32
        %add3A_2222 = arith.addi %add3A_2221, %scan3A_735 : i32
        %select_n3A_2223 = arith.select %eq3A_759, %add3A_2161, %add3A_2157 : vector<16xi1>, vector<16xf32>
        %swap3A_2224 = arith.index_cast %select_n3A_623 : i32 to index
        %swap3A_2225 = arith.index_cast %add3A_2222 : i32 to index
        %swap3A_2226 = arith.constant 512 : index
        %swap3A_2227 = tpu.vector_load %arg12[%swap3A_2224, %swap3A_2225, %swap3A_2226] {strides = array<i32>} : memref<3x32x1024xf32, #tpu.memory_space<vmem>>, vector<16xf32>,
        tpu.vector_store %arg12[%swap3A_2224, %swap3A_2225, %swap3A_2226], %select_n3A_2223 {add = true, strides = array<i32>} : memref<3x32x1024xf32, #tpu.memory_space<vmem>>, vector<16xf32>,
        %add3A_2228 = arith.constant 16 : i32
        %add3A_2229 = arith.addi %add3A_2228, %scan3A_735 : i32
        %select_n3A_2230 = arith.select %eq3A_759, %add3A_2162, %add3A_2158 : vector<16xi1>, vector<16xf32>
        %swap3A_2231 = arith.index_cast %select_n3A_623 : i32 to index
        %swap3A_2232 = arith.index_cast %add3A_2229 : i32 to index
        %swap3A_2233 = arith.constant 528 : index
        %swap3A_2234 = tpu.vector_load %arg12[%swap3A_2231, %swap3A_2232, %swap3A_2233] {strides = array<i32>} : memref<3x32x1024xf32, #tpu.memory_space<vmem>>, vector<16xf32>,
        tpu.vector_store %arg12[%swap3A_2231, %swap3A_2232, %swap3A_2233], %select_n3A_2230 {add = true, strides = array<i32>} : memref<3x32x1024xf32, #tpu.memory_space<vmem>>, vector<16xf32>,
        %add3A_2235 = arith.constant 16 : i32
        %add3A_2236 = arith.addi %add3A_2235, %scan3A_735 : i32
        %select_n3A_2237 = arith.select %eq3A_759, %add3A_2163, %add3A_2159 : vector<16xi1>, vector<16xf32>
        %swap3A_2238 = arith.index_cast %select_n3A_623 : i32 to index
        %swap3A_2239 = arith.index_cast %add3A_2236 : i32 to index
        %swap3A_2240 = arith.constant 544 : index
        %swap3A_2241 = tpu.vector_load %arg12[%swap3A_2238, %swap3A_2239, %swap3A_2240] {strides = array<i32>} : memref<3x32x1024xf32, #tpu.memory_space<vmem>>, vector<16xf32>,
        tpu.vector_store %arg12[%swap3A_2238, %swap3A_2239, %swap3A_2240], %select_n3A_2237 {add = true, strides = array<i32>} : memref<3x32x1024xf32, #tpu.memory_space<vmem>>, vector<16xf32>,
        %add3A_2242 = arith.constant 16 : i32
        %add3A_2243 = arith.addi %add3A_2242, %scan3A_735 : i32
        %select_n3A_2244 = arith.select %eq3A_759, %add3A_2164, %add3A_2160 : vector<16xi1>, vector<16xf32>
        %swap3A_2245 = arith.index_cast %select_n3A_623 : i32 to index
        %swap3A_2246 = arith.index_cast %add3A_2243 : i32 to index
        %swap3A_2247 = arith.constant 560 : index
        %swap3A_2248 = tpu.vector_load %arg12[%swap3A_2245, %swap3A_2246, %swap3A_2247] {strides = array<i32>} : memref<3x32x1024xf32, #tpu.memory_space<vmem>>, vector<16xf32>,
        tpu.vector_store %arg12[%swap3A_2245, %swap3A_2246, %swap3A_2247], %select_n3A_2244 {add = true, strides = array<i32>} : memref<3x32x1024xf32, #tpu.memory_space<vmem>>, vector<16xf32>,
        %add3A_2249 = arith.constant 24 : i32
        %add3A_2250 = arith.addi %add3A_2249, %scan3A_735 : i32
        %select_n3A_2251 = arith.select %eq3A_765, %add3A_2161, %add3A_2157 : vector<16xi1>, vector<16xf32>
        %swap3A_2252 = arith.index_cast %select_n3A_623 : i32 to index
        %swap3A_2253 = arith.index_cast %add3A_2250 : i32 to index
        %swap3A_2254 = arith.constant 512 : index
        %swap3A_2255 = tpu.vector_load %arg12[%swap3A_2252, %swap3A_2253, %swap3A_2254] {strides = array<i32>} : memref<3x32x1024xf32, #tpu.memory_space<vmem>>, vector<16xf32>,
        tpu.vector_store %arg12[%swap3A_2252, %swap3A_2253, %swap3A_2254], %select_n3A_2251 {add = true, strides = array<i32>} : memref<3x32x1024xf32, #tpu.memory_space<vmem>>, vector<16xf32>,
        %add3A_2256 = arith.constant 24 : i32
        %add3A_2257 = arith.addi %add3A_2256, %scan3A_735 : i32
        %select_n3A_2258 = arith.select %eq3A_765, %add3A_2162, %add3A_2158 : vector<16xi1>, vector<16xf32>
        %swap3A_2259 = arith.index_cast %select_n3A_623 : i32 to index
        %swap3A_2260 = arith.index_cast %add3A_2257 : i32 to index
        %swap3A_2261 = arith.constant 528 : index
        %swap3A_2262 = tpu.vector_load %arg12[%swap3A_2259, %swap3A_2260, %swap3A_2261] {strides = array<i32>} : memref<3x32x1024xf32, #tpu.memory_space<vmem>>, vector<16xf32>,
        tpu.vector_store %arg12[%swap3A_2259, %swap3A_2260, %swap3A_2261], %select_n3A_2258 {add = true, strides = array<i32>} : memref<3x32x1024xf32, #tpu.memory_space<vmem>>, vector<16xf32>,
        %add3A_2263 = arith.constant 24 : i32
        %add3A_2264 = arith.addi %add3A_2263, %scan3A_735 : i32
        %select_n3A_2265 = arith.select %eq3A_765, %add3A_2163, %add3A_2159 : vector<16xi1>, vector<16xf32>
        %swap3A_2266 = arith.index_cast %select_n3A_623 : i32 to index
        %swap3A_2267 = arith.index_cast %add3A_2264 : i32 to index
        %swap3A_2268 = arith.constant 544 : index
        %swap3A_2269 = tpu.vector_load %arg12[%swap3A_2266, %swap3A_2267, %swap3A_2268] {strides = array<i32>} : memref<3x32x1024xf32, #tpu.memory_space<vmem>>, vector<16xf32>,
        tpu.vector_store %arg12[%swap3A_2266, %swap3A_2267, %swap3A_2268], %select_n3A_2265 {add = true, strides = array<i32>} : memref<3x32x1024xf32, #tpu.memory_space<vmem>>, vector<16xf32>,
        %add3A_2270 = arith.constant 24 : i32
        %add3A_2271 = arith.addi %add3A_2270, %scan3A_735 : i32
        %select_n3A_2272 = arith.select %eq3A_765, %add3A_2164, %add3A_2160 : vector<16xi1>, vector<16xf32>
        %swap3A_2273 = arith.index_cast %select_n3A_623 : i32 to index
        %swap3A_2274 = arith.index_cast %add3A_2271 : i32 to index
        %swap3A_2275 = arith.constant 560 : index
        %swap3A_2276 = tpu.vector_load %arg12[%swap3A_2273, %swap3A_2274, %swap3A_2275] {strides = array<i32>} : memref<3x32x1024xf32, #tpu.memory_space<vmem>>, vector<16xf32>,
        tpu.vector_store %arg12[%swap3A_2273, %swap3A_2274, %swap3A_2275], %select_n3A_2272 {add = true, strides = array<i32>} : memref<3x32x1024xf32, #tpu.memory_space<vmem>>, vector<16xf32>,
        %get3A_2277 = arith.index_cast %select_n3A_639 : i32 to index
        %get3A_2278 = arith.index_cast %scan3A_735 : i32 to index
        %get3A_2279 = arith.constant 576 : index
        %get3A_2280 = tpu.vector_load %arg13[%get3A_2277, %get3A_2278, %get3A_2279] {strides = array<i32>} : memref<2x8x1024xf32, #tpu.memory_space<vmem>>, vector<16xf32>,
        %get3A_2281 = arith.index_cast %select_n3A_639 : i32 to index
        %get3A_2282 = arith.index_cast %scan3A_735 : i32 to index
        %get3A_2283 = arith.constant 592 : index
        %get3A_2284 = tpu.vector_load %arg13[%get3A_2281, %get3A_2282, %get3A_2283] {strides = array<i32>} : memref<2x8x1024xf32, #tpu.memory_space<vmem>>, vector<16xf32>,
        %get3A_2285 = arith.index_cast %select_n3A_639 : i32 to index
        %get3A_2286 = arith.index_cast %scan3A_735 : i32 to index
        %get3A_2287 = arith.constant 608 : index
        %get3A_2288 = tpu.vector_load %arg13[%get3A_2285, %get3A_2286, %get3A_2287] {strides = array<i32>} : memref<2x8x1024xf32, #tpu.memory_space<vmem>>, vector<16xf32>,
        %get3A_2289 = arith.index_cast %select_n3A_639 : i32 to index
        %get3A_2290 = arith.index_cast %scan3A_735 : i32 to index
        %get3A_2291 = arith.constant 624 : index
        %get3A_2292 = tpu.vector_load %arg13[%get3A_2289, %get3A_2290, %get3A_2291] {strides = array<i32>} : memref<2x8x1024xf32, #tpu.memory_space<vmem>>, vector<16xf32>,
        %get3A_2293 = arith.constant 0 : i32
        %get3A_2294 = arith.index_cast %get3A_2293 : i32 to index
        %get3A_2295 = arith.constant 576 : index
        %get3A_2296 = tpu.vector_load %arg14[%get3A_2294, %get3A_2295] {strides = array<i32>} : memref<2x1024xf32, #tpu.memory_space<vmem>>, vector<16xf32>,
        %get3A_2297 = arith.constant 0 : i32
        %get3A_2298 = arith.index_cast %get3A_2297 : i32 to index
        %get3A_2299 = arith.constant 592 : index
        %get3A_2300 = tpu.vector_load %arg14[%get3A_2298, %get3A_2299] {strides = array<i32>} : memref<2x1024xf32, #tpu.memory_space<vmem>>, vector<16xf32>,
        %get3A_2301 = arith.constant 0 : i32
        %get3A_2302 = arith.index_cast %get3A_2301 : i32 to index
        %get3A_2303 = arith.constant 608 : index
        %get3A_2304 = tpu.vector_load %arg14[%get3A_2302, %get3A_2303] {strides = array<i32>} : memref<2x1024xf32, #tpu.memory_space<vmem>>, vector<16xf32>,
        %get3A_2305 = arith.constant 0 : i32
        %get3A_2306 = arith.index_cast %get3A_2305 : i32 to index
        %get3A_2307 = arith.constant 624 : index
        %get3A_2308 = tpu.vector_load %arg14[%get3A_2306, %get3A_2307] {strides = array<i32>} : memref<2x1024xf32, #tpu.memory_space<vmem>>, vector<16xf32>,
        %get3A_2309 = arith.constant 1 : i32
        %get3A_2310 = arith.index_cast %get3A_2309 : i32 to index
        %get3A_2311 = arith.constant 576 : index
        %get3A_2312 = tpu.vector_load %arg14[%get3A_2310, %get3A_2311] {strides = array<i32>} : memref<2x1024xf32, #tpu.memory_space<vmem>>, vector<16xf32>,
        %get3A_2313 = arith.constant 1 : i32
        %get3A_2314 = arith.index_cast %get3A_2313 : i32 to index
        %get3A_2315 = arith.constant 592 : index
        %get3A_2316 = tpu.vector_load %arg14[%get3A_2314, %get3A_2315] {strides = array<i32>} : memref<2x1024xf32, #tpu.memory_space<vmem>>, vector<16xf32>,
        %get3A_2317 = arith.constant 1 : i32
        %get3A_2318 = arith.index_cast %get3A_2317 : i32 to index
        %get3A_2319 = arith.constant 608 : index
        %get3A_2320 = tpu.vector_load %arg14[%get3A_2318, %get3A_2319] {strides = array<i32>} : memref<2x1024xf32, #tpu.memory_space<vmem>>, vector<16xf32>,
        %get3A_2321 = arith.constant 1 : i32
        %get3A_2322 = arith.index_cast %get3A_2321 : i32 to index
        %get3A_2323 = arith.constant 624 : index
        %get3A_2324 = tpu.vector_load %arg14[%get3A_2322, %get3A_2323] {strides = array<i32>} : memref<2x1024xf32, #tpu.memory_space<vmem>>, vector<16xf32>,
        %add3A_2325 = arith.addf %get3A_2280, %get3A_2296 : vector<16xf32>
        %add3A_2326 = arith.addf %get3A_2284, %get3A_2300 : vector<16xf32>
        %add3A_2327 = arith.addf %get3A_2288, %get3A_2304 : vector<16xf32>
        %add3A_2328 = arith.addf %get3A_2292, %get3A_2308 : vector<16xf32>
        %add3A_2329 = arith.addf %get3A_2280, %get3A_2312 : vector<16xf32>
        %add3A_2330 = arith.addf %get3A_2284, %get3A_2316 : vector<16xf32>
        %add3A_2331 = arith.addf %get3A_2288, %get3A_2320 : vector<16xf32>
        %add3A_2332 = arith.addf %get3A_2292, %get3A_2324 : vector<16xf32>
        %add3A_2333 = arith.constant 0 : i32
        %add3A_2334 = arith.addi %add3A_2333, %scan3A_735 : i32
        %select_n3A_2335 = arith.select %eq3A_747, %add3A_2329, %add3A_2325 : vector<16xi1>, vector<16xf32>
        %swap3A_2336 = arith.index_cast %select_n3A_623 : i32 to index
        %swap3A_2337 = arith.index_cast %add3A_2334 : i32 to index
        %swap3A_2338 = arith.constant 576 : index
        %swap3A_2339 = tpu.vector_load %arg12[%swap3A_2336, %swap3A_2337, %swap3A_2338] {strides = array<i32>} : memref<3x32x1024xf32, #tpu.memory_space<vmem>>, vector<16xf32>,
        tpu.vector_store %arg12[%swap3A_2336, %swap3A_2337, %swap3A_2338], %select_n3A_2335 {add = true, strides = array<i32>} : memref<3x32x1024xf32, #tpu.memory_space<vmem>>, vector<16xf32>,
        %add3A_2340 = arith.constant 0 : i32
        %add3A_2341 = arith.addi %add3A_2340, %scan3A_735 : i32
        %select_n3A_2342 = arith.select %eq3A_747, %add3A_2330, %add3A_2326 : vector<16xi1>, vector<16xf32>
        %swap3A_2343 = arith.index_cast %select_n3A_623 : i32 to index
        %swap3A_2344 = arith.index_cast %add3A_2341 : i32 to index
        %swap3A_2345 = arith.constant 592 : index
        %swap3A_2346 = tpu.vector_load %arg12[%swap3A_2343, %swap3A_2344, %swap3A_2345] {strides = array<i32>} : memref<3x32x1024xf32, #tpu.memory_space<vmem>>, vector<16xf32>,
        tpu.vector_store %arg12[%swap3A_2343, %swap3A_2344, %swap3A_2345], %select_n3A_2342 {add = true, strides = array<i32>} : memref<3x32x1024xf32, #tpu.memory_space<vmem>>, vector<16xf32>,
        %add3A_2347 = arith.constant 0 : i32
        %add3A_2348 = arith.addi %add3A_2347, %scan3A_735 : i32
        %select_n3A_2349 = arith.select %eq3A_747, %add3A_2331, %add3A_2327 : vector<16xi1>, vector<16xf32>
        %swap3A_2350 = arith.index_cast %select_n3A_623 : i32 to index
        %swap3A_2351 = arith.index_cast %add3A_2348 : i32 to index
        %swap3A_2352 = arith.constant 608 : index
        %swap3A_2353 = tpu.vector_load %arg12[%swap3A_2350, %swap3A_2351, %swap3A_2352] {strides = array<i32>} : memref<3x32x1024xf32, #tpu.memory_space<vmem>>, vector<16xf32>,
        tpu.vector_store %arg12[%swap3A_2350, %swap3A_2351, %swap3A_2352], %select_n3A_2349 {add = true, strides = array<i32>} : memref<3x32x1024xf32, #tpu.memory_space<vmem>>, vector<16xf32>,
        %add3A_2354 = arith.constant 0 : i32
        %add3A_2355 = arith.addi %add3A_2354, %scan3A_735 : i32
        %select_n3A_2356 = arith.select %eq3A_747, %add3A_2332, %add3A_2328 : vector<16xi1>, vector<16xf32>
        %swap3A_2357 = arith.index_cast %select_n3A_623 : i32 to index
        %swap3A_2358 = arith.index_cast %add3A_2355 : i32 to index
        %swap3A_2359 = arith.constant 624 : index
        %swap3A_2360 = tpu.vector_load %arg12[%swap3A_2357, %swap3A_2358, %swap3A_2359] {strides = array<i32>} : memref<3x32x1024xf32, #tpu.memory_space<vmem>>, vector<16xf32>,
        tpu.vector_store %arg12[%swap3A_2357, %swap3A_2358, %swap3A_2359], %select_n3A_2356 {add = true, strides = array<i32>} : memref<3x32x1024xf32, #tpu.memory_space<vmem>>, vector<16xf32>,
        %add3A_2361 = arith.constant 8 : i32
        %add3A_2362 = arith.addi %add3A_2361, %scan3A_735 : i32
        %select_n3A_2363 = arith.select %eq3A_753, %add3A_2329, %add3A_2325 : vector<16xi1>, vector<16xf32>
        %swap3A_2364 = arith.index_cast %select_n3A_623 : i32 to index
        %swap3A_2365 = arith.index_cast %add3A_2362 : i32 to index
        %swap3A_2366 = arith.constant 576 : index
        %swap3A_2367 = tpu.vector_load %arg12[%swap3A_2364, %swap3A_2365, %swap3A_2366] {strides = array<i32>} : memref<3x32x1024xf32, #tpu.memory_space<vmem>>, vector<16xf32>,
        tpu.vector_store %arg12[%swap3A_2364, %swap3A_2365, %swap3A_2366], %select_n3A_2363 {add = true, strides = array<i32>} : memref<3x32x1024xf32, #tpu.memory_space<vmem>>, vector<16xf32>,
        %add3A_2368 = arith.constant 8 : i32
        %add3A_2369 = arith.addi %add3A_2368, %scan3A_735 : i32
        %select_n3A_2370 = arith.select %eq3A_753, %add3A_2330, %add3A_2326 : vector<16xi1>, vector<16xf32>
        %swap3A_2371 = arith.index_cast %select_n3A_623 : i32 to index
        %swap3A_2372 = arith.index_cast %add3A_2369 : i32 to index
        %swap3A_2373 = arith.constant 592 : index
        %swap3A_2374 = tpu.vector_load %arg12[%swap3A_2371, %swap3A_2372, %swap3A_2373] {strides = array<i32>} : memref<3x32x1024xf32, #tpu.memory_space<vmem>>, vector<16xf32>,
        tpu.vector_store %arg12[%swap3A_2371, %swap3A_2372, %swap3A_2373], %select_n3A_2370 {add = true, strides = array<i32>} : memref<3x32x1024xf32, #tpu.memory_space<vmem>>, vector<16xf32>,
        %add3A_2375 = arith.constant 8 : i32
        %add3A_2376 = arith.addi %add3A_2375, %scan3A_735 : i32
        %select_n3A_2377 = arith.select %eq3A_753, %add3A_2331, %add3A_2327 : vector<16xi1>, vector<16xf32>
        %swap3A_2378 = arith.index_cast %select_n3A_623 : i32 to index
        %swap3A_2379 = arith.index_cast %add3A_2376 : i32 to index
        %swap3A_2380 = arith.constant 608 : index
        %swap3A_2381 = tpu.vector_load %arg12[%swap3A_2378, %swap3A_2379, %swap3A_2380] {strides = array<i32>} : memref<3x32x1024xf32, #tpu.memory_space<vmem>>, vector<16xf32>,
        tpu.vector_store %arg12[%swap3A_2378, %swap3A_2379, %swap3A_2380], %select_n3A_2377 {add = true, strides = array<i32>} : memref<3x32x1024xf32, #tpu.memory_space<vmem>>, vector<16xf32>,
        %add3A_2382 = arith.constant 8 : i32
        %add3A_2383 = arith.addi %add3A_2382, %scan3A_735 : i32
        %select_n3A_2384 = arith.select %eq3A_753, %add3A_2332, %add3A_2328 : vector<16xi1>, vector<16xf32>
        %swap3A_2385 = arith.index_cast %select_n3A_623 : i32 to index
        %swap3A_2386 = arith.index_cast %add3A_2383 : i32 to index
        %swap3A_2387 = arith.constant 624 : index
        %swap3A_2388 = tpu.vector_load %arg12[%swap3A_2385, %swap3A_2386, %swap3A_2387] {strides = array<i32>} : memref<3x32x1024xf32, #tpu.memory_space<vmem>>, vector<16xf32>,
        tpu.vector_store %arg12[%swap3A_2385, %swap3A_2386, %swap3A_2387], %select_n3A_2384 {add = true, strides = array<i32>} : memref<3x32x1024xf32, #tpu.memory_space<vmem>>, vector<16xf32>,
        %add3A_2389 = arith.constant 16 : i32
        %add3A_2390 = arith.addi %add3A_2389, %scan3A_735 : i32
        %select_n3A_2391 = arith.select %eq3A_759, %add3A_2329, %add3A_2325 : vector<16xi1>, vector<16xf32>
        %swap3A_2392 = arith.index_cast %select_n3A_623 : i32 to index
        %swap3A_2393 = arith.index_cast %add3A_2390 : i32 to index
        %swap3A_2394 = arith.constant 576 : index
        %swap3A_2395 = tpu.vector_load %arg12[%swap3A_2392, %swap3A_2393, %swap3A_2394] {strides = array<i32>} : memref<3x32x1024xf32, #tpu.memory_space<vmem>>, vector<16xf32>,
        tpu.vector_store %arg12[%swap3A_2392, %swap3A_2393, %swap3A_2394], %select_n3A_2391 {add = true, strides = array<i32>} : memref<3x32x1024xf32, #tpu.memory_space<vmem>>, vector<16xf32>,
        %add3A_2396 = arith.constant 16 : i32
        %add3A_2397 = arith.addi %add3A_2396, %scan3A_735 : i32
        %select_n3A_2398 = arith.select %eq3A_759, %add3A_2330, %add3A_2326 : vector<16xi1>, vector<16xf32>
        %swap3A_2399 = arith.index_cast %select_n3A_623 : i32 to index
        %swap3A_2400 = arith.index_cast %add3A_2397 : i32 to index
        %swap3A_2401 = arith.constant 592 : index
        %swap3A_2402 = tpu.vector_load %arg12[%swap3A_2399, %swap3A_2400, %swap3A_2401] {strides = array<i32>} : memref<3x32x1024xf32, #tpu.memory_space<vmem>>, vector<16xf32>,
        tpu.vector_store %arg12[%swap3A_2399, %swap3A_2400, %swap3A_2401], %select_n3A_2398 {add = true, strides = array<i32>} : memref<3x32x1024xf32, #tpu.memory_space<vmem>>, vector<16xf32>,
        %add3A_2403 = arith.constant 16 : i32
        %add3A_2404 = arith.addi %add3A_2403, %scan3A_735 : i32
        %select_n3A_2405 = arith.select %eq3A_759, %add3A_2331, %add3A_2327 : vector<16xi1>, vector<16xf32>
        %swap3A_2406 = arith.index_cast %select_n3A_623 : i32 to index
        %swap3A_2407 = arith.index_cast %add3A_2404 : i32 to index
        %swap3A_2408 = arith.constant 608 : index
        %swap3A_2409 = tpu.vector_load %arg12[%swap3A_2406, %swap3A_2407, %swap3A_2408] {strides = array<i32>} : memref<3x32x1024xf32, #tpu.memory_space<vmem>>, vector<16xf32>,
        tpu.vector_store %arg12[%swap3A_2406, %swap3A_2407, %swap3A_2408], %select_n3A_2405 {add = true, strides = array<i32>} : memref<3x32x1024xf32, #tpu.memory_space<vmem>>, vector<16xf32>,
        %add3A_2410 = arith.constant 16 : i32
        %add3A_2411 = arith.addi %add3A_2410, %scan3A_735 : i32
        %select_n3A_2412 = arith.select %eq3A_759, %add3A_2332, %add3A_2328 : vector<16xi1>, vector<16xf32>
        %swap3A_2413 = arith.index_cast %select_n3A_623 : i32 to index
        %swap3A_2414 = arith.index_cast %add3A_2411 : i32 to index
        %swap3A_2415 = arith.constant 624 : index
        %swap3A_2416 = tpu.vector_load %arg12[%swap3A_2413, %swap3A_2414, %swap3A_2415] {strides = array<i32>} : memref<3x32x1024xf32, #tpu.memory_space<vmem>>, vector<16xf32>,
        tpu.vector_store %arg12[%swap3A_2413, %swap3A_2414, %swap3A_2415], %select_n3A_2412 {add = true, strides = array<i32>} : memref<3x32x1024xf32, #tpu.memory_space<vmem>>, vector<16xf32>,
        %add3A_2417 = arith.constant 24 : i32
        %add3A_2418 = arith.addi %add3A_2417, %scan3A_735 : i32
        %select_n3A_2419 = arith.select %eq3A_765, %add3A_2329, %add3A_2325 : vector<16xi1>, vector<16xf32>
        %swap3A_2420 = arith.index_cast %select_n3A_623 : i32 to index
        %swap3A_2421 = arith.index_cast %add3A_2418 : i32 to index
        %swap3A_2422 = arith.constant 576 : index
        %swap3A_2423 = tpu.vector_load %arg12[%swap3A_2420, %swap3A_2421, %swap3A_2422] {strides = array<i32>} : memref<3x32x1024xf32, #tpu.memory_space<vmem>>, vector<16xf32>,
        tpu.vector_store %arg12[%swap3A_2420, %swap3A_2421, %swap3A_2422], %select_n3A_2419 {add = true, strides = array<i32>} : memref<3x32x1024xf32, #tpu.memory_space<vmem>>, vector<16xf32>,
        %add3A_2424 = arith.constant 24 : i32
        %add3A_2425 = arith.addi %add3A_2424, %scan3A_735 : i32
        %select_n3A_2426 = arith.select %eq3A_765, %add3A_2330, %add3A_2326 : vector<16xi1>, vector<16xf32>
        %swap3A_2427 = arith.index_cast %select_n3A_623 : i32 to index
        %swap3A_2428 = arith.index_cast %add3A_2425 : i32 to index
        %swap3A_2429 = arith.constant 592 : index
        %swap3A_2430 = tpu.vector_load %arg12[%swap3A_2427, %swap3A_2428, %swap3A_2429] {strides = array<i32>} : memref<3x32x1024xf32, #tpu.memory_space<vmem>>, vector<16xf32>,
        tpu.vector_store %arg12[%swap3A_2427, %swap3A_2428, %swap3A_2429], %select_n3A_2426 {add = true, strides = array<i32>} : memref<3x32x1024xf32, #tpu.memory_space<vmem>>, vector<16xf32>,
        %add3A_2431 = arith.constant 24 : i32
        %add3A_2432 = arith.addi %add3A_2431, %scan3A_735 : i32
        %select_n3A_2433 = arith.select %eq3A_765, %add3A_2331, %add3A_2327 : vector<16xi1>, vector<16xf32>
        %swap3A_2434 = arith.index_cast %select_n3A_623 : i32 to index
        %swap3A_2435 = arith.index_cast %add3A_2432 : i32 to index
        %swap3A_2436 = arith.constant 608 : index
        %swap3A_2437 = tpu.vector_load %arg12[%swap3A_2434, %swap3A_2435, %swap3A_2436] {strides = array<i32>} : memref<3x32x1024xf32, #tpu.memory_space<vmem>>, vector<16xf32>,
        tpu.vector_store %arg12[%swap3A_2434, %swap3A_2435, %swap3A_2436], %select_n3A_2433 {add = true, strides = array<i32>} : memref<3x32x1024xf32, #tpu.memory_space<vmem>>, vector<16xf32>,
        %add3A_2438 = arith.constant 24 : i32
        %add3A_2439 = arith.addi %add3A_2438, %scan3A_735 : i32
        %select_n3A_2440 = arith.select %eq3A_765, %add3A_2332, %add3A_2328 : vector<16xi1>, vector<16xf32>
        %swap3A_2441 = arith.index_cast %select_n3A_623 : i32 to index
        %swap3A_2442 = arith.index_cast %add3A_2439 : i32 to index
        %swap3A_2443 = arith.constant 624 : index
        %swap3A_2444 = tpu.vector_load %arg12[%swap3A_2441, %swap3A_2442, %swap3A_2443] {strides = array<i32>} : memref<3x32x1024xf32, #tpu.memory_space<vmem>>, vector<16xf32>,
        tpu.vector_store %arg12[%swap3A_2441, %swap3A_2442, %swap3A_2443], %select_n3A_2440 {add = true, strides = array<i32>} : memref<3x32x1024xf32, #tpu.memory_space<vmem>>, vector<16xf32>,
        %get3A_2445 = arith.index_cast %select_n3A_639 : i32 to index
        %get3A_2446 = arith.index_cast %scan3A_735 : i32 to index
        %get3A_2447 = arith.constant 640 : index
        %get3A_2448 = tpu.vector_load %arg13[%get3A_2445, %get3A_2446, %get3A_2447] {strides = array<i32>} : memref<2x8x1024xf32, #tpu.memory_space<vmem>>, vector<16xf32>,
        %get3A_2449 = arith.index_cast %select_n3A_639 : i32 to index
        %get3A_2450 = arith.index_cast %scan3A_735 : i32 to index
        %get3A_2451 = arith.constant 656 : index
        %get3A_2452 = tpu.vector_load %arg13[%get3A_2449, %get3A_2450, %get3A_2451] {strides = array<i32>} : memref<2x8x1024xf32, #tpu.memory_space<vmem>>, vector<16xf32>,
        %get3A_2453 = arith.index_cast %select_n3A_639 : i32 to index
        %get3A_2454 = arith.index_cast %scan3A_735 : i32 to index
        %get3A_2455 = arith.constant 672 : index
        %get3A_2456 = tpu.vector_load %arg13[%get3A_2453, %get3A_2454, %get3A_2455] {strides = array<i32>} : memref<2x8x1024xf32, #tpu.memory_space<vmem>>, vector<16xf32>,
        %get3A_2457 = arith.index_cast %select_n3A_639 : i32 to index
        %get3A_2458 = arith.index_cast %scan3A_735 : i32 to index
        %get3A_2459 = arith.constant 688 : index
        %get3A_2460 = tpu.vector_load %arg13[%get3A_2457, %get3A_2458, %get3A_2459] {strides = array<i32>} : memref<2x8x1024xf32, #tpu.memory_space<vmem>>, vector<16xf32>,
        %get3A_2461 = arith.constant 0 : i32
        %get3A_2462 = arith.index_cast %get3A_2461 : i32 to index
        %get3A_2463 = arith.constant 640 : index
        %get3A_2464 = tpu.vector_load %arg14[%get3A_2462, %get3A_2463] {strides = array<i32>} : memref<2x1024xf32, #tpu.memory_space<vmem>>, vector<16xf32>,
        %get3A_2465 = arith.constant 0 : i32
        %get3A_2466 = arith.index_cast %get3A_2465 : i32 to index
        %get3A_2467 = arith.constant 656 : index
        %get3A_2468 = tpu.vector_load %arg14[%get3A_2466, %get3A_2467] {strides = array<i32>} : memref<2x1024xf32, #tpu.memory_space<vmem>>, vector<16xf32>,
        %get3A_2469 = arith.constant 0 : i32
        %get3A_2470 = arith.index_cast %get3A_2469 : i32 to index
        %get3A_2471 = arith.constant 672 : index
        %get3A_2472 = tpu.vector_load %arg14[%get3A_2470, %get3A_2471] {strides = array<i32>} : memref<2x1024xf32, #tpu.memory_space<vmem>>, vector<16xf32>,
        %get3A_2473 = arith.constant 0 : i32
        %get3A_2474 = arith.index_cast %get3A_2473 : i32 to index
        %get3A_2475 = arith.constant 688 : index
        %get3A_2476 = tpu.vector_load %arg14[%get3A_2474, %get3A_2475] {strides = array<i32>} : memref<2x1024xf32, #tpu.memory_space<vmem>>, vector<16xf32>,
        %get3A_2477 = arith.constant 1 : i32
        %get3A_2478 = arith.index_cast %get3A_2477 : i32 to index
        %get3A_2479 = arith.constant 640 : index
        %get3A_2480 = tpu.vector_load %arg14[%get3A_2478, %get3A_2479] {strides = array<i32>} : memref<2x1024xf32, #tpu.memory_space<vmem>>, vector<16xf32>,
        %get3A_2481 = arith.constant 1 : i32
        %get3A_2482 = arith.index_cast %get3A_2481 : i32 to index
        %get3A_2483 = arith.constant 656 : index
        %get3A_2484 = tpu.vector_load %arg14[%get3A_2482, %get3A_2483] {strides = array<i32>} : memref<2x1024xf32, #tpu.memory_space<vmem>>, vector<16xf32>,
        %get3A_2485 = arith.constant 1 : i32
        %get3A_2486 = arith.index_cast %get3A_2485 : i32 to index
        %get3A_2487 = arith.constant 672 : index
        %get3A_2488 = tpu.vector_load %arg14[%get3A_2486, %get3A_2487] {strides = array<i32>} : memref<2x1024xf32, #tpu.memory_space<vmem>>, vector<16xf32>,
        %get3A_2489 = arith.constant 1 : i32
        %get3A_2490 = arith.index_cast %get3A_2489 : i32 to index
        %get3A_2491 = arith.constant 688 : index
        %get3A_2492 = tpu.vector_load %arg14[%get3A_2490, %get3A_2491] {strides = array<i32>} : memref<2x1024xf32, #tpu.memory_space<vmem>>, vector<16xf32>,
        %add3A_2493 = arith.addf %get3A_2448, %get3A_2464 : vector<16xf32>
        %add3A_2494 = arith.addf %get3A_2452, %get3A_2468 : vector<16xf32>
        %add3A_2495 = arith.addf %get3A_2456, %get3A_2472 : vector<16xf32>
        %add3A_2496 = arith.addf %get3A_2460, %get3A_2476 : vector<16xf32>
        %add3A_2497 = arith.addf %get3A_2448, %get3A_2480 : vector<16xf32>
        %add3A_2498 = arith.addf %get3A_2452, %get3A_2484 : vector<16xf32>
        %add3A_2499 = arith.addf %get3A_2456, %get3A_2488 : vector<16xf32>
        %add3A_2500 = arith.addf %get3A_2460, %get3A_2492 : vector<16xf32>
        %add3A_2501 = arith.constant 0 : i32
        %add3A_2502 = arith.addi %add3A_2501, %scan3A_735 : i32
        %select_n3A_2503 = arith.select %eq3A_747, %add3A_2497, %add3A_2493 : vector<16xi1>, vector<16xf32>
        %swap3A_2504 = arith.index_cast %select_n3A_623 : i32 to index
        %swap3A_2505 = arith.index_cast %add3A_2502 : i32 to index
        %swap3A_2506 = arith.constant 640 : index
        %swap3A_2507 = tpu.vector_load %arg12[%swap3A_2504, %swap3A_2505, %swap3A_2506] {strides = array<i32>} : memref<3x32x1024xf32, #tpu.memory_space<vmem>>, vector<16xf32>,
        tpu.vector_store %arg12[%swap3A_2504, %swap3A_2505, %swap3A_2506], %select_n3A_2503 {add = true, strides = array<i32>} : memref<3x32x1024xf32, #tpu.memory_space<vmem>>, vector<16xf32>,
        %add3A_2508 = arith.constant 0 : i32
        %add3A_2509 = arith.addi %add3A_2508, %scan3A_735 : i32
        %select_n3A_2510 = arith.select %eq3A_747, %add3A_2498, %add3A_2494 : vector<16xi1>, vector<16xf32>
        %swap3A_2511 = arith.index_cast %select_n3A_623 : i32 to index
        %swap3A_2512 = arith.index_cast %add3A_2509 : i32 to index
        %swap3A_2513 = arith.constant 656 : index
        %swap3A_2514 = tpu.vector_load %arg12[%swap3A_2511, %swap3A_2512, %swap3A_2513] {strides = array<i32>} : memref<3x32x1024xf32, #tpu.memory_space<vmem>>, vector<16xf32>,
        tpu.vector_store %arg12[%swap3A_2511, %swap3A_2512, %swap3A_2513], %select_n3A_2510 {add = true, strides = array<i32>} : memref<3x32x1024xf32, #tpu.memory_space<vmem>>, vector<16xf32>,
        %add3A_2515 = arith.constant 0 : i32
        %add3A_2516 = arith.addi %add3A_2515, %scan3A_735 : i32
        %select_n3A_2517 = arith.select %eq3A_747, %add3A_2499, %add3A_2495 : vector<16xi1>, vector<16xf32>
        %swap3A_2518 = arith.index_cast %select_n3A_623 : i32 to index
        %swap3A_2519 = arith.index_cast %add3A_2516 : i32 to index
        %swap3A_2520 = arith.constant 672 : index
        %swap3A_2521 = tpu.vector_load %arg12[%swap3A_2518, %swap3A_2519, %swap3A_2520] {strides = array<i32>} : memref<3x32x1024xf32, #tpu.memory_space<vmem>>, vector<16xf32>,
        tpu.vector_store %arg12[%swap3A_2518, %swap3A_2519, %swap3A_2520], %select_n3A_2517 {add = true, strides = array<i32>} : memref<3x32x1024xf32, #tpu.memory_space<vmem>>, vector<16xf32>,
        %add3A_2522 = arith.constant 0 : i32
        %add3A_2523 = arith.addi %add3A_2522, %scan3A_735 : i32
        %select_n3A_2524 = arith.select %eq3A_747, %add3A_2500, %add3A_2496 : vector<16xi1>, vector<16xf32>
        %swap3A_2525 = arith.index_cast %select_n3A_623 : i32 to index
        %swap3A_2526 = arith.index_cast %add3A_2523 : i32 to index
        %swap3A_2527 = arith.constant 688 : index
        %swap3A_2528 = tpu.vector_load %arg12[%swap3A_2525, %swap3A_2526, %swap3A_2527] {strides = array<i32>} : memref<3x32x1024xf32, #tpu.memory_space<vmem>>, vector<16xf32>,
        tpu.vector_store %arg12[%swap3A_2525, %swap3A_2526, %swap3A_2527], %select_n3A_2524 {add = true, strides = array<i32>} : memref<3x32x1024xf32, #tpu.memory_space<vmem>>, vector<16xf32>,
        %add3A_2529 = arith.constant 8 : i32
        %add3A_2530 = arith.addi %add3A_2529, %scan3A_735 : i32
        %select_n3A_2531 = arith.select %eq3A_753, %add3A_2497, %add3A_2493 : vector<16xi1>, vector<16xf32>
        %swap3A_2532 = arith.index_cast %select_n3A_623 : i32 to index
        %swap3A_2533 = arith.index_cast %add3A_2530 : i32 to index
        %swap3A_2534 = arith.constant 640 : index
        %swap3A_2535 = tpu.vector_load %arg12[%swap3A_2532, %swap3A_2533, %swap3A_2534] {strides = array<i32>} : memref<3x32x1024xf32, #tpu.memory_space<vmem>>, vector<16xf32>,
        tpu.vector_store %arg12[%swap3A_2532, %swap3A_2533, %swap3A_2534], %select_n3A_2531 {add = true, strides = array<i32>} : memref<3x32x1024xf32, #tpu.memory_space<vmem>>, vector<16xf32>,
        %add3A_2536 = arith.constant 8 : i32
        %add3A_2537 = arith.addi %add3A_2536, %scan3A_735 : i32
        %select_n3A_2538 = arith.select %eq3A_753, %add3A_2498, %add3A_2494 : vector<16xi1>, vector<16xf32>
        %swap3A_2539 = arith.index_cast %select_n3A_623 : i32 to index
        %swap3A_2540 = arith.index_cast %add3A_2537 : i32 to index
        %swap3A_2541 = arith.constant 656 : index
        %swap3A_2542 = tpu.vector_load %arg12[%swap3A_2539, %swap3A_2540, %swap3A_2541] {strides = array<i32>} : memref<3x32x1024xf32, #tpu.memory_space<vmem>>, vector<16xf32>,
        tpu.vector_store %arg12[%swap3A_2539, %swap3A_2540, %swap3A_2541], %select_n3A_2538 {add = true, strides = array<i32>} : memref<3x32x1024xf32, #tpu.memory_space<vmem>>, vector<16xf32>,
        %add3A_2543 = arith.constant 8 : i32
        %add3A_2544 = arith.addi %add3A_2543, %scan3A_735 : i32
        %select_n3A_2545 = arith.select %eq3A_753, %add3A_2499, %add3A_2495 : vector<16xi1>, vector<16xf32>
        %swap3A_2546 = arith.index_cast %select_n3A_623 : i32 to index
        %swap3A_2547 = arith.index_cast %add3A_2544 : i32 to index
        %swap3A_2548 = arith.constant 672 : index
        %swap3A_2549 = tpu.vector_load %arg12[%swap3A_2546, %swap3A_2547, %swap3A_2548] {strides = array<i32>} : memref<3x32x1024xf32, #tpu.memory_space<vmem>>, vector<16xf32>,
        tpu.vector_store %arg12[%swap3A_2546, %swap3A_2547, %swap3A_2548], %select_n3A_2545 {add = true, strides = array<i32>} : memref<3x32x1024xf32, #tpu.memory_space<vmem>>, vector<16xf32>,
        %add3A_2550 = arith.constant 8 : i32
        %add3A_2551 = arith.addi %add3A_2550, %scan3A_735 : i32
        %select_n3A_2552 = arith.select %eq3A_753, %add3A_2500, %add3A_2496 : vector<16xi1>, vector<16xf32>
        %swap3A_2553 = arith.index_cast %select_n3A_623 : i32 to index
        %swap3A_2554 = arith.index_cast %add3A_2551 : i32 to index
        %swap3A_2555 = arith.constant 688 : index
        %swap3A_2556 = tpu.vector_load %arg12[%swap3A_2553, %swap3A_2554, %swap3A_2555] {strides = array<i32>} : memref<3x32x1024xf32, #tpu.memory_space<vmem>>, vector<16xf32>,
        tpu.vector_store %arg12[%swap3A_2553, %swap3A_2554, %swap3A_2555], %select_n3A_2552 {add = true, strides = array<i32>} : memref<3x32x1024xf32, #tpu.memory_space<vmem>>, vector<16xf32>,
        %add3A_2557 = arith.constant 16 : i32
        %add3A_2558 = arith.addi %add3A_2557, %scan3A_735 : i32
        %select_n3A_2559 = arith.select %eq3A_759, %add3A_2497, %add3A_2493 : vector<16xi1>, vector<16xf32>
        %swap3A_2560 = arith.index_cast %select_n3A_623 : i32 to index
        %swap3A_2561 = arith.index_cast %add3A_2558 : i32 to index
        %swap3A_2562 = arith.constant 640 : index
        %swap3A_2563 = tpu.vector_load %arg12[%swap3A_2560, %swap3A_2561, %swap3A_2562] {strides = array<i32>} : memref<3x32x1024xf32, #tpu.memory_space<vmem>>, vector<16xf32>,
        tpu.vector_store %arg12[%swap3A_2560, %swap3A_2561, %swap3A_2562], %select_n3A_2559 {add = true, strides = array<i32>} : memref<3x32x1024xf32, #tpu.memory_space<vmem>>, vector<16xf32>,
        %add3A_2564 = arith.constant 16 : i32
        %add3A_2565 = arith.addi %add3A_2564, %scan3A_735 : i32
        %select_n3A_2566 = arith.select %eq3A_759, %add3A_2498, %add3A_2494 : vector<16xi1>, vector<16xf32>
        %swap3A_2567 = arith.index_cast %select_n3A_623 : i32 to index
        %swap3A_2568 = arith.index_cast %add3A_2565 : i32 to index
        %swap3A_2569 = arith.constant 656 : index
        %swap3A_2570 = tpu.vector_load %arg12[%swap3A_2567, %swap3A_2568, %swap3A_2569] {strides = array<i32>} : memref<3x32x1024xf32, #tpu.memory_space<vmem>>, vector<16xf32>,
        tpu.vector_store %arg12[%swap3A_2567, %swap3A_2568, %swap3A_2569], %select_n3A_2566 {add = true, strides = array<i32>} : memref<3x32x1024xf32, #tpu.memory_space<vmem>>, vector<16xf32>,
        %add3A_2571 = arith.constant 16 : i32
        %add3A_2572 = arith.addi %add3A_2571, %scan3A_735 : i32
        %select_n3A_2573 = arith.select %eq3A_759, %add3A_2499, %add3A_2495 : vector<16xi1>, vector<16xf32>
        %swap3A_2574 = arith.index_cast %select_n3A_623 : i32 to index
        %swap3A_2575 = arith.index_cast %add3A_2572 : i32 to index
        %swap3A_2576 = arith.constant 672 : index
        %swap3A_2577 = tpu.vector_load %arg12[%swap3A_2574, %swap3A_2575, %swap3A_2576] {strides = array<i32>} : memref<3x32x1024xf32, #tpu.memory_space<vmem>>, vector<16xf32>,
        tpu.vector_store %arg12[%swap3A_2574, %swap3A_2575, %swap3A_2576], %select_n3A_2573 {add = true, strides = array<i32>} : memref<3x32x1024xf32, #tpu.memory_space<vmem>>, vector<16xf32>,
        %add3A_2578 = arith.constant 16 : i32
        %add3A_2579 = arith.addi %add3A_2578, %scan3A_735 : i32
        %select_n3A_2580 = arith.select %eq3A_759, %add3A_2500, %add3A_2496 : vector<16xi1>, vector<16xf32>
        %swap3A_2581 = arith.index_cast %select_n3A_623 : i32 to index
        %swap3A_2582 = arith.index_cast %add3A_2579 : i32 to index
        %swap3A_2583 = arith.constant 688 : index
        %swap3A_2584 = tpu.vector_load %arg12[%swap3A_2581, %swap3A_2582, %swap3A_2583] {strides = array<i32>} : memref<3x32x1024xf32, #tpu.memory_space<vmem>>, vector<16xf32>,
        tpu.vector_store %arg12[%swap3A_2581, %swap3A_2582, %swap3A_2583], %select_n3A_2580 {add = true, strides = array<i32>} : memref<3x32x1024xf32, #tpu.memory_space<vmem>>, vector<16xf32>,
        %add3A_2585 = arith.constant 24 : i32
        %add3A_2586 = arith.addi %add3A_2585, %scan3A_735 : i32
        %select_n3A_2587 = arith.select %eq3A_765, %add3A_2497, %add3A_2493 : vector<16xi1>, vector<16xf32>
        %swap3A_2588 = arith.index_cast %select_n3A_623 : i32 to index
        %swap3A_2589 = arith.index_cast %add3A_2586 : i32 to index
        %swap3A_2590 = arith.constant 640 : index
        %swap3A_2591 = tpu.vector_load %arg12[%swap3A_2588, %swap3A_2589, %swap3A_2590] {strides = array<i32>} : memref<3x32x1024xf32, #tpu.memory_space<vmem>>, vector<16xf32>,
        tpu.vector_store %arg12[%swap3A_2588, %swap3A_2589, %swap3A_2590], %select_n3A_2587 {add = true, strides = array<i32>} : memref<3x32x1024xf32, #tpu.memory_space<vmem>>, vector<16xf32>,
        %add3A_2592 = arith.constant 24 : i32
        %add3A_2593 = arith.addi %add3A_2592, %scan3A_735 : i32
        %select_n3A_2594 = arith.select %eq3A_765, %add3A_2498, %add3A_2494 : vector<16xi1>, vector<16xf32>
        %swap3A_2595 = arith.index_cast %select_n3A_623 : i32 to index
        %swap3A_2596 = arith.index_cast %add3A_2593 : i32 to index
        %swap3A_2597 = arith.constant 656 : index
        %swap3A_2598 = tpu.vector_load %arg12[%swap3A_2595, %swap3A_2596, %swap3A_2597] {strides = array<i32>} : memref<3x32x1024xf32, #tpu.memory_space<vmem>>, vector<16xf32>,
        tpu.vector_store %arg12[%swap3A_2595, %swap3A_2596, %swap3A_2597], %select_n3A_2594 {add = true, strides = array<i32>} : memref<3x32x1024xf32, #tpu.memory_space<vmem>>, vector<16xf32>,
        %add3A_2599 = arith.constant 24 : i32
        %add3A_2600 = arith.addi %add3A_2599, %scan3A_735 : i32
        %select_n3A_2601 = arith.select %eq3A_765, %add3A_2499, %add3A_2495 : vector<16xi1>, vector<16xf32>
        %swap3A_2602 = arith.index_cast %select_n3A_623 : i32 to index
        %swap3A_2603 = arith.index_cast %add3A_2600 : i32 to index
        %swap3A_2604 = arith.constant 672 : index
        %swap3A_2605 = tpu.vector_load %arg12[%swap3A_2602, %swap3A_2603, %swap3A_2604] {strides = array<i32>} : memref<3x32x1024xf32, #tpu.memory_space<vmem>>, vector<16xf32>,
        tpu.vector_store %arg12[%swap3A_2602, %swap3A_2603, %swap3A_2604], %select_n3A_2601 {add = true, strides = array<i32>} : memref<3x32x1024xf32, #tpu.memory_space<vmem>>, vector<16xf32>,
        %add3A_2606 = arith.constant 24 : i32
        %add3A_2607 = arith.addi %add3A_2606, %scan3A_735 : i32
        %select_n3A_2608 = arith.select %eq3A_765, %add3A_2500, %add3A_2496 : vector<16xi1>, vector<16xf32>
        %swap3A_2609 = arith.index_cast %select_n3A_623 : i32 to index
        %swap3A_2610 = arith.index_cast %add3A_2607 : i32 to index
        %swap3A_2611 = arith.constant 688 : index
        %swap3A_2612 = tpu.vector_load %arg12[%swap3A_2609, %swap3A_2610, %swap3A_2611] {strides = array<i32>} : memref<3x32x1024xf32, #tpu.memory_space<vmem>>, vector<16xf32>,
        tpu.vector_store %arg12[%swap3A_2609, %swap3A_2610, %swap3A_2611], %select_n3A_2608 {add = true, strides = array<i32>} : memref<3x32x1024xf32, #tpu.memory_space<vmem>>, vector<16xf32>,
        %get3A_2613 = arith.index_cast %select_n3A_639 : i32 to index
        %get3A_2614 = arith.index_cast %scan3A_735 : i32 to index
        %get3A_2615 = arith.constant 704 : index
        %get3A_2616 = tpu.vector_load %arg13[%get3A_2613, %get3A_2614, %get3A_2615] {strides = array<i32>} : memref<2x8x1024xf32, #tpu.memory_space<vmem>>, vector<16xf32>,
        %get3A_2617 = arith.index_cast %select_n3A_639 : i32 to index
        %get3A_2618 = arith.index_cast %scan3A_735 : i32 to index
        %get3A_2619 = arith.constant 720 : index
        %get3A_2620 = tpu.vector_load %arg13[%get3A_2617, %get3A_2618, %get3A_2619] {strides = array<i32>} : memref<2x8x1024xf32, #tpu.memory_space<vmem>>, vector<16xf32>,
        %get3A_2621 = arith.index_cast %select_n3A_639 : i32 to index
        %get3A_2622 = arith.index_cast %scan3A_735 : i32 to index
        %get3A_2623 = arith.constant 736 : index
        %get3A_2624 = tpu.vector_load %arg13[%get3A_2621, %get3A_2622, %get3A_2623] {strides = array<i32>} : memref<2x8x1024xf32, #tpu.memory_space<vmem>>, vector<16xf32>,
        %get3A_2625 = arith.index_cast %select_n3A_639 : i32 to index
        %get3A_2626 = arith.index_cast %scan3A_735 : i32 to index
        %get3A_2627 = arith.constant 752 : index
        %get3A_2628 = tpu.vector_load %arg13[%get3A_2625, %get3A_2626, %get3A_2627] {strides = array<i32>} : memref<2x8x1024xf32, #tpu.memory_space<vmem>>, vector<16xf32>,
        %get3A_2629 = arith.constant 0 : i32
        %get3A_2630 = arith.index_cast %get3A_2629 : i32 to index
        %get3A_2631 = arith.constant 704 : index
        %get3A_2632 = tpu.vector_load %arg14[%get3A_2630, %get3A_2631] {strides = array<i32>} : memref<2x1024xf32, #tpu.memory_space<vmem>>, vector<16xf32>,
        %get3A_2633 = arith.constant 0 : i32
        %get3A_2634 = arith.index_cast %get3A_2633 : i32 to index
        %get3A_2635 = arith.constant 720 : index
        %get3A_2636 = tpu.vector_load %arg14[%get3A_2634, %get3A_2635] {strides = array<i32>} : memref<2x1024xf32, #tpu.memory_space<vmem>>, vector<16xf32>,
        %get3A_2637 = arith.constant 0 : i32
        %get3A_2638 = arith.index_cast %get3A_2637 : i32 to index
        %get3A_2639 = arith.constant 736 : index
        %get3A_2640 = tpu.vector_load %arg14[%get3A_2638, %get3A_2639] {strides = array<i32>} : memref<2x1024xf32, #tpu.memory_space<vmem>>, vector<16xf32>,
        %get3A_2641 = arith.constant 0 : i32
        %get3A_2642 = arith.index_cast %get3A_2641 : i32 to index
        %get3A_2643 = arith.constant 752 : index
        %get3A_2644 = tpu.vector_load %arg14[%get3A_2642, %get3A_2643] {strides = array<i32>} : memref<2x1024xf32, #tpu.memory_space<vmem>>, vector<16xf32>,
        %get3A_2645 = arith.constant 1 : i32
        %get3A_2646 = arith.index_cast %get3A_2645 : i32 to index
        %get3A_2647 = arith.constant 704 : index
        %get3A_2648 = tpu.vector_load %arg14[%get3A_2646, %get3A_2647] {strides = array<i32>} : memref<2x1024xf32, #tpu.memory_space<vmem>>, vector<16xf32>,
        %get3A_2649 = arith.constant 1 : i32
        %get3A_2650 = arith.index_cast %get3A_2649 : i32 to index
        %get3A_2651 = arith.constant 720 : index
        %get3A_2652 = tpu.vector_load %arg14[%get3A_2650, %get3A_2651] {strides = array<i32>} : memref<2x1024xf32, #tpu.memory_space<vmem>>, vector<16xf32>,
        %get3A_2653 = arith.constant 1 : i32
        %get3A_2654 = arith.index_cast %get3A_2653 : i32 to index
        %get3A_2655 = arith.constant 736 : index
        %get3A_2656 = tpu.vector_load %arg14[%get3A_2654, %get3A_2655] {strides = array<i32>} : memref<2x1024xf32, #tpu.memory_space<vmem>>, vector<16xf32>,
        %get3A_2657 = arith.constant 1 : i32
        %get3A_2658 = arith.index_cast %get3A_2657 : i32 to index
        %get3A_2659 = arith.constant 752 : index
        %get3A_2660 = tpu.vector_load %arg14[%get3A_2658, %get3A_2659] {strides = array<i32>} : memref<2x1024xf32, #tpu.memory_space<vmem>>, vector<16xf32>,
        %add3A_2661 = arith.addf %get3A_2616, %get3A_2632 : vector<16xf32>
        %add3A_2662 = arith.addf %get3A_2620, %get3A_2636 : vector<16xf32>
        %add3A_2663 = arith.addf %get3A_2624, %get3A_2640 : vector<16xf32>
        %add3A_2664 = arith.addf %get3A_2628, %get3A_2644 : vector<16xf32>
        %add3A_2665 = arith.addf %get3A_2616, %get3A_2648 : vector<16xf32>
        %add3A_2666 = arith.addf %get3A_2620, %get3A_2652 : vector<16xf32>
        %add3A_2667 = arith.addf %get3A_2624, %get3A_2656 : vector<16xf32>
        %add3A_2668 = arith.addf %get3A_2628, %get3A_2660 : vector<16xf32>
        %add3A_2669 = arith.constant 0 : i32
        %add3A_2670 = arith.addi %add3A_2669, %scan3A_735 : i32
        %select_n3A_2671 = arith.select %eq3A_747, %add3A_2665, %add3A_2661 : vector<16xi1>, vector<16xf32>
        %swap3A_2672 = arith.index_cast %select_n3A_623 : i32 to index
        %swap3A_2673 = arith.index_cast %add3A_2670 : i32 to index
        %swap3A_2674 = arith.constant 704 : index
        %swap3A_2675 = tpu.vector_load %arg12[%swap3A_2672, %swap3A_2673, %swap3A_2674] {strides = array<i32>} : memref<3x32x1024xf32, #tpu.memory_space<vmem>>, vector<16xf32>,
        tpu.vector_store %arg12[%swap3A_2672, %swap3A_2673, %swap3A_2674], %select_n3A_2671 {add = true, strides = array<i32>} : memref<3x32x1024xf32, #tpu.memory_space<vmem>>, vector<16xf32>,
        %add3A_2676 = arith.constant 0 : i32
        %add3A_2677 = arith.addi %add3A_2676, %scan3A_735 : i32
        %select_n3A_2678 = arith.select %eq3A_747, %add3A_2666, %add3A_2662 : vector<16xi1>, vector<16xf32>
        %swap3A_2679 = arith.index_cast %select_n3A_623 : i32 to index
        %swap3A_2680 = arith.index_cast %add3A_2677 : i32 to index
        %swap3A_2681 = arith.constant 720 : index
        %swap3A_2682 = tpu.vector_load %arg12[%swap3A_2679, %swap3A_2680, %swap3A_2681] {strides = array<i32>} : memref<3x32x1024xf32, #tpu.memory_space<vmem>>, vector<16xf32>,
        tpu.vector_store %arg12[%swap3A_2679, %swap3A_2680, %swap3A_2681], %select_n3A_2678 {add = true, strides = array<i32>} : memref<3x32x1024xf32, #tpu.memory_space<vmem>>, vector<16xf32>,
        %add3A_2683 = arith.constant 0 : i32
        %add3A_2684 = arith.addi %add3A_2683, %scan3A_735 : i32
        %select_n3A_2685 = arith.select %eq3A_747, %add3A_2667, %add3A_2663 : vector<16xi1>, vector<16xf32>
        %swap3A_2686 = arith.index_cast %select_n3A_623 : i32 to index
        %swap3A_2687 = arith.index_cast %add3A_2684 : i32 to index
        %swap3A_2688 = arith.constant 736 : index
        %swap3A_2689 = tpu.vector_load %arg12[%swap3A_2686, %swap3A_2687, %swap3A_2688] {strides = array<i32>} : memref<3x32x1024xf32, #tpu.memory_space<vmem>>, vector<16xf32>,
        tpu.vector_store %arg12[%swap3A_2686, %swap3A_2687, %swap3A_2688], %select_n3A_2685 {add = true, strides = array<i32>} : memref<3x32x1024xf32, #tpu.memory_space<vmem>>, vector<16xf32>,
        %add3A_2690 = arith.constant 0 : i32
        %add3A_2691 = arith.addi %add3A_2690, %scan3A_735 : i32
        %select_n3A_2692 = arith.select %eq3A_747, %add3A_2668, %add3A_2664 : vector<16xi1>, vector<16xf32>
        %swap3A_2693 = arith.index_cast %select_n3A_623 : i32 to index
        %swap3A_2694 = arith.index_cast %add3A_2691 : i32 to index
        %swap3A_2695 = arith.constant 752 : index
        %swap3A_2696 = tpu.vector_load %arg12[%swap3A_2693, %swap3A_2694, %swap3A_2695] {strides = array<i32>} : memref<3x32x1024xf32, #tpu.memory_space<vmem>>, vector<16xf32>,
        tpu.vector_store %arg12[%swap3A_2693, %swap3A_2694, %swap3A_2695], %select_n3A_2692 {add = true, strides = array<i32>} : memref<3x32x1024xf32, #tpu.memory_space<vmem>>, vector<16xf32>,
        %add3A_2697 = arith.constant 8 : i32
        %add3A_2698 = arith.addi %add3A_2697, %scan3A_735 : i32
        %select_n3A_2699 = arith.select %eq3A_753, %add3A_2665, %add3A_2661 : vector<16xi1>, vector<16xf32>
        %swap3A_2700 = arith.index_cast %select_n3A_623 : i32 to index
        %swap3A_2701 = arith.index_cast %add3A_2698 : i32 to index
        %swap3A_2702 = arith.constant 704 : index
        %swap3A_2703 = tpu.vector_load %arg12[%swap3A_2700, %swap3A_2701, %swap3A_2702] {strides = array<i32>} : memref<3x32x1024xf32, #tpu.memory_space<vmem>>, vector<16xf32>,
        tpu.vector_store %arg12[%swap3A_2700, %swap3A_2701, %swap3A_2702], %select_n3A_2699 {add = true, strides = array<i32>} : memref<3x32x1024xf32, #tpu.memory_space<vmem>>, vector<16xf32>,
        %add3A_2704 = arith.constant 8 : i32
        %add3A_2705 = arith.addi %add3A_2704, %scan3A_735 : i32
        %select_n3A_2706 = arith.select %eq3A_753, %add3A_2666, %add3A_2662 : vector<16xi1>, vector<16xf32>
        %swap3A_2707 = arith.index_cast %select_n3A_623 : i32 to index
        %swap3A_2708 = arith.index_cast %add3A_2705 : i32 to index
        %swap3A_2709 = arith.constant 720 : index
        %swap3A_2710 = tpu.vector_load %arg12[%swap3A_2707, %swap3A_2708, %swap3A_2709] {strides = array<i32>} : memref<3x32x1024xf32, #tpu.memory_space<vmem>>, vector<16xf32>,
        tpu.vector_store %arg12[%swap3A_2707, %swap3A_2708, %swap3A_2709], %select_n3A_2706 {add = true, strides = array<i32>} : memref<3x32x1024xf32, #tpu.memory_space<vmem>>, vector<16xf32>,
        %add3A_2711 = arith.constant 8 : i32
        %add3A_2712 = arith.addi %add3A_2711, %scan3A_735 : i32
        %select_n3A_2713 = arith.select %eq3A_753, %add3A_2667, %add3A_2663 : vector<16xi1>, vector<16xf32>
        %swap3A_2714 = arith.index_cast %select_n3A_623 : i32 to index
        %swap3A_2715 = arith.index_cast %add3A_2712 : i32 to index
        %swap3A_2716 = arith.constant 736 : index
        %swap3A_2717 = tpu.vector_load %arg12[%swap3A_2714, %swap3A_2715, %swap3A_2716] {strides = array<i32>} : memref<3x32x1024xf32, #tpu.memory_space<vmem>>, vector<16xf32>,
        tpu.vector_store %arg12[%swap3A_2714, %swap3A_2715, %swap3A_2716], %select_n3A_2713 {add = true, strides = array<i32>} : memref<3x32x1024xf32, #tpu.memory_space<vmem>>, vector<16xf32>,
        %add3A_2718 = arith.constant 8 : i32
        %add3A_2719 = arith.addi %add3A_2718, %scan3A_735 : i32
        %select_n3A_2720 = arith.select %eq3A_753, %add3A_2668, %add3A_2664 : vector<16xi1>, vector<16xf32>
        %swap3A_2721 = arith.index_cast %select_n3A_623 : i32 to index
        %swap3A_2722 = arith.index_cast %add3A_2719 : i32 to index
        %swap3A_2723 = arith.constant 752 : index
        %swap3A_2724 = tpu.vector_load %arg12[%swap3A_2721, %swap3A_2722, %swap3A_2723] {strides = array<i32>} : memref<3x32x1024xf32, #tpu.memory_space<vmem>>, vector<16xf32>,
        tpu.vector_store %arg12[%swap3A_2721, %swap3A_2722, %swap3A_2723], %select_n3A_2720 {add = true, strides = array<i32>} : memref<3x32x1024xf32, #tpu.memory_space<vmem>>, vector<16xf32>,
        %add3A_2725 = arith.constant 16 : i32
        %add3A_2726 = arith.addi %add3A_2725, %scan3A_735 : i32
        %select_n3A_2727 = arith.select %eq3A_759, %add3A_2665, %add3A_2661 : vector<16xi1>, vector<16xf32>
        %swap3A_2728 = arith.index_cast %select_n3A_623 : i32 to index
        %swap3A_2729 = arith.index_cast %add3A_2726 : i32 to index
        %swap3A_2730 = arith.constant 704 : index
        %swap3A_2731 = tpu.vector_load %arg12[%swap3A_2728, %swap3A_2729, %swap3A_2730] {strides = array<i32>} : memref<3x32x1024xf32, #tpu.memory_space<vmem>>, vector<16xf32>,
        tpu.vector_store %arg12[%swap3A_2728, %swap3A_2729, %swap3A_2730], %select_n3A_2727 {add = true, strides = array<i32>} : memref<3x32x1024xf32, #tpu.memory_space<vmem>>, vector<16xf32>,
        %add3A_2732 = arith.constant 16 : i32
        %add3A_2733 = arith.addi %add3A_2732, %scan3A_735 : i32
        %select_n3A_2734 = arith.select %eq3A_759, %add3A_2666, %add3A_2662 : vector<16xi1>, vector<16xf32>
        %swap3A_2735 = arith.index_cast %select_n3A_623 : i32 to index
        %swap3A_2736 = arith.index_cast %add3A_2733 : i32 to index
        %swap3A_2737 = arith.constant 720 : index
        %swap3A_2738 = tpu.vector_load %arg12[%swap3A_2735, %swap3A_2736, %swap3A_2737] {strides = array<i32>} : memref<3x32x1024xf32, #tpu.memory_space<vmem>>, vector<16xf32>,
        tpu.vector_store %arg12[%swap3A_2735, %swap3A_2736, %swap3A_2737], %select_n3A_2734 {add = true, strides = array<i32>} : memref<3x32x1024xf32, #tpu.memory_space<vmem>>, vector<16xf32>,
        %add3A_2739 = arith.constant 16 : i32
        %add3A_2740 = arith.addi %add3A_2739, %scan3A_735 : i32
        %select_n3A_2741 = arith.select %eq3A_759, %add3A_2667, %add3A_2663 : vector<16xi1>, vector<16xf32>
        %swap3A_2742 = arith.index_cast %select_n3A_623 : i32 to index
        %swap3A_2743 = arith.index_cast %add3A_2740 : i32 to index
        %swap3A_2744 = arith.constant 736 : index
        %swap3A_2745 = tpu.vector_load %arg12[%swap3A_2742, %swap3A_2743, %swap3A_2744] {strides = array<i32>} : memref<3x32x1024xf32, #tpu.memory_space<vmem>>, vector<16xf32>,
        tpu.vector_store %arg12[%swap3A_2742, %swap3A_2743, %swap3A_2744], %select_n3A_2741 {add = true, strides = array<i32>} : memref<3x32x1024xf32, #tpu.memory_space<vmem>>, vector<16xf32>,
        %add3A_2746 = arith.constant 16 : i32
        %add3A_2747 = arith.addi %add3A_2746, %scan3A_735 : i32
        %select_n3A_2748 = arith.select %eq3A_759, %add3A_2668, %add3A_2664 : vector<16xi1>, vector<16xf32>
        %swap3A_2749 = arith.index_cast %select_n3A_623 : i32 to index
        %swap3A_2750 = arith.index_cast %add3A_2747 : i32 to index
        %swap3A_2751 = arith.constant 752 : index
        %swap3A_2752 = tpu.vector_load %arg12[%swap3A_2749, %swap3A_2750, %swap3A_2751] {strides = array<i32>} : memref<3x32x1024xf32, #tpu.memory_space<vmem>>, vector<16xf32>,
        tpu.vector_store %arg12[%swap3A_2749, %swap3A_2750, %swap3A_2751], %select_n3A_2748 {add = true, strides = array<i32>} : memref<3x32x1024xf32, #tpu.memory_space<vmem>>, vector<16xf32>,
        %add3A_2753 = arith.constant 24 : i32
        %add3A_2754 = arith.addi %add3A_2753, %scan3A_735 : i32
        %select_n3A_2755 = arith.select %eq3A_765, %add3A_2665, %add3A_2661 : vector<16xi1>, vector<16xf32>
        %swap3A_2756 = arith.index_cast %select_n3A_623 : i32 to index
        %swap3A_2757 = arith.index_cast %add3A_2754 : i32 to index
        %swap3A_2758 = arith.constant 704 : index
        %swap3A_2759 = tpu.vector_load %arg12[%swap3A_2756, %swap3A_2757, %swap3A_2758] {strides = array<i32>} : memref<3x32x1024xf32, #tpu.memory_space<vmem>>, vector<16xf32>,
        tpu.vector_store %arg12[%swap3A_2756, %swap3A_2757, %swap3A_2758], %select_n3A_2755 {add = true, strides = array<i32>} : memref<3x32x1024xf32, #tpu.memory_space<vmem>>, vector<16xf32>,
        %add3A_2760 = arith.constant 24 : i32
        %add3A_2761 = arith.addi %add3A_2760, %scan3A_735 : i32
        %select_n3A_2762 = arith.select %eq3A_765, %add3A_2666, %add3A_2662 : vector<16xi1>, vector<16xf32>
        %swap3A_2763 = arith.index_cast %select_n3A_623 : i32 to index
        %swap3A_2764 = arith.index_cast %add3A_2761 : i32 to index
        %swap3A_2765 = arith.constant 720 : index
        %swap3A_2766 = tpu.vector_load %arg12[%swap3A_2763, %swap3A_2764, %swap3A_2765] {strides = array<i32>} : memref<3x32x1024xf32, #tpu.memory_space<vmem>>, vector<16xf32>,
        tpu.vector_store %arg12[%swap3A_2763, %swap3A_2764, %swap3A_2765], %select_n3A_2762 {add = true, strides = array<i32>} : memref<3x32x1024xf32, #tpu.memory_space<vmem>>, vector<16xf32>,
        %add3A_2767 = arith.constant 24 : i32
        %add3A_2768 = arith.addi %add3A_2767, %scan3A_735 : i32
        %select_n3A_2769 = arith.select %eq3A_765, %add3A_2667, %add3A_2663 : vector<16xi1>, vector<16xf32>
        %swap3A_2770 = arith.index_cast %select_n3A_623 : i32 to index
        %swap3A_2771 = arith.index_cast %add3A_2768 : i32 to index
        %swap3A_2772 = arith.constant 736 : index
        %swap3A_2773 = tpu.vector_load %arg12[%swap3A_2770, %swap3A_2771, %swap3A_2772] {strides = array<i32>} : memref<3x32x1024xf32, #tpu.memory_space<vmem>>, vector<16xf32>,
        tpu.vector_store %arg12[%swap3A_2770, %swap3A_2771, %swap3A_2772], %select_n3A_2769 {add = true, strides = array<i32>} : memref<3x32x1024xf32, #tpu.memory_space<vmem>>, vector<16xf32>,
        %add3A_2774 = arith.constant 24 : i32
        %add3A_2775 = arith.addi %add3A_2774, %scan3A_735 : i32
        %select_n3A_2776 = arith.select %eq3A_765, %add3A_2668, %add3A_2664 : vector<16xi1>, vector<16xf32>
        %swap3A_2777 = arith.index_cast %select_n3A_623 : i32 to index
        %swap3A_2778 = arith.index_cast %add3A_2775 : i32 to index
        %swap3A_2779 = arith.constant 752 : index
        %swap3A_2780 = tpu.vector_load %arg12[%swap3A_2777, %swap3A_2778, %swap3A_2779] {strides = array<i32>} : memref<3x32x1024xf32, #tpu.memory_space<vmem>>, vector<16xf32>,
        tpu.vector_store %arg12[%swap3A_2777, %swap3A_2778, %swap3A_2779], %select_n3A_2776 {add = true, strides = array<i32>} : memref<3x32x1024xf32, #tpu.memory_space<vmem>>, vector<16xf32>,
        %get3A_2781 = arith.index_cast %select_n3A_639 : i32 to index
        %get3A_2782 = arith.index_cast %scan3A_735 : i32 to index
        %get3A_2783 = arith.constant 768 : index
        %get3A_2784 = tpu.vector_load %arg13[%get3A_2781, %get3A_2782, %get3A_2783] {strides = array<i32>} : memref<2x8x1024xf32, #tpu.memory_space<vmem>>, vector<16xf32>,
        %get3A_2785 = arith.index_cast %select_n3A_639 : i32 to index
        %get3A_2786 = arith.index_cast %scan3A_735 : i32 to index
        %get3A_2787 = arith.constant 784 : index
        %get3A_2788 = tpu.vector_load %arg13[%get3A_2785, %get3A_2786, %get3A_2787] {strides = array<i32>} : memref<2x8x1024xf32, #tpu.memory_space<vmem>>, vector<16xf32>,
        %get3A_2789 = arith.index_cast %select_n3A_639 : i32 to index
        %get3A_2790 = arith.index_cast %scan3A_735 : i32 to index
        %get3A_2791 = arith.constant 800 : index
        %get3A_2792 = tpu.vector_load %arg13[%get3A_2789, %get3A_2790, %get3A_2791] {strides = array<i32>} : memref<2x8x1024xf32, #tpu.memory_space<vmem>>, vector<16xf32>,
        %get3A_2793 = arith.index_cast %select_n3A_639 : i32 to index
        %get3A_2794 = arith.index_cast %scan3A_735 : i32 to index
        %get3A_2795 = arith.constant 816 : index
        %get3A_2796 = tpu.vector_load %arg13[%get3A_2793, %get3A_2794, %get3A_2795] {strides = array<i32>} : memref<2x8x1024xf32, #tpu.memory_space<vmem>>, vector<16xf32>,
        %get3A_2797 = arith.constant 0 : i32
        %get3A_2798 = arith.index_cast %get3A_2797 : i32 to index
        %get3A_2799 = arith.constant 768 : index
        %get3A_2800 = tpu.vector_load %arg14[%get3A_2798, %get3A_2799] {strides = array<i32>} : memref<2x1024xf32, #tpu.memory_space<vmem>>, vector<16xf32>,
        %get3A_2801 = arith.constant 0 : i32
        %get3A_2802 = arith.index_cast %get3A_2801 : i32 to index
        %get3A_2803 = arith.constant 784 : index
        %get3A_2804 = tpu.vector_load %arg14[%get3A_2802, %get3A_2803] {strides = array<i32>} : memref<2x1024xf32, #tpu.memory_space<vmem>>, vector<16xf32>,
        %get3A_2805 = arith.constant 0 : i32
        %get3A_2806 = arith.index_cast %get3A_2805 : i32 to index
        %get3A_2807 = arith.constant 800 : index
        %get3A_2808 = tpu.vector_load %arg14[%get3A_2806, %get3A_2807] {strides = array<i32>} : memref<2x1024xf32, #tpu.memory_space<vmem>>, vector<16xf32>,
        %get3A_2809 = arith.constant 0 : i32
        %get3A_2810 = arith.index_cast %get3A_2809 : i32 to index
        %get3A_2811 = arith.constant 816 : index
        %get3A_2812 = tpu.vector_load %arg14[%get3A_2810, %get3A_2811] {strides = array<i32>} : memref<2x1024xf32, #tpu.memory_space<vmem>>, vector<16xf32>,
        %get3A_2813 = arith.constant 1 : i32
        %get3A_2814 = arith.index_cast %get3A_2813 : i32 to index
        %get3A_2815 = arith.constant 768 : index
        %get3A_2816 = tpu.vector_load %arg14[%get3A_2814, %get3A_2815] {strides = array<i32>} : memref<2x1024xf32, #tpu.memory_space<vmem>>, vector<16xf32>,
        %get3A_2817 = arith.constant 1 : i32
        %get3A_2818 = arith.index_cast %get3A_2817 : i32 to index
        %get3A_2819 = arith.constant 784 : index
        %get3A_2820 = tpu.vector_load %arg14[%get3A_2818, %get3A_2819] {strides = array<i32>} : memref<2x1024xf32, #tpu.memory_space<vmem>>, vector<16xf32>,
        %get3A_2821 = arith.constant 1 : i32
        %get3A_2822 = arith.index_cast %get3A_2821 : i32 to index
        %get3A_2823 = arith.constant 800 : index
        %get3A_2824 = tpu.vector_load %arg14[%get3A_2822, %get3A_2823] {strides = array<i32>} : memref<2x1024xf32, #tpu.memory_space<vmem>>, vector<16xf32>,
        %get3A_2825 = arith.constant 1 : i32
        %get3A_2826 = arith.index_cast %get3A_2825 : i32 to index
        %get3A_2827 = arith.constant 816 : index
        %get3A_2828 = tpu.vector_load %arg14[%get3A_2826, %get3A_2827] {strides = array<i32>} : memref<2x1024xf32, #tpu.memory_space<vmem>>, vector<16xf32>,
        %add3A_2829 = arith.addf %get3A_2784, %get3A_2800 : vector<16xf32>
        %add3A_2830 = arith.addf %get3A_2788, %get3A_2804 : vector<16xf32>
        %add3A_2831 = arith.addf %get3A_2792, %get3A_2808 : vector<16xf32>
        %add3A_2832 = arith.addf %get3A_2796, %get3A_2812 : vector<16xf32>
        %add3A_2833 = arith.addf %get3A_2784, %get3A_2816 : vector<16xf32>
        %add3A_2834 = arith.addf %get3A_2788, %get3A_2820 : vector<16xf32>
        %add3A_2835 = arith.addf %get3A_2792, %get3A_2824 : vector<16xf32>
        %add3A_2836 = arith.addf %get3A_2796, %get3A_2828 : vector<16xf32>
        %add3A_2837 = arith.constant 0 : i32
        %add3A_2838 = arith.addi %add3A_2837, %scan3A_735 : i32
        %select_n3A_2839 = arith.select %eq3A_747, %add3A_2833, %add3A_2829 : vector<16xi1>, vector<16xf32>
        %swap3A_2840 = arith.index_cast %select_n3A_623 : i32 to index
        %swap3A_2841 = arith.index_cast %add3A_2838 : i32 to index
        %swap3A_2842 = arith.constant 768 : index
        %swap3A_2843 = tpu.vector_load %arg12[%swap3A_2840, %swap3A_2841, %swap3A_2842] {strides = array<i32>} : memref<3x32x1024xf32, #tpu.memory_space<vmem>>, vector<16xf32>,
        tpu.vector_store %arg12[%swap3A_2840, %swap3A_2841, %swap3A_2842], %select_n3A_2839 {add = true, strides = array<i32>} : memref<3x32x1024xf32, #tpu.memory_space<vmem>>, vector<16xf32>,
        %add3A_2844 = arith.constant 0 : i32
        %add3A_2845 = arith.addi %add3A_2844, %scan3A_735 : i32
        %select_n3A_2846 = arith.select %eq3A_747, %add3A_2834, %add3A_2830 : vector<16xi1>, vector<16xf32>
        %swap3A_2847 = arith.index_cast %select_n3A_623 : i32 to index
        %swap3A_2848 = arith.index_cast %add3A_2845 : i32 to index
        %swap3A_2849 = arith.constant 784 : index
        %swap3A_2850 = tpu.vector_load %arg12[%swap3A_2847, %swap3A_2848, %swap3A_2849] {strides = array<i32>} : memref<3x32x1024xf32, #tpu.memory_space<vmem>>, vector<16xf32>,
        tpu.vector_store %arg12[%swap3A_2847, %swap3A_2848, %swap3A_2849], %select_n3A_2846 {add = true, strides = array<i32>} : memref<3x32x1024xf32, #tpu.memory_space<vmem>>, vector<16xf32>,
        %add3A_2851 = arith.constant 0 : i32
        %add3A_2852 = arith.addi %add3A_2851, %scan3A_735 : i32
        %select_n3A_2853 = arith.select %eq3A_747, %add3A_2835, %add3A_2831 : vector<16xi1>, vector<16xf32>
        %swap3A_2854 = arith.index_cast %select_n3A_623 : i32 to index
        %swap3A_2855 = arith.index_cast %add3A_2852 : i32 to index
        %swap3A_2856 = arith.constant 800 : index
        %swap3A_2857 = tpu.vector_load %arg12[%swap3A_2854, %swap3A_2855, %swap3A_2856] {strides = array<i32>} : memref<3x32x1024xf32, #tpu.memory_space<vmem>>, vector<16xf32>,
        tpu.vector_store %arg12[%swap3A_2854, %swap3A_2855, %swap3A_2856], %select_n3A_2853 {add = true, strides = array<i32>} : memref<3x32x1024xf32, #tpu.memory_space<vmem>>, vector<16xf32>,
        %add3A_2858 = arith.constant 0 : i32
        %add3A_2859 = arith.addi %add3A_2858, %scan3A_735 : i32
        %select_n3A_2860 = arith.select %eq3A_747, %add3A_2836, %add3A_2832 : vector<16xi1>, vector<16xf32>
        %swap3A_2861 = arith.index_cast %select_n3A_623 : i32 to index
        %swap3A_2862 = arith.index_cast %add3A_2859 : i32 to index
        %swap3A_2863 = arith.constant 816 : index
        %swap3A_2864 = tpu.vector_load %arg12[%swap3A_2861, %swap3A_2862, %swap3A_2863] {strides = array<i32>} : memref<3x32x1024xf32, #tpu.memory_space<vmem>>, vector<16xf32>,
        tpu.vector_store %arg12[%swap3A_2861, %swap3A_2862, %swap3A_2863], %select_n3A_2860 {add = true, strides = array<i32>} : memref<3x32x1024xf32, #tpu.memory_space<vmem>>, vector<16xf32>,
        %add3A_2865 = arith.constant 8 : i32
        %add3A_2866 = arith.addi %add3A_2865, %scan3A_735 : i32
        %select_n3A_2867 = arith.select %eq3A_753, %add3A_2833, %add3A_2829 : vector<16xi1>, vector<16xf32>
        %swap3A_2868 = arith.index_cast %select_n3A_623 : i32 to index
        %swap3A_2869 = arith.index_cast %add3A_2866 : i32 to index
        %swap3A_2870 = arith.constant 768 : index
        %swap3A_2871 = tpu.vector_load %arg12[%swap3A_2868, %swap3A_2869, %swap3A_2870] {strides = array<i32>} : memref<3x32x1024xf32, #tpu.memory_space<vmem>>, vector<16xf32>,
        tpu.vector_store %arg12[%swap3A_2868, %swap3A_2869, %swap3A_2870], %select_n3A_2867 {add = true, strides = array<i32>} : memref<3x32x1024xf32, #tpu.memory_space<vmem>>, vector<16xf32>,
        %add3A_2872 = arith.constant 8 : i32
        %add3A_2873 = arith.addi %add3A_2872, %scan3A_735 : i32
        %select_n3A_2874 = arith.select %eq3A_753, %add3A_2834, %add3A_2830 : vector<16xi1>, vector<16xf32>
        %swap3A_2875 = arith.index_cast %select_n3A_623 : i32 to index
        %swap3A_2876 = arith.index_cast %add3A_2873 : i32 to index
        %swap3A_2877 = arith.constant 784 : index
        %swap3A_2878 = tpu.vector_load %arg12[%swap3A_2875, %swap3A_2876, %swap3A_2877] {strides = array<i32>} : memref<3x32x1024xf32, #tpu.memory_space<vmem>>, vector<16xf32>,
        tpu.vector_store %arg12[%swap3A_2875, %swap3A_2876, %swap3A_2877], %select_n3A_2874 {add = true, strides = array<i32>} : memref<3x32x1024xf32, #tpu.memory_space<vmem>>, vector<16xf32>,
        %add3A_2879 = arith.constant 8 : i32
        %add3A_2880 = arith.addi %add3A_2879, %scan3A_735 : i32
        %select_n3A_2881 = arith.select %eq3A_753, %add3A_2835, %add3A_2831 : vector<16xi1>, vector<16xf32>
        %swap3A_2882 = arith.index_cast %select_n3A_623 : i32 to index
        %swap3A_2883 = arith.index_cast %add3A_2880 : i32 to index
        %swap3A_2884 = arith.constant 800 : index
        %swap3A_2885 = tpu.vector_load %arg12[%swap3A_2882, %swap3A_2883, %swap3A_2884] {strides = array<i32>} : memref<3x32x1024xf32, #tpu.memory_space<vmem>>, vector<16xf32>,
        tpu.vector_store %arg12[%swap3A_2882, %swap3A_2883, %swap3A_2884], %select_n3A_2881 {add = true, strides = array<i32>} : memref<3x32x1024xf32, #tpu.memory_space<vmem>>, vector<16xf32>,
        %add3A_2886 = arith.constant 8 : i32
        %add3A_2887 = arith.addi %add3A_2886, %scan3A_735 : i32
        %select_n3A_2888 = arith.select %eq3A_753, %add3A_2836, %add3A_2832 : vector<16xi1>, vector<16xf32>
        %swap3A_2889 = arith.index_cast %select_n3A_623 : i32 to index
        %swap3A_2890 = arith.index_cast %add3A_2887 : i32 to index
        %swap3A_2891 = arith.constant 816 : index
        %swap3A_2892 = tpu.vector_load %arg12[%swap3A_2889, %swap3A_2890, %swap3A_2891] {strides = array<i32>} : memref<3x32x1024xf32, #tpu.memory_space<vmem>>, vector<16xf32>,
        tpu.vector_store %arg12[%swap3A_2889, %swap3A_2890, %swap3A_2891], %select_n3A_2888 {add = true, strides = array<i32>} : memref<3x32x1024xf32, #tpu.memory_space<vmem>>, vector<16xf32>,
        %add3A_2893 = arith.constant 16 : i32
        %add3A_2894 = arith.addi %add3A_2893, %scan3A_735 : i32
        %select_n3A_2895 = arith.select %eq3A_759, %add3A_2833, %add3A_2829 : vector<16xi1>, vector<16xf32>
        %swap3A_2896 = arith.index_cast %select_n3A_623 : i32 to index
        %swap3A_2897 = arith.index_cast %add3A_2894 : i32 to index
        %swap3A_2898 = arith.constant 768 : index
        %swap3A_2899 = tpu.vector_load %arg12[%swap3A_2896, %swap3A_2897, %swap3A_2898] {strides = array<i32>} : memref<3x32x1024xf32, #tpu.memory_space<vmem>>, vector<16xf32>,
        tpu.vector_store %arg12[%swap3A_2896, %swap3A_2897, %swap3A_2898], %select_n3A_2895 {add = true, strides = array<i32>} : memref<3x32x1024xf32, #tpu.memory_space<vmem>>, vector<16xf32>,
        %add3A_2900 = arith.constant 16 : i32
        %add3A_2901 = arith.addi %add3A_2900, %scan3A_735 : i32
        %select_n3A_2902 = arith.select %eq3A_759, %add3A_2834, %add3A_2830 : vector<16xi1>, vector<16xf32>
        %swap3A_2903 = arith.index_cast %select_n3A_623 : i32 to index
        %swap3A_2904 = arith.index_cast %add3A_2901 : i32 to index
        %swap3A_2905 = arith.constant 784 : index
        %swap3A_2906 = tpu.vector_load %arg12[%swap3A_2903, %swap3A_2904, %swap3A_2905] {strides = array<i32>} : memref<3x32x1024xf32, #tpu.memory_space<vmem>>, vector<16xf32>,
        tpu.vector_store %arg12[%swap3A_2903, %swap3A_2904, %swap3A_2905], %select_n3A_2902 {add = true, strides = array<i32>} : memref<3x32x1024xf32, #tpu.memory_space<vmem>>, vector<16xf32>,
        %add3A_2907 = arith.constant 16 : i32
        %add3A_2908 = arith.addi %add3A_2907, %scan3A_735 : i32
        %select_n3A_2909 = arith.select %eq3A_759, %add3A_2835, %add3A_2831 : vector<16xi1>, vector<16xf32>
        %swap3A_2910 = arith.index_cast %select_n3A_623 : i32 to index
        %swap3A_2911 = arith.index_cast %add3A_2908 : i32 to index
        %swap3A_2912 = arith.constant 800 : index
        %swap3A_2913 = tpu.vector_load %arg12[%swap3A_2910, %swap3A_2911, %swap3A_2912] {strides = array<i32>} : memref<3x32x1024xf32, #tpu.memory_space<vmem>>, vector<16xf32>,
        tpu.vector_store %arg12[%swap3A_2910, %swap3A_2911, %swap3A_2912], %select_n3A_2909 {add = true, strides = array<i32>} : memref<3x32x1024xf32, #tpu.memory_space<vmem>>, vector<16xf32>,
        %add3A_2914 = arith.constant 16 : i32
        %add3A_2915 = arith.addi %add3A_2914, %scan3A_735 : i32
        %select_n3A_2916 = arith.select %eq3A_759, %add3A_2836, %add3A_2832 : vector<16xi1>, vector<16xf32>
        %swap3A_2917 = arith.index_cast %select_n3A_623 : i32 to index
        %swap3A_2918 = arith.index_cast %add3A_2915 : i32 to index
        %swap3A_2919 = arith.constant 816 : index
        %swap3A_2920 = tpu.vector_load %arg12[%swap3A_2917, %swap3A_2918, %swap3A_2919] {strides = array<i32>} : memref<3x32x1024xf32, #tpu.memory_space<vmem>>, vector<16xf32>,
        tpu.vector_store %arg12[%swap3A_2917, %swap3A_2918, %swap3A_2919], %select_n3A_2916 {add = true, strides = array<i32>} : memref<3x32x1024xf32, #tpu.memory_space<vmem>>, vector<16xf32>,
        %add3A_2921 = arith.constant 24 : i32
        %add3A_2922 = arith.addi %add3A_2921, %scan3A_735 : i32
        %select_n3A_2923 = arith.select %eq3A_765, %add3A_2833, %add3A_2829 : vector<16xi1>, vector<16xf32>
        %swap3A_2924 = arith.index_cast %select_n3A_623 : i32 to index
        %swap3A_2925 = arith.index_cast %add3A_2922 : i32 to index
        %swap3A_2926 = arith.constant 768 : index
        %swap3A_2927 = tpu.vector_load %arg12[%swap3A_2924, %swap3A_2925, %swap3A_2926] {strides = array<i32>} : memref<3x32x1024xf32, #tpu.memory_space<vmem>>, vector<16xf32>,
        tpu.vector_store %arg12[%swap3A_2924, %swap3A_2925, %swap3A_2926], %select_n3A_2923 {add = true, strides = array<i32>} : memref<3x32x1024xf32, #tpu.memory_space<vmem>>, vector<16xf32>,
        %add3A_2928 = arith.constant 24 : i32
        %add3A_2929 = arith.addi %add3A_2928, %scan3A_735 : i32
        %select_n3A_2930 = arith.select %eq3A_765, %add3A_2834, %add3A_2830 : vector<16xi1>, vector<16xf32>
        %swap3A_2931 = arith.index_cast %select_n3A_623 : i32 to index
        %swap3A_2932 = arith.index_cast %add3A_2929 : i32 to index
        %swap3A_2933 = arith.constant 784 : index
        %swap3A_2934 = tpu.vector_load %arg12[%swap3A_2931, %swap3A_2932, %swap3A_2933] {strides = array<i32>} : memref<3x32x1024xf32, #tpu.memory_space<vmem>>, vector<16xf32>,
        tpu.vector_store %arg12[%swap3A_2931, %swap3A_2932, %swap3A_2933], %select_n3A_2930 {add = true, strides = array<i32>} : memref<3x32x1024xf32, #tpu.memory_space<vmem>>, vector<16xf32>,
        %add3A_2935 = arith.constant 24 : i32
        %add3A_2936 = arith.addi %add3A_2935, %scan3A_735 : i32
        %select_n3A_2937 = arith.select %eq3A_765, %add3A_2835, %add3A_2831 : vector<16xi1>, vector<16xf32>
        %swap3A_2938 = arith.index_cast %select_n3A_623 : i32 to index
        %swap3A_2939 = arith.index_cast %add3A_2936 : i32 to index
        %swap3A_2940 = arith.constant 800 : index
        %swap3A_2941 = tpu.vector_load %arg12[%swap3A_2938, %swap3A_2939, %swap3A_2940] {strides = array<i32>} : memref<3x32x1024xf32, #tpu.memory_space<vmem>>, vector<16xf32>,
        tpu.vector_store %arg12[%swap3A_2938, %swap3A_2939, %swap3A_2940], %select_n3A_2937 {add = true, strides = array<i32>} : memref<3x32x1024xf32, #tpu.memory_space<vmem>>, vector<16xf32>,
        %add3A_2942 = arith.constant 24 : i32
        %add3A_2943 = arith.addi %add3A_2942, %scan3A_735 : i32
        %select_n3A_2944 = arith.select %eq3A_765, %add3A_2836, %add3A_2832 : vector<16xi1>, vector<16xf32>
        %swap3A_2945 = arith.index_cast %select_n3A_623 : i32 to index
        %swap3A_2946 = arith.index_cast %add3A_2943 : i32 to index
        %swap3A_2947 = arith.constant 816 : index
        %swap3A_2948 = tpu.vector_load %arg12[%swap3A_2945, %swap3A_2946, %swap3A_2947] {strides = array<i32>} : memref<3x32x1024xf32, #tpu.memory_space<vmem>>, vector<16xf32>,
        tpu.vector_store %arg12[%swap3A_2945, %swap3A_2946, %swap3A_2947], %select_n3A_2944 {add = true, strides = array<i32>} : memref<3x32x1024xf32, #tpu.memory_space<vmem>>, vector<16xf32>,
        %get3A_2949 = arith.index_cast %select_n3A_639 : i32 to index
        %get3A_2950 = arith.index_cast %scan3A_735 : i32 to index
        %get3A_2951 = arith.constant 832 : index
        %get3A_2952 = tpu.vector_load %arg13[%get3A_2949, %get3A_2950, %get3A_2951] {strides = array<i32>} : memref<2x8x1024xf32, #tpu.memory_space<vmem>>, vector<16xf32>,
        %get3A_2953 = arith.index_cast %select_n3A_639 : i32 to index
        %get3A_2954 = arith.index_cast %scan3A_735 : i32 to index
        %get3A_2955 = arith.constant 848 : index
        %get3A_2956 = tpu.vector_load %arg13[%get3A_2953, %get3A_2954, %get3A_2955] {strides = array<i32>} : memref<2x8x1024xf32, #tpu.memory_space<vmem>>, vector<16xf32>,
        %get3A_2957 = arith.index_cast %select_n3A_639 : i32 to index
        %get3A_2958 = arith.index_cast %scan3A_735 : i32 to index
        %get3A_2959 = arith.constant 864 : index
        %get3A_2960 = tpu.vector_load %arg13[%get3A_2957, %get3A_2958, %get3A_2959] {strides = array<i32>} : memref<2x8x1024xf32, #tpu.memory_space<vmem>>, vector<16xf32>,
        %get3A_2961 = arith.index_cast %select_n3A_639 : i32 to index
        %get3A_2962 = arith.index_cast %scan3A_735 : i32 to index
        %get3A_2963 = arith.constant 880 : index
        %get3A_2964 = tpu.vector_load %arg13[%get3A_2961, %get3A_2962, %get3A_2963] {strides = array<i32>} : memref<2x8x1024xf32, #tpu.memory_space<vmem>>, vector<16xf32>,
        %get3A_2965 = arith.constant 0 : i32
        %get3A_2966 = arith.index_cast %get3A_2965 : i32 to index
        %get3A_2967 = arith.constant 832 : index
        %get3A_2968 = tpu.vector_load %arg14[%get3A_2966, %get3A_2967] {strides = array<i32>} : memref<2x1024xf32, #tpu.memory_space<vmem>>, vector<16xf32>,
        %get3A_2969 = arith.constant 0 : i32
        %get3A_2970 = arith.index_cast %get3A_2969 : i32 to index
        %get3A_2971 = arith.constant 848 : index
        %get3A_2972 = tpu.vector_load %arg14[%get3A_2970, %get3A_2971] {strides = array<i32>} : memref<2x1024xf32, #tpu.memory_space<vmem>>, vector<16xf32>,
        %get3A_2973 = arith.constant 0 : i32
        %get3A_2974 = arith.index_cast %get3A_2973 : i32 to index
        %get3A_2975 = arith.constant 864 : index
        %get3A_2976 = tpu.vector_load %arg14[%get3A_2974, %get3A_2975] {strides = array<i32>} : memref<2x1024xf32, #tpu.memory_space<vmem>>, vector<16xf32>,
        %get3A_2977 = arith.constant 0 : i32
        %get3A_2978 = arith.index_cast %get3A_2977 : i32 to index
        %get3A_2979 = arith.constant 880 : index
        %get3A_2980 = tpu.vector_load %arg14[%get3A_2978, %get3A_2979] {strides = array<i32>} : memref<2x1024xf32, #tpu.memory_space<vmem>>, vector<16xf32>,
        %get3A_2981 = arith.constant 1 : i32
        %get3A_2982 = arith.index_cast %get3A_2981 : i32 to index
        %get3A_2983 = arith.constant 832 : index
        %get3A_2984 = tpu.vector_load %arg14[%get3A_2982, %get3A_2983] {strides = array<i32>} : memref<2x1024xf32, #tpu.memory_space<vmem>>, vector<16xf32>,
        %get3A_2985 = arith.constant 1 : i32
        %get3A_2986 = arith.index_cast %get3A_2985 : i32 to index
        %get3A_2987 = arith.constant 848 : index
        %get3A_2988 = tpu.vector_load %arg14[%get3A_2986, %get3A_2987] {strides = array<i32>} : memref<2x1024xf32, #tpu.memory_space<vmem>>, vector<16xf32>,
        %get3A_2989 = arith.constant 1 : i32
        %get3A_2990 = arith.index_cast %get3A_2989 : i32 to index
        %get3A_2991 = arith.constant 864 : index
        %get3A_2992 = tpu.vector_load %arg14[%get3A_2990, %get3A_2991] {strides = array<i32>} : memref<2x1024xf32, #tpu.memory_space<vmem>>, vector<16xf32>,
        %get3A_2993 = arith.constant 1 : i32
        %get3A_2994 = arith.index_cast %get3A_2993 : i32 to index
        %get3A_2995 = arith.constant 880 : index
        %get3A_2996 = tpu.vector_load %arg14[%get3A_2994, %get3A_2995] {strides = array<i32>} : memref<2x1024xf32, #tpu.memory_space<vmem>>, vector<16xf32>,
        %add3A_2997 = arith.addf %get3A_2952, %get3A_2968 : vector<16xf32>
        %add3A_2998 = arith.addf %get3A_2956, %get3A_2972 : vector<16xf32>
        %add3A_2999 = arith.addf %get3A_2960, %get3A_2976 : vector<16xf32>
        %add3A_3000 = arith.addf %get3A_2964, %get3A_2980 : vector<16xf32>
        %add3A_3001 = arith.addf %get3A_2952, %get3A_2984 : vector<16xf32>
        %add3A_3002 = arith.addf %get3A_2956, %get3A_2988 : vector<16xf32>
        %add3A_3003 = arith.addf %get3A_2960, %get3A_2992 : vector<16xf32>
        %add3A_3004 = arith.addf %get3A_2964, %get3A_2996 : vector<16xf32>
        %add3A_3005 = arith.constant 0 : i32
        %add3A_3006 = arith.addi %add3A_3005, %scan3A_735 : i32
        %select_n3A_3007 = arith.select %eq3A_747, %add3A_3001, %add3A_2997 : vector<16xi1>, vector<16xf32>
        %swap3A_3008 = arith.index_cast %select_n3A_623 : i32 to index
        %swap3A_3009 = arith.index_cast %add3A_3006 : i32 to index
        %swap3A_3010 = arith.constant 832 : index
        %swap3A_3011 = tpu.vector_load %arg12[%swap3A_3008, %swap3A_3009, %swap3A_3010] {strides = array<i32>} : memref<3x32x1024xf32, #tpu.memory_space<vmem>>, vector<16xf32>,
        tpu.vector_store %arg12[%swap3A_3008, %swap3A_3009, %swap3A_3010], %select_n3A_3007 {add = true, strides = array<i32>} : memref<3x32x1024xf32, #tpu.memory_space<vmem>>, vector<16xf32>,
        %add3A_3012 = arith.constant 0 : i32
        %add3A_3013 = arith.addi %add3A_3012, %scan3A_735 : i32
        %select_n3A_3014 = arith.select %eq3A_747, %add3A_3002, %add3A_2998 : vector<16xi1>, vector<16xf32>
        %swap3A_3015 = arith.index_cast %select_n3A_623 : i32 to index
        %swap3A_3016 = arith.index_cast %add3A_3013 : i32 to index
        %swap3A_3017 = arith.constant 848 : index
        %swap3A_3018 = tpu.vector_load %arg12[%swap3A_3015, %swap3A_3016, %swap3A_3017] {strides = array<i32>} : memref<3x32x1024xf32, #tpu.memory_space<vmem>>, vector<16xf32>,
        tpu.vector_store %arg12[%swap3A_3015, %swap3A_3016, %swap3A_3017], %select_n3A_3014 {add = true, strides = array<i32>} : memref<3x32x1024xf32, #tpu.memory_space<vmem>>, vector<16xf32>,
        %add3A_3019 = arith.constant 0 : i32
        %add3A_3020 = arith.addi %add3A_3019, %scan3A_735 : i32
        %select_n3A_3021 = arith.select %eq3A_747, %add3A_3003, %add3A_2999 : vector<16xi1>, vector<16xf32>
        %swap3A_3022 = arith.index_cast %select_n3A_623 : i32 to index
        %swap3A_3023 = arith.index_cast %add3A_3020 : i32 to index
        %swap3A_3024 = arith.constant 864 : index
        %swap3A_3025 = tpu.vector_load %arg12[%swap3A_3022, %swap3A_3023, %swap3A_3024] {strides = array<i32>} : memref<3x32x1024xf32, #tpu.memory_space<vmem>>, vector<16xf32>,
        tpu.vector_store %arg12[%swap3A_3022, %swap3A_3023, %swap3A_3024], %select_n3A_3021 {add = true, strides = array<i32>} : memref<3x32x1024xf32, #tpu.memory_space<vmem>>, vector<16xf32>,
        %add3A_3026 = arith.constant 0 : i32
        %add3A_3027 = arith.addi %add3A_3026, %scan3A_735 : i32
        %select_n3A_3028 = arith.select %eq3A_747, %add3A_3004, %add3A_3000 : vector<16xi1>, vector<16xf32>
        %swap3A_3029 = arith.index_cast %select_n3A_623 : i32 to index
        %swap3A_3030 = arith.index_cast %add3A_3027 : i32 to index
        %swap3A_3031 = arith.constant 880 : index
        %swap3A_3032 = tpu.vector_load %arg12[%swap3A_3029, %swap3A_3030, %swap3A_3031] {strides = array<i32>} : memref<3x32x1024xf32, #tpu.memory_space<vmem>>, vector<16xf32>,
        tpu.vector_store %arg12[%swap3A_3029, %swap3A_3030, %swap3A_3031], %select_n3A_3028 {add = true, strides = array<i32>} : memref<3x32x1024xf32, #tpu.memory_space<vmem>>, vector<16xf32>,
        %add3A_3033 = arith.constant 8 : i32
        %add3A_3034 = arith.addi %add3A_3033, %scan3A_735 : i32
        %select_n3A_3035 = arith.select %eq3A_753, %add3A_3001, %add3A_2997 : vector<16xi1>, vector<16xf32>
        %swap3A_3036 = arith.index_cast %select_n3A_623 : i32 to index
        %swap3A_3037 = arith.index_cast %add3A_3034 : i32 to index
        %swap3A_3038 = arith.constant 832 : index
        %swap3A_3039 = tpu.vector_load %arg12[%swap3A_3036, %swap3A_3037, %swap3A_3038] {strides = array<i32>} : memref<3x32x1024xf32, #tpu.memory_space<vmem>>, vector<16xf32>,
        tpu.vector_store %arg12[%swap3A_3036, %swap3A_3037, %swap3A_3038], %select_n3A_3035 {add = true, strides = array<i32>} : memref<3x32x1024xf32, #tpu.memory_space<vmem>>, vector<16xf32>,
        %add3A_3040 = arith.constant 8 : i32
        %add3A_3041 = arith.addi %add3A_3040, %scan3A_735 : i32
        %select_n3A_3042 = arith.select %eq3A_753, %add3A_3002, %add3A_2998 : vector<16xi1>, vector<16xf32>
        %swap3A_3043 = arith.index_cast %select_n3A_623 : i32 to index
        %swap3A_3044 = arith.index_cast %add3A_3041 : i32 to index
        %swap3A_3045 = arith.constant 848 : index
        %swap3A_3046 = tpu.vector_load %arg12[%swap3A_3043, %swap3A_3044, %swap3A_3045] {strides = array<i32>} : memref<3x32x1024xf32, #tpu.memory_space<vmem>>, vector<16xf32>,
        tpu.vector_store %arg12[%swap3A_3043, %swap3A_3044, %swap3A_3045], %select_n3A_3042 {add = true, strides = array<i32>} : memref<3x32x1024xf32, #tpu.memory_space<vmem>>, vector<16xf32>,
        %add3A_3047 = arith.constant 8 : i32
        %add3A_3048 = arith.addi %add3A_3047, %scan3A_735 : i32
        %select_n3A_3049 = arith.select %eq3A_753, %add3A_3003, %add3A_2999 : vector<16xi1>, vector<16xf32>
        %swap3A_3050 = arith.index_cast %select_n3A_623 : i32 to index
        %swap3A_3051 = arith.index_cast %add3A_3048 : i32 to index
        %swap3A_3052 = arith.constant 864 : index
        %swap3A_3053 = tpu.vector_load %arg12[%swap3A_3050, %swap3A_3051, %swap3A_3052] {strides = array<i32>} : memref<3x32x1024xf32, #tpu.memory_space<vmem>>, vector<16xf32>,
        tpu.vector_store %arg12[%swap3A_3050, %swap3A_3051, %swap3A_3052], %select_n3A_3049 {add = true, strides = array<i32>} : memref<3x32x1024xf32, #tpu.memory_space<vmem>>, vector<16xf32>,
        %add3A_3054 = arith.constant 8 : i32
        %add3A_3055 = arith.addi %add3A_3054, %scan3A_735 : i32
        %select_n3A_3056 = arith.select %eq3A_753, %add3A_3004, %add3A_3000 : vector<16xi1>, vector<16xf32>
        %swap3A_3057 = arith.index_cast %select_n3A_623 : i32 to index
        %swap3A_3058 = arith.index_cast %add3A_3055 : i32 to index
        %swap3A_3059 = arith.constant 880 : index
        %swap3A_3060 = tpu.vector_load %arg12[%swap3A_3057, %swap3A_3058, %swap3A_3059] {strides = array<i32>} : memref<3x32x1024xf32, #tpu.memory_space<vmem>>, vector<16xf32>,
        tpu.vector_store %arg12[%swap3A_3057, %swap3A_3058, %swap3A_3059], %select_n3A_3056 {add = true, strides = array<i32>} : memref<3x32x1024xf32, #tpu.memory_space<vmem>>, vector<16xf32>,
        %add3A_3061 = arith.constant 16 : i32
        %add3A_3062 = arith.addi %add3A_3061, %scan3A_735 : i32
        %select_n3A_3063 = arith.select %eq3A_759, %add3A_3001, %add3A_2997 : vector<16xi1>, vector<16xf32>
        %swap3A_3064 = arith.index_cast %select_n3A_623 : i32 to index
        %swap3A_3065 = arith.index_cast %add3A_3062 : i32 to index
        %swap3A_3066 = arith.constant 832 : index
        %swap3A_3067 = tpu.vector_load %arg12[%swap3A_3064, %swap3A_3065, %swap3A_3066] {strides = array<i32>} : memref<3x32x1024xf32, #tpu.memory_space<vmem>>, vector<16xf32>,
        tpu.vector_store %arg12[%swap3A_3064, %swap3A_3065, %swap3A_3066], %select_n3A_3063 {add = true, strides = array<i32>} : memref<3x32x1024xf32, #tpu.memory_space<vmem>>, vector<16xf32>,
        %add3A_3068 = arith.constant 16 : i32
        %add3A_3069 = arith.addi %add3A_3068, %scan3A_735 : i32
        %select_n3A_3070 = arith.select %eq3A_759, %add3A_3002, %add3A_2998 : vector<16xi1>, vector<16xf32>
        %swap3A_3071 = arith.index_cast %select_n3A_623 : i32 to index
        %swap3A_3072 = arith.index_cast %add3A_3069 : i32 to index
        %swap3A_3073 = arith.constant 848 : index
        %swap3A_3074 = tpu.vector_load %arg12[%swap3A_3071, %swap3A_3072, %swap3A_3073] {strides = array<i32>} : memref<3x32x1024xf32, #tpu.memory_space<vmem>>, vector<16xf32>,
        tpu.vector_store %arg12[%swap3A_3071, %swap3A_3072, %swap3A_3073], %select_n3A_3070 {add = true, strides = array<i32>} : memref<3x32x1024xf32, #tpu.memory_space<vmem>>, vector<16xf32>,
        %add3A_3075 = arith.constant 16 : i32
        %add3A_3076 = arith.addi %add3A_3075, %scan3A_735 : i32
        %select_n3A_3077 = arith.select %eq3A_759, %add3A_3003, %add3A_2999 : vector<16xi1>, vector<16xf32>
        %swap3A_3078 = arith.index_cast %select_n3A_623 : i32 to index
        %swap3A_3079 = arith.index_cast %add3A_3076 : i32 to index
        %swap3A_3080 = arith.constant 864 : index
        %swap3A_3081 = tpu.vector_load %arg12[%swap3A_3078, %swap3A_3079, %swap3A_3080] {strides = array<i32>} : memref<3x32x1024xf32, #tpu.memory_space<vmem>>, vector<16xf32>,
        tpu.vector_store %arg12[%swap3A_3078, %swap3A_3079, %swap3A_3080], %select_n3A_3077 {add = true, strides = array<i32>} : memref<3x32x1024xf32, #tpu.memory_space<vmem>>, vector<16xf32>,
        %add3A_3082 = arith.constant 16 : i32
        %add3A_3083 = arith.addi %add3A_3082, %scan3A_735 : i32
        %select_n3A_3084 = arith.select %eq3A_759, %add3A_3004, %add3A_3000 : vector<16xi1>, vector<16xf32>
        %swap3A_3085 = arith.index_cast %select_n3A_623 : i32 to index
        %swap3A_3086 = arith.index_cast %add3A_3083 : i32 to index
        %swap3A_3087 = arith.constant 880 : index
        %swap3A_3088 = tpu.vector_load %arg12[%swap3A_3085, %swap3A_3086, %swap3A_3087] {strides = array<i32>} : memref<3x32x1024xf32, #tpu.memory_space<vmem>>, vector<16xf32>,
        tpu.vector_store %arg12[%swap3A_3085, %swap3A_3086, %swap3A_3087], %select_n3A_3084 {add = true, strides = array<i32>} : memref<3x32x1024xf32, #tpu.memory_space<vmem>>, vector<16xf32>,
        %add3A_3089 = arith.constant 24 : i32
        %add3A_3090 = arith.addi %add3A_3089, %scan3A_735 : i32
        %select_n3A_3091 = arith.select %eq3A_765, %add3A_3001, %add3A_2997 : vector<16xi1>, vector<16xf32>
        %swap3A_3092 = arith.index_cast %select_n3A_623 : i32 to index
        %swap3A_3093 = arith.index_cast %add3A_3090 : i32 to index
        %swap3A_3094 = arith.constant 832 : index
        %swap3A_3095 = tpu.vector_load %arg12[%swap3A_3092, %swap3A_3093, %swap3A_3094] {strides = array<i32>} : memref<3x32x1024xf32, #tpu.memory_space<vmem>>, vector<16xf32>,
        tpu.vector_store %arg12[%swap3A_3092, %swap3A_3093, %swap3A_3094], %select_n3A_3091 {add = true, strides = array<i32>} : memref<3x32x1024xf32, #tpu.memory_space<vmem>>, vector<16xf32>,
        %add3A_3096 = arith.constant 24 : i32
        %add3A_3097 = arith.addi %add3A_3096, %scan3A_735 : i32
        %select_n3A_3098 = arith.select %eq3A_765, %add3A_3002, %add3A_2998 : vector<16xi1>, vector<16xf32>
        %swap3A_3099 = arith.index_cast %select_n3A_623 : i32 to index
        %swap3A_3100 = arith.index_cast %add3A_3097 : i32 to index
        %swap3A_3101 = arith.constant 848 : index
        %swap3A_3102 = tpu.vector_load %arg12[%swap3A_3099, %swap3A_3100, %swap3A_3101] {strides = array<i32>} : memref<3x32x1024xf32, #tpu.memory_space<vmem>>, vector<16xf32>,
        tpu.vector_store %arg12[%swap3A_3099, %swap3A_3100, %swap3A_3101], %select_n3A_3098 {add = true, strides = array<i32>} : memref<3x32x1024xf32, #tpu.memory_space<vmem>>, vector<16xf32>,
        %add3A_3103 = arith.constant 24 : i32
        %add3A_3104 = arith.addi %add3A_3103, %scan3A_735 : i32
        %select_n3A_3105 = arith.select %eq3A_765, %add3A_3003, %add3A_2999 : vector<16xi1>, vector<16xf32>
        %swap3A_3106 = arith.index_cast %select_n3A_623 : i32 to index
        %swap3A_3107 = arith.index_cast %add3A_3104 : i32 to index
        %swap3A_3108 = arith.constant 864 : index
        %swap3A_3109 = tpu.vector_load %arg12[%swap3A_3106, %swap3A_3107, %swap3A_3108] {strides = array<i32>} : memref<3x32x1024xf32, #tpu.memory_space<vmem>>, vector<16xf32>,
        tpu.vector_store %arg12[%swap3A_3106, %swap3A_3107, %swap3A_3108], %select_n3A_3105 {add = true, strides = array<i32>} : memref<3x32x1024xf32, #tpu.memory_space<vmem>>, vector<16xf32>,
        %add3A_3110 = arith.constant 24 : i32
        %add3A_3111 = arith.addi %add3A_3110, %scan3A_735 : i32
        %select_n3A_3112 = arith.select %eq3A_765, %add3A_3004, %add3A_3000 : vector<16xi1>, vector<16xf32>
        %swap3A_3113 = arith.index_cast %select_n3A_623 : i32 to index
        %swap3A_3114 = arith.index_cast %add3A_3111 : i32 to index
        %swap3A_3115 = arith.constant 880 : index
        %swap3A_3116 = tpu.vector_load %arg12[%swap3A_3113, %swap3A_3114, %swap3A_3115] {strides = array<i32>} : memref<3x32x1024xf32, #tpu.memory_space<vmem>>, vector<16xf32>,
        tpu.vector_store %arg12[%swap3A_3113, %swap3A_3114, %swap3A_3115], %select_n3A_3112 {add = true, strides = array<i32>} : memref<3x32x1024xf32, #tpu.memory_space<vmem>>, vector<16xf32>,
        %get3A_3117 = arith.index_cast %select_n3A_639 : i32 to index
        %get3A_3118 = arith.index_cast %scan3A_735 : i32 to index
        %get3A_3119 = arith.constant 896 : index
        %get3A_3120 = tpu.vector_load %arg13[%get3A_3117, %get3A_3118, %get3A_3119] {strides = array<i32>} : memref<2x8x1024xf32, #tpu.memory_space<vmem>>, vector<16xf32>,
        %get3A_3121 = arith.index_cast %select_n3A_639 : i32 to index
        %get3A_3122 = arith.index_cast %scan3A_735 : i32 to index
        %get3A_3123 = arith.constant 912 : index
        %get3A_3124 = tpu.vector_load %arg13[%get3A_3121, %get3A_3122, %get3A_3123] {strides = array<i32>} : memref<2x8x1024xf32, #tpu.memory_space<vmem>>, vector<16xf32>,
        %get3A_3125 = arith.index_cast %select_n3A_639 : i32 to index
        %get3A_3126 = arith.index_cast %scan3A_735 : i32 to index
        %get3A_3127 = arith.constant 928 : index
        %get3A_3128 = tpu.vector_load %arg13[%get3A_3125, %get3A_3126, %get3A_3127] {strides = array<i32>} : memref<2x8x1024xf32, #tpu.memory_space<vmem>>, vector<16xf32>,
        %get3A_3129 = arith.index_cast %select_n3A_639 : i32 to index
        %get3A_3130 = arith.index_cast %scan3A_735 : i32 to index
        %get3A_3131 = arith.constant 944 : index
        %get3A_3132 = tpu.vector_load %arg13[%get3A_3129, %get3A_3130, %get3A_3131] {strides = array<i32>} : memref<2x8x1024xf32, #tpu.memory_space<vmem>>, vector<16xf32>,
        %get3A_3133 = arith.constant 0 : i32
        %get3A_3134 = arith.index_cast %get3A_3133 : i32 to index
        %get3A_3135 = arith.constant 896 : index
        %get3A_3136 = tpu.vector_load %arg14[%get3A_3134, %get3A_3135] {strides = array<i32>} : memref<2x1024xf32, #tpu.memory_space<vmem>>, vector<16xf32>,
        %get3A_3137 = arith.constant 0 : i32
        %get3A_3138 = arith.index_cast %get3A_3137 : i32 to index
        %get3A_3139 = arith.constant 912 : index
        %get3A_3140 = tpu.vector_load %arg14[%get3A_3138, %get3A_3139] {strides = array<i32>} : memref<2x1024xf32, #tpu.memory_space<vmem>>, vector<16xf32>,
        %get3A_3141 = arith.constant 0 : i32
        %get3A_3142 = arith.index_cast %get3A_3141 : i32 to index
        %get3A_3143 = arith.constant 928 : index
        %get3A_3144 = tpu.vector_load %arg14[%get3A_3142, %get3A_3143] {strides = array<i32>} : memref<2x1024xf32, #tpu.memory_space<vmem>>, vector<16xf32>,
        %get3A_3145 = arith.constant 0 : i32
        %get3A_3146 = arith.index_cast %get3A_3145 : i32 to index
        %get3A_3147 = arith.constant 944 : index
        %get3A_3148 = tpu.vector_load %arg14[%get3A_3146, %get3A_3147] {strides = array<i32>} : memref<2x1024xf32, #tpu.memory_space<vmem>>, vector<16xf32>,
        %get3A_3149 = arith.constant 1 : i32
        %get3A_3150 = arith.index_cast %get3A_3149 : i32 to index
        %get3A_3151 = arith.constant 896 : index
        %get3A_3152 = tpu.vector_load %arg14[%get3A_3150, %get3A_3151] {strides = array<i32>} : memref<2x1024xf32, #tpu.memory_space<vmem>>, vector<16xf32>,
        %get3A_3153 = arith.constant 1 : i32
        %get3A_3154 = arith.index_cast %get3A_3153 : i32 to index
        %get3A_3155 = arith.constant 912 : index
        %get3A_3156 = tpu.vector_load %arg14[%get3A_3154, %get3A_3155] {strides = array<i32>} : memref<2x1024xf32, #tpu.memory_space<vmem>>, vector<16xf32>,
        %get3A_3157 = arith.constant 1 : i32
        %get3A_3158 = arith.index_cast %get3A_3157 : i32 to index
        %get3A_3159 = arith.constant 928 : index
        %get3A_3160 = tpu.vector_load %arg14[%get3A_3158, %get3A_3159] {strides = array<i32>} : memref<2x1024xf32, #tpu.memory_space<vmem>>, vector<16xf32>,
        %get3A_3161 = arith.constant 1 : i32
        %get3A_3162 = arith.index_cast %get3A_3161 : i32 to index
        %get3A_3163 = arith.constant 944 : index
        %get3A_3164 = tpu.vector_load %arg14[%get3A_3162, %get3A_3163] {strides = array<i32>} : memref<2x1024xf32, #tpu.memory_space<vmem>>, vector<16xf32>,
        %add3A_3165 = arith.addf %get3A_3120, %get3A_3136 : vector<16xf32>
        %add3A_3166 = arith.addf %get3A_3124, %get3A_3140 : vector<16xf32>
        %add3A_3167 = arith.addf %get3A_3128, %get3A_3144 : vector<16xf32>
        %add3A_3168 = arith.addf %get3A_3132, %get3A_3148 : vector<16xf32>
        %add3A_3169 = arith.addf %get3A_3120, %get3A_3152 : vector<16xf32>
        %add3A_3170 = arith.addf %get3A_3124, %get3A_3156 : vector<16xf32>
        %add3A_3171 = arith.addf %get3A_3128, %get3A_3160 : vector<16xf32>
        %add3A_3172 = arith.addf %get3A_3132, %get3A_3164 : vector<16xf32>
        %add3A_3173 = arith.constant 0 : i32
        %add3A_3174 = arith.addi %add3A_3173, %scan3A_735 : i32
        %select_n3A_3175 = arith.select %eq3A_747, %add3A_3169, %add3A_3165 : vector<16xi1>, vector<16xf32>
        %swap3A_3176 = arith.index_cast %select_n3A_623 : i32 to index
        %swap3A_3177 = arith.index_cast %add3A_3174 : i32 to index
        %swap3A_3178 = arith.constant 896 : index
        %swap3A_3179 = tpu.vector_load %arg12[%swap3A_3176, %swap3A_3177, %swap3A_3178] {strides = array<i32>} : memref<3x32x1024xf32, #tpu.memory_space<vmem>>, vector<16xf32>,
        tpu.vector_store %arg12[%swap3A_3176, %swap3A_3177, %swap3A_3178], %select_n3A_3175 {add = true, strides = array<i32>} : memref<3x32x1024xf32, #tpu.memory_space<vmem>>, vector<16xf32>,
        %add3A_3180 = arith.constant 0 : i32
        %add3A_3181 = arith.addi %add3A_3180, %scan3A_735 : i32
        %select_n3A_3182 = arith.select %eq3A_747, %add3A_3170, %add3A_3166 : vector<16xi1>, vector<16xf32>
        %swap3A_3183 = arith.index_cast %select_n3A_623 : i32 to index
        %swap3A_3184 = arith.index_cast %add3A_3181 : i32 to index
        %swap3A_3185 = arith.constant 912 : index
        %swap3A_3186 = tpu.vector_load %arg12[%swap3A_3183, %swap3A_3184, %swap3A_3185] {strides = array<i32>} : memref<3x32x1024xf32, #tpu.memory_space<vmem>>, vector<16xf32>,
        tpu.vector_store %arg12[%swap3A_3183, %swap3A_3184, %swap3A_3185], %select_n3A_3182 {add = true, strides = array<i32>} : memref<3x32x1024xf32, #tpu.memory_space<vmem>>, vector<16xf32>,
        %add3A_3187 = arith.constant 0 : i32
        %add3A_3188 = arith.addi %add3A_3187, %scan3A_735 : i32
        %select_n3A_3189 = arith.select %eq3A_747, %add3A_3171, %add3A_3167 : vector<16xi1>, vector<16xf32>
        %swap3A_3190 = arith.index_cast %select_n3A_623 : i32 to index
        %swap3A_3191 = arith.index_cast %add3A_3188 : i32 to index
        %swap3A_3192 = arith.constant 928 : index
        %swap3A_3193 = tpu.vector_load %arg12[%swap3A_3190, %swap3A_3191, %swap3A_3192] {strides = array<i32>} : memref<3x32x1024xf32, #tpu.memory_space<vmem>>, vector<16xf32>,
        tpu.vector_store %arg12[%swap3A_3190, %swap3A_3191, %swap3A_3192], %select_n3A_3189 {add = true, strides = array<i32>} : memref<3x32x1024xf32, #tpu.memory_space<vmem>>, vector<16xf32>,
        %add3A_3194 = arith.constant 0 : i32
        %add3A_3195 = arith.addi %add3A_3194, %scan3A_735 : i32
        %select_n3A_3196 = arith.select %eq3A_747, %add3A_3172, %add3A_3168 : vector<16xi1>, vector<16xf32>
        %swap3A_3197 = arith.index_cast %select_n3A_623 : i32 to index
        %swap3A_3198 = arith.index_cast %add3A_3195 : i32 to index
        %swap3A_3199 = arith.constant 944 : index
        %swap3A_3200 = tpu.vector_load %arg12[%swap3A_3197, %swap3A_3198, %swap3A_3199] {strides = array<i32>} : memref<3x32x1024xf32, #tpu.memory_space<vmem>>, vector<16xf32>,
        tpu.vector_store %arg12[%swap3A_3197, %swap3A_3198, %swap3A_3199], %select_n3A_3196 {add = true, strides = array<i32>} : memref<3x32x1024xf32, #tpu.memory_space<vmem>>, vector<16xf32>,
        %add3A_3201 = arith.constant 8 : i32
        %add3A_3202 = arith.addi %add3A_3201, %scan3A_735 : i32
        %select_n3A_3203 = arith.select %eq3A_753, %add3A_3169, %add3A_3165 : vector<16xi1>, vector<16xf32>
        %swap3A_3204 = arith.index_cast %select_n3A_623 : i32 to index
        %swap3A_3205 = arith.index_cast %add3A_3202 : i32 to index
        %swap3A_3206 = arith.constant 896 : index
        %swap3A_3207 = tpu.vector_load %arg12[%swap3A_3204, %swap3A_3205, %swap3A_3206] {strides = array<i32>} : memref<3x32x1024xf32, #tpu.memory_space<vmem>>, vector<16xf32>,
        tpu.vector_store %arg12[%swap3A_3204, %swap3A_3205, %swap3A_3206], %select_n3A_3203 {add = true, strides = array<i32>} : memref<3x32x1024xf32, #tpu.memory_space<vmem>>, vector<16xf32>,
        %add3A_3208 = arith.constant 8 : i32
        %add3A_3209 = arith.addi %add3A_3208, %scan3A_735 : i32
        %select_n3A_3210 = arith.select %eq3A_753, %add3A_3170, %add3A_3166 : vector<16xi1>, vector<16xf32>
        %swap3A_3211 = arith.index_cast %select_n3A_623 : i32 to index
        %swap3A_3212 = arith.index_cast %add3A_3209 : i32 to index
        %swap3A_3213 = arith.constant 912 : index
        %swap3A_3214 = tpu.vector_load %arg12[%swap3A_3211, %swap3A_3212, %swap3A_3213] {strides = array<i32>} : memref<3x32x1024xf32, #tpu.memory_space<vmem>>, vector<16xf32>,
        tpu.vector_store %arg12[%swap3A_3211, %swap3A_3212, %swap3A_3213], %select_n3A_3210 {add = true, strides = array<i32>} : memref<3x32x1024xf32, #tpu.memory_space<vmem>>, vector<16xf32>,
        %add3A_3215 = arith.constant 8 : i32
        %add3A_3216 = arith.addi %add3A_3215, %scan3A_735 : i32
        %select_n3A_3217 = arith.select %eq3A_753, %add3A_3171, %add3A_3167 : vector<16xi1>, vector<16xf32>
        %swap3A_3218 = arith.index_cast %select_n3A_623 : i32 to index
        %swap3A_3219 = arith.index_cast %add3A_3216 : i32 to index
        %swap3A_3220 = arith.constant 928 : index
        %swap3A_3221 = tpu.vector_load %arg12[%swap3A_3218, %swap3A_3219, %swap3A_3220] {strides = array<i32>} : memref<3x32x1024xf32, #tpu.memory_space<vmem>>, vector<16xf32>,
        tpu.vector_store %arg12[%swap3A_3218, %swap3A_3219, %swap3A_3220], %select_n3A_3217 {add = true, strides = array<i32>} : memref<3x32x1024xf32, #tpu.memory_space<vmem>>, vector<16xf32>,
        %add3A_3222 = arith.constant 8 : i32
        %add3A_3223 = arith.addi %add3A_3222, %scan3A_735 : i32
        %select_n3A_3224 = arith.select %eq3A_753, %add3A_3172, %add3A_3168 : vector<16xi1>, vector<16xf32>
        %swap3A_3225 = arith.index_cast %select_n3A_623 : i32 to index
        %swap3A_3226 = arith.index_cast %add3A_3223 : i32 to index
        %swap3A_3227 = arith.constant 944 : index
        %swap3A_3228 = tpu.vector_load %arg12[%swap3A_3225, %swap3A_3226, %swap3A_3227] {strides = array<i32>} : memref<3x32x1024xf32, #tpu.memory_space<vmem>>, vector<16xf32>,
        tpu.vector_store %arg12[%swap3A_3225, %swap3A_3226, %swap3A_3227], %select_n3A_3224 {add = true, strides = array<i32>} : memref<3x32x1024xf32, #tpu.memory_space<vmem>>, vector<16xf32>,
        %add3A_3229 = arith.constant 16 : i32
        %add3A_3230 = arith.addi %add3A_3229, %scan3A_735 : i32
        %select_n3A_3231 = arith.select %eq3A_759, %add3A_3169, %add3A_3165 : vector<16xi1>, vector<16xf32>
        %swap3A_3232 = arith.index_cast %select_n3A_623 : i32 to index
        %swap3A_3233 = arith.index_cast %add3A_3230 : i32 to index
        %swap3A_3234 = arith.constant 896 : index
        %swap3A_3235 = tpu.vector_load %arg12[%swap3A_3232, %swap3A_3233, %swap3A_3234] {strides = array<i32>} : memref<3x32x1024xf32, #tpu.memory_space<vmem>>, vector<16xf32>,
        tpu.vector_store %arg12[%swap3A_3232, %swap3A_3233, %swap3A_3234], %select_n3A_3231 {add = true, strides = array<i32>} : memref<3x32x1024xf32, #tpu.memory_space<vmem>>, vector<16xf32>,
        %add3A_3236 = arith.constant 16 : i32
        %add3A_3237 = arith.addi %add3A_3236, %scan3A_735 : i32
        %select_n3A_3238 = arith.select %eq3A_759, %add3A_3170, %add3A_3166 : vector<16xi1>, vector<16xf32>
        %swap3A_3239 = arith.index_cast %select_n3A_623 : i32 to index
        %swap3A_3240 = arith.index_cast %add3A_3237 : i32 to index
        %swap3A_3241 = arith.constant 912 : index
        %swap3A_3242 = tpu.vector_load %arg12[%swap3A_3239, %swap3A_3240, %swap3A_3241] {strides = array<i32>} : memref<3x32x1024xf32, #tpu.memory_space<vmem>>, vector<16xf32>,
        tpu.vector_store %arg12[%swap3A_3239, %swap3A_3240, %swap3A_3241], %select_n3A_3238 {add = true, strides = array<i32>} : memref<3x32x1024xf32, #tpu.memory_space<vmem>>, vector<16xf32>,
        %add3A_3243 = arith.constant 16 : i32
        %add3A_3244 = arith.addi %add3A_3243, %scan3A_735 : i32
        %select_n3A_3245 = arith.select %eq3A_759, %add3A_3171, %add3A_3167 : vector<16xi1>, vector<16xf32>
        %swap3A_3246 = arith.index_cast %select_n3A_623 : i32 to index
        %swap3A_3247 = arith.index_cast %add3A_3244 : i32 to index
        %swap3A_3248 = arith.constant 928 : index
        %swap3A_3249 = tpu.vector_load %arg12[%swap3A_3246, %swap3A_3247, %swap3A_3248] {strides = array<i32>} : memref<3x32x1024xf32, #tpu.memory_space<vmem>>, vector<16xf32>,
        tpu.vector_store %arg12[%swap3A_3246, %swap3A_3247, %swap3A_3248], %select_n3A_3245 {add = true, strides = array<i32>} : memref<3x32x1024xf32, #tpu.memory_space<vmem>>, vector<16xf32>,
        %add3A_3250 = arith.constant 16 : i32
        %add3A_3251 = arith.addi %add3A_3250, %scan3A_735 : i32
        %select_n3A_3252 = arith.select %eq3A_759, %add3A_3172, %add3A_3168 : vector<16xi1>, vector<16xf32>
        %swap3A_3253 = arith.index_cast %select_n3A_623 : i32 to index
        %swap3A_3254 = arith.index_cast %add3A_3251 : i32 to index
        %swap3A_3255 = arith.constant 944 : index
        %swap3A_3256 = tpu.vector_load %arg12[%swap3A_3253, %swap3A_3254, %swap3A_3255] {strides = array<i32>} : memref<3x32x1024xf32, #tpu.memory_space<vmem>>, vector<16xf32>,
        tpu.vector_store %arg12[%swap3A_3253, %swap3A_3254, %swap3A_3255], %select_n3A_3252 {add = true, strides = array<i32>} : memref<3x32x1024xf32, #tpu.memory_space<vmem>>, vector<16xf32>,
        %add3A_3257 = arith.constant 24 : i32
        %add3A_3258 = arith.addi %add3A_3257, %scan3A_735 : i32
        %select_n3A_3259 = arith.select %eq3A_765, %add3A_3169, %add3A_3165 : vector<16xi1>, vector<16xf32>
        %swap3A_3260 = arith.index_cast %select_n3A_623 : i32 to index
        %swap3A_3261 = arith.index_cast %add3A_3258 : i32 to index
        %swap3A_3262 = arith.constant 896 : index
        %swap3A_3263 = tpu.vector_load %arg12[%swap3A_3260, %swap3A_3261, %swap3A_3262] {strides = array<i32>} : memref<3x32x1024xf32, #tpu.memory_space<vmem>>, vector<16xf32>,
        tpu.vector_store %arg12[%swap3A_3260, %swap3A_3261, %swap3A_3262], %select_n3A_3259 {add = true, strides = array<i32>} : memref<3x32x1024xf32, #tpu.memory_space<vmem>>, vector<16xf32>,
        %add3A_3264 = arith.constant 24 : i32
        %add3A_3265 = arith.addi %add3A_3264, %scan3A_735 : i32
        %select_n3A_3266 = arith.select %eq3A_765, %add3A_3170, %add3A_3166 : vector<16xi1>, vector<16xf32>
        %swap3A_3267 = arith.index_cast %select_n3A_623 : i32 to index
        %swap3A_3268 = arith.index_cast %add3A_3265 : i32 to index
        %swap3A_3269 = arith.constant 912 : index
        %swap3A_3270 = tpu.vector_load %arg12[%swap3A_3267, %swap3A_3268, %swap3A_3269] {strides = array<i32>} : memref<3x32x1024xf32, #tpu.memory_space<vmem>>, vector<16xf32>,
        tpu.vector_store %arg12[%swap3A_3267, %swap3A_3268, %swap3A_3269], %select_n3A_3266 {add = true, strides = array<i32>} : memref<3x32x1024xf32, #tpu.memory_space<vmem>>, vector<16xf32>,
        %add3A_3271 = arith.constant 24 : i32
        %add3A_3272 = arith.addi %add3A_3271, %scan3A_735 : i32
        %select_n3A_3273 = arith.select %eq3A_765, %add3A_3171, %add3A_3167 : vector<16xi1>, vector<16xf32>
        %swap3A_3274 = arith.index_cast %select_n3A_623 : i32 to index
        %swap3A_3275 = arith.index_cast %add3A_3272 : i32 to index
        %swap3A_3276 = arith.constant 928 : index
        %swap3A_3277 = tpu.vector_load %arg12[%swap3A_3274, %swap3A_3275, %swap3A_3276] {strides = array<i32>} : memref<3x32x1024xf32, #tpu.memory_space<vmem>>, vector<16xf32>,
        tpu.vector_store %arg12[%swap3A_3274, %swap3A_3275, %swap3A_3276], %select_n3A_3273 {add = true, strides = array<i32>} : memref<3x32x1024xf32, #tpu.memory_space<vmem>>, vector<16xf32>,
        %add3A_3278 = arith.constant 24 : i32
        %add3A_3279 = arith.addi %add3A_3278, %scan3A_735 : i32
        %select_n3A_3280 = arith.select %eq3A_765, %add3A_3172, %add3A_3168 : vector<16xi1>, vector<16xf32>
        %swap3A_3281 = arith.index_cast %select_n3A_623 : i32 to index
        %swap3A_3282 = arith.index_cast %add3A_3279 : i32 to index
        %swap3A_3283 = arith.constant 944 : index
        %swap3A_3284 = tpu.vector_load %arg12[%swap3A_3281, %swap3A_3282, %swap3A_3283] {strides = array<i32>} : memref<3x32x1024xf32, #tpu.memory_space<vmem>>, vector<16xf32>,
        tpu.vector_store %arg12[%swap3A_3281, %swap3A_3282, %swap3A_3283], %select_n3A_3280 {add = true, strides = array<i32>} : memref<3x32x1024xf32, #tpu.memory_space<vmem>>, vector<16xf32>,
        %get3A_3285 = arith.index_cast %select_n3A_639 : i32 to index
        %get3A_3286 = arith.index_cast %scan3A_735 : i32 to index
        %get3A_3287 = arith.constant 960 : index
        %get3A_3288 = tpu.vector_load %arg13[%get3A_3285, %get3A_3286, %get3A_3287] {strides = array<i32>} : memref<2x8x1024xf32, #tpu.memory_space<vmem>>, vector<16xf32>,
        %get3A_3289 = arith.index_cast %select_n3A_639 : i32 to index
        %get3A_3290 = arith.index_cast %scan3A_735 : i32 to index
        %get3A_3291 = arith.constant 976 : index
        %get3A_3292 = tpu.vector_load %arg13[%get3A_3289, %get3A_3290, %get3A_3291] {strides = array<i32>} : memref<2x8x1024xf32, #tpu.memory_space<vmem>>, vector<16xf32>,
        %get3A_3293 = arith.index_cast %select_n3A_639 : i32 to index
        %get3A_3294 = arith.index_cast %scan3A_735 : i32 to index
        %get3A_3295 = arith.constant 992 : index
        %get3A_3296 = tpu.vector_load %arg13[%get3A_3293, %get3A_3294, %get3A_3295] {strides = array<i32>} : memref<2x8x1024xf32, #tpu.memory_space<vmem>>, vector<16xf32>,
        %get3A_3297 = arith.index_cast %select_n3A_639 : i32 to index
        %get3A_3298 = arith.index_cast %scan3A_735 : i32 to index
        %get3A_3299 = arith.constant 1008 : index
        %get3A_3300 = tpu.vector_load %arg13[%get3A_3297, %get3A_3298, %get3A_3299] {strides = array<i32>} : memref<2x8x1024xf32, #tpu.memory_space<vmem>>, vector<16xf32>,
        %get3A_3301 = arith.constant 0 : i32
        %get3A_3302 = arith.index_cast %get3A_3301 : i32 to index
        %get3A_3303 = arith.constant 960 : index
        %get3A_3304 = tpu.vector_load %arg14[%get3A_3302, %get3A_3303] {strides = array<i32>} : memref<2x1024xf32, #tpu.memory_space<vmem>>, vector<16xf32>,
        %get3A_3305 = arith.constant 0 : i32
        %get3A_3306 = arith.index_cast %get3A_3305 : i32 to index
        %get3A_3307 = arith.constant 976 : index
        %get3A_3308 = tpu.vector_load %arg14[%get3A_3306, %get3A_3307] {strides = array<i32>} : memref<2x1024xf32, #tpu.memory_space<vmem>>, vector<16xf32>,
        %get3A_3309 = arith.constant 0 : i32
        %get3A_3310 = arith.index_cast %get3A_3309 : i32 to index
        %get3A_3311 = arith.constant 992 : index
        %get3A_3312 = tpu.vector_load %arg14[%get3A_3310, %get3A_3311] {strides = array<i32>} : memref<2x1024xf32, #tpu.memory_space<vmem>>, vector<16xf32>,
        %get3A_3313 = arith.constant 0 : i32
        %get3A_3314 = arith.index_cast %get3A_3313 : i32 to index
        %get3A_3315 = arith.constant 1008 : index
        %get3A_3316 = tpu.vector_load %arg14[%get3A_3314, %get3A_3315] {strides = array<i32>} : memref<2x1024xf32, #tpu.memory_space<vmem>>, vector<16xf32>,
        %get3A_3317 = arith.constant 1 : i32
        %get3A_3318 = arith.index_cast %get3A_3317 : i32 to index
        %get3A_3319 = arith.constant 960 : index
        %get3A_3320 = tpu.vector_load %arg14[%get3A_3318, %get3A_3319] {strides = array<i32>} : memref<2x1024xf32, #tpu.memory_space<vmem>>, vector<16xf32>,
        %get3A_3321 = arith.constant 1 : i32
        %get3A_3322 = arith.index_cast %get3A_3321 : i32 to index
        %get3A_3323 = arith.constant 976 : index
        %get3A_3324 = tpu.vector_load %arg14[%get3A_3322, %get3A_3323] {strides = array<i32>} : memref<2x1024xf32, #tpu.memory_space<vmem>>, vector<16xf32>,
        %get3A_3325 = arith.constant 1 : i32
        %get3A_3326 = arith.index_cast %get3A_3325 : i32 to index
        %get3A_3327 = arith.constant 992 : index
        %get3A_3328 = tpu.vector_load %arg14[%get3A_3326, %get3A_3327] {strides = array<i32>} : memref<2x1024xf32, #tpu.memory_space<vmem>>, vector<16xf32>,
        %get3A_3329 = arith.constant 1 : i32
        %get3A_3330 = arith.index_cast %get3A_3329 : i32 to index
        %get3A_3331 = arith.constant 1008 : index
        %get3A_3332 = tpu.vector_load %arg14[%get3A_3330, %get3A_3331] {strides = array<i32>} : memref<2x1024xf32, #tpu.memory_space<vmem>>, vector<16xf32>,
        %add3A_3333 = arith.addf %get3A_3288, %get3A_3304 : vector<16xf32>
        %add3A_3334 = arith.addf %get3A_3292, %get3A_3308 : vector<16xf32>
        %add3A_3335 = arith.addf %get3A_3296, %get3A_3312 : vector<16xf32>
        %add3A_3336 = arith.addf %get3A_3300, %get3A_3316 : vector<16xf32>
        %add3A_3337 = arith.addf %get3A_3288, %get3A_3320 : vector<16xf32>
        %add3A_3338 = arith.addf %get3A_3292, %get3A_3324 : vector<16xf32>
        %add3A_3339 = arith.addf %get3A_3296, %get3A_3328 : vector<16xf32>
        %add3A_3340 = arith.addf %get3A_3300, %get3A_3332 : vector<16xf32>
        %add3A_3341 = arith.constant 0 : i32
        %add3A_3342 = arith.addi %add3A_3341, %scan3A_735 : i32
        %select_n3A_3343 = arith.select %eq3A_747, %add3A_3337, %add3A_3333 : vector<16xi1>, vector<16xf32>
        %swap3A_3344 = arith.index_cast %select_n3A_623 : i32 to index
        %swap3A_3345 = arith.index_cast %add3A_3342 : i32 to index
        %swap3A_3346 = arith.constant 960 : index
        %swap3A_3347 = tpu.vector_load %arg12[%swap3A_3344, %swap3A_3345, %swap3A_3346] {strides = array<i32>} : memref<3x32x1024xf32, #tpu.memory_space<vmem>>, vector<16xf32>,
        tpu.vector_store %arg12[%swap3A_3344, %swap3A_3345, %swap3A_3346], %select_n3A_3343 {add = true, strides = array<i32>} : memref<3x32x1024xf32, #tpu.memory_space<vmem>>, vector<16xf32>,
        %add3A_3348 = arith.constant 0 : i32
        %add3A_3349 = arith.addi %add3A_3348, %scan3A_735 : i32
        %select_n3A_3350 = arith.select %eq3A_747, %add3A_3338, %add3A_3334 : vector<16xi1>, vector<16xf32>
        %swap3A_3351 = arith.index_cast %select_n3A_623 : i32 to index
        %swap3A_3352 = arith.index_cast %add3A_3349 : i32 to index
        %swap3A_3353 = arith.constant 976 : index
        %swap3A_3354 = tpu.vector_load %arg12[%swap3A_3351, %swap3A_3352, %swap3A_3353] {strides = array<i32>} : memref<3x32x1024xf32, #tpu.memory_space<vmem>>, vector<16xf32>,
        tpu.vector_store %arg12[%swap3A_3351, %swap3A_3352, %swap3A_3353], %select_n3A_3350 {add = true, strides = array<i32>} : memref<3x32x1024xf32, #tpu.memory_space<vmem>>, vector<16xf32>,
        %add3A_3355 = arith.constant 0 : i32
        %add3A_3356 = arith.addi %add3A_3355, %scan3A_735 : i32
        %select_n3A_3357 = arith.select %eq3A_747, %add3A_3339, %add3A_3335 : vector<16xi1>, vector<16xf32>
        %swap3A_3358 = arith.index_cast %select_n3A_623 : i32 to index
        %swap3A_3359 = arith.index_cast %add3A_3356 : i32 to index
        %swap3A_3360 = arith.constant 992 : index
        %swap3A_3361 = tpu.vector_load %arg12[%swap3A_3358, %swap3A_3359, %swap3A_3360] {strides = array<i32>} : memref<3x32x1024xf32, #tpu.memory_space<vmem>>, vector<16xf32>,
        tpu.vector_store %arg12[%swap3A_3358, %swap3A_3359, %swap3A_3360], %select_n3A_3357 {add = true, strides = array<i32>} : memref<3x32x1024xf32, #tpu.memory_space<vmem>>, vector<16xf32>,
        %add3A_3362 = arith.constant 0 : i32
        %add3A_3363 = arith.addi %add3A_3362, %scan3A_735 : i32
        %select_n3A_3364 = arith.select %eq3A_747, %add3A_3340, %add3A_3336 : vector<16xi1>, vector<16xf32>
        %swap3A_3365 = arith.index_cast %select_n3A_623 : i32 to index
        %swap3A_3366 = arith.index_cast %add3A_3363 : i32 to index
        %swap3A_3367 = arith.constant 1008 : index
        %swap3A_3368 = tpu.vector_load %arg12[%swap3A_3365, %swap3A_3366, %swap3A_3367] {strides = array<i32>} : memref<3x32x1024xf32, #tpu.memory_space<vmem>>, vector<16xf32>,
        tpu.vector_store %arg12[%swap3A_3365, %swap3A_3366, %swap3A_3367], %select_n3A_3364 {add = true, strides = array<i32>} : memref<3x32x1024xf32, #tpu.memory_space<vmem>>, vector<16xf32>,
        %add3A_3369 = arith.constant 8 : i32
        %add3A_3370 = arith.addi %add3A_3369, %scan3A_735 : i32
        %select_n3A_3371 = arith.select %eq3A_753, %add3A_3337, %add3A_3333 : vector<16xi1>, vector<16xf32>
        %swap3A_3372 = arith.index_cast %select_n3A_623 : i32 to index
        %swap3A_3373 = arith.index_cast %add3A_3370 : i32 to index
        %swap3A_3374 = arith.constant 960 : index
        %swap3A_3375 = tpu.vector_load %arg12[%swap3A_3372, %swap3A_3373, %swap3A_3374] {strides = array<i32>} : memref<3x32x1024xf32, #tpu.memory_space<vmem>>, vector<16xf32>,
        tpu.vector_store %arg12[%swap3A_3372, %swap3A_3373, %swap3A_3374], %select_n3A_3371 {add = true, strides = array<i32>} : memref<3x32x1024xf32, #tpu.memory_space<vmem>>, vector<16xf32>,
        %add3A_3376 = arith.constant 8 : i32
        %add3A_3377 = arith.addi %add3A_3376, %scan3A_735 : i32
        %select_n3A_3378 = arith.select %eq3A_753, %add3A_3338, %add3A_3334 : vector<16xi1>, vector<16xf32>
        %swap3A_3379 = arith.index_cast %select_n3A_623 : i32 to index
        %swap3A_3380 = arith.index_cast %add3A_3377 : i32 to index
        %swap3A_3381 = arith.constant 976 : index
        %swap3A_3382 = tpu.vector_load %arg12[%swap3A_3379, %swap3A_3380, %swap3A_3381] {strides = array<i32>} : memref<3x32x1024xf32, #tpu.memory_space<vmem>>, vector<16xf32>,
        tpu.vector_store %arg12[%swap3A_3379, %swap3A_3380, %swap3A_3381], %select_n3A_3378 {add = true, strides = array<i32>} : memref<3x32x1024xf32, #tpu.memory_space<vmem>>, vector<16xf32>,
        %add3A_3383 = arith.constant 8 : i32
        %add3A_3384 = arith.addi %add3A_3383, %scan3A_735 : i32
        %select_n3A_3385 = arith.select %eq3A_753, %add3A_3339, %add3A_3335 : vector<16xi1>, vector<16xf32>
        %swap3A_3386 = arith.index_cast %select_n3A_623 : i32 to index
        %swap3A_3387 = arith.index_cast %add3A_3384 : i32 to index
        %swap3A_3388 = arith.constant 992 : index
        %swap3A_3389 = tpu.vector_load %arg12[%swap3A_3386, %swap3A_3387, %swap3A_3388] {strides = array<i32>} : memref<3x32x1024xf32, #tpu.memory_space<vmem>>, vector<16xf32>,
        tpu.vector_store %arg12[%swap3A_3386, %swap3A_3387, %swap3A_3388], %select_n3A_3385 {add = true, strides = array<i32>} : memref<3x32x1024xf32, #tpu.memory_space<vmem>>, vector<16xf32>,
        %add3A_3390 = arith.constant 8 : i32
        %add3A_3391 = arith.addi %add3A_3390, %scan3A_735 : i32
        %select_n3A_3392 = arith.select %eq3A_753, %add3A_3340, %add3A_3336 : vector<16xi1>, vector<16xf32>
        %swap3A_3393 = arith.index_cast %select_n3A_623 : i32 to index
        %swap3A_3394 = arith.index_cast %add3A_3391 : i32 to index
        %swap3A_3395 = arith.constant 1008 : index
        %swap3A_3396 = tpu.vector_load %arg12[%swap3A_3393, %swap3A_3394, %swap3A_3395] {strides = array<i32>} : memref<3x32x1024xf32, #tpu.memory_space<vmem>>, vector<16xf32>,
        tpu.vector_store %arg12[%swap3A_3393, %swap3A_3394, %swap3A_3395], %select_n3A_3392 {add = true, strides = array<i32>} : memref<3x32x1024xf32, #tpu.memory_space<vmem>>, vector<16xf32>,
        %add3A_3397 = arith.constant 16 : i32
        %add3A_3398 = arith.addi %add3A_3397, %scan3A_735 : i32
        %select_n3A_3399 = arith.select %eq3A_759, %add3A_3337, %add3A_3333 : vector<16xi1>, vector<16xf32>
        %swap3A_3400 = arith.index_cast %select_n3A_623 : i32 to index
        %swap3A_3401 = arith.index_cast %add3A_3398 : i32 to index
        %swap3A_3402 = arith.constant 960 : index
        %swap3A_3403 = tpu.vector_load %arg12[%swap3A_3400, %swap3A_3401, %swap3A_3402] {strides = array<i32>} : memref<3x32x1024xf32, #tpu.memory_space<vmem>>, vector<16xf32>,
        tpu.vector_store %arg12[%swap3A_3400, %swap3A_3401, %swap3A_3402], %select_n3A_3399 {add = true, strides = array<i32>} : memref<3x32x1024xf32, #tpu.memory_space<vmem>>, vector<16xf32>,
        %add3A_3404 = arith.constant 16 : i32
        %add3A_3405 = arith.addi %add3A_3404, %scan3A_735 : i32
        %select_n3A_3406 = arith.select %eq3A_759, %add3A_3338, %add3A_3334 : vector<16xi1>, vector<16xf32>
        %swap3A_3407 = arith.index_cast %select_n3A_623 : i32 to index
        %swap3A_3408 = arith.index_cast %add3A_3405 : i32 to index
        %swap3A_3409 = arith.constant 976 : index
        %swap3A_3410 = tpu.vector_load %arg12[%swap3A_3407, %swap3A_3408, %swap3A_3409] {strides = array<i32>} : memref<3x32x1024xf32, #tpu.memory_space<vmem>>, vector<16xf32>,
        tpu.vector_store %arg12[%swap3A_3407, %swap3A_3408, %swap3A_3409], %select_n3A_3406 {add = true, strides = array<i32>} : memref<3x32x1024xf32, #tpu.memory_space<vmem>>, vector<16xf32>,
        %add3A_3411 = arith.constant 16 : i32
        %add3A_3412 = arith.addi %add3A_3411, %scan3A_735 : i32
        %select_n3A_3413 = arith.select %eq3A_759, %add3A_3339, %add3A_3335 : vector<16xi1>, vector<16xf32>
        %swap3A_3414 = arith.index_cast %select_n3A_623 : i32 to index
        %swap3A_3415 = arith.index_cast %add3A_3412 : i32 to index
        %swap3A_3416 = arith.constant 992 : index
        %swap3A_3417 = tpu.vector_load %arg12[%swap3A_3414, %swap3A_3415, %swap3A_3416] {strides = array<i32>} : memref<3x32x1024xf32, #tpu.memory_space<vmem>>, vector<16xf32>,
        tpu.vector_store %arg12[%swap3A_3414, %swap3A_3415, %swap3A_3416], %select_n3A_3413 {add = true, strides = array<i32>} : memref<3x32x1024xf32, #tpu.memory_space<vmem>>, vector<16xf32>,
        %add3A_3418 = arith.constant 16 : i32
        %add3A_3419 = arith.addi %add3A_3418, %scan3A_735 : i32
        %select_n3A_3420 = arith.select %eq3A_759, %add3A_3340, %add3A_3336 : vector<16xi1>, vector<16xf32>
        %swap3A_3421 = arith.index_cast %select_n3A_623 : i32 to index
        %swap3A_3422 = arith.index_cast %add3A_3419 : i32 to index
        %swap3A_3423 = arith.constant 1008 : index
        %swap3A_3424 = tpu.vector_load %arg12[%swap3A_3421, %swap3A_3422, %swap3A_3423] {strides = array<i32>} : memref<3x32x1024xf32, #tpu.memory_space<vmem>>, vector<16xf32>,
        tpu.vector_store %arg12[%swap3A_3421, %swap3A_3422, %swap3A_3423], %select_n3A_3420 {add = true, strides = array<i32>} : memref<3x32x1024xf32, #tpu.memory_space<vmem>>, vector<16xf32>,
        %add3A_3425 = arith.constant 24 : i32
        %add3A_3426 = arith.addi %add3A_3425, %scan3A_735 : i32
        %select_n3A_3427 = arith.select %eq3A_765, %add3A_3337, %add3A_3333 : vector<16xi1>, vector<16xf32>
        %swap3A_3428 = arith.index_cast %select_n3A_623 : i32 to index
        %swap3A_3429 = arith.index_cast %add3A_3426 : i32 to index
        %swap3A_3430 = arith.constant 960 : index
        %swap3A_3431 = tpu.vector_load %arg12[%swap3A_3428, %swap3A_3429, %swap3A_3430] {strides = array<i32>} : memref<3x32x1024xf32, #tpu.memory_space<vmem>>, vector<16xf32>,
        tpu.vector_store %arg12[%swap3A_3428, %swap3A_3429, %swap3A_3430], %select_n3A_3427 {add = true, strides = array<i32>} : memref<3x32x1024xf32, #tpu.memory_space<vmem>>, vector<16xf32>,
        %add3A_3432 = arith.constant 24 : i32
        %add3A_3433 = arith.addi %add3A_3432, %scan3A_735 : i32
        %select_n3A_3434 = arith.select %eq3A_765, %add3A_3338, %add3A_3334 : vector<16xi1>, vector<16xf32>
        %swap3A_3435 = arith.index_cast %select_n3A_623 : i32 to index
        %swap3A_3436 = arith.index_cast %add3A_3433 : i32 to index
        %swap3A_3437 = arith.constant 976 : index
        %swap3A_3438 = tpu.vector_load %arg12[%swap3A_3435, %swap3A_3436, %swap3A_3437] {strides = array<i32>} : memref<3x32x1024xf32, #tpu.memory_space<vmem>>, vector<16xf32>,
        tpu.vector_store %arg12[%swap3A_3435, %swap3A_3436, %swap3A_3437], %select_n3A_3434 {add = true, strides = array<i32>} : memref<3x32x1024xf32, #tpu.memory_space<vmem>>, vector<16xf32>,
        %add3A_3439 = arith.constant 24 : i32
        %add3A_3440 = arith.addi %add3A_3439, %scan3A_735 : i32
        %select_n3A_3441 = arith.select %eq3A_765, %add3A_3339, %add3A_3335 : vector<16xi1>, vector<16xf32>
        %swap3A_3442 = arith.index_cast %select_n3A_623 : i32 to index
        %swap3A_3443 = arith.index_cast %add3A_3440 : i32 to index
        %swap3A_3444 = arith.constant 992 : index
        %swap3A_3445 = tpu.vector_load %arg12[%swap3A_3442, %swap3A_3443, %swap3A_3444] {strides = array<i32>} : memref<3x32x1024xf32, #tpu.memory_space<vmem>>, vector<16xf32>,
        tpu.vector_store %arg12[%swap3A_3442, %swap3A_3443, %swap3A_3444], %select_n3A_3441 {add = true, strides = array<i32>} : memref<3x32x1024xf32, #tpu.memory_space<vmem>>, vector<16xf32>,
        %add3A_3446 = arith.constant 24 : i32
        %add3A_3447 = arith.addi %add3A_3446, %scan3A_735 : i32
        %select_n3A_3448 = arith.select %eq3A_765, %add3A_3340, %add3A_3336 : vector<16xi1>, vector<16xf32>
        %swap3A_3449 = arith.index_cast %select_n3A_623 : i32 to index
        %swap3A_3450 = arith.index_cast %add3A_3447 : i32 to index
        %swap3A_3451 = arith.constant 1008 : index
        %swap3A_3452 = tpu.vector_load %arg12[%swap3A_3449, %swap3A_3450, %swap3A_3451] {strides = array<i32>} : memref<3x32x1024xf32, #tpu.memory_space<vmem>>, vector<16xf32>,
        tpu.vector_store %arg12[%swap3A_3449, %swap3A_3450, %swap3A_3451], %select_n3A_3448 {add = true, strides = array<i32>} : memref<3x32x1024xf32, #tpu.memory_space<vmem>>, vector<16xf32>,
        %scan3A_3453 = arith.constant 0 : i32
        scf.yield %scan3A_3453 : i32
      }
      %scan3A_721 = arith.constant 8 : i32
      %dma_start3A_722 = arith.constant 0 : i32
      %dma_start3A_723 = arith.constant 0 : i32
      %dma_start3A_724 = tpu.memref_slice %arg12[%select_n3A_623, %dma_start3A_722, %dma_start3A_723] : memref<3x32x1024xf32, #tpu.memory_space<vmem>> -> memref<1x32x1024xf32, #tpu.memory_space<vmem>>
      %dma_start3A_725 = tpu.memref_squeeze %dma_start3A_724 : memref<1x32x1024xf32, #tpu.memory_space<vmem>> -> memref<32x1024xf32, #tpu.memory_space<vmem>>
      %dma_start3A_726 = arith.constant 0 : i32
      %dma_start3A_727 = tpu.memref_slice %arg11[%scan3A_612, %dma_start3A_726] : memref<8x32xi32, #tpu.memory_space<vmem>> -> memref<1x32xi32, #tpu.memory_space<vmem>>
      %dma_start3A_728 = tpu.memref_squeeze %dma_start3A_727 : memref<1x32xi32, #tpu.memory_space<vmem>> -> memref<32xi32, #tpu.memory_space<vmem>>
      %dma_start3A_729 = arith.constant 0 : i32
      %dma_start3A_730 = arith.constant 0 : i32
      %dma_start3A_731 = tpu.memref_slice %arg7[%dma_start3A_729, %dma_start3A_730] : memref<8192x1024xf32, #tpu.memory_space<hbm>> -> memref<8192x1024xf32, #tpu.memory_space<hbm>>
      %dma_start3A_732 = tpu.memref_slice %arg17[%select_n3A_623] : memref<3x!tpu.dma_semaphore, #tpu.memory_space<semaphore_mem>> -> memref<1x!tpu.dma_semaphore, #tpu.memory_space<semaphore_mem>>
      %dma_start3A_733 = tpu.memref_squeeze %dma_start3A_732 : memref<1x!tpu.dma_semaphore, #tpu.memory_space<semaphore_mem>> -> memref<!tpu.dma_semaphore, #tpu.memory_space<semaphore_mem>>
      tpu.enqueue_indirect_dma source(%dma_start3A_725 : memref<32x1024xf32, #tpu.memory_space<vmem>>) target(%dma_start3A_731 : memref<8192x1024xf32, #tpu.memory_space<hbm>>) offsets(%dma_start3A_728 : memref<32xi32, #tpu.memory_space<vmem>>) semaphore(%dma_start3A_733 : memref<!tpu.dma_semaphore, #tpu.memory_space<semaphore_mem>>)
      %scan3A_734 = arith.constant 0 : i32
      scf.yield %scan3A_734 : i32
    }
    %scan3A_581 = arith.constant 8 : i32
    %dma_wait3A_582 = arith.constant 1 : i32
    %dma_wait3A_583 = arith.constant 7 : i32
    %dma_wait3A_584 = arith.constant 1 : i32
    %dma_wait3A_585 = arith.constant 0 : i32
    %dma_wait3A_586 = arith.constant 0 : i32
    %dma_wait3A_587 = tpu.memref_slice %arg12[%dma_wait3A_582, %dma_wait3A_585, %dma_wait3A_586] : memref<3x32x1024xf32, #tpu.memory_space<vmem>> -> memref<1x32x1024xf32, #tpu.memory_space<vmem>>
    %dma_wait3A_588 = tpu.memref_squeeze %dma_wait3A_587 : memref<1x32x1024xf32, #tpu.memory_space<vmem>> -> memref<32x1024xf32, #tpu.memory_space<vmem>>
    %dma_wait3A_589 = arith.constant 0 : i32
    %dma_wait3A_590 = tpu.memref_slice %arg11[%dma_wait3A_583, %dma_wait3A_589] : memref<8x32xi32, #tpu.memory_space<vmem>> -> memref<1x32xi32, #tpu.memory_space<vmem>>
    %dma_wait3A_591 = tpu.memref_squeeze %dma_wait3A_590 : memref<1x32xi32, #tpu.memory_space<vmem>> -> memref<32xi32, #tpu.memory_space<vmem>>
    %dma_wait3A_592 = arith.constant 0 : i32
    %dma_wait3A_593 = arith.constant 0 : i32
    %dma_wait3A_594 = tpu.memref_slice %arg7[%dma_wait3A_592, %dma_wait3A_593] : memref<8192x1024xf32, #tpu.memory_space<hbm>> -> memref<8192x1024xf32, #tpu.memory_space<hbm>>
    %dma_wait3A_595 = tpu.memref_slice %arg17[%dma_wait3A_584] : memref<3x!tpu.dma_semaphore, #tpu.memory_space<semaphore_mem>> -> memref<1x!tpu.dma_semaphore, #tpu.memory_space<semaphore_mem>>
    %dma_wait3A_596 = tpu.memref_squeeze %dma_wait3A_595 : memref<1x!tpu.dma_semaphore, #tpu.memory_space<semaphore_mem>> -> memref<!tpu.dma_semaphore, #tpu.memory_space<semaphore_mem>>
    tpu.wait_indirect_dma semaphore(%dma_wait3A_596 : memref<!tpu.dma_semaphore, #tpu.memory_space<semaphore_mem>>) src(%dma_wait3A_588 : memref<32x1024xf32, #tpu.memory_space<vmem>>) dst(%dma_wait3A_594 : memref<8192x1024xf32, #tpu.memory_space<hbm>>)
    %dma_wait3A_597 = arith.constant 0 : i32
    %dma_wait3A_598 = arith.constant 6 : i32
    %dma_wait3A_599 = arith.constant 0 : i32
    %dma_wait3A_600 = arith.constant 0 : i32
    %dma_wait3A_601 = arith.constant 0 : i32
    %dma_wait3A_602 = tpu.memref_slice %arg12[%dma_wait3A_597, %dma_wait3A_600, %dma_wait3A_601] : memref<3x32x1024xf32, #tpu.memory_space<vmem>> -> memref<1x32x1024xf32, #tpu.memory_space<vmem>>
    %dma_wait3A_603 = tpu.memref_squeeze %dma_wait3A_602 : memref<1x32x1024xf32, #tpu.memory_space<vmem>> -> memref<32x1024xf32, #tpu.memory_space<vmem>>
    %dma_wait3A_604 = arith.constant 0 : i32
    %dma_wait3A_605 = tpu.memref_slice %arg11[%dma_wait3A_598, %dma_wait3A_604] : memref<8x32xi32, #tpu.memory_space<vmem>> -> memref<1x32xi32, #tpu.memory_space<vmem>>
    %dma_wait3A_606 = tpu.memref_squeeze %dma_wait3A_605 : memref<1x32xi32, #tpu.memory_space<vmem>> -> memref<32xi32, #tpu.memory_space<vmem>>
    %dma_wait3A_607 = arith.constant 0 : i32
    %dma_wait3A_608 = arith.constant 0 : i32
    %dma_wait3A_609 = tpu.memref_slice %arg7[%dma_wait3A_607, %dma_wait3A_608] : memref<8192x1024xf32, #tpu.memory_space<hbm>> -> memref<8192x1024xf32, #tpu.memory_space<hbm>>
    %dma_wait3A_610 = tpu.memref_slice %arg17[%dma_wait3A_599] : memref<3x!tpu.dma_semaphore, #tpu.memory_space<semaphore_mem>> -> memref<1x!tpu.dma_semaphore, #tpu.memory_space<semaphore_mem>>
    %dma_wait3A_611 = tpu.memref_squeeze %dma_wait3A_610 : memref<1x!tpu.dma_semaphore, #tpu.memory_space<semaphore_mem>> -> memref<!tpu.dma_semaphore, #tpu.memory_space<semaphore_mem>>
    tpu.wait_indirect_dma semaphore(%dma_wait3A_611 : memref<!tpu.dma_semaphore, #tpu.memory_space<semaphore_mem>>) src(%dma_wait3A_603 : memref<32x1024xf32, #tpu.memory_space<vmem>>) dst(%dma_wait3A_609 : memref<8192x1024xf32, #tpu.memory_space<hbm>>)
    return
  }
}

</mosaic_0001>

<sc_bundles>
// kernel: _run.3.cloned.1.call-start
scs
__scs_entry_jumppad:
0x0: {  	(pc) =	sbr.rel $0x88, $3  }
0x1: {  	(tag) =	ssettag $0x0;
	lr =	simm.s32 $0x1  }
0x2: {  	[smem:$0x3F9C] =	sst lr;
	_ =	strace $0xD0000000  }
0x3: {  	_ = 	snop  }
0x4: {  	_ = 	snop  }
0x5: {  	_ = 	snop  }
0x6: {  	_ = 	snop  }
0x7: {  	_ = 	snop  }
__scs_overlays_trampoline_lowered:
0x8: {  	[smem:$0x3FAB] =	sst s0  }
0x9: {  	[smem:$0x3FAC] =	sst s1  }
0xa: {  	[smem:$0x3FAD] =	sst s2  }
0xb: {  	[smem:$0x3FAE] =	sst s3  }
0xc: {  	[smem:$0x3FAF] =	sst s4  }
0xd: {  	[smem:$0x3FB0] =	sst s5  }
0xe: {  	[smem:$0x3FB1] =	sst s6  }
0xf: {  	[smem:$0x3FB2] =	sst s7  }
0x10: {  	[smem:$0x3FB3] =	sst s8  }
0x11: {  	[smem:$0x3FB4] =	sst s9;
	s0 =	simm.s32 @!p0 $0x0  }
0x12: {  	s1 =	sld [smem:$0x3F9A];
	s0 =	simm.s32 @p0 $0x1  }
0x13: {  	[smem:$0x3FB5] =	sst s0;
	s0 =	simm.s32 @!p1 $0x0  }
0x14: {  	s2 =	sld [smem:$0x3F99];
	s0 =	simm.s32 @p1 $0x1  }
0x15: {  	[smem:$0x3FB6] =	sst s0;
	s0 =	simm.s32 @!p2 $0x0  }
0x16: {  	s3 =	sld [smem:$0x3FDB];
	s0 =	simm.s32 @p2 $0x1  }
0x17: {  	s4 =	simm.s32 $0x1BF5;
	[smem:$0x3FB8] =	sst s0  }
0x18: {  	s0 =	sld [smem:$0x3F9B];
	_ =	swait.ge [sflag:s4], $0x0  }
0x19: {  	s7 =	sld [smem:$0x3F9C]  }
0x1a: {  	s8 =	sadd.s32 $0xFFFFE003, lr  }
0x1b: {  	s9 =	sadd.s32 $0xFFFFFEF7, lr;
	s5 =	simm.s32 $0xFFFFFFFF;
	p2 =	slt.u32 s8, $0xFFFFF086  }
0x1c: {  	p1 =	slt.u32 s9, $0xF7A;
	s5 =	simm.s32 @!p2 $0x0  }
0x1d: {  	s5 =	simm.s32 @p1 $0x1;
	p0 =	seq.s32 s7, s2  }
0x1e: {  	s7 =	smul.u32 @!p0 $0xF7A, s2;
	p2 =	seq.s32 @!p0 s5, $0x0  }
0x1f: {  	s9 =	smul.u32 $0xF7A, s1;
	s8 =	simm.s32 @!p0 $0x1BF5;
	p2 =	por !p2, p0  }
0x20: {  	[sflag:s8] =	ssyncset.s32 @!p0 $0xFFFFF086;
	s6 =	sadd.s32 @!p0 s3, s7;
	s7 =	simm.s32 @!p0 $0x108  }
0x21: {  	s3 =	sadd.s32 s3, s9;
	s6 =	sadd.s32 @!p0 $0x88, s6;
	s7 =	simm.s32 @p2 $0x1082  }
0x22: {  	[simem:s7], [sflag:s8] =	dma.local @!p0 [hbm:s6], $0xF7A  }
0x23: {  	s9 =	sor.u32 $0xD0000000, s2;
	s6 =	simm.s32 $0x108;
	_ =	swait.ge @!p0 [sflag:s8], $0x0  }
0x24: {  	s3 =	sadd.s32 $0x88, s3;
	s6 =	simm.s32 @!p1 $0x1082;
	[sflag:s4] =	ssyncset.s32 $0xFFFFF086  }
0x25: {  	[simem:s6], [sflag:s4] =	dma.local [hbm:s3], $0xF7A  }
0x26: {  	[smem:$0x3F9C] =	sst s1;
	(tag) =	ssettag s2;
	_ =	strace s9  }
0x27: {  	s1 =	sld [smem:$0x3FAC]  }
0x28: {  	s2 =	sld [smem:$0x3FAD]  }
0x29: {  	s4 =	sld [smem:$0x3FAF]  }
0x2a: {  	p0 =	seq.s32 s5, $0x0;
	s5 =	sld [smem:$0x3FB0]  }
0x2b: {  	s6 =	sld [smem:$0x3FB1]  }
0x2c: {  	s7 =	sld [smem:$0x3FB2]  }
0x2d: {  	s3 =	simm.s32 $0x108;
	s8 =	sld [smem:$0x3FB3]  }
0x2e: {  	s3 =	simm.s32 @!p0 $0x1082;
	s9 =	sld [smem:$0x3FB4]  }
0x2f: {  	lr =	sadd.s32 s0, s3;
	s0 =	sld [smem:$0x3FAB]  }
0x30: {  	s3 =	sld [smem:$0x3FAE]  }
0x31: {  	[smem:$0x3FB7] =	sst s10  }
0x32: {  	s10 =	sld [smem:$0x3FB5];
	_ =	sdelay $0x3  }
0x33: {  	p0 =	seq.s32 s10, $0x1;
	s10 =	sld [smem:$0x3FB7];
	_ =	sdelay $0x3  }
0x34: {  	[smem:$0x3FB7] =	sst s10  }
0x35: {  	s10 =	sld [smem:$0x3FB6];
	_ =	sdelay $0x3  }
0x36: {  	p1 =	seq.s32 s10, $0x1;
	s10 =	sld [smem:$0x3FB7];
	_ =	sdelay $0x3  }
0x37: {  	[smem:$0x3FB7] =	sst s10  }
0x38: {  	s10 =	sld [smem:$0x3FB8]  }
0x39: {  	_ = 	snop;
	(pc) =	sbr.ind lr, $3  }
0x3a: {  	_ = 	snop  }
0x3b: {  	_ = 	snop  }
0x3c: {  	p2 =	seq.s32 s10, $0x1;
	s10 =	sld [smem:$0x3FB7]  }
0x3d: {  	_ =	shalt  }
0x3e: {  	_ =	shalt  }
0x3f: {  	_ =	shalt  }
0x40: {  	_ =	shalt  }
0x41: {  	_ =	shalt  }
0x42: {  	_ =	shalt  }
0x43: {  	_ =	shalt  }
0x44: {  	_ =	shalt  }
0x45: {  	_ =	shalt  }
0x46: {  	_ =	shalt  }
0x47: {  	_ =	shalt  }
0x48: {  	_ =	shalt  }
0x49: {  	_ =	shalt  }
0x4a: {  	_ =	shalt  }
0x4b: {  	_ =	shalt  }
0x4c: {  	_ =	shalt  }
0x4d: {  	_ =	shalt  }
0x4e: {  	_ =	shalt  }
0x4f: {  	_ =	shalt  }
0x50: {  	_ =	shalt  }
0x51: {  	_ =	shalt  }
0x52: {  	_ =	shalt  }
0x53: {  	_ =	shalt  }
0x54: {  	_ =	shalt  }
0x55: {  	_ =	shalt  }
0x56: {  	_ =	shalt  }
0x57: {  	_ =	shalt  }
0x58: {  	_ =	shalt  }
0x59: {  	_ =	shalt  }
0x5a: {  	_ =	shalt  }
0x5b: {  	_ =	shalt  }
0x5c: {  	_ =	shalt  }
0x5d: {  	_ =	shalt  }
0x5e: {  	_ =	shalt  }
0x5f: {  	_ =	shalt  }
0x60: {  	_ =	shalt  }
0x61: {  	_ =	shalt  }
0x62: {  	_ =	shalt  }
0x63: {  	_ =	shalt  }
0x64: {  	_ =	shalt  }
0x65: {  	_ =	shalt  }
0x66: {  	_ =	shalt  }
0x67: {  	_ =	shalt  }
0x68: {  	_ =	shalt  }
0x69: {  	_ =	shalt  }
0x6a: {  	_ =	shalt  }
0x6b: {  	_ =	shalt  }
0x6c: {  	_ =	shalt  }
0x6d: {  	_ =	shalt  }
0x6e: {  	_ =	shalt  }
0x6f: {  	_ =	shalt  }
0x70: {  	_ =	shalt  }
0x71: {  	_ =	shalt  }
0x72: {  	_ =	shalt  }
0x73: {  	_ =	shalt  }
0x74: {  	_ =	shalt  }
0x75: {  	_ =	shalt  }
0x76: {  	_ =	shalt  }
0x77: {  	_ =	shalt  }
0x78: {  	_ =	shalt  }
0x79: {  	_ =	shalt  }
0x7a: {  	_ =	shalt  }
0x7b: {  	_ =	shalt  }
0x7c: {  	_ =	shalt  }
0x7d: {  	_ =	shalt  }
0x7e: {  	_ =	shalt  }
0x7f: {  	_ =	shalt  }
0x80: {  	_ =	shalt  }
0x81: {  	_ =	shalt  }
0x82: {  	_ =	shalt  }
0x83: {  	_ =	shalt  }
0x84: {  	_ =	shalt  }
0x85: {  	_ =	shalt  }
0x86: {  	_ =	shalt  }
0x87: {  	_ =	shalt  }
.Lfunc_end0:
.L_simem_size_0:
called_computation_lowered:
.L_overlay_start_0:
0x88: {  	s2 =	sld [smem:$0x3FD9]  }
0x89: {  	s3 =	sld [smem:$0x3FFE];
	_ =	sdelay $0x1  }
0x8a: {  	s1 =	srdreg.scid  }
0x8b: {  	s0 =	sand.u32 $0x1, s1  }
0x8c: {  	s18 =	sshll.u32 s0, $0xA;
	s2 =	sadd.s32 s3, s2  }
0x8d: {  	s2 =	sadd.s32 s2, s18  }
0x8e: {  	[smem:$0x3FC3] =	sst s2  }
0x8f: {  	_ = 	snop  }
0x90: {  	s2 =	sld [smem:$0x3FC9]  }
0x91: {  	s19 =	sld [smem:$0x3FC8]  }
0x92: {  	s4 =	sld [smem:$0x3FC7]  }
0x93: {  	s5 =	sld [smem:$0x3FC6]  }
0x94: {  	s6 =	sld [smem:$0x3FC5]  }
0x95: {  	s7 =	sld [smem:$0x3FD0];
	(tm) =	ssettm $0x1  }
0x96: {  	s8 =	sld [smem:$0x3FFB];
	_ =	sdelay $0x3  }
0x97: {  	_ =	strace s8  }
0x98: {  	s8 =	sld [smem:$0x3FFC];
	_ =	sdelay $0x3  }
0x99: {  	_ =	strace s8  }
0x9a: {  	s8 =	sld [smem:$0x3FFD];
	_ =	sdelay $0x3  }
0x9b: {  	_ =	strace s8  }
0x9c: {  	_ =	strace $0x8FFFFFFF  }
0x9d: {  	s20 =	sld [smem:$0x3FDB];
	_ =	sdelay $0x1  }
0x9e: {  	s9 =	simm.s32 $_scs_section_size  }
0x9f: {  	s10 =	simm.s32 $_size__tile_overlayer_lowered;
	s11 =	simm.s32 $_tile_overlayer_lowered  }
0xa0: {  	s23 =	simm.s32 $0x1BFF;
	s22 =	sshll.u32 s11, $0x1;
	s8 =	sadd.s32 s9, s20  }
0xa1: {  	s12 =	simm.s32 $0x0;
	s21 =	sshll.u32 s10, $0x1;
	s10 =	sadd.s32 s22, s8  }
0xa2: {  	[timem:s12], [sflag:s23] =	dma.local [hbm:s10], s21  }
0xa3: {  	_ =	swait.ge [sflag:s23], s21  }
0xa4: {  	s9 =	ssub.s32 $0x0, s21;
	[sflag:s23] =	ssyncset.done $0x0  }
0xa5: {  	[sflag:s23] =	ssyncadd.s32 s9;
	_ =	sdelay $0x1  }
0xa6: {  	s24 =	simm.s32 $0x1B8B  }
0xa7: {  	_ =	swait.ge [sflag:s24], $0x1  }
0xa8: {  	[sflag:s24] =	ssyncset.done $0x0  }
0xa9: {  	s25 =	simm.s32 $0x1B8E;
	[sflag:s24] =	ssyncadd.s32 $0xFFFFFFFF  }
0xaa: {  	s26 =	simm.s32 $execute0_lowered;
	[smem:$0x3FD2] =	sst s25  }
0xab: {  	s9 =	sshll.u32 s26, $0x1;
	_ =	strace $0x80000046;
	[dreg:$0x1] =	wrdreg $0xFFFFFFFF  }
0xac: {  	s28 =	simm.s32 $_size_execute0_lowered;
	s8 =	sadd.s32 s8, s9;
	[dreg:$0x0] =	wrdreg $0x0  }
0xad: {  	s9 =	sshll.u32 s28, $0x1;
	[dreg:$0x2] =	wrdreg s8  }
0xae: {  	[dreg:$0x3] =	wrdreg s9  }
0xaf: {  	[dreg:$0x4] =	wrdreg $0xC0  }
0xb0: {  	_ =	task [dreg:s12], $0x5FFFF  }
0xb1: {  	[dreg:$0x1] =	wrdreg $0xFFFFFFFF  }
0xb2: {  	[dreg:$0x0] =	wrdreg $0x60  }
0xb3: {  	[dreg:$0x2] =	wrdreg s2  }
0xb4: {  	[dreg:$0x3] =	wrdreg s19  }
0xb5: {  	[dreg:$0x4] =	wrdreg s4  }
0xb6: {  	[dreg:$0x5] =	wrdreg s5  }
0xb7: {  	[dreg:$0x6] =	wrdreg s6  }
0xb8: {  	[dreg:$0x7] =	wrdreg s7  }
0xb9: {  	[dreg:$0x8] =	wrdreg $0x9  }
0xba: {  	_ =	task.clear_ibuf [dreg:s12], $0x9FFFF;
	_ =	strace $0x90000046  }
0xbb: {  	s29 =	simm.s32 $0x9;
	_ =	strace $0x80000048  }
0xbc: {  	_ =	swait.ge [sflag:s29], $0x1  }
0xbd: {  	[sflag:s29] =	ssyncadd.s32 $0xFFFFFFFF  }
0xbe: {  	_ =	strace $0x90000048  }
0xbf: {  	_ =	sfence  }
0xc0: {  	s30 =	sld [smem:$0x0];
	_ =	sdelay $0x2  }
0xc1: {  	s31 =	sshll.u32 s1, $0xD;
	s1 =	sshrl.u32 s1, $0x2  }
0xc2: {  	s3 =	sand.u32 $0x4000, s31;
	s1 =	sadd.s32 s1, s30  }
0xc3: {  	s0 =	sor.u32 s3, s0;
	s1 =	sshll.u32 s1, $0x11  }
0xc4: {  	s0 =	sor.u32 s1, s0  }
0xc5: {  	s0 =	sadd.s32 $0x8F2B, s0  }
0xc6: {  	[sflag:s0] =	ssyncadd.remote.s32 $0x1  }
0xc7: {  	_ =	sfence.sel $0xFFFF  }
0xc8: {  	[dreg:$0x0] =	wrdreg $0xFFFFFFFF;
	(pc) =	sbr.abs _section_cstart, $3  }
0xc9: {  	[dreg:$0x1] =	wrdreg $0xFFFFFFFF  }
0xca: {  	_ =	task.clear_ibuf [dreg:s12], $0x2FFFF;
	_ =	strace $0x9FFFFFFF  }
0xcb: {  	(tm) =	ssettm $0x7FFFFFFF  }
tec
execute0_lowered:
.L_overlay_start_1:
0x0: {  	(tag) =	ssettag $0x1  }
0x1: {  	v0 =	vimm.s32 $0x83828180;
	v1 =	vimm.s32 $0x87868584  }
0x2: {  	v34 =	vlaneseq.u32;
	vm0 =	vcmask $0x1F10;
	v2 =	vimm.s32 $0x8B8A8988  }
0x3: {  	v3 =	vimm.s32 $0x93929190;
	v4 =	vimm.s32 $0x97969594;
	v5 =	vimm.s32 $0x13121110  }
0x4: {  	v6 =	vimm.s32 $0x17161514;
	v7 =	vimm.s32 $0x9B9A9998;
	v8 =	vimm.s32 $0x9F9E9D9C  }
0x5: {  	v9 =	vimm.s32 $0x1B1A1918;
	v10 =	vimm.s32 $0x1F1E1D1C;
	v35 =	vimm.s32 $0x76543210  }
0x6: {  	v62 =	vimm.s32 $0xFEDCBA98;
	v0 =	vunpack.c.0.s8.s32 v0;
	v1 =	vunpack.c.0.s8.s32 v1  }
0x7: {  	v13 =	vor.u32 $0x10, v34;
	v3 =	vunpack.c.0.s8.s32 v3;
	v4 =	vunpack.c.0.s8.s32 v4  }
0x8: {  	v5 =	vunpack.c.0.s8.s32 v5;
	v6 =	vunpack.c.0.s8.s32 v6;
	v7 =	vunpack.c.0.s8.s32 v7  }
0x9: {  	v8 =	vunpack.c.0.s8.s32 v8;
	v9 =	vunpack.c.0.s8.s32 v9;
	v10 =	vunpack.c.0.s8.s32 v10  }
0xa: {  	v17 =	vsel vm0, v1, v0;
	v1 =	vunpack.c.0.s8.s32 v2;
	v2 =	vimm.s32 $0x8F8E8D8C  }
0xb: {  	v15 =	vor.u32 $0x30, v34;
	v0 =	vimm.s32 $0x187;
	v2 =	vunpack.c.0.s8.s32 v2  }
0xc: {  	v23 =	vsel vm0, v4, v3;
	v24 =	vsel vm0, v6, v5;
	v26 =	vsel vm0, v8, v7  }
0xd: {  	v27 =	vsel vm0, v10, v9;
	v16 =	vsel vm0, v2, v1;
	vm0 =	vcmask $0x300  }
0xe: {  	v1 =	vimm.s32 $0x387;
	v2 =	vsel vm0, $0x100, v0;
	v0 =	vimm.s32 $0x287  }
0xf: {  	v4 =	vsel vm0, $0x300, v1;
	v3 =	vsel vm0, $0x200, v0;
	v0 =	vimm.s32 $0x18F  }
0x10: {  	v1 =	vimm.s32 $0x38F;
	v5 =	vsel vm0, $0x108, v0;
	v0 =	vimm.s32 $0x28F  }
0x11: {  	v7 =	vsel vm0, $0x308, v1;
	v6 =	vsel vm0, $0x208, v0;
	v0 =	vimm.s32 $0x197  }
0x12: {  	v1 =	vimm.s32 $0x397;
	v8 =	vsel vm0, $0x110, v0;
	v0 =	vimm.s32 $0x297  }
0x13: {  	v10 =	vsel vm0, $0x310, v1;
	v9 =	vsel vm0, $0x210, v0;
	v0 =	vimm.s32 $0x19F  }
0x14: {  	v1 =	vimm.s32 $0x39F;
	v11 =	vsel vm0, $0x118, v0;
	v0 =	vimm.s32 $0x29F  }
0x15: {  	v14 =	vsel vm0, $0x318, v1;
	v12 =	vsel vm0, $0x218, v0;
	vm0 =	vcmask $0x704  }
0x16: {  	v35 =	vunpack.c.l.s4.s8 v35;
	v63 =	vshrl.u32 v34, $0x3;
	v2 =	vsel vm0, $0x101, v2  }
0x17: {  	v3 =	vsel vm0, $0x201, v3;
	v4 =	vsel vm0, $0x301, v4;
	v5 =	vsel vm0, $0x109, v5  }
0x18: {  	v6 =	vsel vm0, $0x209, v6;
	v7 =	vsel vm0, $0x309, v7;
	v8 =	vsel vm0, $0x111, v8  }
0x19: {  	v9 =	vsel vm0, $0x211, v9;
	v10 =	vsel vm0, $0x311, v10;
	v11 =	vsel vm0, $0x119, v11  }
0x1a: {  	v12 =	vsel vm0, $0x219, v12;
	v18 =	vsel vm0, $0x319, v14;
	vm0 =	vcmask $0xB08  }
0x1b: {  	v35 =	vunpack.c.0.s8.s32 v35;
	v37 =	vcombine.low v24, v23;
	v19 =	vsel vm0, $0x102, v2  }
0x1c: {  	v20 =	vsel vm0, $0x202, v3;
	v4 =	vsel vm0, $0x302, v4;
	v5 =	vsel vm0, $0x10A, v5  }
0x1d: {  	v6 =	vsel vm0, $0x20A, v6;
	v7 =	vsel vm0, $0x30A, v7;
	v8 =	vsel vm0, $0x112, v8  }
0x1e: {  	v9 =	vsel vm0, $0x212, v9;
	v10 =	vsel vm0, $0x312, v10;
	v11 =	vsel vm0, $0x11A, v11  }
0x1f: {  	v12 =	vsel vm0, $0x21A, v12;
	v18 =	vsel vm0, $0x31A, v18;
	vm0 =	vcmask $0xF0C  }
0x20: {  	v17 =	vcombine.low v35, v17;
	v35 =	vunpack.c.l.s4.s8 v62;
	v19 =	vsel vm0, $0x103, v19  }
0x21: {  	s0 =	srdreg.scid;
	v20 =	vsel vm0, $0x203, v20;
	v21 =	vsel vm0, $0x303, v4;
	v22 =	vsel vm0, $0x10B, v5  }
0x22: {  	s1 =	stileid.u32;
	s4 =	sand.u32 $0x1, s0;
	v6 =	vsel vm0, $0x20B, v6;
	v7 =	vsel vm0, $0x30B, v7;
	v8 =	vsel vm0, $0x113, v8  }
0x23: {  	s16 =	sshll.u32 s1, $0x7;
	s2 =	sshll.u32 s4, $0x6;
	v9 =	vsel vm0, $0x213, v9;
	v10 =	vsel vm0, $0x313, v10;
	v11 =	vsel vm0, $0x11B, v11  }
0x24: {  	s0 =	sor.u32 s2, s16;
	v12 =	vsel vm0, $0x21B, v12;
	v18 =	vsel vm0, $0x31B, v18;
	vm0 =	vcmask $0x1310  }
0x25: {  	v35 =	vunpack.c.0.s8.s32 v35;
	v1 =	vor.u32 s0, v13;
	v19 =	vsel vm0, $0x104, v19  }
0x26: {  	v20 =	vsel vm0, $0x204, v20;
	v21 =	vsel vm0, $0x304, v21;
	v22 =	vsel vm0, $0x10C, v22  }
0x27: {  	v25 =	vsel vm0, $0x20C, v6;
	v28 =	vsel vm0, $0x30C, v7;
	v8 =	vsel vm0, $0x114, v8  }
0x28: {  	v9 =	vsel vm0, $0x214, v9;
	v10 =	vsel vm0, $0x314, v10;
	v11 =	vsel vm0, $0x11C, v11  }
0x29: {  	v12 =	vsel vm0, $0x21C, v12;
	v18 =	vsel vm0, $0x31C, v18;
	vm0 =	vcmask $0x1714  }
0x2a: {  	v0 =	vor.u32 s0, v34;
	v14 =	vor.u32 $0x20, v34;
	v19 =	vsel vm0, $0x105, v19  }
0x2b: {  	v20 =	vsel vm0, $0x205, v20;
	v21 =	vsel vm0, $0x305, v21;
	v22 =	vsel vm0, $0x10D, v22  }
0x2c: {  	v25 =	vsel vm0, $0x20D, v25;
	v28 =	vsel vm0, $0x30D, v28;
	v29 =	vsel vm0, $0x115, v8  }
0x2d: {  	v30 =	vsel vm0, $0x215, v9;
	v10 =	vsel vm0, $0x315, v10;
	v11 =	vsel vm0, $0x11D, v11  }
0x2e: {  	v12 =	vsel vm0, $0x21D, v12;
	v18 =	vsel vm0, $0x31D, v18;
	vm0 =	vcmask $0x1B18  }
0x2f: {  	v2 =	vor.u32 s0, v14;
	v3 =	vor.u32 s0, v15;
	v19 =	vsel vm0, $0x106, v19  }
0x30: {  	v20 =	vsel vm0, $0x206, v20;
	v21 =	vsel vm0, $0x306, v21;
	v22 =	vsel vm0, $0x10E, v22  }
0x31: {  	v25 =	vsel vm0, $0x20E, v25;
	v28 =	vsel vm0, $0x30E, v28;
	v29 =	vsel vm0, $0x116, v29  }
0x32: {  	v30 =	vsel vm0, $0x216, v30;
	v31 =	vsel vm0, $0x316, v10;
	v32 =	vsel vm0, $0x11E, v11  }
0x33: {  	s17 =	sor.u32 $0x800, s0;
	v12 =	vsel vm0, $0x21E, v12;
	v18 =	vsel vm0, $0x31E, v18;
	vm0 =	vcmask $0x1F1C  }
0x34: {  	v4 =	vor.u32 s17, v34;
	v5 =	vor.u32 s17, v13;
	v19 =	vsel vm0, $0x107, v19  }
0x35: {  	v20 =	vsel vm0, $0x207, v20;
	v21 =	vsel vm0, $0x307, v21;
	v22 =	vsel vm0, $0x10F, v22  }
0x36: {  	v25 =	vsel vm0, $0x20F, v25;
	v28 =	vsel vm0, $0x30F, v28;
	v29 =	vsel vm0, $0x117, v29  }
0x37: {  	v30 =	vsel vm0, $0x217, v30;
	v31 =	vsel vm0, $0x317, v31;
	v32 =	vsel vm0, $0x11F, v32  }
0x38: {  	v33 =	vsel vm0, $0x21F, v12;
	v18 =	vsel vm0, $0x31F, v18;
	vm0 =	vcmask $0x2320  }
0x39: {  	v6 =	vor.u32 s17, v14;
	v7 =	vor.u32 s17, v15;
	v19 =	vsel vm0, $0x180, v19  }
0x3a: {  	v20 =	vsel vm0, $0x280, v20;
	v21 =	vsel vm0, $0x380, v21;
	v22 =	vsel vm0, $0x188, v22  }
0x3b: {  	v25 =	vsel vm0, $0x288, v25;
	v28 =	vsel vm0, $0x388, v28;
	v29 =	vsel vm0, $0x190, v29  }
0x3c: {  	v30 =	vsel vm0, $0x290, v30;
	v31 =	vsel vm0, $0x390, v31;
	v32 =	vsel vm0, $0x198, v32  }
0x3d: {  	s18 =	sor.u32 $0x1000, s0;
	v33 =	vsel vm0, $0x298, v33;
	v18 =	vsel vm0, $0x398, v18;
	vm0 =	vcmask $0x2724  }
0x3e: {  	v8 =	vor.u32 s18, v34;
	v9 =	vor.u32 s18, v13;
	v19 =	vsel vm0, $0x181, v19  }
0x3f: {  	v20 =	vsel vm0, $0x281, v20;
	v21 =	vsel vm0, $0x381, v21;
	v22 =	vsel vm0, $0x189, v22  }
0x40: {  	v25 =	vsel vm0, $0x289, v25;
	v28 =	vsel vm0, $0x389, v28;
	v29 =	vsel vm0, $0x191, v29  }
0x41: {  	v30 =	vsel vm0, $0x291, v30;
	v31 =	vsel vm0, $0x391, v31;
	v32 =	vsel vm0, $0x199, v32  }
0x42: {  	s7 =	sor.u32 $0x1800, s0;
	v33 =	vsel vm0, $0x299, v33;
	v18 =	vsel vm0, $0x399, v18;
	vm0 =	vcmask $0x2B28  }
0x43: {  	v13 =	vor.u32 s7, v13;
	v10 =	vor.u32 s18, v14;
	v19 =	vsel vm0, $0x182, v19  }
0x44: {  	v20 =	vsel vm0, $0x282, v20;
	v21 =	vsel vm0, $0x382, v21;
	v22 =	vsel vm0, $0x18A, v22  }
0x45: {  	v25 =	vsel vm0, $0x28A, v25;
	v28 =	vsel vm0, $0x38A, v28;
	v29 =	vsel vm0, $0x192, v29  }
0x46: {  	v30 =	vsel vm0, $0x292, v30;
	v31 =	vsel vm0, $0x392, v31;
	v32 =	vsel vm0, $0x19A, v32  }
0x47: {  	v33 =	vsel vm0, $0x29A, v33;
	v18 =	vsel vm0, $0x39A, v18;
	vm0 =	vcmask $0x2F2C  }
0x48: {  	v11 =	vor.u32 s18, v15;
	v14 =	vor.u32 s7, v14;
	v19 =	vsel vm0, $0x183, v19  }
0x49: {  	v20 =	vsel vm0, $0x283, v20;
	v21 =	vsel vm0, $0x383, v21;
	v22 =	vsel vm0, $0x18B, v22  }
0x4a: {  	s8 =	rddreg [dreg:$0x0];
	v25 =	vsel vm0, $0x28B, v25;
	v28 =	vsel vm0, $0x38B, v28;
	v29 =	vsel vm0, $0x193, v29  }
0x4b: {  	s9 =	rddreg [dreg:$0x1];
	v30 =	vsel vm0, $0x293, v30;
	v31 =	vsel vm0, $0x393, v31;
	v32 =	vsel vm0, $0x19B, v32  }
0x4c: {  	s3 =	rddreg [dreg:$0x4];
	v33 =	vsel vm0, $0x29B, v33;
	v18 =	vsel vm0, $0x39B, v18;
	vm0 =	vcmask $0x3330  }
0x4d: {  	s5 =	rddreg [dreg:$0x5];
	s6 =	simm.s32 $0x0;
	v15 =	vor.u32 s7, v15;
	v12 =	vor.u32 s7, v34;
	v19 =	vsel vm0, $0x184, v19  }
0x4e: {  	s28 =	simm.s32 $0x800;
	s29 =	simm.s32 $0x5;
	s1 =	rddreg [dreg:$0x2];
	v20 =	vsel vm0, $0x284, v20;
	v21 =	vsel vm0, $0x384, v21;
	v22 =	vsel vm0, $0x18C, v22  }
0x4f: {  	s30 =	simm.s32 $0x0;
	[smem:$0x7FF] =	sst s6;
	s4 =	ssub.s32 $0x2, s4;
	v25 =	vsel vm0, $0x28C, v25;
	v28 =	vsel vm0, $0x38C, v28;
	v29 =	vsel vm0, $0x194, v29  }
0x50: {  	_ =	strace $0x80000047;
	s15 =	sadd.s32 $0x100, s1;
	s10 =	sshll.u32 s0, $0x2;
	v30 =	vsel vm0, $0x294, v30;
	v31 =	vsel vm0, $0x394, v31;
	v32 =	vsel vm0, $0x19C, v32  }
0x51: {  	s12 =	sshrl.u32 s4, $0x1;
	s16 =	sadd.s32 $0x200, s1;
	s11 =	sand.u32 $0x1E00, s10;
	v33 =	vsel vm0, $0x29C, v33;
	v18 =	vsel vm0, $0x39C, v18;
	vm0 =	vcmask $0x3734  }
0x52: {  	s4 =	ssub.s32 s4, s12;
	s11 =	sor.u32 s2, s11;
	s2 =	sor.u32 s2, s10;
	v19 =	vsel vm0, $0x185, v19;
	v20 =	vsel vm0, $0x285, v20;
	v21 =	vsel vm0, $0x385, v21  }
0x53: {  	s31 =	sshll.u32 s0, $0x7;
	s11 =	sshrl.u32 s11, $0x3;
	s2 =	sshrl.u32 s2, $0x3;
	v22 =	vsel vm0, $0x18D, v22;
	v25 =	vsel vm0, $0x28D, v25;
	v28 =	vsel vm0, $0x38D, v28  }
0x54: {  	s19 =	sadd.s32 s8, s11;
	s20 =	sor.u32 $0x10, s11;
	s21 =	sadd.s32 s9, s11;
	v29 =	vsel vm0, $0x195, v29;
	v30 =	vsel vm0, $0x295, v30;
	v31 =	vsel vm0, $0x395, v31  }
0x55: {  	s24 =	sor.u32 $0x20, s2;
	s2 =	sor.u32 $0x30, s2;
	[dreg:$0x7] =	wrdreg s19;
	v32 =	vsel vm0, $0x19D, v32;
	v36 =	vsel vm0, $0x39D, v18;
	v18 =	vand.u32 $0xF, v35  }
0x56: {  	[dreg:$0x8] =	wrdreg s21;
	s22 =	sadd.s32 s8, s20;
	s23 =	sadd.s32 s9, s20;
	v33 =	vsel vm0, $0x29D, v33;
	vm0 =	vcmask $0x3B38;
	v35 =	vcombine.low v18, v16  }
0x57: {  	s25 =	sadd.s32 s8, s24;
	s26 =	sadd.s32 s8, s2;
	[dreg:$0x9] =	wrdreg s22;
	v16 =	vand.u32 $0xFF, v17;
	v17 =	vsel vm0, $0x186, v19;
	v18 =	vsel vm0, $0x286, v20  }
0x58: {  	s14 =	sadd.s32 s9, s2;
	s20 =	sshrl.u32 s0, $0x3;
	[dreg:$0xa] =	wrdreg s23;
	v19 =	vsel vm0, $0x386, v21;
	v20 =	vsel vm0, $0x18E, v22;
	v21 =	vsel vm0, $0x28E, v25  }
0x59: {  	s21 =	sadd.s32 $0x100, s5;
	s2 =	simm.s32 $0x1;
	[dreg:$0xb] =	wrdreg s25;
	v22 =	vsel vm0, $0x38E, v28;
	v23 =	vsel vm0, $0x196, v29;
	v24 =	vsel vm0, $0x296, v30  }
0x5a: {  	[dreg:$0xd] =	wrdreg s26;
	s22 =	sadd.s32 $0x200, s5;
	s23 =	sadd.s32 $0x300, s5;
	v25 =	vsel vm0, $0x396, v31;
	v31 =	vcombine.low v27, v26;
	v26 =	vsel vm0, $0x19E, v32  }
0x5b: {  	s25 =	simm.s32 $0x200;
	s26 =	simm.s32 $0x400;
	s0 =	simm.s32 $0x6;
	v27 =	vsel vm0, $0x29E, v33;
	v28 =	vsel vm0, $0x39E, v36;
	vm0 =	vmmov $0xffff  }
0x5c: {  	s17 =	sadd.s32 $0x300, s1;
	s18 =	sadd.s32 s3, s31;
	s7 =	sadd.s32 s9, s24;
	v30 =	vand.u32 $0xFF, v37;
	v32 =	vand.u32 $0x7, v34;
	v33 =	vmul.u32 $0x8, v63  }
0x5d: {  	s19 =	sadd.s32 $0x400, s18;
	s24 =	smax.u32 s4, $0x1;
	[dreg:$0xc] =	wrdreg s7;
	v34 =	vor.u32 $0x8, v34;
	v29 =	vand.u32 $0xFF, v35;
	v31 =	vand.u32 $0xFF, v31  }
.LBB2_1:
0x5e: {  	s4 =	rddreg [dreg:$0x7]  }
0x5f: {  	[tilespmem:s6], [sflag:$0x1] =	stream.linear.gather [hbm4b:s4+s6], $0x40, $0x38;
	[tilespmem:$0x1D400] =	vst v63  }
0x60: {  	s8 =	rddreg [dreg:$0x8]  }
0x61: {  	[tilespmem:s25], [sflag:$0x1] =	stream.linear.gather [hbm4b:s8+s6], $0x40, $0x38;
	[tilespmem:$0x1D400] =	vst v63  }
0x62: {  	s9 =	rddreg [dreg:$0x9];
	s7 =	simm.s32 $0x80  }
0x63: {  	[tilespmem:s7], [sflag:$0x1] =	stream.linear.gather [hbm4b:s9+s6], $0x40, $0x38;
	[tilespmem:$0x1D400] =	vst v63  }
0x64: {  	s10 =	rddreg [dreg:$0xa];
	s11 =	simm.s32 $0x280  }
0x65: {  	[tilespmem:s11], [sflag:$0x1] =	stream.linear.gather [hbm4b:s10+s6], $0x40, $0x38;
	[tilespmem:$0x1D400] =	vst v63  }
0x66: {  	s12 =	rddreg [dreg:$0xb];
	s13 =	simm.s32 $0x100  }
0x67: {  	[tilespmem:s13], [sflag:$0x1] =	stream.linear.gather [hbm4b:s12+s6], $0x40, $0x38;
	[tilespmem:$0x1D400] =	vst v63  }
0x68: {  	s8 =	simm.s32 $0x300;
	s7 =	rddreg [dreg:$0xc]  }
0x69: {  	[tilespmem:s8], [sflag:$0x1] =	stream.linear.gather [hbm4b:s7+s6], $0x40, $0x38;
	[tilespmem:$0x1D400] =	vst v63  }
0x6a: {  	s9 =	rddreg [dreg:$0xd];
	s10 =	simm.s32 $0x180  }
0x6b: {  	[tilespmem:s10], [sflag:$0x1] =	stream.linear.gather [hbm4b:s9+s6], $0x40, $0x38;
	[tilespmem:$0x1D400] =	vst v63  }
0x6c: {  	s11 =	simm.s32 $0x380  }
0x6d: {  	[tilespmem:s11], [sflag:$0x1] =	stream.linear.gather [hbm4b:s14+s6], $0x40, $0x38;
	[tilespmem:$0x1D400] =	vst v63  }
0x6e: {  	s12 =	rddreg [dreg:$0x3];
	s13 =	simm.s32 $0x1CC00  }
0x6f: {  	[tilespmem:s13], [sflag:$0x1] =	stream.linear.gather [hbm4b:s12+s6], $0x800, $0x38;
	[tilespmem:$0x1D400] =	vst v63  }
0x70: {  	_ =	swait.ge [sflag:s2], $0x40  }
0x71: {  	[sflag:s2] =	ssyncset.done $0x0  }
0x72: {  	[sflag:s2] =	ssyncadd.s32 $0xFFFFFFC0  }
0x73: {  	_ =	swait.ge [sflag:s2], $0x40  }
0x74: {  	[sflag:s2] =	ssyncset.done $0x0  }
0x75: {  	[sflag:s2] =	ssyncadd.s32 $0xFFFFFFC0  }
0x76: {  	_ =	swait.ge [sflag:s2], $0x40  }
0x77: {  	[sflag:s2] =	ssyncset.done $0x0  }
0x78: {  	[sflag:s2] =	ssyncadd.s32 $0xFFFFFFC0  }
0x79: {  	_ =	swait.ge [sflag:s2], $0x40  }
0x7a: {  	[sflag:s2] =	ssyncset.done $0x0  }
0x7b: {  	[sflag:s2] =	ssyncadd.s32 $0xFFFFFFC0  }
0x7c: {  	_ =	swait.ge [sflag:s2], $0x40  }
0x7d: {  	[sflag:s2] =	ssyncset.done $0x0  }
0x7e: {  	[sflag:s2] =	ssyncadd.s32 $0xFFFFFFC0  }
0x7f: {  	_ =	swait.ge [sflag:s2], $0x40  }
0x80: {  	[sflag:s2] =	ssyncset.done $0x0  }
0x81: {  	[sflag:s2] =	ssyncadd.s32 $0xFFFFFFC0  }
0x82: {  	_ =	swait.ge [sflag:s2], $0x40  }
0x83: {  	[sflag:s2] =	ssyncset.done $0x0  }
0x84: {  	[sflag:s2] =	ssyncadd.s32 $0xFFFFFFC0  }
0x85: {  	_ =	swait.ge [sflag:s2], $0x40  }
0x86: {  	[sflag:s2] =	ssyncset.done $0x0  }
0x87: {  	[sflag:s2] =	ssyncadd.s32 $0xFFFFFFC0  }
0x88: {  	_ =	swait.ge [sflag:s2], $0x800  }
0x89: {  	[sflag:s2] =	ssyncset.done $0x0  }
0x8a: {  	[sflag:s2] =	ssyncadd.s32 $0xFFFFF800  }
0x8b: {  	v35 =	vld [tilespmem:$0x0];
	_ =	sdelay $0x4  }
0x8c: {  	[tilespmem:v16+s26+$0x0] =	vst.idx.msk $0xffff, v35  }
0x8d: {  	[tilespmem:v16+s28+$0x0] =	vst.idx.msk $0xffff, v0  }
0x8e: {  	v35 =	vld [tilespmem:$0x10];
	_ =	sdelay $0x4  }
0x8f: {  	[tilespmem:v17+s26+$0x0] =	vst.idx.msk $0xffff, v35  }
0x90: {  	[tilespmem:v17+s28+$0x0] =	vst.idx.msk $0xffff, v1  }
0x91: {  	v35 =	vld [tilespmem:$0x20];
	_ =	sdelay $0x4  }
0x92: {  	[tilespmem:v18+s26+$0x0] =	vst.idx.msk $0xffff, v35  }
0x93: {  	[tilespmem:v18+s28+$0x0] =	vst.idx.msk $0xffff, v2  }
0x94: {  	v35 =	vld [tilespmem:$0x30];
	_ =	sdelay $0x4  }
0x95: {  	[tilespmem:v19+s26+$0x0] =	vst.idx.msk $0xffff, v35  }
0x96: {  	[tilespmem:v19+s28+$0x0] =	vst.idx.msk $0xffff, v3  }
0x97: {  	v35 =	vld [tilespmem:$0x80];
	_ =	sdelay $0x4  }
0x98: {  	[tilespmem:v29+s26+$0x0] =	vst.idx.msk $0xffff, v35  }
0x99: {  	[tilespmem:v29+s28+$0x0] =	vst.idx.msk $0xffff, v4  }
0x9a: {  	v35 =	vld [tilespmem:$0x90];
	_ =	sdelay $0x4  }
0x9b: {  	[tilespmem:v20+s26+$0x0] =	vst.idx.msk $0xffff, v35  }
0x9c: {  	[tilespmem:v20+s28+$0x0] =	vst.idx.msk $0xffff, v5  }
0x9d: {  	v35 =	vld [tilespmem:$0xA0];
	_ =	sdelay $0x4  }
0x9e: {  	[tilespmem:v21+s26+$0x0] =	vst.idx.msk $0xffff, v35  }
0x9f: {  	[tilespmem:v21+s28+$0x0] =	vst.idx.msk $0xffff, v6  }
0xa0: {  	v35 =	vld [tilespmem:$0xB0];
	_ =	sdelay $0x4  }
0xa1: {  	[tilespmem:v22+s26+$0x0] =	vst.idx.msk $0xffff, v35  }
0xa2: {  	[tilespmem:v22+s28+$0x0] =	vst.idx.msk $0xffff, v7  }
0xa3: {  	v35 =	vld [tilespmem:$0x100];
	_ =	sdelay $0x4  }
0xa4: {  	[tilespmem:v30+s26+$0x0] =	vst.idx.msk $0xffff, v35  }
0xa5: {  	[tilespmem:v30+s28+$0x0] =	vst.idx.msk $0xffff, v8  }
0xa6: {  	v35 =	vld [tilespmem:$0x110];
	_ =	sdelay $0x4  }
0xa7: {  	[tilespmem:v23+s26+$0x0] =	vst.idx.msk $0xffff, v35  }
0xa8: {  	[tilespmem:v23+s28+$0x0] =	vst.idx.msk $0xffff, v9  }
0xa9: {  	v35 =	vld [tilespmem:$0x120];
	_ =	sdelay $0x4  }
0xaa: {  	[tilespmem:v24+s26+$0x0] =	vst.idx.msk $0xffff, v35  }
0xab: {  	[tilespmem:v24+s28+$0x0] =	vst.idx.msk $0xffff, v10  }
0xac: {  	v35 =	vld [tilespmem:$0x130];
	_ =	sdelay $0x4  }
0xad: {  	[tilespmem:v25+s26+$0x0] =	vst.idx.msk $0xffff, v35  }
0xae: {  	[tilespmem:v25+s28+$0x0] =	vst.idx.msk $0xffff, v11  }
0xaf: {  	v35 =	vld [tilespmem:$0x180];
	_ =	sdelay $0x4  }
0xb0: {  	[tilespmem:v31+s26+$0x0] =	vst.idx.msk $0xffff, v35  }
0xb1: {  	[tilespmem:v31+s28+$0x0] =	vst.idx.msk $0xffff, v12  }
0xb2: {  	v35 =	vld [tilespmem:$0x190];
	_ =	sdelay $0x4  }
0xb3: {  	[tilespmem:v26+s26+$0x0] =	vst.idx.msk $0xffff, v35  }
0xb4: {  	[tilespmem:v26+s28+$0x0] =	vst.idx.msk $0xffff, v13  }
0xb5: {  	v35 =	vld [tilespmem:$0x1A0];
	_ =	sdelay $0x4  }
0xb6: {  	[tilespmem:v27+s26+$0x0] =	vst.idx.msk $0xffff, v35  }
0xb7: {  	[tilespmem:v27+s28+$0x0] =	vst.idx.msk $0xffff, v14  }
0xb8: {  	v35 =	vld [tilespmem:$0x1B0];
	_ =	sdelay $0x4  }
0xb9: {  	[tilespmem:v28+s26+$0x0] =	vst.idx.msk $0xffff, v35  }
0xba: {  	[tilespmem:v28+s28+$0x0] =	vst.idx.msk $0xffff, v15  }
0xbb: {  	v35 =	vld [tilespmem:$0x400];
	_ =	sdelay $0x4  }
0xbc: {  	v36 =	vshll.u32 v35, $0x3  }
0xbd: {  	v35 =	vand.u32 $0x7, v35;
	v36 =	vand.u32 $0xFFFFFFC0, v36  }
0xbe: {  	v35 =	vor.u32 v35, v36  }
0xbf: {  	v36 =	vperm.xlane v35, v32;
	_ =	sdelay $0x1  }
0xc0: {  	v36 =	vadd.s32 v33, v36;
	_ =	sdelay $0x3  }
0xc1: {  	s8 =	simm.s32 $0xC00  }
0xc2: {  	[tilespmem:s8], [sflag:$0x2] =	stream.indirect_vreg.gather [hbm4b:s1+s6], $0x80, v36, vm0, $0xb8;
	[tilespmem:$0x1D400] =	vst v63  }
0xc3: {  	s9 =	simm.s32 $0x1400;
	v35 =	vperm.xlane v35, v34  }
0xc4: {  	[tilespmem:s9], [sflag:$0x2] =	stream.indirect_vreg.gather [hbm4b:s15+s6], $0x80, v36, vm0, $0xb8;
	[tilespmem:$0x1D400] =	vst v63  }
0xc5: {  	s10 =	simm.s32 $0x1C00;
	v35 =	vadd.s32 v33, v35  }
0xc6: {  	[tilespmem:s10], [sflag:$0x2] =	stream.indirect_vreg.gather [hbm4b:s16+s6], $0x80, v36, vm0, $0xb8;
	[tilespmem:$0x1D400] =	vst v63  }
0xc7: {  	s11 =	simm.s32 $0x2400  }
0xc8: {  	[tilespmem:s11], [sflag:$0x2] =	stream.indirect_vreg.gather [hbm4b:s17+s6], $0x80, v36, vm0, $0xb8;
	[tilespmem:$0x1D400] =	vst v63  }
0xc9: {  	s12 =	simm.s32 $0x2C00  }
0xca: {  	[tilespmem:s12], [sflag:$0x2] =	stream.indirect_vreg.gather [hbm4b:s1+s6], $0x80, v35, vm0, $0xb8;
	[tilespmem:$0x1D400] =	vst v63  }
0xcb: {  	s13 =	simm.s32 $0x3400  }
0xcc: {  	[tilespmem:s13], [sflag:$0x2] =	stream.indirect_vreg.gather [hbm4b:s15+s6], $0x80, v35, vm0, $0xb8;
	[tilespmem:$0x1D400] =	vst v63  }
0xcd: {  	s7 =	simm.s32 $0x3C00  }
0xce: {  	[tilespmem:s7], [sflag:$0x2] =	stream.indirect_vreg.gather [hbm4b:s16+s6], $0x80, v35, vm0, $0xb8;
	[tilespmem:$0x1D400] =	vst v63  }
0xcf: {  	s8 =	simm.s32 $0x4400  }
0xd0: {  	[tilespmem:s8], [sflag:$0x2] =	stream.indirect_vreg.gather [hbm4b:s17+s6], $0x80, v35, vm0, $0xb8;
	[tilespmem:$0x1D400] =	vst v63  }
0xd1: {  	v35 =	vld [tilespmem:$0x410];
	_ =	sdelay $0x4  }
0xd2: {  	v61 =	vshll.u32 v35, $0x3  }
0xd3: {  	v35 =	vand.u32 $0x7, v35;
	v36 =	vand.u32 $0xFFFFFFC0, v61  }
0xd4: {  	v35 =	vor.u32 v35, v36  }
0xd5: {  	v36 =	vperm.xlane v35, v32;
	_ =	sdelay $0x1  }
0xd6: {  	v36 =	vadd.s32 v33, v36;
	_ =	sdelay $0x3  }
0xd7: {  	s9 =	simm.s32 $0x4C00  }
0xd8: {  	[tilespmem:s9], [sflag:$0x2] =	stream.indirect_vreg.gather [hbm4b:s1+s6], $0x80, v36, vm0, $0xb8;
	[tilespmem:$0x1D400] =	vst v63  }
0xd9: {  	s10 =	simm.s32 $0x5400;
	v35 =	vperm.xlane v35, v34  }
0xda: {  	[tilespmem:s10], [sflag:$0x2] =	stream.indirect_vreg.gather [hbm4b:s15+s6], $0x80, v36, vm0, $0xb8;
	[tilespmem:$0x1D400] =	vst v63  }
0xdb: {  	s11 =	simm.s32 $0x5C00;
	v35 =	vadd.s32 v33, v35  }
0xdc: {  	[tilespmem:s11], [sflag:$0x2] =	stream.indirect_vreg.gather [hbm4b:s16+s6], $0x80, v36, vm0, $0xb8;
	[tilespmem:$0x1D400] =	vst v63  }
0xdd: {  	s12 =	simm.s32 $0x6400  }
0xde: {  	[tilespmem:s12], [sflag:$0x2] =	stream.indirect_vreg.gather [hbm4b:s17+s6], $0x80, v36, vm0, $0xb8;
	[tilespmem:$0x1D400] =	vst v63  }
0xdf: {  	s13 =	simm.s32 $0x6C00  }
0xe0: {  	[tilespmem:s13], [sflag:$0x2] =	stream.indirect_vreg.gather [hbm4b:s1+s6], $0x80, v35, vm0, $0xb8;
	[tilespmem:$0x1D400] =	vst v63  }
0xe1: {  	s7 =	simm.s32 $0x7400  }
0xe2: {  	[tilespmem:s7], [sflag:$0x2] =	stream.indirect_vreg.gather [hbm4b:s15+s6], $0x80, v35, vm0, $0xb8;
	[tilespmem:$0x1D400] =	vst v63  }
0xe3: {  	s8 =	simm.s32 $0x7C00  }
0xe4: {  	[tilespmem:s8], [sflag:$0x2] =	stream.indirect_vreg.gather [hbm4b:s16+s6], $0x80, v35, vm0, $0xb8;
	[tilespmem:$0x1D400] =	vst v63  }
0xe5: {  	s9 =	simm.s32 $0x8400  }
0xe6: {  	[tilespmem:s9], [sflag:$0x2] =	stream.indirect_vreg.gather [hbm4b:s17+s6], $0x80, v35, vm0, $0xb8;
	[tilespmem:$0x1D400] =	vst v63  }
0xe7: {  	v35 =	vld [tilespmem:$0x480];
	_ =	sdelay $0x4  }
0xe8: {  	v62 =	vshll.u32 v35, $0x3  }
0xe9: {  	v35 =	vand.u32 $0x7, v35;
	v36 =	vand.u32 $0xFFFFFFC0, v62  }
0xea: {  	v35 =	vor.u32 v35, v36  }
0xeb: {  	v36 =	vperm.xlane v35, v32;
	_ =	sdelay $0x1  }
0xec: {  	v36 =	vadd.s32 v33, v36;
	_ =	sdelay $0x3  }
0xed: {  	s10 =	simm.s32 $0x8C00  }
0xee: {  	[tilespmem:s10], [sflag:$0x3] =	stream.indirect_vreg.gather [hbm4b:s1+s6], $0x80, v36, vm0, $0xb8;
	[tilespmem:$0x1D400] =	vst v63  }
0xef: {  	s11 =	simm.s32 $0x9400;
	v35 =	vperm.xlane v35, v34  }
0xf0: {  	[tilespmem:s11], [sflag:$0x3] =	stream.indirect_vreg.gather [hbm4b:s15+s6], $0x80, v36, vm0, $0xb8;
	[tilespmem:$0x1D400] =	vst v63  }
0xf1: {  	s12 =	simm.s32 $0x9C00;
	v35 =	vadd.s32 v33, v35  }
0xf2: {  	[tilespmem:s12], [sflag:$0x3] =	stream.indirect_vreg.gather [hbm4b:s16+s6], $0x80, v36, vm0, $0xb8;
	[tilespmem:$0x1D400] =	vst v63  }
0xf3: {  	s13 =	simm.s32 $0xA400  }
0xf4: {  	[tilespmem:s13], [sflag:$0x3] =	stream.indirect_vreg.gather [hbm4b:s17+s6], $0x80, v36, vm0, $0xb8;
	[tilespmem:$0x1D400] =	vst v63  }
0xf5: {  	s7 =	simm.s32 $0xAC00  }
0xf6: {  	[tilespmem:s7], [sflag:$0x3] =	stream.indirect_vreg.gather [hbm4b:s1+s6], $0x80, v35, vm0, $0xb8;
	[tilespmem:$0x1D400] =	vst v63  }
0xf7: {  	s8 =	simm.s32 $0xB400  }
0xf8: {  	[tilespmem:s8], [sflag:$0x3] =	stream.indirect_vreg.gather [hbm4b:s15+s6], $0x80, v35, vm0, $0xb8;
	[tilespmem:$0x1D400] =	vst v63  }
0xf9: {  	s9 =	simm.s32 $0xBC00  }
0xfa: {  	[tilespmem:s9], [sflag:$0x3] =	stream.indirect_vreg.gather [hbm4b:s16+s6], $0x80, v35, vm0, $0xb8;
	[tilespmem:$0x1D400] =	vst v63  }
0xfb: {  	s10 =	simm.s32 $0xC400  }
0xfc: {  	[tilespmem:s10], [sflag:$0x3] =	stream.indirect_vreg.gather [hbm4b:s17+s6], $0x80, v35, vm0, $0xb8;
	[tilespmem:$0x1D400] =	vst v63  }
0xfd: {  	v35 =	vld [tilespmem:$0x490];
	_ =	sdelay $0x4  }
0xfe: {  	v63 =	vshll.u32 v35, $0x3  }
0xff: {  	v35 =	vand.u32 $0x7, v35;
	v36 =	vand.u32 $0xFFFFFFC0, v63  }
0x100: {  	v35 =	vor.u32 v35, v36  }
0x101: {  	v36 =	vperm.xlane v35, v32;
	_ =	sdelay $0x1  }
0x102: {  	v36 =	vadd.s32 v33, v36;
	_ =	sdelay $0x3  }
0x103: {  	s11 =	simm.s32 $0xCC00  }
0x104: {  	[tilespmem:s11], [sflag:$0x3] =	stream.indirect_vreg.gather [hbm4b:s1+s6], $0x80, v36, vm0, $0xb8;
	[tilespmem:$0x1D400] =	vst v63  }
0x105: {  	s12 =	simm.s32 $0xD400;
	v35 =	vperm.xlane v35, v34  }
0x106: {  	[tilespmem:s12], [sflag:$0x3] =	stream.indirect_vreg.gather [hbm4b:s15+s6], $0x80, v36, vm0, $0xb8;
	[tilespmem:$0x1D400] =	vst v63  }
0x107: {  	s13 =	simm.s32 $0xDC00;
	v35 =	vadd.s32 v33, v35  }
0x108: {  	[tilespmem:s13], [sflag:$0x3] =	stream.indirect_vreg.gather [hbm4b:s16+s6], $0x80, v36, vm0, $0xb8;
	[tilespmem:$0x1D400] =	vst v63  }
0x109: {  	s7 =	simm.s32 $0xE400  }
0x10a: {  	[tilespmem:s7], [sflag:$0x3] =	stream.indirect_vreg.gather [hbm4b:s17+s6], $0x80, v36, vm0, $0xb8;
	[tilespmem:$0x1D400] =	vst v63  }
0x10b: {  	s8 =	simm.s32 $0xEC00  }
0x10c: {  	[tilespmem:s8], [sflag:$0x3] =	stream.indirect_vreg.gather [hbm4b:s1+s6], $0x80, v35, vm0, $0xb8;
	[tilespmem:$0x1D400] =	vst v63  }
0x10d: {  	s9 =	simm.s32 $0xF400  }
0x10e: {  	[tilespmem:s9], [sflag:$0x3] =	stream.indirect_vreg.gather [hbm4b:s15+s6], $0x80, v35, vm0, $0xb8;
	[tilespmem:$0x1D400] =	vst v63  }
0x10f: {  	s10 =	simm.s32 $0xFC00  }
0x110: {  	[tilespmem:s10], [sflag:$0x3] =	stream.indirect_vreg.gather [hbm4b:s16+s6], $0x80, v35, vm0, $0xb8;
	[tilespmem:$0x1D400] =	vst v63  }
0x111: {  	s11 =	simm.s32 $0x10400  }
0x112: {  	[tilespmem:s11], [sflag:$0x3] =	stream.indirect_vreg.gather [hbm4b:s17+s6], $0x80, v35, vm0, $0xb8;
	[tilespmem:$0x1D400] =	vst v63  }
0x113: {  	s12 =	simm.s32 $0x18C00  }
0x114: {  	[tilespmem:s12], [sflag:$0x8] =	stream.linear.gather [hbm4b:s18+s6], $0x2000, $0x38;
	[tilespmem:$0x1D400] =	vst v63  }
0x115: {  	s31 =	simm.s32 $0x0;
	s13 =	simm.s32 $0x1AC00  }
0x116: {  	[tilespmem:s13], [sflag:$0x9] =	stream.linear.gather [hbm4b:s19+s6], $0x2000, $0x38;
	[tilespmem:$0x1D400] =	vst v63  }
.LBB2_2:
0x117: {  	p0 =	seq.s32 s31, $0x0  }
0x118: {  	p1 =	seq.s32 @!p0 s31, $0x7  }
0x119: {  	p0 =	por p0, p1  }
.Ltmp0:
0x11a: {  	_ = 	snop;
	(pc) =	sbr.rel @p0 .LBB2_4-.Ltmp0, $2  }
0x11b: {  	_ =	sdelay $0x2  }
0x11c: {  	s4 =	sadd.s32 $0x1, s31  }
0x11d: {  	s7 =	smul.u32 $0xAB, s4;
	_ =	sdelay $0x1  }
0x11e: {  	s7 =	sshrl.u32 s7, $0x9  }
0x11f: {  	s7 =	sand.u32 $0x7F, s7  }
0x120: {  	s7 =	smul.u32 $0x3, s7;
	_ =	sdelay $0x1  }
0x121: {  	s7 =	ssub.s32 s4, s7  }
0x122: {  	p0 =	slt.u32 s31, $0x2;
	s7 =	sand.u32 $0xFF, s7  }
0x123: {  	s8 =	sadd.s32 @!p0 $0x5, s7  }
0x124: {  	_ =	swait.ge @!p0 [sflag:s8], $0x8000  }
0x125: {  	s9 =	sshll.u32 s4, $0x7;
	[sflag:s8] =	ssyncset.done @!p0 $0x0  }
0x126: {  	[sflag:s8] =	ssyncadd.s32 @!p0 $0xFFFF8000;
	s8 =	sand.u32 $0x3FFFFF80, s9  }
0x127: {  	v35 =	vld [tilespmem:s8+$0x400];
	_ =	sdelay $0x4  }
0x128: {  	v36 =	vshll.u32 v35, $0x3  }
0x129: {  	v35 =	vand.u32 $0x7, v35;
	v36 =	vand.u32 $0xFFFFFFC0, v36  }
0x12a: {  	v35 =	vor.u32 v35, v36  }
0x12b: {  	v36 =	vperm.xlane v35, v32;
	_ =	sdelay $0x1  }
0x12c: {  	v36 =	vadd.s32 v33, v36;
	_ =	sdelay $0x2  }
0x12d: {  	s9 =	sshll.u32 s7, $0xF  }
0x12e: {  	s7 =	sadd.s32 $0x2, s7;
	s10 =	sor.u32 $0xC00, s9  }
0x12f: {  	[tilespmem:s10], [sflag:s7] =	stream.indirect_vreg.gather [hbm4b:s1+s6], $0x80, v36, vm0, $0xb8;
	[tilespmem:$0x1D400] =	vst v63  }
0x130: {  	s13 =	sor.u32 $0x1400, s9;
	v35 =	vperm.xlane v35, v34  }
0x131: {  	[tilespmem:s13], [sflag:s7] =	stream.indirect_vreg.gather [hbm4b:s15+s6], $0x80, v36, vm0, $0xb8;
	[tilespmem:$0x1D400] =	vst v63  }
0x132: {  	s11 =	sor.u32 $0x1C00, s9;
	v35 =	vadd.s32 v33, v35  }
0x133: {  	[tilespmem:s11], [sflag:s7] =	stream.indirect_vreg.gather [hbm4b:s16+s6], $0x80, v36, vm0, $0xb8;
	[tilespmem:$0x1D400] =	vst v63  }
0x134: {  	s12 =	sor.u32 $0x2400, s9  }
0x135: {  	[tilespmem:s12], [sflag:s7] =	stream.indirect_vreg.gather [hbm4b:s17+s6], $0x80, v36, vm0, $0xb8;
	[tilespmem:$0x1D400] =	vst v63  }
0x136: {  	s13 =	sor.u32 $0x2C00, s9  }
0x137: {  	[tilespmem:s13], [sflag:s7] =	stream.indirect_vreg.gather [hbm4b:s1+s6], $0x80, v35, vm0, $0xb8;
	[tilespmem:$0x1D400] =	vst v63  }
0x138: {  	s11 =	sor.u32 $0x3400, s9  }
0x139: {  	[tilespmem:s11], [sflag:s7] =	stream.indirect_vreg.gather [hbm4b:s15+s6], $0x80, v35, vm0, $0xb8;
	[tilespmem:$0x1D400] =	vst v63  }
0x13a: {  	s12 =	sor.u32 $0x3C00, s9  }
0x13b: {  	[tilespmem:s12], [sflag:s7] =	stream.indirect_vreg.gather [hbm4b:s16+s6], $0x80, v35, vm0, $0xb8;
	[tilespmem:$0x1D400] =	vst v63  }
0x13c: {  	s13 =	sor.u32 $0x4400, s9  }
0x13d: {  	[tilespmem:s13], [sflag:s7] =	stream.indirect_vreg.gather [hbm4b:s17+s6], $0x80, v35, vm0, $0xb8;
	[tilespmem:$0x1D400] =	vst v63  }
0x13e: {  	v35 =	vld [tilespmem:s8+$0x410];
	_ =	sdelay $0x4  }
0x13f: {  	v63 =	vshll.u32 v35, $0x3  }
0x140: {  	v35 =	vand.u32 $0x7, v35;
	v36 =	vand.u32 $0xFFFFFFC0, v63  }
0x141: {  	v35 =	vor.u32 v35, v36  }
0x142: {  	v36 =	vperm.xlane v35, v32;
	_ =	sdelay $0x1  }
0x143: {  	v36 =	vadd.s32 v33, v36;
	_ =	sdelay $0x3  }
0x144: {  	s11 =	sor.u32 $0x4C00, s9  }
0x145: {  	[tilespmem:s11], [sflag:s7] =	stream.indirect_vreg.gather [hbm4b:s1+s6], $0x80, v36, vm0, $0xb8;
	[tilespmem:$0x1D400] =	vst v63  }
0x146: {  	s12 =	sor.u32 $0x5400, s9;
	v35 =	vperm.xlane v35, v34  }
0x147: {  	[tilespmem:s12], [sflag:s7] =	stream.indirect_vreg.gather [hbm4b:s15+s6], $0x80, v36, vm0, $0xb8;
	[tilespmem:$0x1D400] =	vst v63  }
0x148: {  	s13 =	sor.u32 $0x5C00, s9;
	v35 =	vadd.s32 v33, v35  }
0x149: {  	[tilespmem:s13], [sflag:s7] =	stream.indirect_vreg.gather [hbm4b:s16+s6], $0x80, v36, vm0, $0xb8;
	[tilespmem:$0x1D400] =	vst v63  }
0x14a: {  	s10 =	sor.u32 $0x6400, s9  }
0x14b: {  	[tilespmem:s10], [sflag:s7] =	stream.indirect_vreg.gather [hbm4b:s17+s6], $0x80, v36, vm0, $0xb8;
	[tilespmem:$0x1D400] =	vst v63  }
0x14c: {  	s11 =	sor.u32 $0x6C00, s9  }
0x14d: {  	[tilespmem:s11], [sflag:s7] =	stream.indirect_vreg.gather [hbm4b:s1+s6], $0x80, v35, vm0, $0xb8;
	[tilespmem:$0x1D400] =	vst v63  }
0x14e: {  	s12 =	sor.u32 $0x7400, s9  }
0x14f: {  	[tilespmem:s12], [sflag:s7] =	stream.indirect_vreg.gather [hbm4b:s15+s6], $0x80, v35, vm0, $0xb8;
	[tilespmem:$0x1D400] =	vst v63  }
0x150: {  	s13 =	sor.u32 $0x7C00, s9  }
0x151: {  	[tilespmem:s13], [sflag:s7] =	stream.indirect_vreg.gather [hbm4b:s16+s6], $0x80, v35, vm0, $0xb8;
	[tilespmem:$0x1D400] =	vst v63  }
0x152: {  	s10 =	sadd.s32 $0x8400, s9;
	s11 =	sadd.s32 s20, s4;
	s12 =	sand.u32 $0x1, s4  }
0x153: {  	[tilespmem:s10], [sflag:s7] =	stream.indirect_vreg.gather [hbm4b:s17+s6], $0x80, v35, vm0, $0xb8;
	[tilespmem:$0x1D400] =	vst v63  }
0x154: {  	s13 =	sshll.u32 s12, $0xD;
	s7 =	sshll.u32 s11, $0xA  }
0x155: {  	s8 =	sor.u32 $0x8, s12;
	s9 =	sor.u32 $0x18C00, s13;
	s7 =	sadd.s32 s3, s7  }
0x156: {  	[tilespmem:s9], [sflag:s8] =	stream.linear.gather [hbm4b:s7+s6], $0x2000, $0x38;
	[tilespmem:$0x1D400] =	vst v63  }
.LBB2_4:
0x157: {  	s7 =	smul.u32 $0xAB, s31;
	_ =	sdelay $0x1  }
0x158: {  	s7 =	sshrl.u32 s7, $0x9  }
0x159: {  	s7 =	sand.u32 $0x7F, s7  }
0x15a: {  	s7 =	smul.u32 $0x3, s7;
	_ =	sdelay $0x1  }
0x15b: {  	s7 =	ssub.s32 s31, s7  }
0x15c: {  	s8 =	sand.u32 $0xFF, s7  }
0x15d: {  	s7 =	sadd.s32 $0x2, s8  }
0x15e: {  	_ =	swait.ge [sflag:s7], $0x8000  }
0x15f: {  	s9 =	sand.u32 $0x1, s31;
	[sflag:s7] =	ssyncset.done $0x0  }
0x160: {  	s11 =	sor.u32 $0x8, s9;
	[sflag:s7] =	ssyncadd.s32 $0xFFFF8000  }
0x161: {  	s10 =	sshll.u32 s31, $0x3;
	s13 =	sshll.u32 s9, $0xD;
	_ =	swait.ge [sflag:s11], $0x2000  }
0x162: {  	s12 =	sor.u32 $0x18C00, s13;
	s7 =	sshll.u32 s8, $0xF;
	[sflag:s11] =	ssyncset.done $0x0  }
0x163: {  	v35 =	vmov s12;
	s9 =	sor.u32 $0xC00, s7;
	[sflag:s11] =	ssyncadd.s32 $0xFFFFE000;
	s11 =	simm.s32 $0x0  }
.LBB2_5:
0x164: {  	v42 =	vld [tilespmem:$0x1CC00]  }
0x165: {  	v43 =	vld [tilespmem:$0x1CC10]  }
0x166: {  	v44 =	vld [tilespmem:$0x1CC20]  }
0x167: {  	v45 =	vld [tilespmem:$0x1CC30]  }
0x168: {  	s12 =	sadd.s32 s10, s11;
	v47 =	vld [tilespmem:$0x1CC80]  }
0x169: {  	v49 =	vld [tilespmem:$0x1CC90];
	v36 =	vmov s12  }
0x16a: {  	v50 =	vld [tilespmem:$0x1CCA0]  }
0x16b: {  	s13 =	sshll.u32 s11, $0x7;
	v51 =	vld [tilespmem:$0x1CCB0]  }
0x16c: {  	v38 =	vld.idx.msk [tilespmem:v35+s13+$0x0 ss:$0x1], $0xffff  }
0x16d: {  	v39 =	vld.idx.msk [tilespmem:v35+s13+$0x10 ss:$0x1], $0xffff;
	v46 =	vor.u32 $0x80, v36  }
0x16e: {  	v48 =	vor.u32 $0x100, v36;
	v37 =	vld.idx.msk [tilespmem:v36+s25+$0x0], $0xffff  }
0x16f: {  	v40 =	vld.idx.msk [tilespmem:v35+s13+$0x20 ss:$0x1], $0xffff;
	v36 =	vor.u32 $0x180, v36  }
0x170: {  	v41 =	vld.idx.msk [tilespmem:v35+s13+$0x30 ss:$0x1], $0xffff;
	_ =	sdelay $0x1  }
0x171: {  	v42 =	vadd.f32 v42, v38;
	v38 =	vadd.f32 v47, v38;
	v46 =	vld.idx.msk [tilespmem:v46+s25+$0x0], $0xffff  }
0x172: {  	v60 =	vadd.f32 v43, v39;
	v39 =	vadd.f32 v49, v39;
	v61 =	vld.idx.msk [tilespmem:v48+s25+$0x0], $0xffff;
	vm1 =	veq.s32 v37, $0x1  }
0x173: {  	s12 =	sadd.s32 s13, s9;
	v44 =	vadd.f32 v44, v40;
	v40 =	vadd.f32 v50, v40;
	v36 =	vld.idx.msk [tilespmem:v36+s25+$0x0], $0xffff;
	v47 =	vsel vm1, v38, v42  }
0x174: {  	v45 =	vadd.f32 v45, v41;
	v41 =	vadd.f32 v51, v41;
	v62 =	vsel vm1, v39, v60;
	[tilespmem:s12+$0x0] =	vst.add.f32.msk $0xffff, v47  }
0x175: {  	v63 =	vsel vm1, v40, v44;
	[tilespmem:s12+$0x10] =	vst.add.f32.msk $0xffff, v62  }
0x176: {  	vm2 =	veq.s32 v46, $0x1;
	v48 =	vsel vm1, v41, v45;
	[tilespmem:s12+$0x20] =	vst.add.f32.msk $0xffff, v63  }
0x177: {  	[tilespmem:s12+$0x30] =	vst.add.f32.msk $0xffff, v48;
	v49 =	vsel vm2, v38, v42  }
0x178: {  	v50 =	vsel vm2, v39, v60;
	[tilespmem:s12+$0x2000] =	vst.add.f32.msk $0xffff, v49  }
0x179: {  	v51 =	vsel vm2, v40, v44;
	[tilespmem:s12+$0x2010] =	vst.add.f32.msk $0xffff, v50  }
0x17a: {  	vm3 =	veq.s32 v61, $0x1;
	v52 =	vsel vm2, v41, v45;
	[tilespmem:s12+$0x2020] =	vst.add.f32.msk $0xffff, v51  }
0x17b: {  	v53 =	vsel vm3, v38, v42;
	[tilespmem:s12+$0x2030] =	vst.add.f32.msk $0xffff, v52  }
0x17c: {  	v54 =	vsel vm3, v39, v60;
	[tilespmem:s12+$0x4000] =	vst.add.f32.msk $0xffff, v53  }
0x17d: {  	v55 =	vsel vm3, v40, v44;
	[tilespmem:s12+$0x4010] =	vst.add.f32.msk $0xffff, v54  }
0x17e: {  	v56 =	vsel vm3, v41, v45;
	[tilespmem:s12+$0x4020] =	vst.add.f32.msk $0xffff, v55;
	vm4 =	veq.s32 v36, $0x1  }
0x17f: {  	[tilespmem:s12+$0x4030] =	vst.add.f32.msk $0xffff, v56;
	v57 =	vsel vm4, v38, v42  }
0x180: {  	v58 =	vsel vm4, v39, v60;
	[tilespmem:s12+$0x6000] =	vst.add.f32.msk $0xffff, v57  }
0x181: {  	v59 =	vsel vm4, v40, v44;
	[tilespmem:s12+$0x6010] =	vst.add.f32.msk $0xffff, v58  }
0x182: {  	v60 =	vsel vm4, v41, v45;
	[tilespmem:s12+$0x6020] =	vst.add.f32.msk $0xffff, v59  }
0x183: {  	[tilespmem:s12+$0x6030] =	vst.add.f32.msk $0xffff, v60  }
0x184: {  	v36 =	vld.idx.msk [tilespmem:v35+s13+$0x40 ss:$0x1], $0xffff  }
0x185: {  	v61 =	vld.idx.msk [tilespmem:v35+s13+$0x50 ss:$0x1], $0xffff  }
0x186: {  	v62 =	vld.idx.msk [tilespmem:v35+s13+$0x60 ss:$0x1], $0xffff  }
0x187: {  	v63 =	vld.idx.msk [tilespmem:v35+s13+$0x70 ss:$0x1], $0xffff  }
0x188: {  	v48 =	vld [tilespmem:$0x1CC40]  }
0x189: {  	v49 =	vld [tilespmem:$0x1CC50]  }
0x18a: {  	v50 =	vld [tilespmem:$0x1CC60]  }
0x18b: {  	v43 =	vld [tilespmem:$0x1CC70]  }
0x18c: {  	v51 =	vld [tilespmem:$0x1CCC0]  }
0x18d: {  	v52 =	vld [tilespmem:$0x1CCD0]  }
0x18e: {  	v46 =	vld [tilespmem:$0x1CCE0]  }
0x18f: {  	v47 =	vld [tilespmem:$0x1CCF0];
	_ =	sdelay $0x1  }
0x190: {  	v40 =	vadd.f32 v48, v36;
	v36 =	vadd.f32 v51, v36  }
0x191: {  	v41 =	vadd.f32 v49, v61;
	v37 =	vadd.f32 v52, v61  }
0x192: {  	v42 =	vadd.f32 v50, v62;
	v38 =	vadd.f32 v46, v62;
	v44 =	vsel vm1, v36, v40  }
0x193: {  	v43 =	vadd.f32 v43, v63;
	v39 =	vadd.f32 v47, v63;
	v53 =	vsel vm1, v37, v41;
	[tilespmem:s12+$0x40] =	vst.add.f32.msk $0xffff, v44  }
0x194: {  	v54 =	vsel vm1, v38, v42;
	[tilespmem:s12+$0x50] =	vst.add.f32.msk $0xffff, v53  }
0x195: {  	v55 =	vsel vm1, v39, v43;
	[tilespmem:s12+$0x60] =	vst.add.f32.msk $0xffff, v54  }
0x196: {  	v56 =	vsel vm2, v36, v40;
	[tilespmem:s12+$0x70] =	vst.add.f32.msk $0xffff, v55  }
0x197: {  	v57 =	vsel vm2, v37, v41;
	[tilespmem:s12+$0x2040] =	vst.add.f32.msk $0xffff, v56  }
0x198: {  	v58 =	vsel vm2, v38, v42;
	[tilespmem:s12+$0x2050] =	vst.add.f32.msk $0xffff, v57  }
0x199: {  	v59 =	vsel vm2, v39, v43;
	[tilespmem:s12+$0x2060] =	vst.add.f32.msk $0xffff, v58  }
0x19a: {  	v60 =	vsel vm3, v36, v40;
	[tilespmem:s12+$0x2070] =	vst.add.f32.msk $0xffff, v59  }
0x19b: {  	v61 =	vsel vm3, v37, v41;
	[tilespmem:s12+$0x4040] =	vst.add.f32.msk $0xffff, v60  }
0x19c: {  	v62 =	vsel vm3, v38, v42;
	[tilespmem:s12+$0x4050] =	vst.add.f32.msk $0xffff, v61  }
0x19d: {  	v63 =	vsel vm3, v39, v43;
	[tilespmem:s12+$0x4060] =	vst.add.f32.msk $0xffff, v62  }
0x19e: {  	v36 =	vsel vm4, v36, v40;
	[tilespmem:s12+$0x4070] =	vst.add.f32.msk $0xffff, v63  }
0x19f: {  	v48 =	vsel vm4, v37, v41;
	[tilespmem:s12+$0x6040] =	vst.add.f32.msk $0xffff, v36  }
0x1a0: {  	v49 =	vsel vm4, v38, v42;
	[tilespmem:s12+$0x6050] =	vst.add.f32.msk $0xffff, v48  }
0x1a1: {  	v50 =	vsel vm4, v39, v43;
	[tilespmem:s12+$0x6060] =	vst.add.f32.msk $0xffff, v49  }
0x1a2: {  	[tilespmem:s12+$0x6070] =	vst.add.f32.msk $0xffff, v50  }
0x1a3: {  	v36 =	vld.idx.msk [tilespmem:v35+s13+$0x400 ss:$0x1], $0xffff  }
0x1a4: {  	v51 =	vld.idx.msk [tilespmem:v35+s13+$0x410 ss:$0x1], $0xffff  }
0x1a5: {  	v52 =	vld.idx.msk [tilespmem:v35+s13+$0x420 ss:$0x1], $0xffff  }
0x1a6: {  	v53 =	vld.idx.msk [tilespmem:v35+s13+$0x430 ss:$0x1], $0xffff  }
0x1a7: {  	v54 =	vld [tilespmem:$0x1CD00]  }
0x1a8: {  	v55 =	vld [tilespmem:$0x1CD10]  }
0x1a9: {  	v56 =	vld [tilespmem:$0x1CD20]  }
0x1aa: {  	v57 =	vld [tilespmem:$0x1CD30]  }
0x1ab: {  	v44 =	vld [tilespmem:$0x1CD80]  }
0x1ac: {  	v58 =	vld [tilespmem:$0x1CD90]  }
0x1ad: {  	v59 =	vld [tilespmem:$0x1CDA0]  }
0x1ae: {  	v60 =	vld [tilespmem:$0x1CDB0];
	_ =	sdelay $0x1  }
0x1af: {  	v40 =	vadd.f32 v54, v36;
	v36 =	vadd.f32 v44, v36  }
0x1b0: {  	v41 =	vadd.f32 v55, v51;
	v37 =	vadd.f32 v58, v51  }
0x1b1: {  	v42 =	vadd.f32 v56, v52;
	v38 =	vadd.f32 v59, v52;
	v44 =	vsel vm1, v36, v40  }
0x1b2: {  	v43 =	vadd.f32 v57, v53;
	v39 =	vadd.f32 v60, v53;
	v61 =	vsel vm1, v37, v41;
	[tilespmem:s12+$0x400] =	vst.add.f32.msk $0xffff, v44  }
0x1b3: {  	v62 =	vsel vm1, v38, v42;
	[tilespmem:s12+$0x410] =	vst.add.f32.msk $0xffff, v61  }
0x1b4: {  	v63 =	vsel vm1, v39, v43;
	[tilespmem:s12+$0x420] =	vst.add.f32.msk $0xffff, v62  }
0x1b5: {  	v48 =	vsel vm2, v36, v40;
	[tilespmem:s12+$0x430] =	vst.add.f32.msk $0xffff, v63  }
0x1b6: {  	v49 =	vsel vm2, v37, v41;
	[tilespmem:s12+$0x2400] =	vst.add.f32.msk $0xffff, v48  }
0x1b7: {  	v50 =	vsel vm2, v38, v42;
	[tilespmem:s12+$0x2410] =	vst.add.f32.msk $0xffff, v49  }
0x1b8: {  	v51 =	vsel vm2, v39, v43;
	[tilespmem:s12+$0x2420] =	vst.add.f32.msk $0xffff, v50  }
0x1b9: {  	v52 =	vsel vm3, v36, v40;
	[tilespmem:s12+$0x2430] =	vst.add.f32.msk $0xffff, v51  }
0x1ba: {  	v53 =	vsel vm3, v37, v41;
	[tilespmem:s12+$0x4400] =	vst.add.f32.msk $0xffff, v52  }
0x1bb: {  	v54 =	vsel vm3, v38, v42;
	[tilespmem:s12+$0x4410] =	vst.add.f32.msk $0xffff, v53  }
0x1bc: {  	v55 =	vsel vm3, v39, v43;
	[tilespmem:s12+$0x4420] =	vst.add.f32.msk $0xffff, v54  }
0x1bd: {  	v36 =	vsel vm4, v36, v40;
	[tilespmem:s12+$0x4430] =	vst.add.f32.msk $0xffff, v55  }
0x1be: {  	v56 =	vsel vm4, v37, v41;
	[tilespmem:s12+$0x6400] =	vst.add.f32.msk $0xffff, v36  }
0x1bf: {  	v57 =	vsel vm4, v38, v42;
	[tilespmem:s12+$0x6410] =	vst.add.f32.msk $0xffff, v56  }
0x1c0: {  	v58 =	vsel vm4, v39, v43;
	[tilespmem:s12+$0x6420] =	vst.add.f32.msk $0xffff, v57  }
0x1c1: {  	[tilespmem:s12+$0x6430] =	vst.add.f32.msk $0xffff, v58  }
0x1c2: {  	v36 =	vld.idx.msk [tilespmem:v35+s13+$0x440 ss:$0x1], $0xffff  }
0x1c3: {  	v59 =	vld.idx.msk [tilespmem:v35+s13+$0x450 ss:$0x1], $0xffff  }
0x1c4: {  	v60 =	vld.idx.msk [tilespmem:v35+s13+$0x460 ss:$0x1], $0xffff  }
0x1c5: {  	v61 =	vld.idx.msk [tilespmem:v35+s13+$0x470 ss:$0x1], $0xffff  }
0x1c6: {  	v62 =	vld [tilespmem:$0x1CD40]  }
0x1c7: {  	v63 =	vld [tilespmem:$0x1CD50]  }
0x1c8: {  	v48 =	vld [tilespmem:$0x1CD60]  }
0x1c9: {  	v49 =	vld [tilespmem:$0x1CD70]  }
0x1ca: {  	v44 =	vld [tilespmem:$0x1CDC0]  }
0x1cb: {  	v50 =	vld [tilespmem:$0x1CDD0]  }
0x1cc: {  	v51 =	vld [tilespmem:$0x1CDE0]  }
0x1cd: {  	v52 =	vld [tilespmem:$0x1CDF0];
	_ =	sdelay $0x1  }
0x1ce: {  	v40 =	vadd.f32 v62, v36;
	v36 =	vadd.f32 v44, v36  }
0x1cf: {  	v41 =	vadd.f32 v63, v59;
	v37 =	vadd.f32 v50, v59  }
0x1d0: {  	v42 =	vadd.f32 v48, v60;
	v38 =	vadd.f32 v51, v60;
	v44 =	vsel vm1, v36, v40  }
0x1d1: {  	v43 =	vadd.f32 v49, v61;
	v39 =	vadd.f32 v52, v61;
	v53 =	vsel vm1, v37, v41;
	[tilespmem:s12+$0x440] =	vst.add.f32.msk $0xffff, v44  }
0x1d2: {  	v54 =	vsel vm1, v38, v42;
	[tilespmem:s12+$0x450] =	vst.add.f32.msk $0xffff, v53  }
0x1d3: {  	v55 =	vsel vm1, v39, v43;
	[tilespmem:s12+$0x460] =	vst.add.f32.msk $0xffff, v54  }
0x1d4: {  	v56 =	vsel vm2, v36, v40;
	[tilespmem:s12+$0x470] =	vst.add.f32.msk $0xffff, v55  }
0x1d5: {  	v57 =	vsel vm2, v37, v41;
	[tilespmem:s12+$0x2440] =	vst.add.f32.msk $0xffff, v56  }
0x1d6: {  	v58 =	vsel vm2, v38, v42;
	[tilespmem:s12+$0x2450] =	vst.add.f32.msk $0xffff, v57  }
0x1d7: {  	v59 =	vsel vm2, v39, v43;
	[tilespmem:s12+$0x2460] =	vst.add.f32.msk $0xffff, v58  }
0x1d8: {  	v60 =	vsel vm3, v36, v40;
	[tilespmem:s12+$0x2470] =	vst.add.f32.msk $0xffff, v59  }
0x1d9: {  	v61 =	vsel vm3, v37, v41;
	[tilespmem:s12+$0x4440] =	vst.add.f32.msk $0xffff, v60  }
0x1da: {  	v62 =	vsel vm3, v38, v42;
	[tilespmem:s12+$0x4450] =	vst.add.f32.msk $0xffff, v61  }
0x1db: {  	v63 =	vsel vm3, v39, v43;
	[tilespmem:s12+$0x4460] =	vst.add.f32.msk $0xffff, v62  }
0x1dc: {  	v36 =	vsel vm4, v36, v40;
	[tilespmem:s12+$0x4470] =	vst.add.f32.msk $0xffff, v63  }
0x1dd: {  	v48 =	vsel vm4, v37, v41;
	[tilespmem:s12+$0x6440] =	vst.add.f32.msk $0xffff, v36  }
0x1de: {  	v49 =	vsel vm4, v38, v42;
	[tilespmem:s12+$0x6450] =	vst.add.f32.msk $0xffff, v48  }
0x1df: {  	v50 =	vsel vm4, v39, v43;
	[tilespmem:s12+$0x6460] =	vst.add.f32.msk $0xffff, v49  }
0x1e0: {  	[tilespmem:s12+$0x6470] =	vst.add.f32.msk $0xffff, v50  }
0x1e1: {  	v36 =	vld.idx.msk [tilespmem:v35+s13+$0x800 ss:$0x1], $0xffff  }
0x1e2: {  	v51 =	vld.idx.msk [tilespmem:v35+s13+$0x810 ss:$0x1], $0xffff  }
0x1e3: {  	v52 =	vld.idx.msk [tilespmem:v35+s13+$0x820 ss:$0x1], $0xffff  }
0x1e4: {  	v53 =	vld.idx.msk [tilespmem:v35+s13+$0x830 ss:$0x1], $0xffff  }
0x1e5: {  	v54 =	vld [tilespmem:$0x1CE00]  }
0x1e6: {  	v55 =	vld [tilespmem:$0x1CE10]  }
0x1e7: {  	v56 =	vld [tilespmem:$0x1CE20]  }
0x1e8: {  	v57 =	vld [tilespmem:$0x1CE30]  }
0x1e9: {  	v44 =	vld [tilespmem:$0x1CE80]  }
0x1ea: {  	v58 =	vld [tilespmem:$0x1CE90]  }
0x1eb: {  	v59 =	vld [tilespmem:$0x1CEA0]  }
0x1ec: {  	v60 =	vld [tilespmem:$0x1CEB0];
	_ =	sdelay $0x1  }
0x1ed: {  	v40 =	vadd.f32 v54, v36;
	v36 =	vadd.f32 v44, v36  }
0x1ee: {  	v41 =	vadd.f32 v55, v51;
	v37 =	vadd.f32 v58, v51  }
0x1ef: {  	v42 =	vadd.f32 v56, v52;
	v38 =	vadd.f32 v59, v52;
	v44 =	vsel vm1, v36, v40  }
0x1f0: {  	v43 =	vadd.f32 v57, v53;
	v39 =	vadd.f32 v60, v53;
	v61 =	vsel vm1, v37, v41;
	[tilespmem:s12+$0x800] =	vst.add.f32.msk $0xffff, v44  }
0x1f1: {  	v62 =	vsel vm1, v38, v42;
	[tilespmem:s12+$0x810] =	vst.add.f32.msk $0xffff, v61  }
0x1f2: {  	v63 =	vsel vm1, v39, v43;
	[tilespmem:s12+$0x820] =	vst.add.f32.msk $0xffff, v62  }
0x1f3: {  	v48 =	vsel vm2, v36, v40;
	[tilespmem:s12+$0x830] =	vst.add.f32.msk $0xffff, v63  }
0x1f4: {  	v49 =	vsel vm2, v37, v41;
	[tilespmem:s12+$0x2800] =	vst.add.f32.msk $0xffff, v48  }
0x1f5: {  	v50 =	vsel vm2, v38, v42;
	[tilespmem:s12+$0x2810] =	vst.add.f32.msk $0xffff, v49  }
0x1f6: {  	v51 =	vsel vm2, v39, v43;
	[tilespmem:s12+$0x2820] =	vst.add.f32.msk $0xffff, v50  }
0x1f7: {  	v52 =	vsel vm3, v36, v40;
	[tilespmem:s12+$0x2830] =	vst.add.f32.msk $0xffff, v51  }
0x1f8: {  	v53 =	vsel vm3, v37, v41;
	[tilespmem:s12+$0x4800] =	vst.add.f32.msk $0xffff, v52  }
0x1f9: {  	v54 =	vsel vm3, v38, v42;
	[tilespmem:s12+$0x4810] =	vst.add.f32.msk $0xffff, v53  }
0x1fa: {  	v55 =	vsel vm3, v39, v43;
	[tilespmem:s12+$0x4820] =	vst.add.f32.msk $0xffff, v54  }
0x1fb: {  	v36 =	vsel vm4, v36, v40;
	[tilespmem:s12+$0x4830] =	vst.add.f32.msk $0xffff, v55  }
0x1fc: {  	v56 =	vsel vm4, v37, v41;
	[tilespmem:s12+$0x6800] =	vst.add.f32.msk $0xffff, v36  }
0x1fd: {  	v57 =	vsel vm4, v38, v42;
	[tilespmem:s12+$0x6810] =	vst.add.f32.msk $0xffff, v56  }
0x1fe: {  	v58 =	vsel vm4, v39, v43;
	[tilespmem:s12+$0x6820] =	vst.add.f32.msk $0xffff, v57  }
0x1ff: {  	[tilespmem:s12+$0x6830] =	vst.add.f32.msk $0xffff, v58  }
0x200: {  	v36 =	vld.idx.msk [tilespmem:v35+s13+$0x840 ss:$0x1], $0xffff  }
0x201: {  	v59 =	vld.idx.msk [tilespmem:v35+s13+$0x850 ss:$0x1], $0xffff  }
0x202: {  	v60 =	vld.idx.msk [tilespmem:v35+s13+$0x860 ss:$0x1], $0xffff  }
0x203: {  	v61 =	vld.idx.msk [tilespmem:v35+s13+$0x870 ss:$0x1], $0xffff  }
0x204: {  	v62 =	vld [tilespmem:$0x1CE40]  }
0x205: {  	v63 =	vld [tilespmem:$0x1CE50]  }
0x206: {  	v48 =	vld [tilespmem:$0x1CE60]  }
0x207: {  	v49 =	vld [tilespmem:$0x1CE70]  }
0x208: {  	v44 =	vld [tilespmem:$0x1CEC0]  }
0x209: {  	v50 =	vld [tilespmem:$0x1CED0]  }
0x20a: {  	v51 =	vld [tilespmem:$0x1CEE0]  }
0x20b: {  	v52 =	vld [tilespmem:$0x1CEF0];
	_ =	sdelay $0x1  }
0x20c: {  	v40 =	vadd.f32 v62, v36;
	v36 =	vadd.f32 v44, v36  }
0x20d: {  	v41 =	vadd.f32 v63, v59;
	v37 =	vadd.f32 v50, v59  }
0x20e: {  	v42 =	vadd.f32 v48, v60;
	v38 =	vadd.f32 v51, v60;
	v44 =	vsel vm1, v36, v40  }
0x20f: {  	v43 =	vadd.f32 v49, v61;
	v39 =	vadd.f32 v52, v61;
	v53 =	vsel vm1, v37, v41;
	[tilespmem:s12+$0x840] =	vst.add.f32.msk $0xffff, v44  }
0x210: {  	v54 =	vsel vm1, v38, v42;
	[tilespmem:s12+$0x850] =	vst.add.f32.msk $0xffff, v53  }
0x211: {  	v55 =	vsel vm1, v39, v43;
	[tilespmem:s12+$0x860] =	vst.add.f32.msk $0xffff, v54  }
0x212: {  	v56 =	vsel vm2, v36, v40;
	[tilespmem:s12+$0x870] =	vst.add.f32.msk $0xffff, v55  }
0x213: {  	v57 =	vsel vm2, v37, v41;
	[tilespmem:s12+$0x2840] =	vst.add.f32.msk $0xffff, v56  }
0x214: {  	v58 =	vsel vm2, v38, v42;
	[tilespmem:s12+$0x2850] =	vst.add.f32.msk $0xffff, v57  }
0x215: {  	v59 =	vsel vm2, v39, v43;
	[tilespmem:s12+$0x2860] =	vst.add.f32.msk $0xffff, v58  }
0x216: {  	v60 =	vsel vm3, v36, v40;
	[tilespmem:s12+$0x2870] =	vst.add.f32.msk $0xffff, v59  }
0x217: {  	v61 =	vsel vm3, v37, v41;
	[tilespmem:s12+$0x4840] =	vst.add.f32.msk $0xffff, v60  }
0x218: {  	v62 =	vsel vm3, v38, v42;
	[tilespmem:s12+$0x4850] =	vst.add.f32.msk $0xffff, v61  }
0x219: {  	v63 =	vsel vm3, v39, v43;
	[tilespmem:s12+$0x4860] =	vst.add.f32.msk $0xffff, v62  }
0x21a: {  	v36 =	vsel vm4, v36, v40;
	[tilespmem:s12+$0x4870] =	vst.add.f32.msk $0xffff, v63  }
0x21b: {  	v48 =	vsel vm4, v37, v41;
	[tilespmem:s12+$0x6840] =	vst.add.f32.msk $0xffff, v36  }
0x21c: {  	v49 =	vsel vm4, v38, v42;
	[tilespmem:s12+$0x6850] =	vst.add.f32.msk $0xffff, v48  }
0x21d: {  	v50 =	vsel vm4, v39, v43;
	[tilespmem:s12+$0x6860] =	vst.add.f32.msk $0xffff, v49  }
0x21e: {  	[tilespmem:s12+$0x6870] =	vst.add.f32.msk $0xffff, v50  }
0x21f: {  	v36 =	vld.idx.msk [tilespmem:v35+s13+$0xC00 ss:$0x1], $0xffff  }
0x220: {  	v51 =	vld.idx.msk [tilespmem:v35+s13+$0xC10 ss:$0x1], $0xffff  }
0x221: {  	v52 =	vld.idx.msk [tilespmem:v35+s13+$0xC20 ss:$0x1], $0xffff  }
0x222: {  	v53 =	vld.idx.msk [tilespmem:v35+s13+$0xC30 ss:$0x1], $0xffff  }
0x223: {  	v54 =	vld [tilespmem:$0x1CF00]  }
0x224: {  	v55 =	vld [tilespmem:$0x1CF10]  }
0x225: {  	v56 =	vld [tilespmem:$0x1CF20]  }
0x226: {  	v57 =	vld [tilespmem:$0x1CF30]  }
0x227: {  	v44 =	vld [tilespmem:$0x1CF80]  }
0x228: {  	v58 =	vld [tilespmem:$0x1CF90]  }
0x229: {  	v59 =	vld [tilespmem:$0x1CFA0]  }
0x22a: {  	v60 =	vld [tilespmem:$0x1CFB0];
	_ =	sdelay $0x1  }
0x22b: {  	v40 =	vadd.f32 v54, v36;
	v36 =	vadd.f32 v44, v36  }
0x22c: {  	v41 =	vadd.f32 v55, v51;
	v37 =	vadd.f32 v58, v51  }
0x22d: {  	v42 =	vadd.f32 v56, v52;
	v38 =	vadd.f32 v59, v52;
	v44 =	vsel vm1, v36, v40  }
0x22e: {  	v43 =	vadd.f32 v57, v53;
	v39 =	vadd.f32 v60, v53;
	v61 =	vsel vm1, v37, v41;
	[tilespmem:s12+$0xC00] =	vst.add.f32.msk $0xffff, v44  }
0x22f: {  	v62 =	vsel vm1, v38, v42;
	[tilespmem:s12+$0xC10] =	vst.add.f32.msk $0xffff, v61  }
0x230: {  	v63 =	vsel vm1, v39, v43;
	[tilespmem:s12+$0xC20] =	vst.add.f32.msk $0xffff, v62  }
0x231: {  	v48 =	vsel vm2, v36, v40;
	[tilespmem:s12+$0xC30] =	vst.add.f32.msk $0xffff, v63  }
0x232: {  	v49 =	vsel vm2, v37, v41;
	[tilespmem:s12+$0x2C00] =	vst.add.f32.msk $0xffff, v48  }
0x233: {  	v50 =	vsel vm2, v38, v42;
	[tilespmem:s12+$0x2C10] =	vst.add.f32.msk $0xffff, v49  }
0x234: {  	v51 =	vsel vm2, v39, v43;
	[tilespmem:s12+$0x2C20] =	vst.add.f32.msk $0xffff, v50  }
0x235: {  	v52 =	vsel vm3, v36, v40;
	[tilespmem:s12+$0x2C30] =	vst.add.f32.msk $0xffff, v51  }
0x236: {  	v53 =	vsel vm3, v37, v41;
	[tilespmem:s12+$0x4C00] =	vst.add.f32.msk $0xffff, v52  }
0x237: {  	v54 =	vsel vm3, v38, v42;
	[tilespmem:s12+$0x4C10] =	vst.add.f32.msk $0xffff, v53  }
0x238: {  	v55 =	vsel vm3, v39, v43;
	[tilespmem:s12+$0x4C20] =	vst.add.f32.msk $0xffff, v54  }
0x239: {  	v36 =	vsel vm4, v36, v40;
	[tilespmem:s12+$0x4C30] =	vst.add.f32.msk $0xffff, v55  }
0x23a: {  	v56 =	vsel vm4, v37, v41;
	[tilespmem:s12+$0x6C00] =	vst.add.f32.msk $0xffff, v36  }
0x23b: {  	v57 =	vsel vm4, v38, v42;
	[tilespmem:s12+$0x6C10] =	vst.add.f32.msk $0xffff, v56  }
0x23c: {  	v58 =	vsel vm4, v39, v43;
	[tilespmem:s12+$0x6C20] =	vst.add.f32.msk $0xffff, v57  }
0x23d: {  	[tilespmem:s12+$0x6C30] =	vst.add.f32.msk $0xffff, v58  }
0x23e: {  	v36 =	vld.idx.msk [tilespmem:v35+s13+$0xC40 ss:$0x1], $0xffff  }
0x23f: {  	v59 =	vld.idx.msk [tilespmem:v35+s13+$0xC50 ss:$0x1], $0xffff  }
0x240: {  	v60 =	vld.idx.msk [tilespmem:v35+s13+$0xC60 ss:$0x1], $0xffff  }
0x241: {  	v61 =	vld.idx.msk [tilespmem:v35+s13+$0xC70 ss:$0x1], $0xffff  }
0x242: {  	v62 =	vld [tilespmem:$0x1CF40]  }
0x243: {  	v63 =	vld [tilespmem:$0x1CF50]  }
0x244: {  	v48 =	vld [tilespmem:$0x1CF60]  }
0x245: {  	v49 =	vld [tilespmem:$0x1CF70]  }
0x246: {  	v44 =	vld [tilespmem:$0x1CFC0]  }
0x247: {  	v50 =	vld [tilespmem:$0x1CFD0]  }
0x248: {  	v51 =	vld [tilespmem:$0x1CFE0]  }
0x249: {  	v52 =	vld [tilespmem:$0x1CFF0];
	_ =	sdelay $0x1  }
0x24a: {  	v40 =	vadd.f32 v62, v36;
	v36 =	vadd.f32 v44, v36  }
0x24b: {  	v41 =	vadd.f32 v63, v59;
	v37 =	vadd.f32 v50, v59  }
0x24c: {  	v42 =	vadd.f32 v48, v60;
	v38 =	vadd.f32 v51, v60;
	v44 =	vsel vm1, v36, v40  }
0x24d: {  	v43 =	vadd.f32 v49, v61;
	v39 =	vadd.f32 v52, v61;
	v53 =	vsel vm1, v37, v41;
	[tilespmem:s12+$0xC40] =	vst.add.f32.msk $0xffff, v44  }
0x24e: {  	v54 =	vsel vm1, v38, v42;
	[tilespmem:s12+$0xC50] =	vst.add.f32.msk $0xffff, v53  }
0x24f: {  	v55 =	vsel vm1, v39, v43;
	[tilespmem:s12+$0xC60] =	vst.add.f32.msk $0xffff, v54  }
0x250: {  	v56 =	vsel vm2, v36, v40;
	[tilespmem:s12+$0xC70] =	vst.add.f32.msk $0xffff, v55  }
0x251: {  	v57 =	vsel vm2, v37, v41;
	[tilespmem:s12+$0x2C40] =	vst.add.f32.msk $0xffff, v56  }
0x252: {  	v58 =	vsel vm2, v38, v42;
	[tilespmem:s12+$0x2C50] =	vst.add.f32.msk $0xffff, v57  }
0x253: {  	v59 =	vsel vm2, v39, v43;
	[tilespmem:s12+$0x2C60] =	vst.add.f32.msk $0xffff, v58  }
0x254: {  	v60 =	vsel vm3, v36, v40;
	[tilespmem:s12+$0x2C70] =	vst.add.f32.msk $0xffff, v59  }
0x255: {  	v61 =	vsel vm3, v37, v41;
	[tilespmem:s12+$0x4C40] =	vst.add.f32.msk $0xffff, v60  }
0x256: {  	v62 =	vsel vm3, v38, v42;
	[tilespmem:s12+$0x4C50] =	vst.add.f32.msk $0xffff, v61  }
0x257: {  	v63 =	vsel vm3, v39, v43;
	[tilespmem:s12+$0x4C60] =	vst.add.f32.msk $0xffff, v62  }
0x258: {  	v36 =	vsel vm4, v36, v40;
	[tilespmem:s12+$0x4C70] =	vst.add.f32.msk $0xffff, v63  }
0x259: {  	v48 =	vsel vm4, v37, v41;
	[tilespmem:s12+$0x6C40] =	vst.add.f32.msk $0xffff, v36  }
0x25a: {  	v49 =	vsel vm4, v38, v42;
	[tilespmem:s12+$0x6C50] =	vst.add.f32.msk $0xffff, v48  }
0x25b: {  	v50 =	vsel vm4, v39, v43;
	[tilespmem:s12+$0x6C60] =	vst.add.f32.msk $0xffff, v49  }
0x25c: {  	[tilespmem:s12+$0x6C70] =	vst.add.f32.msk $0xffff, v50  }
0x25d: {  	v36 =	vld.idx.msk [tilespmem:v35+s13+$0x1000 ss:$0x1], $0xffff  }
0x25e: {  	v51 =	vld.idx.msk [tilespmem:v35+s13+$0x1010 ss:$0x1], $0xffff  }
0x25f: {  	v52 =	vld.idx.msk [tilespmem:v35+s13+$0x1020 ss:$0x1], $0xffff  }
0x260: {  	v53 =	vld.idx.msk [tilespmem:v35+s13+$0x1030 ss:$0x1], $0xffff  }
0x261: {  	v54 =	vld [tilespmem:$0x1D000]  }
0x262: {  	v55 =	vld [tilespmem:$0x1D010]  }
0x263: {  	v56 =	vld [tilespmem:$0x1D020]  }
0x264: {  	v57 =	vld [tilespmem:$0x1D030]  }
0x265: {  	v44 =	vld [tilespmem:$0x1D080]  }
0x266: {  	v58 =	vld [tilespmem:$0x1D090]  }
0x267: {  	v59 =	vld [tilespmem:$0x1D0A0]  }
0x268: {  	v60 =	vld [tilespmem:$0x1D0B0];
	_ =	sdelay $0x1  }
0x269: {  	v40 =	vadd.f32 v54, v36;
	v36 =	vadd.f32 v44, v36  }
0x26a: {  	v41 =	vadd.f32 v55, v51;
	v37 =	vadd.f32 v58, v51  }
0x26b: {  	v42 =	vadd.f32 v56, v52;
	v38 =	vadd.f32 v59, v52;
	v44 =	vsel vm1, v36, v40  }
0x26c: {  	v43 =	vadd.f32 v57, v53;
	v39 =	vadd.f32 v60, v53;
	v61 =	vsel vm1, v37, v41;
	[tilespmem:s12+$0x1000] =	vst.add.f32.msk $0xffff, v44  }
0x26d: {  	v62 =	vsel vm1, v38, v42;
	[tilespmem:s12+$0x1010] =	vst.add.f32.msk $0xffff, v61  }
0x26e: {  	v63 =	vsel vm1, v39, v43;
	[tilespmem:s12+$0x1020] =	vst.add.f32.msk $0xffff, v62  }
0x26f: {  	v48 =	vsel vm2, v36, v40;
	[tilespmem:s12+$0x1030] =	vst.add.f32.msk $0xffff, v63  }
0x270: {  	v49 =	vsel vm2, v37, v41;
	[tilespmem:s12+$0x3000] =	vst.add.f32.msk $0xffff, v48  }
0x271: {  	v50 =	vsel vm2, v38, v42;
	[tilespmem:s12+$0x3010] =	vst.add.f32.msk $0xffff, v49  }
0x272: {  	v51 =	vsel vm2, v39, v43;
	[tilespmem:s12+$0x3020] =	vst.add.f32.msk $0xffff, v50  }
0x273: {  	v52 =	vsel vm3, v36, v40;
	[tilespmem:s12+$0x3030] =	vst.add.f32.msk $0xffff, v51  }
0x274: {  	v53 =	vsel vm3, v37, v41;
	[tilespmem:s12+$0x5000] =	vst.add.f32.msk $0xffff, v52  }
0x275: {  	v54 =	vsel vm3, v38, v42;
	[tilespmem:s12+$0x5010] =	vst.add.f32.msk $0xffff, v53  }
0x276: {  	v55 =	vsel vm3, v39, v43;
	[tilespmem:s12+$0x5020] =	vst.add.f32.msk $0xffff, v54  }
0x277: {  	v36 =	vsel vm4, v36, v40;
	[tilespmem:s12+$0x5030] =	vst.add.f32.msk $0xffff, v55  }
0x278: {  	v56 =	vsel vm4, v37, v41;
	[tilespmem:s12+$0x7000] =	vst.add.f32.msk $0xffff, v36  }
0x279: {  	v57 =	vsel vm4, v38, v42;
	[tilespmem:s12+$0x7010] =	vst.add.f32.msk $0xffff, v56  }
0x27a: {  	v58 =	vsel vm4, v39, v43;
	[tilespmem:s12+$0x7020] =	vst.add.f32.msk $0xffff, v57  }
0x27b: {  	[tilespmem:s12+$0x7030] =	vst.add.f32.msk $0xffff, v58  }
0x27c: {  	v36 =	vld.idx.msk [tilespmem:v35+s13+$0x1040 ss:$0x1], $0xffff  }
0x27d: {  	v59 =	vld.idx.msk [tilespmem:v35+s13+$0x1050 ss:$0x1], $0xffff  }
0x27e: {  	v60 =	vld.idx.msk [tilespmem:v35+s13+$0x1060 ss:$0x1], $0xffff  }
0x27f: {  	v61 =	vld.idx.msk [tilespmem:v35+s13+$0x1070 ss:$0x1], $0xffff  }
0x280: {  	v62 =	vld [tilespmem:$0x1D040]  }
0x281: {  	v63 =	vld [tilespmem:$0x1D050]  }
0x282: {  	v48 =	vld [tilespmem:$0x1D060]  }
0x283: {  	v49 =	vld [tilespmem:$0x1D070]  }
0x284: {  	v44 =	vld [tilespmem:$0x1D0C0]  }
0x285: {  	v50 =	vld [tilespmem:$0x1D0D0]  }
0x286: {  	v51 =	vld [tilespmem:$0x1D0E0]  }
0x287: {  	v52 =	vld [tilespmem:$0x1D0F0];
	_ =	sdelay $0x1  }
0x288: {  	v40 =	vadd.f32 v62, v36;
	v36 =	vadd.f32 v44, v36  }
0x289: {  	v41 =	vadd.f32 v63, v59;
	v37 =	vadd.f32 v50, v59  }
0x28a: {  	v42 =	vadd.f32 v48, v60;
	v38 =	vadd.f32 v51, v60;
	v44 =	vsel vm1, v36, v40  }
0x28b: {  	v43 =	vadd.f32 v49, v61;
	v39 =	vadd.f32 v52, v61;
	v53 =	vsel vm1, v37, v41;
	[tilespmem:s12+$0x1040] =	vst.add.f32.msk $0xffff, v44  }
0x28c: {  	v54 =	vsel vm1, v38, v42;
	[tilespmem:s12+$0x1050] =	vst.add.f32.msk $0xffff, v53  }
0x28d: {  	v55 =	vsel vm1, v39, v43;
	[tilespmem:s12+$0x1060] =	vst.add.f32.msk $0xffff, v54  }
0x28e: {  	v56 =	vsel vm2, v36, v40;
	[tilespmem:s12+$0x1070] =	vst.add.f32.msk $0xffff, v55  }
0x28f: {  	v57 =	vsel vm2, v37, v41;
	[tilespmem:s12+$0x3040] =	vst.add.f32.msk $0xffff, v56  }
0x290: {  	v58 =	vsel vm2, v38, v42;
	[tilespmem:s12+$0x3050] =	vst.add.f32.msk $0xffff, v57  }
0x291: {  	v59 =	vsel vm2, v39, v43;
	[tilespmem:s12+$0x3060] =	vst.add.f32.msk $0xffff, v58  }
0x292: {  	v60 =	vsel vm3, v36, v40;
	[tilespmem:s12+$0x3070] =	vst.add.f32.msk $0xffff, v59  }
0x293: {  	v61 =	vsel vm3, v37, v41;
	[tilespmem:s12+$0x5040] =	vst.add.f32.msk $0xffff, v60  }
0x294: {  	v62 =	vsel vm3, v38, v42;
	[tilespmem:s12+$0x5050] =	vst.add.f32.msk $0xffff, v61  }
0x295: {  	v63 =	vsel vm3, v39, v43;
	[tilespmem:s12+$0x5060] =	vst.add.f32.msk $0xffff, v62  }
0x296: {  	v36 =	vsel vm4, v36, v40;
	[tilespmem:s12+$0x5070] =	vst.add.f32.msk $0xffff, v63  }
0x297: {  	v48 =	vsel vm4, v37, v41;
	[tilespmem:s12+$0x7040] =	vst.add.f32.msk $0xffff, v36  }
0x298: {  	v49 =	vsel vm4, v38, v42;
	[tilespmem:s12+$0x7050] =	vst.add.f32.msk $0xffff, v48  }
0x299: {  	v50 =	vsel vm4, v39, v43;
	[tilespmem:s12+$0x7060] =	vst.add.f32.msk $0xffff, v49  }
0x29a: {  	[tilespmem:s12+$0x7070] =	vst.add.f32.msk $0xffff, v50  }
0x29b: {  	v36 =	vld.idx.msk [tilespmem:v35+s13+$0x1400 ss:$0x1], $0xffff  }
0x29c: {  	v51 =	vld.idx.msk [tilespmem:v35+s13+$0x1410 ss:$0x1], $0xffff  }
0x29d: {  	v52 =	vld.idx.msk [tilespmem:v35+s13+$0x1420 ss:$0x1], $0xffff  }
0x29e: {  	v53 =	vld.idx.msk [tilespmem:v35+s13+$0x1430 ss:$0x1], $0xffff  }
0x29f: {  	v54 =	vld [tilespmem:$0x1D100]  }
0x2a0: {  	v55 =	vld [tilespmem:$0x1D110]  }
0x2a1: {  	v56 =	vld [tilespmem:$0x1D120]  }
0x2a2: {  	v57 =	vld [tilespmem:$0x1D130]  }
0x2a3: {  	v44 =	vld [tilespmem:$0x1D180]  }
0x2a4: {  	v58 =	vld [tilespmem:$0x1D190]  }
0x2a5: {  	v59 =	vld [tilespmem:$0x1D1A0]  }
0x2a6: {  	v60 =	vld [tilespmem:$0x1D1B0];
	_ =	sdelay $0x1  }
0x2a7: {  	v40 =	vadd.f32 v54, v36;
	v36 =	vadd.f32 v44, v36  }
0x2a8: {  	v41 =	vadd.f32 v55, v51;
	v37 =	vadd.f32 v58, v51  }
0x2a9: {  	v42 =	vadd.f32 v56, v52;
	v38 =	vadd.f32 v59, v52;
	v44 =	vsel vm1, v36, v40  }
0x2aa: {  	v43 =	vadd.f32 v57, v53;
	v39 =	vadd.f32 v60, v53;
	v61 =	vsel vm1, v37, v41;
	[tilespmem:s12+$0x1400] =	vst.add.f32.msk $0xffff, v44  }
0x2ab: {  	v62 =	vsel vm1, v38, v42;
	[tilespmem:s12+$0x1410] =	vst.add.f32.msk $0xffff, v61  }
0x2ac: {  	v63 =	vsel vm1, v39, v43;
	[tilespmem:s12+$0x1420] =	vst.add.f32.msk $0xffff, v62  }
0x2ad: {  	v48 =	vsel vm2, v36, v40;
	[tilespmem:s12+$0x1430] =	vst.add.f32.msk $0xffff, v63  }
0x2ae: {  	v49 =	vsel vm2, v37, v41;
	[tilespmem:s12+$0x3400] =	vst.add.f32.msk $0xffff, v48  }
0x2af: {  	v50 =	vsel vm2, v38, v42;
	[tilespmem:s12+$0x3410] =	vst.add.f32.msk $0xffff, v49  }
0x2b0: {  	v51 =	vsel vm2, v39, v43;
	[tilespmem:s12+$0x3420] =	vst.add.f32.msk $0xffff, v50  }
0x2b1: {  	v52 =	vsel vm3, v36, v40;
	[tilespmem:s12+$0x3430] =	vst.add.f32.msk $0xffff, v51  }
0x2b2: {  	v53 =	vsel vm3, v37, v41;
	[tilespmem:s12+$0x5400] =	vst.add.f32.msk $0xffff, v52  }
0x2b3: {  	v54 =	vsel vm3, v38, v42;
	[tilespmem:s12+$0x5410] =	vst.add.f32.msk $0xffff, v53  }
0x2b4: {  	v55 =	vsel vm3, v39, v43;
	[tilespmem:s12+$0x5420] =	vst.add.f32.msk $0xffff, v54  }
0x2b5: {  	v36 =	vsel vm4, v36, v40;
	[tilespmem:s12+$0x5430] =	vst.add.f32.msk $0xffff, v55  }
0x2b6: {  	v56 =	vsel vm4, v37, v41;
	[tilespmem:s12+$0x7400] =	vst.add.f32.msk $0xffff, v36  }
0x2b7: {  	v57 =	vsel vm4, v38, v42;
	[tilespmem:s12+$0x7410] =	vst.add.f32.msk $0xffff, v56  }
0x2b8: {  	v58 =	vsel vm4, v39, v43;
	[tilespmem:s12+$0x7420] =	vst.add.f32.msk $0xffff, v57  }
0x2b9: {  	[tilespmem:s12+$0x7430] =	vst.add.f32.msk $0xffff, v58  }
0x2ba: {  	v36 =	vld.idx.msk [tilespmem:v35+s13+$0x1440 ss:$0x1], $0xffff  }
0x2bb: {  	v59 =	vld.idx.msk [tilespmem:v35+s13+$0x1450 ss:$0x1], $0xffff  }
0x2bc: {  	v60 =	vld.idx.msk [tilespmem:v35+s13+$0x1460 ss:$0x1], $0xffff  }
0x2bd: {  	v61 =	vld.idx.msk [tilespmem:v35+s13+$0x1470 ss:$0x1], $0xffff  }
0x2be: {  	v62 =	vld [tilespmem:$0x1D140]  }
0x2bf: {  	v63 =	vld [tilespmem:$0x1D150]  }
0x2c0: {  	v48 =	vld [tilespmem:$0x1D160]  }
0x2c1: {  	v49 =	vld [tilespmem:$0x1D170]  }
0x2c2: {  	v44 =	vld [tilespmem:$0x1D1C0]  }
0x2c3: {  	v50 =	vld [tilespmem:$0x1D1D0]  }
0x2c4: {  	v51 =	vld [tilespmem:$0x1D1E0]  }
0x2c5: {  	v52 =	vld [tilespmem:$0x1D1F0];
	_ =	sdelay $0x1  }
0x2c6: {  	v40 =	vadd.f32 v62, v36;
	v36 =	vadd.f32 v44, v36  }
0x2c7: {  	v41 =	vadd.f32 v63, v59;
	v37 =	vadd.f32 v50, v59  }
0x2c8: {  	v42 =	vadd.f32 v48, v60;
	v38 =	vadd.f32 v51, v60;
	v44 =	vsel vm1, v36, v40  }
0x2c9: {  	v43 =	vadd.f32 v49, v61;
	v39 =	vadd.f32 v52, v61;
	v53 =	vsel vm1, v37, v41;
	[tilespmem:s12+$0x1440] =	vst.add.f32.msk $0xffff, v44  }
0x2ca: {  	v54 =	vsel vm1, v38, v42;
	[tilespmem:s12+$0x1450] =	vst.add.f32.msk $0xffff, v53  }
0x2cb: {  	v55 =	vsel vm1, v39, v43;
	[tilespmem:s12+$0x1460] =	vst.add.f32.msk $0xffff, v54  }
0x2cc: {  	v56 =	vsel vm2, v36, v40;
	[tilespmem:s12+$0x1470] =	vst.add.f32.msk $0xffff, v55  }
0x2cd: {  	v57 =	vsel vm2, v37, v41;
	[tilespmem:s12+$0x3440] =	vst.add.f32.msk $0xffff, v56  }
0x2ce: {  	v58 =	vsel vm2, v38, v42;
	[tilespmem:s12+$0x3450] =	vst.add.f32.msk $0xffff, v57  }
0x2cf: {  	v59 =	vsel vm2, v39, v43;
	[tilespmem:s12+$0x3460] =	vst.add.f32.msk $0xffff, v58  }
0x2d0: {  	v60 =	vsel vm3, v36, v40;
	[tilespmem:s12+$0x3470] =	vst.add.f32.msk $0xffff, v59  }
0x2d1: {  	v61 =	vsel vm3, v37, v41;
	[tilespmem:s12+$0x5440] =	vst.add.f32.msk $0xffff, v60  }
0x2d2: {  	v62 =	vsel vm3, v38, v42;
	[tilespmem:s12+$0x5450] =	vst.add.f32.msk $0xffff, v61  }
0x2d3: {  	v63 =	vsel vm3, v39, v43;
	[tilespmem:s12+$0x5460] =	vst.add.f32.msk $0xffff, v62  }
0x2d4: {  	v36 =	vsel vm4, v36, v40;
	[tilespmem:s12+$0x5470] =	vst.add.f32.msk $0xffff, v63  }
0x2d5: {  	v48 =	vsel vm4, v37, v41;
	[tilespmem:s12+$0x7440] =	vst.add.f32.msk $0xffff, v36  }
0x2d6: {  	v49 =	vsel vm4, v38, v42;
	[tilespmem:s12+$0x7450] =	vst.add.f32.msk $0xffff, v48  }
0x2d7: {  	v50 =	vsel vm4, v39, v43;
	[tilespmem:s12+$0x7460] =	vst.add.f32.msk $0xffff, v49  }
0x2d8: {  	[tilespmem:s12+$0x7470] =	vst.add.f32.msk $0xffff, v50  }
0x2d9: {  	v36 =	vld.idx.msk [tilespmem:v35+s13+$0x1800 ss:$0x1], $0xffff  }
0x2da: {  	v51 =	vld.idx.msk [tilespmem:v35+s13+$0x1810 ss:$0x1], $0xffff  }
0x2db: {  	v52 =	vld.idx.msk [tilespmem:v35+s13+$0x1820 ss:$0x1], $0xffff  }
0x2dc: {  	v53 =	vld.idx.msk [tilespmem:v35+s13+$0x1830 ss:$0x1], $0xffff  }
0x2dd: {  	v54 =	vld [tilespmem:$0x1D200]  }
0x2de: {  	v55 =	vld [tilespmem:$0x1D210]  }
0x2df: {  	v56 =	vld [tilespmem:$0x1D220]  }
0x2e0: {  	v57 =	vld [tilespmem:$0x1D230]  }
0x2e1: {  	v44 =	vld [tilespmem:$0x1D280]  }
0x2e2: {  	v58 =	vld [tilespmem:$0x1D290]  }
0x2e3: {  	v59 =	vld [tilespmem:$0x1D2A0]  }
0x2e4: {  	v60 =	vld [tilespmem:$0x1D2B0];
	_ =	sdelay $0x1  }
0x2e5: {  	v40 =	vadd.f32 v54, v36;
	v36 =	vadd.f32 v44, v36  }
0x2e6: {  	v41 =	vadd.f32 v55, v51;
	v37 =	vadd.f32 v58, v51  }
0x2e7: {  	v42 =	vadd.f32 v56, v52;
	v38 =	vadd.f32 v59, v52;
	v44 =	vsel vm1, v36, v40  }
0x2e8: {  	v43 =	vadd.f32 v57, v53;
	v39 =	vadd.f32 v60, v53;
	v61 =	vsel vm1, v37, v41;
	[tilespmem:s12+$0x1800] =	vst.add.f32.msk $0xffff, v44  }
0x2e9: {  	v62 =	vsel vm1, v38, v42;
	[tilespmem:s12+$0x1810] =	vst.add.f32.msk $0xffff, v61  }
0x2ea: {  	v63 =	vsel vm1, v39, v43;
	[tilespmem:s12+$0x1820] =	vst.add.f32.msk $0xffff, v62  }
0x2eb: {  	v48 =	vsel vm2, v36, v40;
	[tilespmem:s12+$0x1830] =	vst.add.f32.msk $0xffff, v63  }
0x2ec: {  	v49 =	vsel vm2, v37, v41;
	[tilespmem:s12+$0x3800] =	vst.add.f32.msk $0xffff, v48  }
0x2ed: {  	v50 =	vsel vm2, v38, v42;
	[tilespmem:s12+$0x3810] =	vst.add.f32.msk $0xffff, v49  }
0x2ee: {  	v51 =	vsel vm2, v39, v43;
	[tilespmem:s12+$0x3820] =	vst.add.f32.msk $0xffff, v50  }
0x2ef: {  	v52 =	vsel vm3, v36, v40;
	[tilespmem:s12+$0x3830] =	vst.add.f32.msk $0xffff, v51  }
0x2f0: {  	v53 =	vsel vm3, v37, v41;
	[tilespmem:s12+$0x5800] =	vst.add.f32.msk $0xffff, v52  }
0x2f1: {  	v54 =	vsel vm3, v38, v42;
	[tilespmem:s12+$0x5810] =	vst.add.f32.msk $0xffff, v53  }
0x2f2: {  	v55 =	vsel vm3, v39, v43;
	[tilespmem:s12+$0x5820] =	vst.add.f32.msk $0xffff, v54  }
0x2f3: {  	v36 =	vsel vm4, v36, v40;
	[tilespmem:s12+$0x5830] =	vst.add.f32.msk $0xffff, v55  }
0x2f4: {  	v56 =	vsel vm4, v37, v41;
	[tilespmem:s12+$0x7800] =	vst.add.f32.msk $0xffff, v36  }
0x2f5: {  	v57 =	vsel vm4, v38, v42;
	[tilespmem:s12+$0x7810] =	vst.add.f32.msk $0xffff, v56  }
0x2f6: {  	v58 =	vsel vm4, v39, v43;
	[tilespmem:s12+$0x7820] =	vst.add.f32.msk $0xffff, v57  }
0x2f7: {  	[tilespmem:s12+$0x7830] =	vst.add.f32.msk $0xffff, v58  }
0x2f8: {  	v36 =	vld.idx.msk [tilespmem:v35+s13+$0x1840 ss:$0x1], $0xffff  }
0x2f9: {  	v59 =	vld.idx.msk [tilespmem:v35+s13+$0x1850 ss:$0x1], $0xffff  }
0x2fa: {  	v60 =	vld.idx.msk [tilespmem:v35+s13+$0x1860 ss:$0x1], $0xffff  }
0x2fb: {  	v61 =	vld.idx.msk [tilespmem:v35+s13+$0x1870 ss:$0x1], $0xffff  }
0x2fc: {  	v62 =	vld [tilespmem:$0x1D240]  }
0x2fd: {  	v63 =	vld [tilespmem:$0x1D250]  }
0x2fe: {  	v48 =	vld [tilespmem:$0x1D260]  }
0x2ff: {  	v49 =	vld [tilespmem:$0x1D270]  }
0x300: {  	v44 =	vld [tilespmem:$0x1D2C0]  }
0x301: {  	v50 =	vld [tilespmem:$0x1D2D0]  }
0x302: {  	v51 =	vld [tilespmem:$0x1D2E0]  }
0x303: {  	v52 =	vld [tilespmem:$0x1D2F0];
	_ =	sdelay $0x1  }
0x304: {  	v40 =	vadd.f32 v62, v36;
	v36 =	vadd.f32 v44, v36  }
0x305: {  	v41 =	vadd.f32 v63, v59;
	v37 =	vadd.f32 v50, v59  }
0x306: {  	v42 =	vadd.f32 v48, v60;
	v38 =	vadd.f32 v51, v60;
	v44 =	vsel vm1, v36, v40  }
0x307: {  	v43 =	vadd.f32 v49, v61;
	v39 =	vadd.f32 v52, v61;
	v53 =	vsel vm1, v37, v41;
	[tilespmem:s12+$0x1840] =	vst.add.f32.msk $0xffff, v44  }
0x308: {  	v54 =	vsel vm1, v38, v42;
	[tilespmem:s12+$0x1850] =	vst.add.f32.msk $0xffff, v53  }
0x309: {  	v55 =	vsel vm1, v39, v43;
	[tilespmem:s12+$0x1860] =	vst.add.f32.msk $0xffff, v54  }
0x30a: {  	v56 =	vsel vm2, v36, v40;
	[tilespmem:s12+$0x1870] =	vst.add.f32.msk $0xffff, v55  }
0x30b: {  	v57 =	vsel vm2, v37, v41;
	[tilespmem:s12+$0x3840] =	vst.add.f32.msk $0xffff, v56  }
0x30c: {  	v58 =	vsel vm2, v38, v42;
	[tilespmem:s12+$0x3850] =	vst.add.f32.msk $0xffff, v57  }
0x30d: {  	v59 =	vsel vm2, v39, v43;
	[tilespmem:s12+$0x3860] =	vst.add.f32.msk $0xffff, v58  }
0x30e: {  	v60 =	vsel vm3, v36, v40;
	[tilespmem:s12+$0x3870] =	vst.add.f32.msk $0xffff, v59  }
0x30f: {  	v61 =	vsel vm3, v37, v41;
	[tilespmem:s12+$0x5840] =	vst.add.f32.msk $0xffff, v60  }
0x310: {  	v62 =	vsel vm3, v38, v42;
	[tilespmem:s12+$0x5850] =	vst.add.f32.msk $0xffff, v61  }
0x311: {  	v63 =	vsel vm3, v39, v43;
	[tilespmem:s12+$0x5860] =	vst.add.f32.msk $0xffff, v62  }
0x312: {  	v36 =	vsel vm4, v36, v40;
	[tilespmem:s12+$0x5870] =	vst.add.f32.msk $0xffff, v63  }
0x313: {  	v45 =	vsel vm4, v37, v41;
	[tilespmem:s12+$0x7840] =	vst.add.f32.msk $0xffff, v36  }
0x314: {  	v46 =	vsel vm4, v38, v42;
	[tilespmem:s12+$0x7850] =	vst.add.f32.msk $0xffff, v45  }
0x315: {  	v47 =	vsel vm4, v39, v43;
	[tilespmem:s12+$0x7860] =	vst.add.f32.msk $0xffff, v46  }
0x316: {  	[tilespmem:s12+$0x7870] =	vst.add.f32.msk $0xffff, v47  }
0x317: {  	v36 =	vld.idx.msk [tilespmem:v35+s13+$0x1C00 ss:$0x1], $0xffff  }
0x318: {  	v48 =	vld.idx.msk [tilespmem:v35+s13+$0x1C10 ss:$0x1], $0xffff  }
0x319: {  	v49 =	vld.idx.msk [tilespmem:v35+s13+$0x1C20 ss:$0x1], $0xffff  }
0x31a: {  	v50 =	vld.idx.msk [tilespmem:v35+s13+$0x1C30 ss:$0x1], $0xffff  }
0x31b: {  	v51 =	vld [tilespmem:$0x1D300]  }
0x31c: {  	v52 =	vld [tilespmem:$0x1D310]  }
0x31d: {  	v53 =	vld [tilespmem:$0x1D320]  }
0x31e: {  	v54 =	vld [tilespmem:$0x1D330]  }
0x31f: {  	v44 =	vld [tilespmem:$0x1D380]  }
0x320: {  	v55 =	vld [tilespmem:$0x1D390]  }
0x321: {  	v56 =	vld [tilespmem:$0x1D3A0]  }
0x322: {  	v57 =	vld [tilespmem:$0x1D3B0];
	_ =	sdelay $0x1  }
0x323: {  	v40 =	vadd.f32 v51, v36;
	v36 =	vadd.f32 v44, v36  }
0x324: {  	v41 =	vadd.f32 v52, v48;
	v37 =	vadd.f32 v55, v48  }
0x325: {  	v42 =	vadd.f32 v53, v49;
	v38 =	vadd.f32 v56, v49;
	v44 =	vsel vm1, v36, v40  }
0x326: {  	v43 =	vadd.f32 v54, v50;
	v39 =	vadd.f32 v57, v50;
	v58 =	vsel vm1, v37, v41;
	[tilespmem:s12+$0x1C00] =	vst.add.f32.msk $0xffff, v44  }
0x327: {  	v59 =	vsel vm1, v38, v42;
	[tilespmem:s12+$0x1C10] =	vst.add.f32.msk $0xffff, v58  }
0x328: {  	v60 =	vsel vm1, v39, v43;
	[tilespmem:s12+$0x1C20] =	vst.add.f32.msk $0xffff, v59  }
0x329: {  	v61 =	vsel vm2, v36, v40;
	[tilespmem:s12+$0x1C30] =	vst.add.f32.msk $0xffff, v60  }
0x32a: {  	v62 =	vsel vm2, v37, v41;
	[tilespmem:s12+$0x3C00] =	vst.add.f32.msk $0xffff, v61  }
0x32b: {  	v63 =	vsel vm2, v38, v42;
	[tilespmem:s12+$0x3C10] =	vst.add.f32.msk $0xffff, v62  }
0x32c: {  	v48 =	vsel vm2, v39, v43;
	[tilespmem:s12+$0x3C20] =	vst.add.f32.msk $0xffff, v63  }
0x32d: {  	v49 =	vsel vm3, v36, v40;
	[tilespmem:s12+$0x3C30] =	vst.add.f32.msk $0xffff, v48  }
0x32e: {  	v50 =	vsel vm3, v37, v41;
	[tilespmem:s12+$0x5C00] =	vst.add.f32.msk $0xffff, v49  }
0x32f: {  	v51 =	vsel vm3, v38, v42;
	[tilespmem:s12+$0x5C10] =	vst.add.f32.msk $0xffff, v50  }
0x330: {  	v52 =	vsel vm3, v39, v43;
	[tilespmem:s12+$0x5C20] =	vst.add.f32.msk $0xffff, v51  }
0x331: {  	v36 =	vsel vm4, v36, v40;
	[tilespmem:s12+$0x5C30] =	vst.add.f32.msk $0xffff, v52  }
0x332: {  	v53 =	vsel vm4, v37, v41;
	[tilespmem:s12+$0x7C00] =	vst.add.f32.msk $0xffff, v36  }
0x333: {  	v54 =	vsel vm4, v38, v42;
	[tilespmem:s12+$0x7C10] =	vst.add.f32.msk $0xffff, v53  }
0x334: {  	v55 =	vsel vm4, v39, v43;
	[tilespmem:s12+$0x7C20] =	vst.add.f32.msk $0xffff, v54  }
0x335: {  	[tilespmem:s12+$0x7C30] =	vst.add.f32.msk $0xffff, v55  }
0x336: {  	v36 =	vld.idx.msk [tilespmem:v35+s13+$0x1C40 ss:$0x1], $0xffff  }
0x337: {  	v56 =	vld.idx.msk [tilespmem:v35+s13+$0x1C50 ss:$0x1], $0xffff  }
0x338: {  	v57 =	vld.idx.msk [tilespmem:v35+s13+$0x1C60 ss:$0x1], $0xffff  }
0x339: {  	v58 =	vld.idx.msk [tilespmem:v35+s13+$0x1C70 ss:$0x1], $0xffff  }
0x33a: {  	v59 =	vld [tilespmem:$0x1D340]  }
0x33b: {  	v60 =	vld [tilespmem:$0x1D350]  }
0x33c: {  	v61 =	vld [tilespmem:$0x1D360]  }
0x33d: {  	v62 =	vld [tilespmem:$0x1D370]  }
0x33e: {  	v44 =	vld [tilespmem:$0x1D3C0]  }
0x33f: {  	v63 =	vld [tilespmem:$0x1D3D0]  }
0x340: {  	v48 =	vld [tilespmem:$0x1D3E0]  }
0x341: {  	v49 =	vld [tilespmem:$0x1D3F0];
	_ =	sdelay $0x1  }
0x342: {  	v40 =	vadd.f32 v59, v36;
	v36 =	vadd.f32 v44, v36  }
0x343: {  	v41 =	vadd.f32 v60, v56;
	v37 =	vadd.f32 v63, v56  }
0x344: {  	v42 =	vadd.f32 v61, v57;
	v38 =	vadd.f32 v48, v57;
	v44 =	vsel vm1, v36, v40  }
0x345: {  	v43 =	vadd.f32 v62, v58;
	v39 =	vadd.f32 v49, v58;
	v50 =	vsel vm1, v37, v41;
	[tilespmem:s12+$0x1C40] =	vst.add.f32.msk $0xffff, v44  }
0x346: {  	v51 =	vsel vm1, v38, v42;
	[tilespmem:s12+$0x1C50] =	vst.add.f32.msk $0xffff, v50  }
0x347: {  	v52 =	vsel vm1, v39, v43;
	[tilespmem:s12+$0x1C60] =	vst.add.f32.msk $0xffff, v51  }
0x348: {  	v53 =	vsel vm2, v36, v40;
	[tilespmem:s12+$0x1C70] =	vst.add.f32.msk $0xffff, v52  }
0x349: {  	v54 =	vsel vm2, v37, v41;
	[tilespmem:s12+$0x3C40] =	vst.add.f32.msk $0xffff, v53  }
0x34a: {  	v55 =	vsel vm2, v38, v42;
	[tilespmem:s12+$0x3C50] =	vst.add.f32.msk $0xffff, v54  }
0x34b: {  	v56 =	vsel vm2, v39, v43;
	[tilespmem:s12+$0x3C60] =	vst.add.f32.msk $0xffff, v55  }
0x34c: {  	v57 =	vsel vm3, v36, v40;
	[tilespmem:s12+$0x3C70] =	vst.add.f32.msk $0xffff, v56  }
0x34d: {  	v58 =	vsel vm3, v37, v41;
	[tilespmem:s12+$0x5C40] =	vst.add.f32.msk $0xffff, v57  }
0x34e: {  	v59 =	vsel vm3, v38, v42;
	[tilespmem:s12+$0x5C50] =	vst.add.f32.msk $0xffff, v58  }
0x34f: {  	p0 =	sne.s32 s11, $0x7;
	v60 =	vsel vm3, v39, v43;
	[tilespmem:s12+$0x5C60] =	vst.add.f32.msk $0xffff, v59  }
.Ltmp1:
0x350: {  	v36 =	vsel vm4, v36, v40;
	[tilespmem:s12+$0x5C70] =	vst.add.f32.msk $0xffff, v60;
	(pc) =	sbr.rel @p0 .LBB2_5-.Ltmp1, $4  }
0x351: {  	v61 =	vsel vm4, v37, v41;
	[tilespmem:s12+$0x7C40] =	vst.add.f32.msk $0xffff, v36  }
0x352: {  	v62 =	vsel vm4, v38, v42;
	[tilespmem:s12+$0x7C50] =	vst.add.f32.msk $0xffff, v61  }
0x353: {  	v63 =	vsel vm4, v39, v43;
	[tilespmem:s12+$0x7C60] =	vst.add.f32.msk $0xffff, v62  }
0x354: {  	s11 =	sadd.s32 $0x1, s11;
	[tilespmem:s12+$0x7C70] =	vst.add.f32.msk $0xffff, v63  }
0x355: {  	s10 =	sshll.u32 s31, $0x7  }
0x356: {  	s10 =	sand.u32 $0x3FFFFF80, s10  }
0x357: {  	v35 =	vld [tilespmem:s10+$0x800];
	_ =	sdelay $0x4  }
0x358: {  	v36 =	vshll.u32 v35, $0x3  }
0x359: {  	v35 =	vand.u32 $0x7, v35;
	v36 =	vand.u32 $0xFFFFFFC0, v36  }
0x35a: {  	v35 =	vor.u32 v35, v36  }
0x35b: {  	v36 =	vperm.xlane v35, v32;
	_ =	sdelay $0x1  }
0x35c: {  	v36 =	vadd.s32 v33, v36;
	_ =	sdelay $0x3  }
0x35d: {  	s8 =	sadd.s32 $0x5, s8  }
0x35e: {  	[hbm4b:s5+s6] =	stream.indirect_vreg.scatter [tilespmem:s9], [sflag:s8], $0x80, v36, vm0, $0xb8;
	[tilespmem:$0x1D400] =	vst v63  }
0x35f: {  	s13 =	sadd.s32 $0x1400, s7;
	v35 =	vperm.xlane v35, v34  }
0x360: {  	[hbm4b:s21+s6] =	stream.indirect_vreg.scatter [tilespmem:s13], [sflag:s8], $0x80, v36, vm0, $0xb8;
	[tilespmem:$0x1D400] =	vst v63  }
0x361: {  	s11 =	sadd.s32 $0x1C00, s7;
	v35 =	vadd.s32 v33, v35  }
0x362: {  	[hbm4b:s22+s6] =	stream.indirect_vreg.scatter [tilespmem:s11], [sflag:s8], $0x80, v36, vm0, $0xb8;
	[tilespmem:$0x1D400] =	vst v63  }
0x363: {  	s12 =	sadd.s32 $0x2400, s7  }
0x364: {  	[hbm4b:s23+s6] =	stream.indirect_vreg.scatter [tilespmem:s12], [sflag:s8], $0x80, v36, vm0, $0xb8;
	[tilespmem:$0x1D400] =	vst v63  }
0x365: {  	s13 =	sadd.s32 $0x2C00, s7  }
0x366: {  	[hbm4b:s5+s6] =	stream.indirect_vreg.scatter [tilespmem:s13], [sflag:s8], $0x80, v35, vm0, $0xb8;
	[tilespmem:$0x1D400] =	vst v63  }
0x367: {  	s11 =	sadd.s32 $0x3400, s7  }
0x368: {  	[hbm4b:s21+s6] =	stream.indirect_vreg.scatter [tilespmem:s11], [sflag:s8], $0x80, v35, vm0, $0xb8;
	[tilespmem:$0x1D400] =	vst v63  }
0x369: {  	s12 =	sadd.s32 $0x3C00, s7  }
0x36a: {  	[hbm4b:s22+s6] =	stream.indirect_vreg.scatter [tilespmem:s12], [sflag:s8], $0x80, v35, vm0, $0xb8;
	[tilespmem:$0x1D400] =	vst v63  }
0x36b: {  	s13 =	sadd.s32 $0x4400, s7  }
0x36c: {  	[hbm4b:s23+s6] =	stream.indirect_vreg.scatter [tilespmem:s13], [sflag:s8], $0x80, v35, vm0, $0xb8;
	[tilespmem:$0x1D400] =	vst v63  }
0x36d: {  	v35 =	vld [tilespmem:s10+$0x810];
	_ =	sdelay $0x4  }
0x36e: {  	v63 =	vshll.u32 v35, $0x3  }
0x36f: {  	v35 =	vand.u32 $0x7, v35;
	v36 =	vand.u32 $0xFFFFFFC0, v63  }
0x370: {  	v35 =	vor.u32 v35, v36  }
0x371: {  	v36 =	vperm.xlane v35, v32;
	_ =	sdelay $0x1  }
0x372: {  	v36 =	vadd.s32 v33, v36;
	_ =	sdelay $0x3  }
0x373: {  	s10 =	sadd.s32 $0x4C00, s7  }
0x374: {  	[hbm4b:s5+s6] =	stream.indirect_vreg.scatter [tilespmem:s10], [sflag:s8], $0x80, v36, vm0, $0xb8;
	[tilespmem:$0x1D400] =	vst v63  }
0x375: {  	s11 =	sadd.s32 $0x5400, s7;
	v35 =	vperm.xlane v35, v34  }
0x376: {  	[hbm4b:s21+s6] =	stream.indirect_vreg.scatter [tilespmem:s11], [sflag:s8], $0x80, v36, vm0, $0xb8;
	[tilespmem:$0x1D400] =	vst v63  }
0x377: {  	s12 =	sadd.s32 $0x5C00, s7;
	v35 =	vadd.s32 v33, v35  }
0x378: {  	[hbm4b:s22+s6] =	stream.indirect_vreg.scatter [tilespmem:s12], [sflag:s8], $0x80, v36, vm0, $0xb8;
	[tilespmem:$0x1D400] =	vst v63  }
0x379: {  	s13 =	sadd.s32 $0x6400, s7  }
0x37a: {  	[hbm4b:s23+s6] =	stream.indirect_vreg.scatter [tilespmem:s13], [sflag:s8], $0x80, v36, vm0, $0xb8;
	[tilespmem:$0x1D400] =	vst v63  }
0x37b: {  	s10 =	sadd.s32 $0x6C00, s7  }
0x37c: {  	[hbm4b:s5+s6] =	stream.indirect_vreg.scatter [tilespmem:s10], [sflag:s8], $0x80, v35, vm0, $0xb8;
	[tilespmem:$0x1D400] =	vst v63  }
0x37d: {  	p0 =	sne.s32 s4, $0x8;
	s11 =	sadd.s32 $0x7400, s7  }
0x37e: {  	[hbm4b:s21+s6] =	stream.indirect_vreg.scatter [tilespmem:s11], [sflag:s8], $0x80, v35, vm0, $0xb8;
	[tilespmem:$0x1D400] =	vst v63  }
.Ltmp2:
0x37f: {  	_ = 	snop;
	(pc) =	sbr.rel @p0 .LBB2_2-.Ltmp2, $4  }
0x380: {  	s12 =	sadd.s32 $0x7C00, s7  }
0x381: {  	[hbm4b:s22+s6] =	stream.indirect_vreg.scatter [tilespmem:s12], [sflag:s8], $0x80, v35, vm0, $0xb8;
	[tilespmem:$0x1D400] =	vst v63  }
0x382: {  	s31 =	smov.u32 s4;
	s13 =	sadd.s32 $0x8400, s7  }
0x383: {  	[hbm4b:s23+s6] =	stream.indirect_vreg.scatter [tilespmem:s13], [sflag:s8], $0x80, v35, vm0, $0xb8;
	[tilespmem:$0x1D400] =	vst v63  }
0x384: {  	s30 =	sadd.s32 $0x1, s30  }
0x385: {  	_ =	swait.ge [sflag:s0], $0x8000;
	p0 =	sne.s32 s30, s24  }
.Ltmp3:
0x386: {  	[sflag:s0] =	ssyncset.done $0x0;
	(pc) =	sbr.rel @p0 .LBB2_1-.Ltmp3, $4  }
0x387: {  	[sflag:s0] =	ssyncadd.s32 $0xFFFF8000  }
0x388: {  	_ =	swait.ge [sflag:s29], $0x8000  }
0x389: {  	[sflag:s29] =	ssyncset.done $0x0  }
0x38a: {  	[sflag:s29] =	ssyncadd.s32 $0xFFFF8000  }
0x38b: {  	_ =	sfence.sel $0x180000  }
0x38c: {  	[bflag:$0x0] =	sbarrier.arrive $0xFFFF  }
0x38d: {  	_ =	strace $0x90000047  }
0x38e: {  	s0 =	stileid.u32;
	[bflag:$0x2] =	sbarrier.arrive $0xFFFF  }
0x38f: {  	p0 =	sne.s32 s0, $0x0;
	s0 =	rddreg [dreg:$0x6]  }
0x390: {  	s0 =	sadd.s32 @!p0 $0x100000, s0  }
0x391: {  	[sflag:s0] =	ssyncadd.tile.s32 @!p0 $0x1;
	_ =	shalt  }
.Lfunc_end2:
_tile_overlayer_lowered:
.L_overlay_start_2:
0x392: {  	(tag) =	ssettag $0x2  }
0x393: {  	s0 =	rddreg [dreg:$0x0];
	s2 =	stileid.u32  }
0x394: {  	s1 =	rddreg [dreg:$0x1];
	p0 =	sne.s32 s2, $0x0  }
0x395: {  	s3 =	rddreg [dreg:$0x2];
	[bflag:$0x3] =	sbarrier.arrive $0xFFFF;
	s2 =	simm.s32 @!p0 $0x1C0A  }
0x396: {  	[timem:s3], [sflag:s2] =	dma.local @!p0 [hbm:s0], s1  }
0x397: {  	s0 =	simm.s32 @!p0 $0xA  }
0x398: {  	_ =	swait.ge @!p0 [sflag:s0], s1  }
0x399: {  	s1 =	ssub.s32 @!p0 $0x0, s1;
	[sflag:s0] =	ssyncset.done @!p0 $0x0  }
0x39a: {  	[sflag:s0] =	ssyncadd.s32 @!p0 s1  }
0x39b: {  	[bflag:$0x3] =	sbarrier.arrive $0xFFFF  }
0x39c: {  	_ =	shalt  }

</sc_bundles>
